<compile_context>
chip_gen: v7x
topology: tpu7x:2x2x1
jax: 0.10.2.dev20260603
libtpu: 0.0.44.dev20260713+nightly
codegen_flags: <defaults>
</compile_context>

<pallas_src>
import functools

import jax
import jax.numpy as jnp
from jax import lax
from jax.experimental import pallas as pl
from jax.experimental.pallas import tpu as pltpu
from jax.experimental.pallas import tpu_sc as plsc

NSEG = 1024
NC = 2
NS = 16
L = 16
NW = NC * NS
P = 5


def _seg_sum_kernel(n_atoms: int):
  C = n_atoms // NW
  CP = C // P
  assert CP % L == 0 and (CP * 4) % 8 == 0

  mesh = plsc.VectorSubcoreMesh(
      core_axis_name="c", subcore_axis_name="s", num_cores=NC,
      num_subcores=NS)

  @functools.partial(
      pl.kernel,
      out_type=jax.ShapeDtypeStruct((NC, NSEG // L, L), jnp.float32),
      mesh=mesh,
      compiler_params=pltpu.CompilerParams(needs_layout_passes=False),
      scratch_types=[
          pltpu.VMEM((CP,), jnp.float32),
          pltpu.VMEM((CP,), jnp.float32),
          pltpu.VMEM((CP,), jnp.int32),
          pltpu.VMEM((CP,), jnp.int32),
          pltpu.VMEM((NSEG // L, L), jnp.float32),
          pltpu.VMEM((NSEG // L // NS, L), jnp.float32),
          pltpu.VMEM((NS, NSEG // L // NS, L), jnp.float32),
          pltpu.VMEM_SHARED((NS, NSEG // L, L), jnp.float32),
          pltpu.SemaphoreType.DMA,
          pltpu.SemaphoreType.DMA,
          pltpu.SemaphoreType.DMA,
          pltpu.SemaphoreType.DMA,
      ],
  )
  def kern(energy_hbm, ids_hbm, out_hbm, ev0, ev1, sv0, sv1, dense,
           accbuf, buf4, shared, se0, se1, si0, si1):
    c = lax.axis_index("c")
    s = lax.axis_index("s")
    wid = c * NS + s
    base = wid * C

    evs, svs = (ev0, ev1), (sv0, sv1)
    ses, sis = (se0, se1), (si0, si1)

    def issue(p):
      b = p % 2
      off = base + p * CP
      cpe = pltpu.async_copy(energy_hbm.at[pl.ds(off, CP)], evs[b], ses[b])
      cpi = pltpu.async_copy(ids_hbm.at[pl.ds(off, CP)], svs[b], sis[b])
      return cpe, cpi

    inflight = [issue(0), issue(1)]

    iota = lax.iota(jnp.int32, L)
    zero16 = jnp.zeros((L,), jnp.float32)
    for r in range(NSEG // L):
      dense[r] = zero16

    def search(sv, j):
      lo = jnp.full((L,), -1, jnp.int32)
      hi = jnp.full((L,), CP - 1, jnp.int32)
      for _ in range(4):
        step = lax.shift_right_logical(hi - lo + (L - 1), 4)
        pos = jnp.minimum(lo + (iota + 1) * step, hi)
        pos = jnp.clip(pos, 0, CP - 1)
        vals = plsc.load_gather(sv, [pos])
        ge = vals >= j
        f = plsc.all_reduce_ffs(ge)
        lo = lo + f * step
        hi = jnp.minimum(lo + step, hi)
      return jnp.max(hi)

    for p in range(P):
      ev, sv = evs[p % 2], svs[p % 2]
      cpe, cpi = inflight[p % 2]
      cpi.wait()
      jlo = jnp.min(sv[pl.ds(0, L)])
      jhi = jnp.max(sv[pl.ds(CP - L, L)])
      cpe.wait()

      def seg_body(j, p_start, ev=ev, sv=sv, jhi=jhi):
        p_end = jnp.where(j < jhi, search(sv, j + 1), CP)
        ka = lax.shift_right_arithmetic(p_start, 4)
        kb = lax.shift_right_arithmetic(jnp.maximum(p_end - 1, 0), 4)
        gh = ka * L + iota
        head = jnp.where((gh >= p_start) & (gh < p_end),
                         ev[pl.ds(ka * L, L)], 0.0)
        gt = kb * L + iota
        tail = jnp.where((gt >= p_start) & (gt < p_end) & (ka < kb),
                         ev[pl.ds(kb * L, L)], 0.0)

        @plsc.parallel_loop(ka + 1, kb, unroll=8, carry=head + tail)
        def acc(k, a, ev=ev):
          return a + ev[pl.ds(k * L, L)]

        partial = jnp.sum(acc)
        plsc.addupdate_scatter(
            dense,
            [jnp.full((L,), lax.shift_right_arithmetic(j, 4), jnp.int32),
             jnp.full((L,), j & (L - 1), jnp.int32)],
            jnp.full((L,), partial, jnp.float32),
            mask=iota == 0)
        return p_end

      lax.fori_loop(jlo, jhi + 1, seg_body, jnp.int32(0))
      if p + 2 < P:
        inflight[p % 2] = issue(p + 2)

    RPT = NSEG // L // NS
    pltpu.sync_copy(dense, shared.at[s])
    plsc.subcore_barrier()
    pltpu.sync_copy(shared.at[:, pl.ds(s * RPT, RPT)], buf4)
    for r in range(RPT):
      acc_r = buf4[0, r]
      for w in range(1, NS):
        acc_r = acc_r + buf4[w, r]
      accbuf[r] = acc_r
    pltpu.sync_copy(accbuf, out_hbm.at[c, pl.ds(s * RPT, RPT)])

  return kern


def kernel(energy, xyz, segment_ids):
  del xyz
  n = energy.shape[0]
  out2 = _seg_sum_kernel(n)(energy, segment_ids)
  return (out2[0] + out2[1]).reshape(NSEG)

# --- scband reference (transcript-rebuilt; emitter-appended) ---
"""Pipeline reference for scband-sum-pool-5325759447404 (READ-ONLY COPY).

The authoritative reference and input builder live on the scoring server;
editing this copy changes nothing except your own understanding.
"""

import jax, jax.numpy as jnp
import numpy as np

N_ATOMS = 1600000
N_MOL = 1024

def setup_inputs(seed: int = 0) -> dict:
    key = jax.random.key(seed)
    k1, k2, k3 = jax.random.split(key, 3)
    # atomwise_output['energy']: one scalar prediction per atom
    energy = jax.random.normal(k1, (N_ATOMS,), dtype=jnp.float32)
    # atomic coordinates (present in the original signature; used only by grad_keys branch)
    xyz = jax.random.normal(k2, (N_ATOMS, 3), dtype=jnp.float32)
    # sorted segment ids encode batch['num_atoms'] (torch.split over contiguous molecules)
    segment_ids = jnp.sort(jax.random.randint(k3, (N_ATOMS,), 0, N_MOL, dtype=jnp.int32))
    return {"energy": energy, "xyz": xyz, "segment_ids": segment_ids}

def reference(energy, xyz, segment_ids):
    # SumPool.forward -> sum_and_grad with grad_keys=[]:
    #   split_val = torch.split(val, N); results[key] = stack([i.sum() for i in split_val])
    # Splitting into contiguous per-molecule chunks and summing each is exactly a
    # segment-sum over sorted segment ids derived from num_atoms.
    mol_energy = jax.ops.segment_sum(energy, segment_ids, num_segments=N_MOL)
    return mol_energy

if __name__ == "__main__":
    import jax
    _d = setup_inputs()
    print(jax.jit(kernel)(*tuple(_d.values())))

</pallas_src>

<mosaic_0001>
#map = affine_map<(d0, d1) -> (0)>
#map1 = affine_map<(d0, d1) -> (0, 0, 0)>
module attributes {stable_mosaic.version = 14 : i64} {
  func.func @kern(%arg0: i32, %arg1: i32, %arg2: memref<1600000xf32, #tpu.memory_space<hbm>>, %arg3: memref<1600000xi32, #tpu.memory_space<hbm>>, %arg4: memref<2x64x16xf32, #tpu.memory_space<hbm>>, %arg5: memref<10000xf32, #tpu.memory_space<vmem>>, %arg6: memref<10000xf32, #tpu.memory_space<vmem>>, %arg7: memref<10000xi32, #tpu.memory_space<vmem>>, %arg8: memref<10000xi32, #tpu.memory_space<vmem>>, %arg9: memref<64x16xf32, #tpu.memory_space<vmem>>, %arg10: memref<4x16xf32, #tpu.memory_space<vmem>>, %arg11: memref<16x4x16xf32, #tpu.memory_space<vmem>>, %arg12: memref<16x64x16xf32, #tpu.memory_space<vmem_shared>>, %arg13: memref<!tpu.dma_semaphore, #tpu.memory_space<semaphore_mem>>, %arg14: memref<!tpu.dma_semaphore, #tpu.memory_space<semaphore_mem>>, %arg15: memref<!tpu.dma_semaphore, #tpu.memory_space<semaphore_mem>>, %arg16: memref<!tpu.dma_semaphore, #tpu.memory_space<semaphore_mem>>) attributes {dimension_semantics = [#tpu.dimension_semantics<core_parallel>, #tpu.dimension_semantics<subcore_parallel>], iteration_bounds = array<i64: 2, 16>, scalar_prefetch = 0 : i64, scratch_operands = 12 : i64, tpu.core_type = #tpu.core_type<sc_vector_subcore>, window_params = [{transform_indices = #map}, {transform_indices = #map}, {transform_indices = #map1}]} {
    %mul3A = arith.constant 16 : i32
    %mul3A_0 = arith.muli %arg0, %mul3A : i32
    %add3A = arith.addi %mul3A_0, %arg1 : i32
    %mul3A_1 = arith.constant 50000 : i32
    %mul3A_2 = arith.muli %add3A, %mul3A_1 : i32
    %add3A_3 = arith.constant 0 : i32
    %add3A_4 = arith.addi %mul3A_2, %add3A_3 : i32
    %dma_start3A = tpu.memref_slice %arg2[%add3A_4] : memref<1600000xf32, #tpu.memory_space<hbm>> -> memref<10000xf32, #tpu.memory_space<hbm>>
    %dma_start3A_5 = tpu.memref_slice %arg2[%add3A_4] : memref<1600000xf32, #tpu.memory_space<hbm>> -> memref<10000xf32, #tpu.memory_space<hbm>>
    tpu.enqueue_dma source(%dma_start3A_5 : memref<10000xf32, #tpu.memory_space<hbm>>) target(%arg5 : memref<10000xf32, #tpu.memory_space<vmem>>) target_semaphore(%arg13 : memref<!tpu.dma_semaphore, #tpu.memory_space<semaphore_mem>>)
    %dma_start3A_6 = tpu.memref_slice %arg3[%add3A_4] : memref<1600000xi32, #tpu.memory_space<hbm>> -> memref<10000xi32, #tpu.memory_space<hbm>>
    %dma_start3A_7 = tpu.memref_slice %arg3[%add3A_4] : memref<1600000xi32, #tpu.memory_space<hbm>> -> memref<10000xi32, #tpu.memory_space<hbm>>
    tpu.enqueue_dma source(%dma_start3A_7 : memref<10000xi32, #tpu.memory_space<hbm>>) target(%arg7 : memref<10000xi32, #tpu.memory_space<vmem>>) target_semaphore(%arg15 : memref<!tpu.dma_semaphore, #tpu.memory_space<semaphore_mem>>)
    %add3A_8 = arith.constant 10000 : i32
    %add3A_9 = arith.addi %mul3A_2, %add3A_8 : i32
    %dma_start3A_10 = tpu.memref_slice %arg2[%add3A_9] : memref<1600000xf32, #tpu.memory_space<hbm>> -> memref<10000xf32, #tpu.memory_space<hbm>>
    %dma_start3A_11 = tpu.memref_slice %arg2[%add3A_9] : memref<1600000xf32, #tpu.memory_space<hbm>> -> memref<10000xf32, #tpu.memory_space<hbm>>
    tpu.enqueue_dma source(%dma_start3A_11 : memref<10000xf32, #tpu.memory_space<hbm>>) target(%arg6 : memref<10000xf32, #tpu.memory_space<vmem>>) target_semaphore(%arg14 : memref<!tpu.dma_semaphore, #tpu.memory_space<semaphore_mem>>)
    %dma_start3A_12 = tpu.memref_slice %arg3[%add3A_9] : memref<1600000xi32, #tpu.memory_space<hbm>> -> memref<10000xi32, #tpu.memory_space<hbm>>
    %dma_start3A_13 = tpu.memref_slice %arg3[%add3A_9] : memref<1600000xi32, #tpu.memory_space<hbm>> -> memref<10000xi32, #tpu.memory_space<hbm>>
    tpu.enqueue_dma source(%dma_start3A_13 : memref<10000xi32, #tpu.memory_space<hbm>>) target(%arg8 : memref<10000xi32, #tpu.memory_space<vmem>>) target_semaphore(%arg16 : memref<!tpu.dma_semaphore, #tpu.memory_space<semaphore_mem>>)
    %iota3A = tpu.iota {dimensions = array<i32: 0>} : vector<16xi32>
    %broadcast_in_dim3A = arith.constant 0.000000e+00 : f32
    %broadcast_in_dim3A_14 = vector.broadcast %broadcast_in_dim3A : f32 to vector<16xf32>
    %swap3A = arith.constant 0 : i32
    %swap3A_15 = arith.index_cast %swap3A : i32 to index
    %swap3A_16 = arith.constant 0 : index
    %swap3A_17 = tpu.vector_load %arg9[%swap3A_15, %swap3A_16] {strides = array<i32>} : memref<64x16xf32, #tpu.memory_space<vmem>>, vector<16xf32>,
    tpu.vector_store %arg9[%swap3A_15, %swap3A_16], %broadcast_in_dim3A_14 {strides = array<i32>} : memref<64x16xf32, #tpu.memory_space<vmem>>, vector<16xf32>,
    %swap3A_18 = arith.constant 1 : i32
    %swap3A_19 = arith.index_cast %swap3A_18 : i32 to index
    %swap3A_20 = arith.constant 0 : index
    %swap3A_21 = tpu.vector_load %arg9[%swap3A_19, %swap3A_20] {strides = array<i32>} : memref<64x16xf32, #tpu.memory_space<vmem>>, vector<16xf32>,
    tpu.vector_store %arg9[%swap3A_19, %swap3A_20], %broadcast_in_dim3A_14 {strides = array<i32>} : memref<64x16xf32, #tpu.memory_space<vmem>>, vector<16xf32>,
    %swap3A_22 = arith.constant 2 : i32
    %swap3A_23 = arith.index_cast %swap3A_22 : i32 to index
    %swap3A_24 = arith.constant 0 : index
    %swap3A_25 = tpu.vector_load %arg9[%swap3A_23, %swap3A_24] {strides = array<i32>} : memref<64x16xf32, #tpu.memory_space<vmem>>, vector<16xf32>,
    tpu.vector_store %arg9[%swap3A_23, %swap3A_24], %broadcast_in_dim3A_14 {strides = array<i32>} : memref<64x16xf32, #tpu.memory_space<vmem>>, vector<16xf32>,
    %swap3A_26 = arith.constant 3 : i32
    %swap3A_27 = arith.index_cast %swap3A_26 : i32 to index
    %swap3A_28 = arith.constant 0 : index
    %swap3A_29 = tpu.vector_load %arg9[%swap3A_27, %swap3A_28] {strides = array<i32>} : memref<64x16xf32, #tpu.memory_space<vmem>>, vector<16xf32>,
    tpu.vector_store %arg9[%swap3A_27, %swap3A_28], %broadcast_in_dim3A_14 {strides = array<i32>} : memref<64x16xf32, #tpu.memory_space<vmem>>, vector<16xf32>,
    %swap3A_30 = arith.constant 4 : i32
    %swap3A_31 = arith.index_cast %swap3A_30 : i32 to index
    %swap3A_32 = arith.constant 0 : index
    %swap3A_33 = tpu.vector_load %arg9[%swap3A_31, %swap3A_32] {strides = array<i32>} : memref<64x16xf32, #tpu.memory_space<vmem>>, vector<16xf32>,
    tpu.vector_store %arg9[%swap3A_31, %swap3A_32], %broadcast_in_dim3A_14 {strides = array<i32>} : memref<64x16xf32, #tpu.memory_space<vmem>>, vector<16xf32>,
    %swap3A_34 = arith.constant 5 : i32
    %swap3A_35 = arith.index_cast %swap3A_34 : i32 to index
    %swap3A_36 = arith.constant 0 : index
    %swap3A_37 = tpu.vector_load %arg9[%swap3A_35, %swap3A_36] {strides = array<i32>} : memref<64x16xf32, #tpu.memory_space<vmem>>, vector<16xf32>,
    tpu.vector_store %arg9[%swap3A_35, %swap3A_36], %broadcast_in_dim3A_14 {strides = array<i32>} : memref<64x16xf32, #tpu.memory_space<vmem>>, vector<16xf32>,
    %swap3A_38 = arith.constant 6 : i32
    %swap3A_39 = arith.index_cast %swap3A_38 : i32 to index
    %swap3A_40 = arith.constant 0 : index
    %swap3A_41 = tpu.vector_load %arg9[%swap3A_39, %swap3A_40] {strides = array<i32>} : memref<64x16xf32, #tpu.memory_space<vmem>>, vector<16xf32>,
    tpu.vector_store %arg9[%swap3A_39, %swap3A_40], %broadcast_in_dim3A_14 {strides = array<i32>} : memref<64x16xf32, #tpu.memory_space<vmem>>, vector<16xf32>,
    %swap3A_42 = arith.constant 7 : i32
    %swap3A_43 = arith.index_cast %swap3A_42 : i32 to index
    %swap3A_44 = arith.constant 0 : index
    %swap3A_45 = tpu.vector_load %arg9[%swap3A_43, %swap3A_44] {strides = array<i32>} : memref<64x16xf32, #tpu.memory_space<vmem>>, vector<16xf32>,
    tpu.vector_store %arg9[%swap3A_43, %swap3A_44], %broadcast_in_dim3A_14 {strides = array<i32>} : memref<64x16xf32, #tpu.memory_space<vmem>>, vector<16xf32>,
    %swap3A_46 = arith.constant 8 : i32
    %swap3A_47 = arith.index_cast %swap3A_46 : i32 to index
    %swap3A_48 = arith.constant 0 : index
    %swap3A_49 = tpu.vector_load %arg9[%swap3A_47, %swap3A_48] {strides = array<i32>} : memref<64x16xf32, #tpu.memory_space<vmem>>, vector<16xf32>,
    tpu.vector_store %arg9[%swap3A_47, %swap3A_48], %broadcast_in_dim3A_14 {strides = array<i32>} : memref<64x16xf32, #tpu.memory_space<vmem>>, vector<16xf32>,
    %swap3A_50 = arith.constant 9 : i32
    %swap3A_51 = arith.index_cast %swap3A_50 : i32 to index
    %swap3A_52 = arith.constant 0 : index
    %swap3A_53 = tpu.vector_load %arg9[%swap3A_51, %swap3A_52] {strides = array<i32>} : memref<64x16xf32, #tpu.memory_space<vmem>>, vector<16xf32>,
    tpu.vector_store %arg9[%swap3A_51, %swap3A_52], %broadcast_in_dim3A_14 {strides = array<i32>} : memref<64x16xf32, #tpu.memory_space<vmem>>, vector<16xf32>,
    %swap3A_54 = arith.constant 10 : i32
    %swap3A_55 = arith.index_cast %swap3A_54 : i32 to index
    %swap3A_56 = arith.constant 0 : index
    %swap3A_57 = tpu.vector_load %arg9[%swap3A_55, %swap3A_56] {strides = array<i32>} : memref<64x16xf32, #tpu.memory_space<vmem>>, vector<16xf32>,
    tpu.vector_store %arg9[%swap3A_55, %swap3A_56], %broadcast_in_dim3A_14 {strides = array<i32>} : memref<64x16xf32, #tpu.memory_space<vmem>>, vector<16xf32>,
    %swap3A_58 = arith.constant 11 : i32
    %swap3A_59 = arith.index_cast %swap3A_58 : i32 to index
    %swap3A_60 = arith.constant 0 : index
    %swap3A_61 = tpu.vector_load %arg9[%swap3A_59, %swap3A_60] {strides = array<i32>} : memref<64x16xf32, #tpu.memory_space<vmem>>, vector<16xf32>,
    tpu.vector_store %arg9[%swap3A_59, %swap3A_60], %broadcast_in_dim3A_14 {strides = array<i32>} : memref<64x16xf32, #tpu.memory_space<vmem>>, vector<16xf32>,
    %swap3A_62 = arith.constant 12 : i32
    %swap3A_63 = arith.index_cast %swap3A_62 : i32 to index
    %swap3A_64 = arith.constant 0 : index
    %swap3A_65 = tpu.vector_load %arg9[%swap3A_63, %swap3A_64] {strides = array<i32>} : memref<64x16xf32, #tpu.memory_space<vmem>>, vector<16xf32>,
    tpu.vector_store %arg9[%swap3A_63, %swap3A_64], %broadcast_in_dim3A_14 {strides = array<i32>} : memref<64x16xf32, #tpu.memory_space<vmem>>, vector<16xf32>,
    %swap3A_66 = arith.constant 13 : i32
    %swap3A_67 = arith.index_cast %swap3A_66 : i32 to index
    %swap3A_68 = arith.constant 0 : index
    %swap3A_69 = tpu.vector_load %arg9[%swap3A_67, %swap3A_68] {strides = array<i32>} : memref<64x16xf32, #tpu.memory_space<vmem>>, vector<16xf32>,
    tpu.vector_store %arg9[%swap3A_67, %swap3A_68], %broadcast_in_dim3A_14 {strides = array<i32>} : memref<64x16xf32, #tpu.memory_space<vmem>>, vector<16xf32>,
    %swap3A_70 = arith.constant 14 : i32
    %swap3A_71 = arith.index_cast %swap3A_70 : i32 to index
    %swap3A_72 = arith.constant 0 : index
    %swap3A_73 = tpu.vector_load %arg9[%swap3A_71, %swap3A_72] {strides = array<i32>} : memref<64x16xf32, #tpu.memory_space<vmem>>, vector<16xf32>,
    tpu.vector_store %arg9[%swap3A_71, %swap3A_72], %broadcast_in_dim3A_14 {strides = array<i32>} : memref<64x16xf32, #tpu.memory_space<vmem>>, vector<16xf32>,
    %swap3A_74 = arith.constant 15 : i32
    %swap3A_75 = arith.index_cast %swap3A_74 : i32 to index
    %swap3A_76 = arith.constant 0 : index
    %swap3A_77 = tpu.vector_load %arg9[%swap3A_75, %swap3A_76] {strides = array<i32>} : memref<64x16xf32, #tpu.memory_space<vmem>>, vector<16xf32>,
    tpu.vector_store %arg9[%swap3A_75, %swap3A_76], %broadcast_in_dim3A_14 {strides = array<i32>} : memref<64x16xf32, #tpu.memory_space<vmem>>, vector<16xf32>,
    %swap3A_78 = arith.constant 16 : i32
    %swap3A_79 = arith.index_cast %swap3A_78 : i32 to index
    %swap3A_80 = arith.constant 0 : index
    %swap3A_81 = tpu.vector_load %arg9[%swap3A_79, %swap3A_80] {strides = array<i32>} : memref<64x16xf32, #tpu.memory_space<vmem>>, vector<16xf32>,
    tpu.vector_store %arg9[%swap3A_79, %swap3A_80], %broadcast_in_dim3A_14 {strides = array<i32>} : memref<64x16xf32, #tpu.memory_space<vmem>>, vector<16xf32>,
    %swap3A_82 = arith.constant 17 : i32
    %swap3A_83 = arith.index_cast %swap3A_82 : i32 to index
    %swap3A_84 = arith.constant 0 : index
    %swap3A_85 = tpu.vector_load %arg9[%swap3A_83, %swap3A_84] {strides = array<i32>} : memref<64x16xf32, #tpu.memory_space<vmem>>, vector<16xf32>,
    tpu.vector_store %arg9[%swap3A_83, %swap3A_84], %broadcast_in_dim3A_14 {strides = array<i32>} : memref<64x16xf32, #tpu.memory_space<vmem>>, vector<16xf32>,
    %swap3A_86 = arith.constant 18 : i32
    %swap3A_87 = arith.index_cast %swap3A_86 : i32 to index
    %swap3A_88 = arith.constant 0 : index
    %swap3A_89 = tpu.vector_load %arg9[%swap3A_87, %swap3A_88] {strides = array<i32>} : memref<64x16xf32, #tpu.memory_space<vmem>>, vector<16xf32>,
    tpu.vector_store %arg9[%swap3A_87, %swap3A_88], %broadcast_in_dim3A_14 {strides = array<i32>} : memref<64x16xf32, #tpu.memory_space<vmem>>, vector<16xf32>,
    %swap3A_90 = arith.constant 19 : i32
    %swap3A_91 = arith.index_cast %swap3A_90 : i32 to index
    %swap3A_92 = arith.constant 0 : index
    %swap3A_93 = tpu.vector_load %arg9[%swap3A_91, %swap3A_92] {strides = array<i32>} : memref<64x16xf32, #tpu.memory_space<vmem>>, vector<16xf32>,
    tpu.vector_store %arg9[%swap3A_91, %swap3A_92], %broadcast_in_dim3A_14 {strides = array<i32>} : memref<64x16xf32, #tpu.memory_space<vmem>>, vector<16xf32>,
    %swap3A_94 = arith.constant 20 : i32
    %swap3A_95 = arith.index_cast %swap3A_94 : i32 to index
    %swap3A_96 = arith.constant 0 : index
    %swap3A_97 = tpu.vector_load %arg9[%swap3A_95, %swap3A_96] {strides = array<i32>} : memref<64x16xf32, #tpu.memory_space<vmem>>, vector<16xf32>,
    tpu.vector_store %arg9[%swap3A_95, %swap3A_96], %broadcast_in_dim3A_14 {strides = array<i32>} : memref<64x16xf32, #tpu.memory_space<vmem>>, vector<16xf32>,
    %swap3A_98 = arith.constant 21 : i32
    %swap3A_99 = arith.index_cast %swap3A_98 : i32 to index
    %swap3A_100 = arith.constant 0 : index
    %swap3A_101 = tpu.vector_load %arg9[%swap3A_99, %swap3A_100] {strides = array<i32>} : memref<64x16xf32, #tpu.memory_space<vmem>>, vector<16xf32>,
    tpu.vector_store %arg9[%swap3A_99, %swap3A_100], %broadcast_in_dim3A_14 {strides = array<i32>} : memref<64x16xf32, #tpu.memory_space<vmem>>, vector<16xf32>,
    %swap3A_102 = arith.constant 22 : i32
    %swap3A_103 = arith.index_cast %swap3A_102 : i32 to index
    %swap3A_104 = arith.constant 0 : index
    %swap3A_105 = tpu.vector_load %arg9[%swap3A_103, %swap3A_104] {strides = array<i32>} : memref<64x16xf32, #tpu.memory_space<vmem>>, vector<16xf32>,
    tpu.vector_store %arg9[%swap3A_103, %swap3A_104], %broadcast_in_dim3A_14 {strides = array<i32>} : memref<64x16xf32, #tpu.memory_space<vmem>>, vector<16xf32>,
    %swap3A_106 = arith.constant 23 : i32
    %swap3A_107 = arith.index_cast %swap3A_106 : i32 to index
    %swap3A_108 = arith.constant 0 : index
    %swap3A_109 = tpu.vector_load %arg9[%swap3A_107, %swap3A_108] {strides = array<i32>} : memref<64x16xf32, #tpu.memory_space<vmem>>, vector<16xf32>,
    tpu.vector_store %arg9[%swap3A_107, %swap3A_108], %broadcast_in_dim3A_14 {strides = array<i32>} : memref<64x16xf32, #tpu.memory_space<vmem>>, vector<16xf32>,
    %swap3A_110 = arith.constant 24 : i32
    %swap3A_111 = arith.index_cast %swap3A_110 : i32 to index
    %swap3A_112 = arith.constant 0 : index
    %swap3A_113 = tpu.vector_load %arg9[%swap3A_111, %swap3A_112] {strides = array<i32>} : memref<64x16xf32, #tpu.memory_space<vmem>>, vector<16xf32>,
    tpu.vector_store %arg9[%swap3A_111, %swap3A_112], %broadcast_in_dim3A_14 {strides = array<i32>} : memref<64x16xf32, #tpu.memory_space<vmem>>, vector<16xf32>,
    %swap3A_114 = arith.constant 25 : i32
    %swap3A_115 = arith.index_cast %swap3A_114 : i32 to index
    %swap3A_116 = arith.constant 0 : index
    %swap3A_117 = tpu.vector_load %arg9[%swap3A_115, %swap3A_116] {strides = array<i32>} : memref<64x16xf32, #tpu.memory_space<vmem>>, vector<16xf32>,
    tpu.vector_store %arg9[%swap3A_115, %swap3A_116], %broadcast_in_dim3A_14 {strides = array<i32>} : memref<64x16xf32, #tpu.memory_space<vmem>>, vector<16xf32>,
    %swap3A_118 = arith.constant 26 : i32
    %swap3A_119 = arith.index_cast %swap3A_118 : i32 to index
    %swap3A_120 = arith.constant 0 : index
    %swap3A_121 = tpu.vector_load %arg9[%swap3A_119, %swap3A_120] {strides = array<i32>} : memref<64x16xf32, #tpu.memory_space<vmem>>, vector<16xf32>,
    tpu.vector_store %arg9[%swap3A_119, %swap3A_120], %broadcast_in_dim3A_14 {strides = array<i32>} : memref<64x16xf32, #tpu.memory_space<vmem>>, vector<16xf32>,
    %swap3A_122 = arith.constant 27 : i32
    %swap3A_123 = arith.index_cast %swap3A_122 : i32 to index
    %swap3A_124 = arith.constant 0 : index
    %swap3A_125 = tpu.vector_load %arg9[%swap3A_123, %swap3A_124] {strides = array<i32>} : memref<64x16xf32, #tpu.memory_space<vmem>>, vector<16xf32>,
    tpu.vector_store %arg9[%swap3A_123, %swap3A_124], %broadcast_in_dim3A_14 {strides = array<i32>} : memref<64x16xf32, #tpu.memory_space<vmem>>, vector<16xf32>,
    %swap3A_126 = arith.constant 28 : i32
    %swap3A_127 = arith.index_cast %swap3A_126 : i32 to index
    %swap3A_128 = arith.constant 0 : index
    %swap3A_129 = tpu.vector_load %arg9[%swap3A_127, %swap3A_128] {strides = array<i32>} : memref<64x16xf32, #tpu.memory_space<vmem>>, vector<16xf32>,
    tpu.vector_store %arg9[%swap3A_127, %swap3A_128], %broadcast_in_dim3A_14 {strides = array<i32>} : memref<64x16xf32, #tpu.memory_space<vmem>>, vector<16xf32>,
    %swap3A_130 = arith.constant 29 : i32
    %swap3A_131 = arith.index_cast %swap3A_130 : i32 to index
    %swap3A_132 = arith.constant 0 : index
    %swap3A_133 = tpu.vector_load %arg9[%swap3A_131, %swap3A_132] {strides = array<i32>} : memref<64x16xf32, #tpu.memory_space<vmem>>, vector<16xf32>,
    tpu.vector_store %arg9[%swap3A_131, %swap3A_132], %broadcast_in_dim3A_14 {strides = array<i32>} : memref<64x16xf32, #tpu.memory_space<vmem>>, vector<16xf32>,
    %swap3A_134 = arith.constant 30 : i32
    %swap3A_135 = arith.index_cast %swap3A_134 : i32 to index
    %swap3A_136 = arith.constant 0 : index
    %swap3A_137 = tpu.vector_load %arg9[%swap3A_135, %swap3A_136] {strides = array<i32>} : memref<64x16xf32, #tpu.memory_space<vmem>>, vector<16xf32>,
    tpu.vector_store %arg9[%swap3A_135, %swap3A_136], %broadcast_in_dim3A_14 {strides = array<i32>} : memref<64x16xf32, #tpu.memory_space<vmem>>, vector<16xf32>,
    %swap3A_138 = arith.constant 31 : i32
    %swap3A_139 = arith.index_cast %swap3A_138 : i32 to index
    %swap3A_140 = arith.constant 0 : index
    %swap3A_141 = tpu.vector_load %arg9[%swap3A_139, %swap3A_140] {strides = array<i32>} : memref<64x16xf32, #tpu.memory_space<vmem>>, vector<16xf32>,
    tpu.vector_store %arg9[%swap3A_139, %swap3A_140], %broadcast_in_dim3A_14 {strides = array<i32>} : memref<64x16xf32, #tpu.memory_space<vmem>>, vector<16xf32>,
    %swap3A_142 = arith.constant 32 : i32
    %swap3A_143 = arith.index_cast %swap3A_142 : i32 to index
    %swap3A_144 = arith.constant 0 : index
    %swap3A_145 = tpu.vector_load %arg9[%swap3A_143, %swap3A_144] {strides = array<i32>} : memref<64x16xf32, #tpu.memory_space<vmem>>, vector<16xf32>,
    tpu.vector_store %arg9[%swap3A_143, %swap3A_144], %broadcast_in_dim3A_14 {strides = array<i32>} : memref<64x16xf32, #tpu.memory_space<vmem>>, vector<16xf32>,
    %swap3A_146 = arith.constant 33 : i32
    %swap3A_147 = arith.index_cast %swap3A_146 : i32 to index
    %swap3A_148 = arith.constant 0 : index
    %swap3A_149 = tpu.vector_load %arg9[%swap3A_147, %swap3A_148] {strides = array<i32>} : memref<64x16xf32, #tpu.memory_space<vmem>>, vector<16xf32>,
    tpu.vector_store %arg9[%swap3A_147, %swap3A_148], %broadcast_in_dim3A_14 {strides = array<i32>} : memref<64x16xf32, #tpu.memory_space<vmem>>, vector<16xf32>,
    %swap3A_150 = arith.constant 34 : i32
    %swap3A_151 = arith.index_cast %swap3A_150 : i32 to index
    %swap3A_152 = arith.constant 0 : index
    %swap3A_153 = tpu.vector_load %arg9[%swap3A_151, %swap3A_152] {strides = array<i32>} : memref<64x16xf32, #tpu.memory_space<vmem>>, vector<16xf32>,
    tpu.vector_store %arg9[%swap3A_151, %swap3A_152], %broadcast_in_dim3A_14 {strides = array<i32>} : memref<64x16xf32, #tpu.memory_space<vmem>>, vector<16xf32>,
    %swap3A_154 = arith.constant 35 : i32
    %swap3A_155 = arith.index_cast %swap3A_154 : i32 to index
    %swap3A_156 = arith.constant 0 : index
    %swap3A_157 = tpu.vector_load %arg9[%swap3A_155, %swap3A_156] {strides = array<i32>} : memref<64x16xf32, #tpu.memory_space<vmem>>, vector<16xf32>,
    tpu.vector_store %arg9[%swap3A_155, %swap3A_156], %broadcast_in_dim3A_14 {strides = array<i32>} : memref<64x16xf32, #tpu.memory_space<vmem>>, vector<16xf32>,
    %swap3A_158 = arith.constant 36 : i32
    %swap3A_159 = arith.index_cast %swap3A_158 : i32 to index
    %swap3A_160 = arith.constant 0 : index
    %swap3A_161 = tpu.vector_load %arg9[%swap3A_159, %swap3A_160] {strides = array<i32>} : memref<64x16xf32, #tpu.memory_space<vmem>>, vector<16xf32>,
    tpu.vector_store %arg9[%swap3A_159, %swap3A_160], %broadcast_in_dim3A_14 {strides = array<i32>} : memref<64x16xf32, #tpu.memory_space<vmem>>, vector<16xf32>,
    %swap3A_162 = arith.constant 37 : i32
    %swap3A_163 = arith.index_cast %swap3A_162 : i32 to index
    %swap3A_164 = arith.constant 0 : index
    %swap3A_165 = tpu.vector_load %arg9[%swap3A_163, %swap3A_164] {strides = array<i32>} : memref<64x16xf32, #tpu.memory_space<vmem>>, vector<16xf32>,
    tpu.vector_store %arg9[%swap3A_163, %swap3A_164], %broadcast_in_dim3A_14 {strides = array<i32>} : memref<64x16xf32, #tpu.memory_space<vmem>>, vector<16xf32>,
    %swap3A_166 = arith.constant 38 : i32
    %swap3A_167 = arith.index_cast %swap3A_166 : i32 to index
    %swap3A_168 = arith.constant 0 : index
    %swap3A_169 = tpu.vector_load %arg9[%swap3A_167, %swap3A_168] {strides = array<i32>} : memref<64x16xf32, #tpu.memory_space<vmem>>, vector<16xf32>,
    tpu.vector_store %arg9[%swap3A_167, %swap3A_168], %broadcast_in_dim3A_14 {strides = array<i32>} : memref<64x16xf32, #tpu.memory_space<vmem>>, vector<16xf32>,
    %swap3A_170 = arith.constant 39 : i32
    %swap3A_171 = arith.index_cast %swap3A_170 : i32 to index
    %swap3A_172 = arith.constant 0 : index
    %swap3A_173 = tpu.vector_load %arg9[%swap3A_171, %swap3A_172] {strides = array<i32>} : memref<64x16xf32, #tpu.memory_space<vmem>>, vector<16xf32>,
    tpu.vector_store %arg9[%swap3A_171, %swap3A_172], %broadcast_in_dim3A_14 {strides = array<i32>} : memref<64x16xf32, #tpu.memory_space<vmem>>, vector<16xf32>,
    %swap3A_174 = arith.constant 40 : i32
    %swap3A_175 = arith.index_cast %swap3A_174 : i32 to index
    %swap3A_176 = arith.constant 0 : index
    %swap3A_177 = tpu.vector_load %arg9[%swap3A_175, %swap3A_176] {strides = array<i32>} : memref<64x16xf32, #tpu.memory_space<vmem>>, vector<16xf32>,
    tpu.vector_store %arg9[%swap3A_175, %swap3A_176], %broadcast_in_dim3A_14 {strides = array<i32>} : memref<64x16xf32, #tpu.memory_space<vmem>>, vector<16xf32>,
    %swap3A_178 = arith.constant 41 : i32
    %swap3A_179 = arith.index_cast %swap3A_178 : i32 to index
    %swap3A_180 = arith.constant 0 : index
    %swap3A_181 = tpu.vector_load %arg9[%swap3A_179, %swap3A_180] {strides = array<i32>} : memref<64x16xf32, #tpu.memory_space<vmem>>, vector<16xf32>,
    tpu.vector_store %arg9[%swap3A_179, %swap3A_180], %broadcast_in_dim3A_14 {strides = array<i32>} : memref<64x16xf32, #tpu.memory_space<vmem>>, vector<16xf32>,
    %swap3A_182 = arith.constant 42 : i32
    %swap3A_183 = arith.index_cast %swap3A_182 : i32 to index
    %swap3A_184 = arith.constant 0 : index
    %swap3A_185 = tpu.vector_load %arg9[%swap3A_183, %swap3A_184] {strides = array<i32>} : memref<64x16xf32, #tpu.memory_space<vmem>>, vector<16xf32>,
    tpu.vector_store %arg9[%swap3A_183, %swap3A_184], %broadcast_in_dim3A_14 {strides = array<i32>} : memref<64x16xf32, #tpu.memory_space<vmem>>, vector<16xf32>,
    %swap3A_186 = arith.constant 43 : i32
    %swap3A_187 = arith.index_cast %swap3A_186 : i32 to index
    %swap3A_188 = arith.constant 0 : index
    %swap3A_189 = tpu.vector_load %arg9[%swap3A_187, %swap3A_188] {strides = array<i32>} : memref<64x16xf32, #tpu.memory_space<vmem>>, vector<16xf32>,
    tpu.vector_store %arg9[%swap3A_187, %swap3A_188], %broadcast_in_dim3A_14 {strides = array<i32>} : memref<64x16xf32, #tpu.memory_space<vmem>>, vector<16xf32>,
    %swap3A_190 = arith.constant 44 : i32
    %swap3A_191 = arith.index_cast %swap3A_190 : i32 to index
    %swap3A_192 = arith.constant 0 : index
    %swap3A_193 = tpu.vector_load %arg9[%swap3A_191, %swap3A_192] {strides = array<i32>} : memref<64x16xf32, #tpu.memory_space<vmem>>, vector<16xf32>,
    tpu.vector_store %arg9[%swap3A_191, %swap3A_192], %broadcast_in_dim3A_14 {strides = array<i32>} : memref<64x16xf32, #tpu.memory_space<vmem>>, vector<16xf32>,
    %swap3A_194 = arith.constant 45 : i32
    %swap3A_195 = arith.index_cast %swap3A_194 : i32 to index
    %swap3A_196 = arith.constant 0 : index
    %swap3A_197 = tpu.vector_load %arg9[%swap3A_195, %swap3A_196] {strides = array<i32>} : memref<64x16xf32, #tpu.memory_space<vmem>>, vector<16xf32>,
    tpu.vector_store %arg9[%swap3A_195, %swap3A_196], %broadcast_in_dim3A_14 {strides = array<i32>} : memref<64x16xf32, #tpu.memory_space<vmem>>, vector<16xf32>,
    %swap3A_198 = arith.constant 46 : i32
    %swap3A_199 = arith.index_cast %swap3A_198 : i32 to index
    %swap3A_200 = arith.constant 0 : index
    %swap3A_201 = tpu.vector_load %arg9[%swap3A_199, %swap3A_200] {strides = array<i32>} : memref<64x16xf32, #tpu.memory_space<vmem>>, vector<16xf32>,
    tpu.vector_store %arg9[%swap3A_199, %swap3A_200], %broadcast_in_dim3A_14 {strides = array<i32>} : memref<64x16xf32, #tpu.memory_space<vmem>>, vector<16xf32>,
    %swap3A_202 = arith.constant 47 : i32
    %swap3A_203 = arith.index_cast %swap3A_202 : i32 to index
    %swap3A_204 = arith.constant 0 : index
    %swap3A_205 = tpu.vector_load %arg9[%swap3A_203, %swap3A_204] {strides = array<i32>} : memref<64x16xf32, #tpu.memory_space<vmem>>, vector<16xf32>,
    tpu.vector_store %arg9[%swap3A_203, %swap3A_204], %broadcast_in_dim3A_14 {strides = array<i32>} : memref<64x16xf32, #tpu.memory_space<vmem>>, vector<16xf32>,
    %swap3A_206 = arith.constant 48 : i32
    %swap3A_207 = arith.index_cast %swap3A_206 : i32 to index
    %swap3A_208 = arith.constant 0 : index
    %swap3A_209 = tpu.vector_load %arg9[%swap3A_207, %swap3A_208] {strides = array<i32>} : memref<64x16xf32, #tpu.memory_space<vmem>>, vector<16xf32>,
    tpu.vector_store %arg9[%swap3A_207, %swap3A_208], %broadcast_in_dim3A_14 {strides = array<i32>} : memref<64x16xf32, #tpu.memory_space<vmem>>, vector<16xf32>,
    %swap3A_210 = arith.constant 49 : i32
    %swap3A_211 = arith.index_cast %swap3A_210 : i32 to index
    %swap3A_212 = arith.constant 0 : index
    %swap3A_213 = tpu.vector_load %arg9[%swap3A_211, %swap3A_212] {strides = array<i32>} : memref<64x16xf32, #tpu.memory_space<vmem>>, vector<16xf32>,
    tpu.vector_store %arg9[%swap3A_211, %swap3A_212], %broadcast_in_dim3A_14 {strides = array<i32>} : memref<64x16xf32, #tpu.memory_space<vmem>>, vector<16xf32>,
    %swap3A_214 = arith.constant 50 : i32
    %swap3A_215 = arith.index_cast %swap3A_214 : i32 to index
    %swap3A_216 = arith.constant 0 : index
    %swap3A_217 = tpu.vector_load %arg9[%swap3A_215, %swap3A_216] {strides = array<i32>} : memref<64x16xf32, #tpu.memory_space<vmem>>, vector<16xf32>,
    tpu.vector_store %arg9[%swap3A_215, %swap3A_216], %broadcast_in_dim3A_14 {strides = array<i32>} : memref<64x16xf32, #tpu.memory_space<vmem>>, vector<16xf32>,
    %swap3A_218 = arith.constant 51 : i32
    %swap3A_219 = arith.index_cast %swap3A_218 : i32 to index
    %swap3A_220 = arith.constant 0 : index
    %swap3A_221 = tpu.vector_load %arg9[%swap3A_219, %swap3A_220] {strides = array<i32>} : memref<64x16xf32, #tpu.memory_space<vmem>>, vector<16xf32>,
    tpu.vector_store %arg9[%swap3A_219, %swap3A_220], %broadcast_in_dim3A_14 {strides = array<i32>} : memref<64x16xf32, #tpu.memory_space<vmem>>, vector<16xf32>,
    %swap3A_222 = arith.constant 52 : i32
    %swap3A_223 = arith.index_cast %swap3A_222 : i32 to index
    %swap3A_224 = arith.constant 0 : index
    %swap3A_225 = tpu.vector_load %arg9[%swap3A_223, %swap3A_224] {strides = array<i32>} : memref<64x16xf32, #tpu.memory_space<vmem>>, vector<16xf32>,
    tpu.vector_store %arg9[%swap3A_223, %swap3A_224], %broadcast_in_dim3A_14 {strides = array<i32>} : memref<64x16xf32, #tpu.memory_space<vmem>>, vector<16xf32>,
    %swap3A_226 = arith.constant 53 : i32
    %swap3A_227 = arith.index_cast %swap3A_226 : i32 to index
    %swap3A_228 = arith.constant 0 : index
    %swap3A_229 = tpu.vector_load %arg9[%swap3A_227, %swap3A_228] {strides = array<i32>} : memref<64x16xf32, #tpu.memory_space<vmem>>, vector<16xf32>,
    tpu.vector_store %arg9[%swap3A_227, %swap3A_228], %broadcast_in_dim3A_14 {strides = array<i32>} : memref<64x16xf32, #tpu.memory_space<vmem>>, vector<16xf32>,
    %swap3A_230 = arith.constant 54 : i32
    %swap3A_231 = arith.index_cast %swap3A_230 : i32 to index
    %swap3A_232 = arith.constant 0 : index
    %swap3A_233 = tpu.vector_load %arg9[%swap3A_231, %swap3A_232] {strides = array<i32>} : memref<64x16xf32, #tpu.memory_space<vmem>>, vector<16xf32>,
    tpu.vector_store %arg9[%swap3A_231, %swap3A_232], %broadcast_in_dim3A_14 {strides = array<i32>} : memref<64x16xf32, #tpu.memory_space<vmem>>, vector<16xf32>,
    %swap3A_234 = arith.constant 55 : i32
    %swap3A_235 = arith.index_cast %swap3A_234 : i32 to index
    %swap3A_236 = arith.constant 0 : index
    %swap3A_237 = tpu.vector_load %arg9[%swap3A_235, %swap3A_236] {strides = array<i32>} : memref<64x16xf32, #tpu.memory_space<vmem>>, vector<16xf32>,
    tpu.vector_store %arg9[%swap3A_235, %swap3A_236], %broadcast_in_dim3A_14 {strides = array<i32>} : memref<64x16xf32, #tpu.memory_space<vmem>>, vector<16xf32>,
    %swap3A_238 = arith.constant 56 : i32
    %swap3A_239 = arith.index_cast %swap3A_238 : i32 to index
    %swap3A_240 = arith.constant 0 : index
    %swap3A_241 = tpu.vector_load %arg9[%swap3A_239, %swap3A_240] {strides = array<i32>} : memref<64x16xf32, #tpu.memory_space<vmem>>, vector<16xf32>,
    tpu.vector_store %arg9[%swap3A_239, %swap3A_240], %broadcast_in_dim3A_14 {strides = array<i32>} : memref<64x16xf32, #tpu.memory_space<vmem>>, vector<16xf32>,
    %swap3A_242 = arith.constant 57 : i32
    %swap3A_243 = arith.index_cast %swap3A_242 : i32 to index
    %swap3A_244 = arith.constant 0 : index
    %swap3A_245 = tpu.vector_load %arg9[%swap3A_243, %swap3A_244] {strides = array<i32>} : memref<64x16xf32, #tpu.memory_space<vmem>>, vector<16xf32>,
    tpu.vector_store %arg9[%swap3A_243, %swap3A_244], %broadcast_in_dim3A_14 {strides = array<i32>} : memref<64x16xf32, #tpu.memory_space<vmem>>, vector<16xf32>,
    %swap3A_246 = arith.constant 58 : i32
    %swap3A_247 = arith.index_cast %swap3A_246 : i32 to index
    %swap3A_248 = arith.constant 0 : index
    %swap3A_249 = tpu.vector_load %arg9[%swap3A_247, %swap3A_248] {strides = array<i32>} : memref<64x16xf32, #tpu.memory_space<vmem>>, vector<16xf32>,
    tpu.vector_store %arg9[%swap3A_247, %swap3A_248], %broadcast_in_dim3A_14 {strides = array<i32>} : memref<64x16xf32, #tpu.memory_space<vmem>>, vector<16xf32>,
    %swap3A_250 = arith.constant 59 : i32
    %swap3A_251 = arith.index_cast %swap3A_250 : i32 to index
    %swap3A_252 = arith.constant 0 : index
    %swap3A_253 = tpu.vector_load %arg9[%swap3A_251, %swap3A_252] {strides = array<i32>} : memref<64x16xf32, #tpu.memory_space<vmem>>, vector<16xf32>,
    tpu.vector_store %arg9[%swap3A_251, %swap3A_252], %broadcast_in_dim3A_14 {strides = array<i32>} : memref<64x16xf32, #tpu.memory_space<vmem>>, vector<16xf32>,
    %swap3A_254 = arith.constant 60 : i32
    %swap3A_255 = arith.index_cast %swap3A_254 : i32 to index
    %swap3A_256 = arith.constant 0 : index
    %swap3A_257 = tpu.vector_load %arg9[%swap3A_255, %swap3A_256] {strides = array<i32>} : memref<64x16xf32, #tpu.memory_space<vmem>>, vector<16xf32>,
    tpu.vector_store %arg9[%swap3A_255, %swap3A_256], %broadcast_in_dim3A_14 {strides = array<i32>} : memref<64x16xf32, #tpu.memory_space<vmem>>, vector<16xf32>,
    %swap3A_258 = arith.constant 61 : i32
    %swap3A_259 = arith.index_cast %swap3A_258 : i32 to index
    %swap3A_260 = arith.constant 0 : index
    %swap3A_261 = tpu.vector_load %arg9[%swap3A_259, %swap3A_260] {strides = array<i32>} : memref<64x16xf32, #tpu.memory_space<vmem>>, vector<16xf32>,
    tpu.vector_store %arg9[%swap3A_259, %swap3A_260], %broadcast_in_dim3A_14 {strides = array<i32>} : memref<64x16xf32, #tpu.memory_space<vmem>>, vector<16xf32>,
    %swap3A_262 = arith.constant 62 : i32
    %swap3A_263 = arith.index_cast %swap3A_262 : i32 to index
    %swap3A_264 = arith.constant 0 : index
    %swap3A_265 = tpu.vector_load %arg9[%swap3A_263, %swap3A_264] {strides = array<i32>} : memref<64x16xf32, #tpu.memory_space<vmem>>, vector<16xf32>,
    tpu.vector_store %arg9[%swap3A_263, %swap3A_264], %broadcast_in_dim3A_14 {strides = array<i32>} : memref<64x16xf32, #tpu.memory_space<vmem>>, vector<16xf32>,
    %swap3A_266 = arith.constant 63 : i32
    %swap3A_267 = arith.index_cast %swap3A_266 : i32 to index
    %swap3A_268 = arith.constant 0 : index
    %swap3A_269 = tpu.vector_load %arg9[%swap3A_267, %swap3A_268] {strides = array<i32>} : memref<64x16xf32, #tpu.memory_space<vmem>>, vector<16xf32>,
    tpu.vector_store %arg9[%swap3A_267, %swap3A_268], %broadcast_in_dim3A_14 {strides = array<i32>} : memref<64x16xf32, #tpu.memory_space<vmem>>, vector<16xf32>,
    %dma_wait3A = tpu.memref_slice %arg3[%add3A_4] : memref<1600000xi32, #tpu.memory_space<hbm>> -> memref<10000xi32, #tpu.memory_space<hbm>>
    %dma_wait3A_270 = tpu.memref_slice %arg3[%add3A_4] : memref<1600000xi32, #tpu.memory_space<hbm>> -> memref<10000xi32, #tpu.memory_space<hbm>>
    tpu.wait_dma2 semaphore(%arg15 : memref<!tpu.dma_semaphore, #tpu.memory_space<semaphore_mem>>) src(%dma_wait3A_270 : memref<10000xi32, #tpu.memory_space<hbm>>) dst(%arg7 : memref<10000xi32, #tpu.memory_space<vmem>>)
    %get3A = arith.constant 0 : index
    %get3A_271 = tpu.vector_load %arg7[%get3A] {strides = array<i32>} : memref<10000xi32, #tpu.memory_space<vmem>>, vector<16xi32>,
    %reduce_min3A = arith.constant true
    %reduce_min3A_272 = vector.broadcast %reduce_min3A : i1 to vector<16xi1>
    %reduce_min3A_273 = arith.constant -2147483648 : i32
    %reduce_min3A_274 = vector.broadcast %reduce_min3A_273 : i32 to vector<16xi32>
    %reduce_min3A_275 = arith.xori %get3A_271, %reduce_min3A_274 : vector<16xi32>
    %reduce_min3A_276 = tpu.scan <min>, %reduce_min3A_275 masked %reduce_min3A_272 : vector<16xi32>, vector<16xi1> -> vector<16xi32>
    %reduce_min3A_277 = arith.xori %reduce_min3A_276, %reduce_min3A_274 : vector<16xi32>
    %reduce_min3A_278 = vector.extract %reduce_min3A_277[15] : i32 from vector<16xi32>
    %get3A_279 = arith.constant 9984 : index
    %get3A_280 = tpu.vector_load %arg7[%get3A_279] {strides = array<i32>} : memref<10000xi32, #tpu.memory_space<vmem>>, vector<16xi32>,
    %reduce_max3A = arith.constant true
    %reduce_max3A_281 = vector.broadcast %reduce_max3A : i1 to vector<16xi1>
    %reduce_max3A_282 = arith.constant -2147483648 : i32
    %reduce_max3A_283 = vector.broadcast %reduce_max3A_282 : i32 to vector<16xi32>
    %reduce_max3A_284 = arith.xori %get3A_280, %reduce_max3A_283 : vector<16xi32>
    %reduce_max3A_285 = tpu.scan <max>, %reduce_max3A_284 masked %reduce_max3A_281 : vector<16xi32>, vector<16xi1> -> vector<16xi32>
    %reduce_max3A_286 = arith.xori %reduce_max3A_285, %reduce_max3A_283 : vector<16xi32>
    %reduce_max3A_287 = vector.extract %reduce_max3A_286[15] : i32 from vector<16xi32>
    %dma_wait3A_288 = tpu.memref_slice %arg2[%add3A_4] : memref<1600000xf32, #tpu.memory_space<hbm>> -> memref<10000xf32, #tpu.memory_space<hbm>>
    %dma_wait3A_289 = tpu.memref_slice %arg2[%add3A_4] : memref<1600000xf32, #tpu.memory_space<hbm>> -> memref<10000xf32, #tpu.memory_space<hbm>>
    tpu.wait_dma2 semaphore(%arg13 : memref<!tpu.dma_semaphore, #tpu.memory_space<semaphore_mem>>) src(%dma_wait3A_289 : memref<10000xf32, #tpu.memory_space<hbm>>) dst(%arg5 : memref<10000xf32, #tpu.memory_space<vmem>>)
    %add3A_290 = arith.constant 1 : i32
    %add3A_291 = arith.addi %reduce_max3A_287, %add3A_290 : i32
    %while3A = arith.constant 0 : i32
    %while3A_292 = arith.subi %add3A_291, %reduce_min3A_278 : i32
    %while3A_293 = arith.addi %reduce_min3A_278, %while3A_292 : i32
    %while3A_294 = arith.constant 1 : i32
    %while3A_295 = arith.divsi %while3A_292, %while3A_294 : i32
    %while3A_296 = arith.muli %while3A_295, %while3A_294 : i32
    %while3A_297 = arith.addi %reduce_min3A_278, %while3A_296 : i32
    %while3A_298 = arith.constant 1 : i32
    %while3A_299 = scf.for %while3A_932 = %reduce_min3A_278 to %while3A_297 step %while3A_298 iter_args(%while3A_933 = %while3A) -> (i32)  : i32 {
      %lt3A = arith.cmpi slt, %while3A_932, %reduce_max3A_287 : i32
      %add3A_934 = arith.constant 1 : i32
      %add3A_935 = arith.addi %while3A_932, %add3A_934 : i32
      %broadcast_in_dim3A_936 = arith.constant -1 : i32
      %broadcast_in_dim3A_937 = vector.broadcast %broadcast_in_dim3A_936 : i32 to vector<16xi32>
      %broadcast_in_dim3A_938 = arith.constant 9999 : i32
      %broadcast_in_dim3A_939 = vector.broadcast %broadcast_in_dim3A_938 : i32 to vector<16xi32>
      %sub3A = arith.subi %broadcast_in_dim3A_939, %broadcast_in_dim3A_937 : vector<16xi32>
      %add3A_940 = arith.constant 15 : i32
      %add3A_941 = vector.broadcast %add3A_940 : i32 to vector<16xi32>
      %add3A_942 = arith.addi %sub3A, %add3A_941 : vector<16xi32>
      %shift_right_logical3A = arith.constant 4 : i32
      %shift_right_logical3A_943 = vector.broadcast %shift_right_logical3A : i32 to vector<16xi32>
      %shift_right_logical3A_944 = arith.shrui %add3A_942, %shift_right_logical3A_943 : vector<16xi32>
      %add3A_945 = arith.constant 1 : i32
      %add3A_946 = vector.broadcast %add3A_945 : i32 to vector<16xi32>
      %add3A_947 = arith.addi %iota3A, %add3A_946 : vector<16xi32>
      %mul3A_948 = arith.muli %add3A_947, %shift_right_logical3A_944 : vector<16xi32>
      %add3A_949 = arith.addi %broadcast_in_dim3A_937, %mul3A_948 : vector<16xi32>
      %min3A = arith.minsi %add3A_949, %broadcast_in_dim3A_939 : vector<16xi32>
      %jit3A = arith.constant 0 : i32
      %jit3A_950 = arith.constant 9999 : i32
      %max3A = vector.broadcast %jit3A : i32 to vector<16xi32>
      %max3A_951 = arith.maxsi %max3A, %min3A : vector<16xi32>
      %min3A_952 = vector.broadcast %jit3A_950 : i32 to vector<16xi32>
      %min3A_953 = arith.minsi %min3A_952, %max3A_951 : vector<16xi32>
      %gather3A = tpu.vector_load_idx %arg7[%min3A_953] : memref<10000xi32, #tpu.memory_space<vmem>>[vector<16xi32>], vector<16xi32>,
      %ge3A = vector.broadcast %add3A_935 : i32 to vector<16xi32>
      %ge3A_954 = arith.cmpi sge, %gather3A, %ge3A : vector<16xi32>
      %all_reduce_ffs3A = tpu.all_reduce %ge3A_954 {dim = 0 : i64, kind = #tpu.reduction_kind<find_first_set>} : vector<16xi1> -> vector<16xi32>
      %mul3A_955 = arith.muli %all_reduce_ffs3A, %shift_right_logical3A_944 : vector<16xi32>
      %add3A_956 = arith.addi %broadcast_in_dim3A_937, %mul3A_955 : vector<16xi32>
      %add3A_957 = arith.addi %add3A_956, %shift_right_logical3A_944 : vector<16xi32>
      %min3A_958 = arith.minsi %add3A_957, %broadcast_in_dim3A_939 : vector<16xi32>
      %sub3A_959 = arith.subi %min3A_958, %add3A_956 : vector<16xi32>
      %add3A_960 = arith.constant 15 : i32
      %add3A_961 = vector.broadcast %add3A_960 : i32 to vector<16xi32>
      %add3A_962 = arith.addi %sub3A_959, %add3A_961 : vector<16xi32>
      %shift_right_logical3A_963 = arith.constant 4 : i32
      %shift_right_logical3A_964 = vector.broadcast %shift_right_logical3A_963 : i32 to vector<16xi32>
      %shift_right_logical3A_965 = arith.shrui %add3A_962, %shift_right_logical3A_964 : vector<16xi32>
      %add3A_966 = arith.constant 1 : i32
      %add3A_967 = vector.broadcast %add3A_966 : i32 to vector<16xi32>
      %add3A_968 = arith.addi %iota3A, %add3A_967 : vector<16xi32>
      %mul3A_969 = arith.muli %add3A_968, %shift_right_logical3A_965 : vector<16xi32>
      %add3A_970 = arith.addi %add3A_956, %mul3A_969 : vector<16xi32>
      %min3A_971 = arith.minsi %add3A_970, %min3A_958 : vector<16xi32>
      %jit3A_972 = arith.constant 0 : i32
      %jit3A_973 = arith.constant 9999 : i32
      %max3A_974 = vector.broadcast %jit3A_972 : i32 to vector<16xi32>
      %max3A_975 = arith.maxsi %max3A_974, %min3A_971 : vector<16xi32>
      %min3A_976 = vector.broadcast %jit3A_973 : i32 to vector<16xi32>
      %min3A_977 = arith.minsi %min3A_976, %max3A_975 : vector<16xi32>
      %gather3A_978 = tpu.vector_load_idx %arg7[%min3A_977] : memref<10000xi32, #tpu.memory_space<vmem>>[vector<16xi32>], vector<16xi32>,
      %ge3A_979 = vector.broadcast %add3A_935 : i32 to vector<16xi32>
      %ge3A_980 = arith.cmpi sge, %gather3A_978, %ge3A_979 : vector<16xi32>
      %all_reduce_ffs3A_981 = tpu.all_reduce %ge3A_980 {dim = 0 : i64, kind = #tpu.reduction_kind<find_first_set>} : vector<16xi1> -> vector<16xi32>
      %mul3A_982 = arith.muli %all_reduce_ffs3A_981, %shift_right_logical3A_965 : vector<16xi32>
      %add3A_983 = arith.addi %add3A_956, %mul3A_982 : vector<16xi32>
      %add3A_984 = arith.addi %add3A_983, %shift_right_logical3A_965 : vector<16xi32>
      %min3A_985 = arith.minsi %add3A_984, %min3A_958 : vector<16xi32>
      %sub3A_986 = arith.subi %min3A_985, %add3A_983 : vector<16xi32>
      %add3A_987 = arith.constant 15 : i32
      %add3A_988 = vector.broadcast %add3A_987 : i32 to vector<16xi32>
      %add3A_989 = arith.addi %sub3A_986, %add3A_988 : vector<16xi32>
      %shift_right_logical3A_990 = arith.constant 4 : i32
      %shift_right_logical3A_991 = vector.broadcast %shift_right_logical3A_990 : i32 to vector<16xi32>
      %shift_right_logical3A_992 = arith.shrui %add3A_989, %shift_right_logical3A_991 : vector<16xi32>
      %add3A_993 = arith.constant 1 : i32
      %add3A_994 = vector.broadcast %add3A_993 : i32 to vector<16xi32>
      %add3A_995 = arith.addi %iota3A, %add3A_994 : vector<16xi32>
      %mul3A_996 = arith.muli %add3A_995, %shift_right_logical3A_992 : vector<16xi32>
      %add3A_997 = arith.addi %add3A_983, %mul3A_996 : vector<16xi32>
      %min3A_998 = arith.minsi %add3A_997, %min3A_985 : vector<16xi32>
      %jit3A_999 = arith.constant 0 : i32
      %jit3A_1000 = arith.constant 9999 : i32
      %max3A_1001 = vector.broadcast %jit3A_999 : i32 to vector<16xi32>
      %max3A_1002 = arith.maxsi %max3A_1001, %min3A_998 : vector<16xi32>
      %min3A_1003 = vector.broadcast %jit3A_1000 : i32 to vector<16xi32>
      %min3A_1004 = arith.minsi %min3A_1003, %max3A_1002 : vector<16xi32>
      %gather3A_1005 = tpu.vector_load_idx %arg7[%min3A_1004] : memref<10000xi32, #tpu.memory_space<vmem>>[vector<16xi32>], vector<16xi32>,
      %ge3A_1006 = vector.broadcast %add3A_935 : i32 to vector<16xi32>
      %ge3A_1007 = arith.cmpi sge, %gather3A_1005, %ge3A_1006 : vector<16xi32>
      %all_reduce_ffs3A_1008 = tpu.all_reduce %ge3A_1007 {dim = 0 : i64, kind = #tpu.reduction_kind<find_first_set>} : vector<16xi1> -> vector<16xi32>
      %mul3A_1009 = arith.muli %all_reduce_ffs3A_1008, %shift_right_logical3A_992 : vector<16xi32>
      %add3A_1010 = arith.addi %add3A_983, %mul3A_1009 : vector<16xi32>
      %add3A_1011 = arith.addi %add3A_1010, %shift_right_logical3A_992 : vector<16xi32>
      %min3A_1012 = arith.minsi %add3A_1011, %min3A_985 : vector<16xi32>
      %sub3A_1013 = arith.subi %min3A_1012, %add3A_1010 : vector<16xi32>
      %add3A_1014 = arith.constant 15 : i32
      %add3A_1015 = vector.broadcast %add3A_1014 : i32 to vector<16xi32>
      %add3A_1016 = arith.addi %sub3A_1013, %add3A_1015 : vector<16xi32>
      %shift_right_logical3A_1017 = arith.constant 4 : i32
      %shift_right_logical3A_1018 = vector.broadcast %shift_right_logical3A_1017 : i32 to vector<16xi32>
      %shift_right_logical3A_1019 = arith.shrui %add3A_1016, %shift_right_logical3A_1018 : vector<16xi32>
      %add3A_1020 = arith.constant 1 : i32
      %add3A_1021 = vector.broadcast %add3A_1020 : i32 to vector<16xi32>
      %add3A_1022 = arith.addi %iota3A, %add3A_1021 : vector<16xi32>
      %mul3A_1023 = arith.muli %add3A_1022, %shift_right_logical3A_1019 : vector<16xi32>
      %add3A_1024 = arith.addi %add3A_1010, %mul3A_1023 : vector<16xi32>
      %min3A_1025 = arith.minsi %add3A_1024, %min3A_1012 : vector<16xi32>
      %jit3A_1026 = arith.constant 0 : i32
      %jit3A_1027 = arith.constant 9999 : i32
      %max3A_1028 = vector.broadcast %jit3A_1026 : i32 to vector<16xi32>
      %max3A_1029 = arith.maxsi %max3A_1028, %min3A_1025 : vector<16xi32>
      %min3A_1030 = vector.broadcast %jit3A_1027 : i32 to vector<16xi32>
      %min3A_1031 = arith.minsi %min3A_1030, %max3A_1029 : vector<16xi32>
      %gather3A_1032 = tpu.vector_load_idx %arg7[%min3A_1031] : memref<10000xi32, #tpu.memory_space<vmem>>[vector<16xi32>], vector<16xi32>,
      %ge3A_1033 = vector.broadcast %add3A_935 : i32 to vector<16xi32>
      %ge3A_1034 = arith.cmpi sge, %gather3A_1032, %ge3A_1033 : vector<16xi32>
      %all_reduce_ffs3A_1035 = tpu.all_reduce %ge3A_1034 {dim = 0 : i64, kind = #tpu.reduction_kind<find_first_set>} : vector<16xi1> -> vector<16xi32>
      %mul3A_1036 = arith.muli %all_reduce_ffs3A_1035, %shift_right_logical3A_1019 : vector<16xi32>
      %add3A_1037 = arith.addi %add3A_1010, %mul3A_1036 : vector<16xi32>
      %add3A_1038 = arith.addi %add3A_1037, %shift_right_logical3A_1019 : vector<16xi32>
      %min3A_1039 = arith.minsi %add3A_1038, %min3A_1012 : vector<16xi32>
      %reduce_max3A_1040 = arith.constant true
      %reduce_max3A_1041 = vector.broadcast %reduce_max3A_1040 : i1 to vector<16xi1>
      %reduce_max3A_1042 = arith.constant -2147483648 : i32
      %reduce_max3A_1043 = vector.broadcast %reduce_max3A_1042 : i32 to vector<16xi32>
      %reduce_max3A_1044 = arith.xori %min3A_1039, %reduce_max3A_1043 : vector<16xi32>
      %reduce_max3A_1045 = tpu.scan <max>, %reduce_max3A_1044 masked %reduce_max3A_1041 : vector<16xi32>, vector<16xi1> -> vector<16xi32>
      %reduce_max3A_1046 = arith.xori %reduce_max3A_1045, %reduce_max3A_1043 : vector<16xi32>
      %reduce_max3A_1047 = vector.extract %reduce_max3A_1046[15] : i32 from vector<16xi32>
      %jit3A_1048 = arith.constant 10000 : i32
      %select_n3A = arith.select %lt3A, %reduce_max3A_1047, %jit3A_1048 : i32
      %shift_right_arithmetic3A = arith.constant 4 : i32
      %shift_right_arithmetic3A_1049 = arith.shrsi %while3A_933, %shift_right_arithmetic3A : i32
      %sub3A_1050 = arith.constant 1 : i32
      %sub3A_1051 = arith.subi %select_n3A, %sub3A_1050 : i32
      %max3A_1052 = arith.constant 0 : i32
      %max3A_1053 = arith.maxsi %sub3A_1051, %max3A_1052 : i32
      %shift_right_arithmetic3A_1054 = arith.constant 4 : i32
      %shift_right_arithmetic3A_1055 = arith.shrsi %max3A_1053, %shift_right_arithmetic3A_1054 : i32
      %mul3A_1056 = arith.constant 16 : i32
      %mul3A_1057 = arith.muli %shift_right_arithmetic3A_1049, %mul3A_1056 : i32
      %add3A_1058 = vector.broadcast %mul3A_1057 : i32 to vector<16xi32>
      %add3A_1059 = arith.addi %add3A_1058, %iota3A : vector<16xi32>
      %ge3A_1060 = vector.broadcast %while3A_933 : i32 to vector<16xi32>
      %ge3A_1061 = arith.cmpi sge, %add3A_1059, %ge3A_1060 : vector<16xi32>
      %lt3A_1062 = vector.broadcast %select_n3A : i32 to vector<16xi32>
      %lt3A_1063 = arith.cmpi slt, %add3A_1059, %lt3A_1062 : vector<16xi32>
      %and3A = arith.andi %ge3A_1061, %lt3A_1063 : vector<16xi1>
      %mul3A_1064 = arith.constant 16 : i32
      %mul3A_1065 = arith.muli %shift_right_arithmetic3A_1049, %mul3A_1064 : i32
      %get3A_1066 = arith.index_cast %mul3A_1065 : i32 to index
      %get3A_1067 = tpu.vector_load %arg5[%get3A_1066] {strides = array<i32>} : memref<10000xf32, #tpu.memory_space<vmem>>, vector<16xf32>,
      %jit3A_1068 = arith.constant 0.000000e+00 : f32
      %broadcast_in_dim3A_1069 = vector.broadcast %jit3A_1068 : f32 to vector<16xf32>
      %select_n3A_1070 = arith.select %and3A, %get3A_1067, %broadcast_in_dim3A_1069 : vector<16xi1>, vector<16xf32>
      %mul3A_1071 = arith.constant 16 : i32
      %mul3A_1072 = arith.muli %shift_right_arithmetic3A_1055, %mul3A_1071 : i32
      %add3A_1073 = vector.broadcast %mul3A_1072 : i32 to vector<16xi32>
      %add3A_1074 = arith.addi %add3A_1073, %iota3A : vector<16xi32>
      %ge3A_1075 = vector.broadcast %while3A_933 : i32 to vector<16xi32>
      %ge3A_1076 = arith.cmpi sge, %add3A_1074, %ge3A_1075 : vector<16xi32>
      %lt3A_1077 = vector.broadcast %select_n3A : i32 to vector<16xi32>
      %lt3A_1078 = arith.cmpi slt, %add3A_1074, %lt3A_1077 : vector<16xi32>
      %and3A_1079 = arith.andi %ge3A_1076, %lt3A_1078 : vector<16xi1>
      %lt3A_1080 = arith.cmpi slt, %shift_right_arithmetic3A_1049, %shift_right_arithmetic3A_1055 : i32
      %and3A_1081 = vector.broadcast %lt3A_1080 : i1 to vector<16xi1>
      %and3A_1082 = arith.andi %and3A_1079, %and3A_1081 : vector<16xi1>
      %mul3A_1083 = arith.constant 16 : i32
      %mul3A_1084 = arith.muli %shift_right_arithmetic3A_1055, %mul3A_1083 : i32
      %get3A_1085 = arith.index_cast %mul3A_1084 : i32 to index
      %get3A_1086 = tpu.vector_load %arg5[%get3A_1085] {strides = array<i32>} : memref<10000xf32, #tpu.memory_space<vmem>>, vector<16xf32>,
      %jit3A_1087 = arith.constant 0.000000e+00 : f32
      %broadcast_in_dim3A_1088 = vector.broadcast %jit3A_1087 : f32 to vector<16xf32>
      %select_n3A_1089 = arith.select %and3A_1082, %get3A_1086, %broadcast_in_dim3A_1088 : vector<16xi1>, vector<16xf32>
      %add3A_1090 = arith.constant 1 : i32
      %add3A_1091 = arith.addi %shift_right_arithmetic3A_1049, %add3A_1090 : i32
      %add3A_1092 = arith.addf %select_n3A_1070, %select_n3A_1089 : vector<16xf32>
      %parallel_loop3A = arith.constant 1 : i32
      %parallel_loop3A_1093 = scf.for %parallel_loop3A_1106 = %add3A_1091 to %shift_right_arithmetic3A_1055 step %parallel_loop3A iter_args(%parallel_loop3A_1107 = %add3A_1092) -> (vector<16xf32>)  : i32 {
        %parallel_loop3A_1108 = arith.constant 16 : i32
        %parallel_loop3A_1109 = arith.muli %parallel_loop3A_1106, %parallel_loop3A_1108 : i32
        %parallel_loop3A_1110 = arith.index_cast %parallel_loop3A_1109 : i32 to index
        %parallel_loop3A_1111 = tpu.vector_load %arg5[%parallel_loop3A_1110] {strides = array<i32>} : memref<10000xf32, #tpu.memory_space<vmem>>, vector<16xf32>,
        %parallel_loop3A_1112 = arith.addf %parallel_loop3A_1107, %parallel_loop3A_1111 : vector<16xf32>
        scf.yield %parallel_loop3A_1112 : vector<16xf32>
      } {sc.loop_unroll_factor = 8 : i64, sc.parallel_access}
      %reduce_sum3A = arith.constant true
      %reduce_sum3A_1094 = vector.broadcast %reduce_sum3A : i1 to vector<16xi1>
      %reduce_sum3A_1095 = tpu.scan <sum>, %parallel_loop3A_1093 masked %reduce_sum3A_1094 : vector<16xf32>, vector<16xi1> -> vector<16xf32>
      %reduce_sum3A_1096 = vector.extract %reduce_sum3A_1095[15] : f32 from vector<16xf32>
      %shift_right_arithmetic3A_1097 = arith.constant 4 : i32
      %shift_right_arithmetic3A_1098 = arith.shrsi %while3A_932, %shift_right_arithmetic3A_1097 : i32
      %broadcast_in_dim3A_1099 = vector.broadcast %shift_right_arithmetic3A_1098 : i32 to vector<16xi32>
      %and3A_1100 = arith.constant 15 : i32
      %and3A_1101 = arith.andi %while3A_932, %and3A_1100 : i32
      %broadcast_in_dim3A_1102 = vector.broadcast %and3A_1101 : i32 to vector<16xi32>
      %broadcast_in_dim3A_1103 = vector.broadcast %reduce_sum3A_1096 : f32 to vector<16xf32>
      %eq3A = arith.constant 0 : i32
      %eq3A_1104 = vector.broadcast %eq3A : i32 to vector<16xi32>
      %eq3A_1105 = arith.cmpi eq, %iota3A, %eq3A_1104 : vector<16xi32>
      tpu.vector_store_idx %arg9[%broadcast_in_dim3A_1099, %broadcast_in_dim3A_1102], %broadcast_in_dim3A_1103 masked %eq3A_1105 {add = true} : memref<64x16xf32, #tpu.memory_space<vmem>>[vector<16xi32>, vector<16xi32>], vector<16xf32>, vector<16xi1>
      scf.yield %select_n3A : i32
    }
    %while3A_300 = arith.constant 1 : i32
    %while3A_301 = scf.for %while3A_932 = %while3A_297 to %while3A_293 step %while3A_300 iter_args(%while3A_933 = %while3A_299) -> (i32)  : i32 {
      %lt3A = arith.cmpi slt, %while3A_932, %reduce_max3A_287 : i32
      %add3A_934 = arith.constant 1 : i32
      %add3A_935 = arith.addi %while3A_932, %add3A_934 : i32
      %broadcast_in_dim3A_936 = arith.constant -1 : i32
      %broadcast_in_dim3A_937 = vector.broadcast %broadcast_in_dim3A_936 : i32 to vector<16xi32>
      %broadcast_in_dim3A_938 = arith.constant 9999 : i32
      %broadcast_in_dim3A_939 = vector.broadcast %broadcast_in_dim3A_938 : i32 to vector<16xi32>
      %sub3A = arith.subi %broadcast_in_dim3A_939, %broadcast_in_dim3A_937 : vector<16xi32>
      %add3A_940 = arith.constant 15 : i32
      %add3A_941 = vector.broadcast %add3A_940 : i32 to vector<16xi32>
      %add3A_942 = arith.addi %sub3A, %add3A_941 : vector<16xi32>
      %shift_right_logical3A = arith.constant 4 : i32
      %shift_right_logical3A_943 = vector.broadcast %shift_right_logical3A : i32 to vector<16xi32>
      %shift_right_logical3A_944 = arith.shrui %add3A_942, %shift_right_logical3A_943 : vector<16xi32>
      %add3A_945 = arith.constant 1 : i32
      %add3A_946 = vector.broadcast %add3A_945 : i32 to vector<16xi32>
      %add3A_947 = arith.addi %iota3A, %add3A_946 : vector<16xi32>
      %mul3A_948 = arith.muli %add3A_947, %shift_right_logical3A_944 : vector<16xi32>
      %add3A_949 = arith.addi %broadcast_in_dim3A_937, %mul3A_948 : vector<16xi32>
      %min3A = arith.minsi %add3A_949, %broadcast_in_dim3A_939 : vector<16xi32>
      %jit3A = arith.constant 0 : i32
      %jit3A_950 = arith.constant 9999 : i32
      %max3A = vector.broadcast %jit3A : i32 to vector<16xi32>
      %max3A_951 = arith.maxsi %max3A, %min3A : vector<16xi32>
      %min3A_952 = vector.broadcast %jit3A_950 : i32 to vector<16xi32>
      %min3A_953 = arith.minsi %min3A_952, %max3A_951 : vector<16xi32>
      %gather3A = tpu.vector_load_idx %arg7[%min3A_953] : memref<10000xi32, #tpu.memory_space<vmem>>[vector<16xi32>], vector<16xi32>,
      %ge3A = vector.broadcast %add3A_935 : i32 to vector<16xi32>
      %ge3A_954 = arith.cmpi sge, %gather3A, %ge3A : vector<16xi32>
      %all_reduce_ffs3A = tpu.all_reduce %ge3A_954 {dim = 0 : i64, kind = #tpu.reduction_kind<find_first_set>} : vector<16xi1> -> vector<16xi32>
      %mul3A_955 = arith.muli %all_reduce_ffs3A, %shift_right_logical3A_944 : vector<16xi32>
      %add3A_956 = arith.addi %broadcast_in_dim3A_937, %mul3A_955 : vector<16xi32>
      %add3A_957 = arith.addi %add3A_956, %shift_right_logical3A_944 : vector<16xi32>
      %min3A_958 = arith.minsi %add3A_957, %broadcast_in_dim3A_939 : vector<16xi32>
      %sub3A_959 = arith.subi %min3A_958, %add3A_956 : vector<16xi32>
      %add3A_960 = arith.constant 15 : i32
      %add3A_961 = vector.broadcast %add3A_960 : i32 to vector<16xi32>
      %add3A_962 = arith.addi %sub3A_959, %add3A_961 : vector<16xi32>
      %shift_right_logical3A_963 = arith.constant 4 : i32
      %shift_right_logical3A_964 = vector.broadcast %shift_right_logical3A_963 : i32 to vector<16xi32>
      %shift_right_logical3A_965 = arith.shrui %add3A_962, %shift_right_logical3A_964 : vector<16xi32>
      %add3A_966 = arith.constant 1 : i32
      %add3A_967 = vector.broadcast %add3A_966 : i32 to vector<16xi32>
      %add3A_968 = arith.addi %iota3A, %add3A_967 : vector<16xi32>
      %mul3A_969 = arith.muli %add3A_968, %shift_right_logical3A_965 : vector<16xi32>
      %add3A_970 = arith.addi %add3A_956, %mul3A_969 : vector<16xi32>
      %min3A_971 = arith.minsi %add3A_970, %min3A_958 : vector<16xi32>
      %jit3A_972 = arith.constant 0 : i32
      %jit3A_973 = arith.constant 9999 : i32
      %max3A_974 = vector.broadcast %jit3A_972 : i32 to vector<16xi32>
      %max3A_975 = arith.maxsi %max3A_974, %min3A_971 : vector<16xi32>
      %min3A_976 = vector.broadcast %jit3A_973 : i32 to vector<16xi32>
      %min3A_977 = arith.minsi %min3A_976, %max3A_975 : vector<16xi32>
      %gather3A_978 = tpu.vector_load_idx %arg7[%min3A_977] : memref<10000xi32, #tpu.memory_space<vmem>>[vector<16xi32>], vector<16xi32>,
      %ge3A_979 = vector.broadcast %add3A_935 : i32 to vector<16xi32>
      %ge3A_980 = arith.cmpi sge, %gather3A_978, %ge3A_979 : vector<16xi32>
      %all_reduce_ffs3A_981 = tpu.all_reduce %ge3A_980 {dim = 0 : i64, kind = #tpu.reduction_kind<find_first_set>} : vector<16xi1> -> vector<16xi32>
      %mul3A_982 = arith.muli %all_reduce_ffs3A_981, %shift_right_logical3A_965 : vector<16xi32>
      %add3A_983 = arith.addi %add3A_956, %mul3A_982 : vector<16xi32>
      %add3A_984 = arith.addi %add3A_983, %shift_right_logical3A_965 : vector<16xi32>
      %min3A_985 = arith.minsi %add3A_984, %min3A_958 : vector<16xi32>
      %sub3A_986 = arith.subi %min3A_985, %add3A_983 : vector<16xi32>
      %add3A_987 = arith.constant 15 : i32
      %add3A_988 = vector.broadcast %add3A_987 : i32 to vector<16xi32>
      %add3A_989 = arith.addi %sub3A_986, %add3A_988 : vector<16xi32>
      %shift_right_logical3A_990 = arith.constant 4 : i32
      %shift_right_logical3A_991 = vector.broadcast %shift_right_logical3A_990 : i32 to vector<16xi32>
      %shift_right_logical3A_992 = arith.shrui %add3A_989, %shift_right_logical3A_991 : vector<16xi32>
      %add3A_993 = arith.constant 1 : i32
      %add3A_994 = vector.broadcast %add3A_993 : i32 to vector<16xi32>
      %add3A_995 = arith.addi %iota3A, %add3A_994 : vector<16xi32>
      %mul3A_996 = arith.muli %add3A_995, %shift_right_logical3A_992 : vector<16xi32>
      %add3A_997 = arith.addi %add3A_983, %mul3A_996 : vector<16xi32>
      %min3A_998 = arith.minsi %add3A_997, %min3A_985 : vector<16xi32>
      %jit3A_999 = arith.constant 0 : i32
      %jit3A_1000 = arith.constant 9999 : i32
      %max3A_1001 = vector.broadcast %jit3A_999 : i32 to vector<16xi32>
      %max3A_1002 = arith.maxsi %max3A_1001, %min3A_998 : vector<16xi32>
      %min3A_1003 = vector.broadcast %jit3A_1000 : i32 to vector<16xi32>
      %min3A_1004 = arith.minsi %min3A_1003, %max3A_1002 : vector<16xi32>
      %gather3A_1005 = tpu.vector_load_idx %arg7[%min3A_1004] : memref<10000xi32, #tpu.memory_space<vmem>>[vector<16xi32>], vector<16xi32>,
      %ge3A_1006 = vector.broadcast %add3A_935 : i32 to vector<16xi32>
      %ge3A_1007 = arith.cmpi sge, %gather3A_1005, %ge3A_1006 : vector<16xi32>
      %all_reduce_ffs3A_1008 = tpu.all_reduce %ge3A_1007 {dim = 0 : i64, kind = #tpu.reduction_kind<find_first_set>} : vector<16xi1> -> vector<16xi32>
      %mul3A_1009 = arith.muli %all_reduce_ffs3A_1008, %shift_right_logical3A_992 : vector<16xi32>
      %add3A_1010 = arith.addi %add3A_983, %mul3A_1009 : vector<16xi32>
      %add3A_1011 = arith.addi %add3A_1010, %shift_right_logical3A_992 : vector<16xi32>
      %min3A_1012 = arith.minsi %add3A_1011, %min3A_985 : vector<16xi32>
      %sub3A_1013 = arith.subi %min3A_1012, %add3A_1010 : vector<16xi32>
      %add3A_1014 = arith.constant 15 : i32
      %add3A_1015 = vector.broadcast %add3A_1014 : i32 to vector<16xi32>
      %add3A_1016 = arith.addi %sub3A_1013, %add3A_1015 : vector<16xi32>
      %shift_right_logical3A_1017 = arith.constant 4 : i32
      %shift_right_logical3A_1018 = vector.broadcast %shift_right_logical3A_1017 : i32 to vector<16xi32>
      %shift_right_logical3A_1019 = arith.shrui %add3A_1016, %shift_right_logical3A_1018 : vector<16xi32>
      %add3A_1020 = arith.constant 1 : i32
      %add3A_1021 = vector.broadcast %add3A_1020 : i32 to vector<16xi32>
      %add3A_1022 = arith.addi %iota3A, %add3A_1021 : vector<16xi32>
      %mul3A_1023 = arith.muli %add3A_1022, %shift_right_logical3A_1019 : vector<16xi32>
      %add3A_1024 = arith.addi %add3A_1010, %mul3A_1023 : vector<16xi32>
      %min3A_1025 = arith.minsi %add3A_1024, %min3A_1012 : vector<16xi32>
      %jit3A_1026 = arith.constant 0 : i32
      %jit3A_1027 = arith.constant 9999 : i32
      %max3A_1028 = vector.broadcast %jit3A_1026 : i32 to vector<16xi32>
      %max3A_1029 = arith.maxsi %max3A_1028, %min3A_1025 : vector<16xi32>
      %min3A_1030 = vector.broadcast %jit3A_1027 : i32 to vector<16xi32>
      %min3A_1031 = arith.minsi %min3A_1030, %max3A_1029 : vector<16xi32>
      %gather3A_1032 = tpu.vector_load_idx %arg7[%min3A_1031] : memref<10000xi32, #tpu.memory_space<vmem>>[vector<16xi32>], vector<16xi32>,
      %ge3A_1033 = vector.broadcast %add3A_935 : i32 to vector<16xi32>
      %ge3A_1034 = arith.cmpi sge, %gather3A_1032, %ge3A_1033 : vector<16xi32>
      %all_reduce_ffs3A_1035 = tpu.all_reduce %ge3A_1034 {dim = 0 : i64, kind = #tpu.reduction_kind<find_first_set>} : vector<16xi1> -> vector<16xi32>
      %mul3A_1036 = arith.muli %all_reduce_ffs3A_1035, %shift_right_logical3A_1019 : vector<16xi32>
      %add3A_1037 = arith.addi %add3A_1010, %mul3A_1036 : vector<16xi32>
      %add3A_1038 = arith.addi %add3A_1037, %shift_right_logical3A_1019 : vector<16xi32>
      %min3A_1039 = arith.minsi %add3A_1038, %min3A_1012 : vector<16xi32>
      %reduce_max3A_1040 = arith.constant true
      %reduce_max3A_1041 = vector.broadcast %reduce_max3A_1040 : i1 to vector<16xi1>
      %reduce_max3A_1042 = arith.constant -2147483648 : i32
      %reduce_max3A_1043 = vector.broadcast %reduce_max3A_1042 : i32 to vector<16xi32>
      %reduce_max3A_1044 = arith.xori %min3A_1039, %reduce_max3A_1043 : vector<16xi32>
      %reduce_max3A_1045 = tpu.scan <max>, %reduce_max3A_1044 masked %reduce_max3A_1041 : vector<16xi32>, vector<16xi1> -> vector<16xi32>
      %reduce_max3A_1046 = arith.xori %reduce_max3A_1045, %reduce_max3A_1043 : vector<16xi32>
      %reduce_max3A_1047 = vector.extract %reduce_max3A_1046[15] : i32 from vector<16xi32>
      %jit3A_1048 = arith.constant 10000 : i32
      %select_n3A = arith.select %lt3A, %reduce_max3A_1047, %jit3A_1048 : i32
      %shift_right_arithmetic3A = arith.constant 4 : i32
      %shift_right_arithmetic3A_1049 = arith.shrsi %while3A_933, %shift_right_arithmetic3A : i32
      %sub3A_1050 = arith.constant 1 : i32
      %sub3A_1051 = arith.subi %select_n3A, %sub3A_1050 : i32
      %max3A_1052 = arith.constant 0 : i32
      %max3A_1053 = arith.maxsi %sub3A_1051, %max3A_1052 : i32
      %shift_right_arithmetic3A_1054 = arith.constant 4 : i32
      %shift_right_arithmetic3A_1055 = arith.shrsi %max3A_1053, %shift_right_arithmetic3A_1054 : i32
      %mul3A_1056 = arith.constant 16 : i32
      %mul3A_1057 = arith.muli %shift_right_arithmetic3A_1049, %mul3A_1056 : i32
      %add3A_1058 = vector.broadcast %mul3A_1057 : i32 to vector<16xi32>
      %add3A_1059 = arith.addi %add3A_1058, %iota3A : vector<16xi32>
      %ge3A_1060 = vector.broadcast %while3A_933 : i32 to vector<16xi32>
      %ge3A_1061 = arith.cmpi sge, %add3A_1059, %ge3A_1060 : vector<16xi32>
      %lt3A_1062 = vector.broadcast %select_n3A : i32 to vector<16xi32>
      %lt3A_1063 = arith.cmpi slt, %add3A_1059, %lt3A_1062 : vector<16xi32>
      %and3A = arith.andi %ge3A_1061, %lt3A_1063 : vector<16xi1>
      %mul3A_1064 = arith.constant 16 : i32
      %mul3A_1065 = arith.muli %shift_right_arithmetic3A_1049, %mul3A_1064 : i32
      %get3A_1066 = arith.index_cast %mul3A_1065 : i32 to index
      %get3A_1067 = tpu.vector_load %arg5[%get3A_1066] {strides = array<i32>} : memref<10000xf32, #tpu.memory_space<vmem>>, vector<16xf32>,
      %jit3A_1068 = arith.constant 0.000000e+00 : f32
      %broadcast_in_dim3A_1069 = vector.broadcast %jit3A_1068 : f32 to vector<16xf32>
      %select_n3A_1070 = arith.select %and3A, %get3A_1067, %broadcast_in_dim3A_1069 : vector<16xi1>, vector<16xf32>
      %mul3A_1071 = arith.constant 16 : i32
      %mul3A_1072 = arith.muli %shift_right_arithmetic3A_1055, %mul3A_1071 : i32
      %add3A_1073 = vector.broadcast %mul3A_1072 : i32 to vector<16xi32>
      %add3A_1074 = arith.addi %add3A_1073, %iota3A : vector<16xi32>
      %ge3A_1075 = vector.broadcast %while3A_933 : i32 to vector<16xi32>
      %ge3A_1076 = arith.cmpi sge, %add3A_1074, %ge3A_1075 : vector<16xi32>
      %lt3A_1077 = vector.broadcast %select_n3A : i32 to vector<16xi32>
      %lt3A_1078 = arith.cmpi slt, %add3A_1074, %lt3A_1077 : vector<16xi32>
      %and3A_1079 = arith.andi %ge3A_1076, %lt3A_1078 : vector<16xi1>
      %lt3A_1080 = arith.cmpi slt, %shift_right_arithmetic3A_1049, %shift_right_arithmetic3A_1055 : i32
      %and3A_1081 = vector.broadcast %lt3A_1080 : i1 to vector<16xi1>
      %and3A_1082 = arith.andi %and3A_1079, %and3A_1081 : vector<16xi1>
      %mul3A_1083 = arith.constant 16 : i32
      %mul3A_1084 = arith.muli %shift_right_arithmetic3A_1055, %mul3A_1083 : i32
      %get3A_1085 = arith.index_cast %mul3A_1084 : i32 to index
      %get3A_1086 = tpu.vector_load %arg5[%get3A_1085] {strides = array<i32>} : memref<10000xf32, #tpu.memory_space<vmem>>, vector<16xf32>,
      %jit3A_1087 = arith.constant 0.000000e+00 : f32
      %broadcast_in_dim3A_1088 = vector.broadcast %jit3A_1087 : f32 to vector<16xf32>
      %select_n3A_1089 = arith.select %and3A_1082, %get3A_1086, %broadcast_in_dim3A_1088 : vector<16xi1>, vector<16xf32>
      %add3A_1090 = arith.constant 1 : i32
      %add3A_1091 = arith.addi %shift_right_arithmetic3A_1049, %add3A_1090 : i32
      %add3A_1092 = arith.addf %select_n3A_1070, %select_n3A_1089 : vector<16xf32>
      %parallel_loop3A = arith.constant 1 : i32
      %parallel_loop3A_1093 = scf.for %parallel_loop3A_1106 = %add3A_1091 to %shift_right_arithmetic3A_1055 step %parallel_loop3A iter_args(%parallel_loop3A_1107 = %add3A_1092) -> (vector<16xf32>)  : i32 {
        %parallel_loop3A_1108 = arith.constant 16 : i32
        %parallel_loop3A_1109 = arith.muli %parallel_loop3A_1106, %parallel_loop3A_1108 : i32
        %parallel_loop3A_1110 = arith.index_cast %parallel_loop3A_1109 : i32 to index
        %parallel_loop3A_1111 = tpu.vector_load %arg5[%parallel_loop3A_1110] {strides = array<i32>} : memref<10000xf32, #tpu.memory_space<vmem>>, vector<16xf32>,
        %parallel_loop3A_1112 = arith.addf %parallel_loop3A_1107, %parallel_loop3A_1111 : vector<16xf32>
        scf.yield %parallel_loop3A_1112 : vector<16xf32>
      } {sc.loop_unroll_factor = 8 : i64, sc.parallel_access}
      %reduce_sum3A = arith.constant true
      %reduce_sum3A_1094 = vector.broadcast %reduce_sum3A : i1 to vector<16xi1>
      %reduce_sum3A_1095 = tpu.scan <sum>, %parallel_loop3A_1093 masked %reduce_sum3A_1094 : vector<16xf32>, vector<16xi1> -> vector<16xf32>
      %reduce_sum3A_1096 = vector.extract %reduce_sum3A_1095[15] : f32 from vector<16xf32>
      %shift_right_arithmetic3A_1097 = arith.constant 4 : i32
      %shift_right_arithmetic3A_1098 = arith.shrsi %while3A_932, %shift_right_arithmetic3A_1097 : i32
      %broadcast_in_dim3A_1099 = vector.broadcast %shift_right_arithmetic3A_1098 : i32 to vector<16xi32>
      %and3A_1100 = arith.constant 15 : i32
      %and3A_1101 = arith.andi %while3A_932, %and3A_1100 : i32
      %broadcast_in_dim3A_1102 = vector.broadcast %and3A_1101 : i32 to vector<16xi32>
      %broadcast_in_dim3A_1103 = vector.broadcast %reduce_sum3A_1096 : f32 to vector<16xf32>
      %eq3A = arith.constant 0 : i32
      %eq3A_1104 = vector.broadcast %eq3A : i32 to vector<16xi32>
      %eq3A_1105 = arith.cmpi eq, %iota3A, %eq3A_1104 : vector<16xi32>
      tpu.vector_store_idx %arg9[%broadcast_in_dim3A_1099, %broadcast_in_dim3A_1102], %broadcast_in_dim3A_1103 masked %eq3A_1105 {add = true} : memref<64x16xf32, #tpu.memory_space<vmem>>[vector<16xi32>, vector<16xi32>], vector<16xf32>, vector<16xi1>
      scf.yield %select_n3A : i32
    }
    %add3A_302 = arith.constant 20000 : i32
    %add3A_303 = arith.addi %mul3A_2, %add3A_302 : i32
    %dma_start3A_304 = tpu.memref_slice %arg2[%add3A_303] : memref<1600000xf32, #tpu.memory_space<hbm>> -> memref<10000xf32, #tpu.memory_space<hbm>>
    %dma_start3A_305 = tpu.memref_slice %arg2[%add3A_303] : memref<1600000xf32, #tpu.memory_space<hbm>> -> memref<10000xf32, #tpu.memory_space<hbm>>
    tpu.enqueue_dma source(%dma_start3A_305 : memref<10000xf32, #tpu.memory_space<hbm>>) target(%arg5 : memref<10000xf32, #tpu.memory_space<vmem>>) target_semaphore(%arg13 : memref<!tpu.dma_semaphore, #tpu.memory_space<semaphore_mem>>)
    %dma_start3A_306 = tpu.memref_slice %arg3[%add3A_303] : memref<1600000xi32, #tpu.memory_space<hbm>> -> memref<10000xi32, #tpu.memory_space<hbm>>
    %dma_start3A_307 = tpu.memref_slice %arg3[%add3A_303] : memref<1600000xi32, #tpu.memory_space<hbm>> -> memref<10000xi32, #tpu.memory_space<hbm>>
    tpu.enqueue_dma source(%dma_start3A_307 : memref<10000xi32, #tpu.memory_space<hbm>>) target(%arg7 : memref<10000xi32, #tpu.memory_space<vmem>>) target_semaphore(%arg15 : memref<!tpu.dma_semaphore, #tpu.memory_space<semaphore_mem>>)
    %dma_wait3A_308 = tpu.memref_slice %arg3[%add3A_9] : memref<1600000xi32, #tpu.memory_space<hbm>> -> memref<10000xi32, #tpu.memory_space<hbm>>
    %dma_wait3A_309 = tpu.memref_slice %arg3[%add3A_9] : memref<1600000xi32, #tpu.memory_space<hbm>> -> memref<10000xi32, #tpu.memory_space<hbm>>
    tpu.wait_dma2 semaphore(%arg16 : memref<!tpu.dma_semaphore, #tpu.memory_space<semaphore_mem>>) src(%dma_wait3A_309 : memref<10000xi32, #tpu.memory_space<hbm>>) dst(%arg8 : memref<10000xi32, #tpu.memory_space<vmem>>)
    %get3A_310 = arith.constant 0 : index
    %get3A_311 = tpu.vector_load %arg8[%get3A_310] {strides = array<i32>} : memref<10000xi32, #tpu.memory_space<vmem>>, vector<16xi32>,
    %reduce_min3A_312 = arith.constant true
    %reduce_min3A_313 = vector.broadcast %reduce_min3A_312 : i1 to vector<16xi1>
    %reduce_min3A_314 = arith.constant -2147483648 : i32
    %reduce_min3A_315 = vector.broadcast %reduce_min3A_314 : i32 to vector<16xi32>
    %reduce_min3A_316 = arith.xori %get3A_311, %reduce_min3A_315 : vector<16xi32>
    %reduce_min3A_317 = tpu.scan <min>, %reduce_min3A_316 masked %reduce_min3A_313 : vector<16xi32>, vector<16xi1> -> vector<16xi32>
    %reduce_min3A_318 = arith.xori %reduce_min3A_317, %reduce_min3A_315 : vector<16xi32>
    %reduce_min3A_319 = vector.extract %reduce_min3A_318[15] : i32 from vector<16xi32>
    %get3A_320 = arith.constant 9984 : index
    %get3A_321 = tpu.vector_load %arg8[%get3A_320] {strides = array<i32>} : memref<10000xi32, #tpu.memory_space<vmem>>, vector<16xi32>,
    %reduce_max3A_322 = arith.constant true
    %reduce_max3A_323 = vector.broadcast %reduce_max3A_322 : i1 to vector<16xi1>
    %reduce_max3A_324 = arith.constant -2147483648 : i32
    %reduce_max3A_325 = vector.broadcast %reduce_max3A_324 : i32 to vector<16xi32>
    %reduce_max3A_326 = arith.xori %get3A_321, %reduce_max3A_325 : vector<16xi32>
    %reduce_max3A_327 = tpu.scan <max>, %reduce_max3A_326 masked %reduce_max3A_323 : vector<16xi32>, vector<16xi1> -> vector<16xi32>
    %reduce_max3A_328 = arith.xori %reduce_max3A_327, %reduce_max3A_325 : vector<16xi32>
    %reduce_max3A_329 = vector.extract %reduce_max3A_328[15] : i32 from vector<16xi32>
    %dma_wait3A_330 = tpu.memref_slice %arg2[%add3A_9] : memref<1600000xf32, #tpu.memory_space<hbm>> -> memref<10000xf32, #tpu.memory_space<hbm>>
    %dma_wait3A_331 = tpu.memref_slice %arg2[%add3A_9] : memref<1600000xf32, #tpu.memory_space<hbm>> -> memref<10000xf32, #tpu.memory_space<hbm>>
    tpu.wait_dma2 semaphore(%arg14 : memref<!tpu.dma_semaphore, #tpu.memory_space<semaphore_mem>>) src(%dma_wait3A_331 : memref<10000xf32, #tpu.memory_space<hbm>>) dst(%arg6 : memref<10000xf32, #tpu.memory_space<vmem>>)
    %add3A_332 = arith.constant 1 : i32
    %add3A_333 = arith.addi %reduce_max3A_329, %add3A_332 : i32
    %while3A_334 = arith.constant 0 : i32
    %while3A_335 = arith.subi %add3A_333, %reduce_min3A_319 : i32
    %while3A_336 = arith.addi %reduce_min3A_319, %while3A_335 : i32
    %while3A_337 = arith.constant 1 : i32
    %while3A_338 = arith.divsi %while3A_335, %while3A_337 : i32
    %while3A_339 = arith.muli %while3A_338, %while3A_337 : i32
    %while3A_340 = arith.addi %reduce_min3A_319, %while3A_339 : i32
    %while3A_341 = arith.constant 1 : i32
    %while3A_342 = scf.for %while3A_932 = %reduce_min3A_319 to %while3A_340 step %while3A_341 iter_args(%while3A_933 = %while3A_334) -> (i32)  : i32 {
      %lt3A = arith.cmpi slt, %while3A_932, %reduce_max3A_329 : i32
      %add3A_934 = arith.constant 1 : i32
      %add3A_935 = arith.addi %while3A_932, %add3A_934 : i32
      %broadcast_in_dim3A_936 = arith.constant -1 : i32
      %broadcast_in_dim3A_937 = vector.broadcast %broadcast_in_dim3A_936 : i32 to vector<16xi32>
      %broadcast_in_dim3A_938 = arith.constant 9999 : i32
      %broadcast_in_dim3A_939 = vector.broadcast %broadcast_in_dim3A_938 : i32 to vector<16xi32>
      %sub3A = arith.subi %broadcast_in_dim3A_939, %broadcast_in_dim3A_937 : vector<16xi32>
      %add3A_940 = arith.constant 15 : i32
      %add3A_941 = vector.broadcast %add3A_940 : i32 to vector<16xi32>
      %add3A_942 = arith.addi %sub3A, %add3A_941 : vector<16xi32>
      %shift_right_logical3A = arith.constant 4 : i32
      %shift_right_logical3A_943 = vector.broadcast %shift_right_logical3A : i32 to vector<16xi32>
      %shift_right_logical3A_944 = arith.shrui %add3A_942, %shift_right_logical3A_943 : vector<16xi32>
      %add3A_945 = arith.constant 1 : i32
      %add3A_946 = vector.broadcast %add3A_945 : i32 to vector<16xi32>
      %add3A_947 = arith.addi %iota3A, %add3A_946 : vector<16xi32>
      %mul3A_948 = arith.muli %add3A_947, %shift_right_logical3A_944 : vector<16xi32>
      %add3A_949 = arith.addi %broadcast_in_dim3A_937, %mul3A_948 : vector<16xi32>
      %min3A = arith.minsi %add3A_949, %broadcast_in_dim3A_939 : vector<16xi32>
      %jit3A = arith.constant 0 : i32
      %jit3A_950 = arith.constant 9999 : i32
      %max3A = vector.broadcast %jit3A : i32 to vector<16xi32>
      %max3A_951 = arith.maxsi %max3A, %min3A : vector<16xi32>
      %min3A_952 = vector.broadcast %jit3A_950 : i32 to vector<16xi32>
      %min3A_953 = arith.minsi %min3A_952, %max3A_951 : vector<16xi32>
      %gather3A = tpu.vector_load_idx %arg8[%min3A_953] : memref<10000xi32, #tpu.memory_space<vmem>>[vector<16xi32>], vector<16xi32>,
      %ge3A = vector.broadcast %add3A_935 : i32 to vector<16xi32>
      %ge3A_954 = arith.cmpi sge, %gather3A, %ge3A : vector<16xi32>
      %all_reduce_ffs3A = tpu.all_reduce %ge3A_954 {dim = 0 : i64, kind = #tpu.reduction_kind<find_first_set>} : vector<16xi1> -> vector<16xi32>
      %mul3A_955 = arith.muli %all_reduce_ffs3A, %shift_right_logical3A_944 : vector<16xi32>
      %add3A_956 = arith.addi %broadcast_in_dim3A_937, %mul3A_955 : vector<16xi32>
      %add3A_957 = arith.addi %add3A_956, %shift_right_logical3A_944 : vector<16xi32>
      %min3A_958 = arith.minsi %add3A_957, %broadcast_in_dim3A_939 : vector<16xi32>
      %sub3A_959 = arith.subi %min3A_958, %add3A_956 : vector<16xi32>
      %add3A_960 = arith.constant 15 : i32
      %add3A_961 = vector.broadcast %add3A_960 : i32 to vector<16xi32>
      %add3A_962 = arith.addi %sub3A_959, %add3A_961 : vector<16xi32>
      %shift_right_logical3A_963 = arith.constant 4 : i32
      %shift_right_logical3A_964 = vector.broadcast %shift_right_logical3A_963 : i32 to vector<16xi32>
      %shift_right_logical3A_965 = arith.shrui %add3A_962, %shift_right_logical3A_964 : vector<16xi32>
      %add3A_966 = arith.constant 1 : i32
      %add3A_967 = vector.broadcast %add3A_966 : i32 to vector<16xi32>
      %add3A_968 = arith.addi %iota3A, %add3A_967 : vector<16xi32>
      %mul3A_969 = arith.muli %add3A_968, %shift_right_logical3A_965 : vector<16xi32>
      %add3A_970 = arith.addi %add3A_956, %mul3A_969 : vector<16xi32>
      %min3A_971 = arith.minsi %add3A_970, %min3A_958 : vector<16xi32>
      %jit3A_972 = arith.constant 0 : i32
      %jit3A_973 = arith.constant 9999 : i32
      %max3A_974 = vector.broadcast %jit3A_972 : i32 to vector<16xi32>
      %max3A_975 = arith.maxsi %max3A_974, %min3A_971 : vector<16xi32>
      %min3A_976 = vector.broadcast %jit3A_973 : i32 to vector<16xi32>
      %min3A_977 = arith.minsi %min3A_976, %max3A_975 : vector<16xi32>
      %gather3A_978 = tpu.vector_load_idx %arg8[%min3A_977] : memref<10000xi32, #tpu.memory_space<vmem>>[vector<16xi32>], vector<16xi32>,
      %ge3A_979 = vector.broadcast %add3A_935 : i32 to vector<16xi32>
      %ge3A_980 = arith.cmpi sge, %gather3A_978, %ge3A_979 : vector<16xi32>
      %all_reduce_ffs3A_981 = tpu.all_reduce %ge3A_980 {dim = 0 : i64, kind = #tpu.reduction_kind<find_first_set>} : vector<16xi1> -> vector<16xi32>
      %mul3A_982 = arith.muli %all_reduce_ffs3A_981, %shift_right_logical3A_965 : vector<16xi32>
      %add3A_983 = arith.addi %add3A_956, %mul3A_982 : vector<16xi32>
      %add3A_984 = arith.addi %add3A_983, %shift_right_logical3A_965 : vector<16xi32>
      %min3A_985 = arith.minsi %add3A_984, %min3A_958 : vector<16xi32>
      %sub3A_986 = arith.subi %min3A_985, %add3A_983 : vector<16xi32>
      %add3A_987 = arith.constant 15 : i32
      %add3A_988 = vector.broadcast %add3A_987 : i32 to vector<16xi32>
      %add3A_989 = arith.addi %sub3A_986, %add3A_988 : vector<16xi32>
      %shift_right_logical3A_990 = arith.constant 4 : i32
      %shift_right_logical3A_991 = vector.broadcast %shift_right_logical3A_990 : i32 to vector<16xi32>
      %shift_right_logical3A_992 = arith.shrui %add3A_989, %shift_right_logical3A_991 : vector<16xi32>
      %add3A_993 = arith.constant 1 : i32
      %add3A_994 = vector.broadcast %add3A_993 : i32 to vector<16xi32>
      %add3A_995 = arith.addi %iota3A, %add3A_994 : vector<16xi32>
      %mul3A_996 = arith.muli %add3A_995, %shift_right_logical3A_992 : vector<16xi32>
      %add3A_997 = arith.addi %add3A_983, %mul3A_996 : vector<16xi32>
      %min3A_998 = arith.minsi %add3A_997, %min3A_985 : vector<16xi32>
      %jit3A_999 = arith.constant 0 : i32
      %jit3A_1000 = arith.constant 9999 : i32
      %max3A_1001 = vector.broadcast %jit3A_999 : i32 to vector<16xi32>
      %max3A_1002 = arith.maxsi %max3A_1001, %min3A_998 : vector<16xi32>
      %min3A_1003 = vector.broadcast %jit3A_1000 : i32 to vector<16xi32>
      %min3A_1004 = arith.minsi %min3A_1003, %max3A_1002 : vector<16xi32>
      %gather3A_1005 = tpu.vector_load_idx %arg8[%min3A_1004] : memref<10000xi32, #tpu.memory_space<vmem>>[vector<16xi32>], vector<16xi32>,
      %ge3A_1006 = vector.broadcast %add3A_935 : i32 to vector<16xi32>
      %ge3A_1007 = arith.cmpi sge, %gather3A_1005, %ge3A_1006 : vector<16xi32>
      %all_reduce_ffs3A_1008 = tpu.all_reduce %ge3A_1007 {dim = 0 : i64, kind = #tpu.reduction_kind<find_first_set>} : vector<16xi1> -> vector<16xi32>
      %mul3A_1009 = arith.muli %all_reduce_ffs3A_1008, %shift_right_logical3A_992 : vector<16xi32>
      %add3A_1010 = arith.addi %add3A_983, %mul3A_1009 : vector<16xi32>
      %add3A_1011 = arith.addi %add3A_1010, %shift_right_logical3A_992 : vector<16xi32>
      %min3A_1012 = arith.minsi %add3A_1011, %min3A_985 : vector<16xi32>
      %sub3A_1013 = arith.subi %min3A_1012, %add3A_1010 : vector<16xi32>
      %add3A_1014 = arith.constant 15 : i32
      %add3A_1015 = vector.broadcast %add3A_1014 : i32 to vector<16xi32>
      %add3A_1016 = arith.addi %sub3A_1013, %add3A_1015 : vector<16xi32>
      %shift_right_logical3A_1017 = arith.constant 4 : i32
      %shift_right_logical3A_1018 = vector.broadcast %shift_right_logical3A_1017 : i32 to vector<16xi32>
      %shift_right_logical3A_1019 = arith.shrui %add3A_1016, %shift_right_logical3A_1018 : vector<16xi32>
      %add3A_1020 = arith.constant 1 : i32
      %add3A_1021 = vector.broadcast %add3A_1020 : i32 to vector<16xi32>
      %add3A_1022 = arith.addi %iota3A, %add3A_1021 : vector<16xi32>
      %mul3A_1023 = arith.muli %add3A_1022, %shift_right_logical3A_1019 : vector<16xi32>
      %add3A_1024 = arith.addi %add3A_1010, %mul3A_1023 : vector<16xi32>
      %min3A_1025 = arith.minsi %add3A_1024, %min3A_1012 : vector<16xi32>
      %jit3A_1026 = arith.constant 0 : i32
      %jit3A_1027 = arith.constant 9999 : i32
      %max3A_1028 = vector.broadcast %jit3A_1026 : i32 to vector<16xi32>
      %max3A_1029 = arith.maxsi %max3A_1028, %min3A_1025 : vector<16xi32>
      %min3A_1030 = vector.broadcast %jit3A_1027 : i32 to vector<16xi32>
      %min3A_1031 = arith.minsi %min3A_1030, %max3A_1029 : vector<16xi32>
      %gather3A_1032 = tpu.vector_load_idx %arg8[%min3A_1031] : memref<10000xi32, #tpu.memory_space<vmem>>[vector<16xi32>], vector<16xi32>,
      %ge3A_1033 = vector.broadcast %add3A_935 : i32 to vector<16xi32>
      %ge3A_1034 = arith.cmpi sge, %gather3A_1032, %ge3A_1033 : vector<16xi32>
      %all_reduce_ffs3A_1035 = tpu.all_reduce %ge3A_1034 {dim = 0 : i64, kind = #tpu.reduction_kind<find_first_set>} : vector<16xi1> -> vector<16xi32>
      %mul3A_1036 = arith.muli %all_reduce_ffs3A_1035, %shift_right_logical3A_1019 : vector<16xi32>
      %add3A_1037 = arith.addi %add3A_1010, %mul3A_1036 : vector<16xi32>
      %add3A_1038 = arith.addi %add3A_1037, %shift_right_logical3A_1019 : vector<16xi32>
      %min3A_1039 = arith.minsi %add3A_1038, %min3A_1012 : vector<16xi32>
      %reduce_max3A_1040 = arith.constant true
      %reduce_max3A_1041 = vector.broadcast %reduce_max3A_1040 : i1 to vector<16xi1>
      %reduce_max3A_1042 = arith.constant -2147483648 : i32
      %reduce_max3A_1043 = vector.broadcast %reduce_max3A_1042 : i32 to vector<16xi32>
      %reduce_max3A_1044 = arith.xori %min3A_1039, %reduce_max3A_1043 : vector<16xi32>
      %reduce_max3A_1045 = tpu.scan <max>, %reduce_max3A_1044 masked %reduce_max3A_1041 : vector<16xi32>, vector<16xi1> -> vector<16xi32>
      %reduce_max3A_1046 = arith.xori %reduce_max3A_1045, %reduce_max3A_1043 : vector<16xi32>
      %reduce_max3A_1047 = vector.extract %reduce_max3A_1046[15] : i32 from vector<16xi32>
      %jit3A_1048 = arith.constant 10000 : i32
      %select_n3A = arith.select %lt3A, %reduce_max3A_1047, %jit3A_1048 : i32
      %shift_right_arithmetic3A = arith.constant 4 : i32
      %shift_right_arithmetic3A_1049 = arith.shrsi %while3A_933, %shift_right_arithmetic3A : i32
      %sub3A_1050 = arith.constant 1 : i32
      %sub3A_1051 = arith.subi %select_n3A, %sub3A_1050 : i32
      %max3A_1052 = arith.constant 0 : i32
      %max3A_1053 = arith.maxsi %sub3A_1051, %max3A_1052 : i32
      %shift_right_arithmetic3A_1054 = arith.constant 4 : i32
      %shift_right_arithmetic3A_1055 = arith.shrsi %max3A_1053, %shift_right_arithmetic3A_1054 : i32
      %mul3A_1056 = arith.constant 16 : i32
      %mul3A_1057 = arith.muli %shift_right_arithmetic3A_1049, %mul3A_1056 : i32
      %add3A_1058 = vector.broadcast %mul3A_1057 : i32 to vector<16xi32>
      %add3A_1059 = arith.addi %add3A_1058, %iota3A : vector<16xi32>
      %ge3A_1060 = vector.broadcast %while3A_933 : i32 to vector<16xi32>
      %ge3A_1061 = arith.cmpi sge, %add3A_1059, %ge3A_1060 : vector<16xi32>
      %lt3A_1062 = vector.broadcast %select_n3A : i32 to vector<16xi32>
      %lt3A_1063 = arith.cmpi slt, %add3A_1059, %lt3A_1062 : vector<16xi32>
      %and3A = arith.andi %ge3A_1061, %lt3A_1063 : vector<16xi1>
      %mul3A_1064 = arith.constant 16 : i32
      %mul3A_1065 = arith.muli %shift_right_arithmetic3A_1049, %mul3A_1064 : i32
      %get3A_1066 = arith.index_cast %mul3A_1065 : i32 to index
      %get3A_1067 = tpu.vector_load %arg6[%get3A_1066] {strides = array<i32>} : memref<10000xf32, #tpu.memory_space<vmem>>, vector<16xf32>,
      %jit3A_1068 = arith.constant 0.000000e+00 : f32
      %broadcast_in_dim3A_1069 = vector.broadcast %jit3A_1068 : f32 to vector<16xf32>
      %select_n3A_1070 = arith.select %and3A, %get3A_1067, %broadcast_in_dim3A_1069 : vector<16xi1>, vector<16xf32>
      %mul3A_1071 = arith.constant 16 : i32
      %mul3A_1072 = arith.muli %shift_right_arithmetic3A_1055, %mul3A_1071 : i32
      %add3A_1073 = vector.broadcast %mul3A_1072 : i32 to vector<16xi32>
      %add3A_1074 = arith.addi %add3A_1073, %iota3A : vector<16xi32>
      %ge3A_1075 = vector.broadcast %while3A_933 : i32 to vector<16xi32>
      %ge3A_1076 = arith.cmpi sge, %add3A_1074, %ge3A_1075 : vector<16xi32>
      %lt3A_1077 = vector.broadcast %select_n3A : i32 to vector<16xi32>
      %lt3A_1078 = arith.cmpi slt, %add3A_1074, %lt3A_1077 : vector<16xi32>
      %and3A_1079 = arith.andi %ge3A_1076, %lt3A_1078 : vector<16xi1>
      %lt3A_1080 = arith.cmpi slt, %shift_right_arithmetic3A_1049, %shift_right_arithmetic3A_1055 : i32
      %and3A_1081 = vector.broadcast %lt3A_1080 : i1 to vector<16xi1>
      %and3A_1082 = arith.andi %and3A_1079, %and3A_1081 : vector<16xi1>
      %mul3A_1083 = arith.constant 16 : i32
      %mul3A_1084 = arith.muli %shift_right_arithmetic3A_1055, %mul3A_1083 : i32
      %get3A_1085 = arith.index_cast %mul3A_1084 : i32 to index
      %get3A_1086 = tpu.vector_load %arg6[%get3A_1085] {strides = array<i32>} : memref<10000xf32, #tpu.memory_space<vmem>>, vector<16xf32>,
      %jit3A_1087 = arith.constant 0.000000e+00 : f32
      %broadcast_in_dim3A_1088 = vector.broadcast %jit3A_1087 : f32 to vector<16xf32>
      %select_n3A_1089 = arith.select %and3A_1082, %get3A_1086, %broadcast_in_dim3A_1088 : vector<16xi1>, vector<16xf32>
      %add3A_1090 = arith.constant 1 : i32
      %add3A_1091 = arith.addi %shift_right_arithmetic3A_1049, %add3A_1090 : i32
      %add3A_1092 = arith.addf %select_n3A_1070, %select_n3A_1089 : vector<16xf32>
      %parallel_loop3A = arith.constant 1 : i32
      %parallel_loop3A_1093 = scf.for %parallel_loop3A_1106 = %add3A_1091 to %shift_right_arithmetic3A_1055 step %parallel_loop3A iter_args(%parallel_loop3A_1107 = %add3A_1092) -> (vector<16xf32>)  : i32 {
        %parallel_loop3A_1108 = arith.constant 16 : i32
        %parallel_loop3A_1109 = arith.muli %parallel_loop3A_1106, %parallel_loop3A_1108 : i32
        %parallel_loop3A_1110 = arith.index_cast %parallel_loop3A_1109 : i32 to index
        %parallel_loop3A_1111 = tpu.vector_load %arg6[%parallel_loop3A_1110] {strides = array<i32>} : memref<10000xf32, #tpu.memory_space<vmem>>, vector<16xf32>,
        %parallel_loop3A_1112 = arith.addf %parallel_loop3A_1107, %parallel_loop3A_1111 : vector<16xf32>
        scf.yield %parallel_loop3A_1112 : vector<16xf32>
      } {sc.loop_unroll_factor = 8 : i64, sc.parallel_access}
      %reduce_sum3A = arith.constant true
      %reduce_sum3A_1094 = vector.broadcast %reduce_sum3A : i1 to vector<16xi1>
      %reduce_sum3A_1095 = tpu.scan <sum>, %parallel_loop3A_1093 masked %reduce_sum3A_1094 : vector<16xf32>, vector<16xi1> -> vector<16xf32>
      %reduce_sum3A_1096 = vector.extract %reduce_sum3A_1095[15] : f32 from vector<16xf32>
      %shift_right_arithmetic3A_1097 = arith.constant 4 : i32
      %shift_right_arithmetic3A_1098 = arith.shrsi %while3A_932, %shift_right_arithmetic3A_1097 : i32
      %broadcast_in_dim3A_1099 = vector.broadcast %shift_right_arithmetic3A_1098 : i32 to vector<16xi32>
      %and3A_1100 = arith.constant 15 : i32
      %and3A_1101 = arith.andi %while3A_932, %and3A_1100 : i32
      %broadcast_in_dim3A_1102 = vector.broadcast %and3A_1101 : i32 to vector<16xi32>
      %broadcast_in_dim3A_1103 = vector.broadcast %reduce_sum3A_1096 : f32 to vector<16xf32>
      %eq3A = arith.constant 0 : i32
      %eq3A_1104 = vector.broadcast %eq3A : i32 to vector<16xi32>
      %eq3A_1105 = arith.cmpi eq, %iota3A, %eq3A_1104 : vector<16xi32>
      tpu.vector_store_idx %arg9[%broadcast_in_dim3A_1099, %broadcast_in_dim3A_1102], %broadcast_in_dim3A_1103 masked %eq3A_1105 {add = true} : memref<64x16xf32, #tpu.memory_space<vmem>>[vector<16xi32>, vector<16xi32>], vector<16xf32>, vector<16xi1>
      scf.yield %select_n3A : i32
    }
    %while3A_343 = arith.constant 1 : i32
    %while3A_344 = scf.for %while3A_932 = %while3A_340 to %while3A_336 step %while3A_343 iter_args(%while3A_933 = %while3A_342) -> (i32)  : i32 {
      %lt3A = arith.cmpi slt, %while3A_932, %reduce_max3A_329 : i32
      %add3A_934 = arith.constant 1 : i32
      %add3A_935 = arith.addi %while3A_932, %add3A_934 : i32
      %broadcast_in_dim3A_936 = arith.constant -1 : i32
      %broadcast_in_dim3A_937 = vector.broadcast %broadcast_in_dim3A_936 : i32 to vector<16xi32>
      %broadcast_in_dim3A_938 = arith.constant 9999 : i32
      %broadcast_in_dim3A_939 = vector.broadcast %broadcast_in_dim3A_938 : i32 to vector<16xi32>
      %sub3A = arith.subi %broadcast_in_dim3A_939, %broadcast_in_dim3A_937 : vector<16xi32>
      %add3A_940 = arith.constant 15 : i32
      %add3A_941 = vector.broadcast %add3A_940 : i32 to vector<16xi32>
      %add3A_942 = arith.addi %sub3A, %add3A_941 : vector<16xi32>
      %shift_right_logical3A = arith.constant 4 : i32
      %shift_right_logical3A_943 = vector.broadcast %shift_right_logical3A : i32 to vector<16xi32>
      %shift_right_logical3A_944 = arith.shrui %add3A_942, %shift_right_logical3A_943 : vector<16xi32>
      %add3A_945 = arith.constant 1 : i32
      %add3A_946 = vector.broadcast %add3A_945 : i32 to vector<16xi32>
      %add3A_947 = arith.addi %iota3A, %add3A_946 : vector<16xi32>
      %mul3A_948 = arith.muli %add3A_947, %shift_right_logical3A_944 : vector<16xi32>
      %add3A_949 = arith.addi %broadcast_in_dim3A_937, %mul3A_948 : vector<16xi32>
      %min3A = arith.minsi %add3A_949, %broadcast_in_dim3A_939 : vector<16xi32>
      %jit3A = arith.constant 0 : i32
      %jit3A_950 = arith.constant 9999 : i32
      %max3A = vector.broadcast %jit3A : i32 to vector<16xi32>
      %max3A_951 = arith.maxsi %max3A, %min3A : vector<16xi32>
      %min3A_952 = vector.broadcast %jit3A_950 : i32 to vector<16xi32>
      %min3A_953 = arith.minsi %min3A_952, %max3A_951 : vector<16xi32>
      %gather3A = tpu.vector_load_idx %arg8[%min3A_953] : memref<10000xi32, #tpu.memory_space<vmem>>[vector<16xi32>], vector<16xi32>,
      %ge3A = vector.broadcast %add3A_935 : i32 to vector<16xi32>
      %ge3A_954 = arith.cmpi sge, %gather3A, %ge3A : vector<16xi32>
      %all_reduce_ffs3A = tpu.all_reduce %ge3A_954 {dim = 0 : i64, kind = #tpu.reduction_kind<find_first_set>} : vector<16xi1> -> vector<16xi32>
      %mul3A_955 = arith.muli %all_reduce_ffs3A, %shift_right_logical3A_944 : vector<16xi32>
      %add3A_956 = arith.addi %broadcast_in_dim3A_937, %mul3A_955 : vector<16xi32>
      %add3A_957 = arith.addi %add3A_956, %shift_right_logical3A_944 : vector<16xi32>
      %min3A_958 = arith.minsi %add3A_957, %broadcast_in_dim3A_939 : vector<16xi32>
      %sub3A_959 = arith.subi %min3A_958, %add3A_956 : vector<16xi32>
      %add3A_960 = arith.constant 15 : i32
      %add3A_961 = vector.broadcast %add3A_960 : i32 to vector<16xi32>
      %add3A_962 = arith.addi %sub3A_959, %add3A_961 : vector<16xi32>
      %shift_right_logical3A_963 = arith.constant 4 : i32
      %shift_right_logical3A_964 = vector.broadcast %shift_right_logical3A_963 : i32 to vector<16xi32>
      %shift_right_logical3A_965 = arith.shrui %add3A_962, %shift_right_logical3A_964 : vector<16xi32>
      %add3A_966 = arith.constant 1 : i32
      %add3A_967 = vector.broadcast %add3A_966 : i32 to vector<16xi32>
      %add3A_968 = arith.addi %iota3A, %add3A_967 : vector<16xi32>
      %mul3A_969 = arith.muli %add3A_968, %shift_right_logical3A_965 : vector<16xi32>
      %add3A_970 = arith.addi %add3A_956, %mul3A_969 : vector<16xi32>
      %min3A_971 = arith.minsi %add3A_970, %min3A_958 : vector<16xi32>
      %jit3A_972 = arith.constant 0 : i32
      %jit3A_973 = arith.constant 9999 : i32
      %max3A_974 = vector.broadcast %jit3A_972 : i32 to vector<16xi32>
      %max3A_975 = arith.maxsi %max3A_974, %min3A_971 : vector<16xi32>
      %min3A_976 = vector.broadcast %jit3A_973 : i32 to vector<16xi32>
      %min3A_977 = arith.minsi %min3A_976, %max3A_975 : vector<16xi32>
      %gather3A_978 = tpu.vector_load_idx %arg8[%min3A_977] : memref<10000xi32, #tpu.memory_space<vmem>>[vector<16xi32>], vector<16xi32>,
      %ge3A_979 = vector.broadcast %add3A_935 : i32 to vector<16xi32>
      %ge3A_980 = arith.cmpi sge, %gather3A_978, %ge3A_979 : vector<16xi32>
      %all_reduce_ffs3A_981 = tpu.all_reduce %ge3A_980 {dim = 0 : i64, kind = #tpu.reduction_kind<find_first_set>} : vector<16xi1> -> vector<16xi32>
      %mul3A_982 = arith.muli %all_reduce_ffs3A_981, %shift_right_logical3A_965 : vector<16xi32>
      %add3A_983 = arith.addi %add3A_956, %mul3A_982 : vector<16xi32>
      %add3A_984 = arith.addi %add3A_983, %shift_right_logical3A_965 : vector<16xi32>
      %min3A_985 = arith.minsi %add3A_984, %min3A_958 : vector<16xi32>
      %sub3A_986 = arith.subi %min3A_985, %add3A_983 : vector<16xi32>
      %add3A_987 = arith.constant 15 : i32
      %add3A_988 = vector.broadcast %add3A_987 : i32 to vector<16xi32>
      %add3A_989 = arith.addi %sub3A_986, %add3A_988 : vector<16xi32>
      %shift_right_logical3A_990 = arith.constant 4 : i32
      %shift_right_logical3A_991 = vector.broadcast %shift_right_logical3A_990 : i32 to vector<16xi32>
      %shift_right_logical3A_992 = arith.shrui %add3A_989, %shift_right_logical3A_991 : vector<16xi32>
      %add3A_993 = arith.constant 1 : i32
      %add3A_994 = vector.broadcast %add3A_993 : i32 to vector<16xi32>
      %add3A_995 = arith.addi %iota3A, %add3A_994 : vector<16xi32>
      %mul3A_996 = arith.muli %add3A_995, %shift_right_logical3A_992 : vector<16xi32>
      %add3A_997 = arith.addi %add3A_983, %mul3A_996 : vector<16xi32>
      %min3A_998 = arith.minsi %add3A_997, %min3A_985 : vector<16xi32>
      %jit3A_999 = arith.constant 0 : i32
      %jit3A_1000 = arith.constant 9999 : i32
      %max3A_1001 = vector.broadcast %jit3A_999 : i32 to vector<16xi32>
      %max3A_1002 = arith.maxsi %max3A_1001, %min3A_998 : vector<16xi32>
      %min3A_1003 = vector.broadcast %jit3A_1000 : i32 to vector<16xi32>
      %min3A_1004 = arith.minsi %min3A_1003, %max3A_1002 : vector<16xi32>
      %gather3A_1005 = tpu.vector_load_idx %arg8[%min3A_1004] : memref<10000xi32, #tpu.memory_space<vmem>>[vector<16xi32>], vector<16xi32>,
      %ge3A_1006 = vector.broadcast %add3A_935 : i32 to vector<16xi32>
      %ge3A_1007 = arith.cmpi sge, %gather3A_1005, %ge3A_1006 : vector<16xi32>
      %all_reduce_ffs3A_1008 = tpu.all_reduce %ge3A_1007 {dim = 0 : i64, kind = #tpu.reduction_kind<find_first_set>} : vector<16xi1> -> vector<16xi32>
      %mul3A_1009 = arith.muli %all_reduce_ffs3A_1008, %shift_right_logical3A_992 : vector<16xi32>
      %add3A_1010 = arith.addi %add3A_983, %mul3A_1009 : vector<16xi32>
      %add3A_1011 = arith.addi %add3A_1010, %shift_right_logical3A_992 : vector<16xi32>
      %min3A_1012 = arith.minsi %add3A_1011, %min3A_985 : vector<16xi32>
      %sub3A_1013 = arith.subi %min3A_1012, %add3A_1010 : vector<16xi32>
      %add3A_1014 = arith.constant 15 : i32
      %add3A_1015 = vector.broadcast %add3A_1014 : i32 to vector<16xi32>
      %add3A_1016 = arith.addi %sub3A_1013, %add3A_1015 : vector<16xi32>
      %shift_right_logical3A_1017 = arith.constant 4 : i32
      %shift_right_logical3A_1018 = vector.broadcast %shift_right_logical3A_1017 : i32 to vector<16xi32>
      %shift_right_logical3A_1019 = arith.shrui %add3A_1016, %shift_right_logical3A_1018 : vector<16xi32>
      %add3A_1020 = arith.constant 1 : i32
      %add3A_1021 = vector.broadcast %add3A_1020 : i32 to vector<16xi32>
      %add3A_1022 = arith.addi %iota3A, %add3A_1021 : vector<16xi32>
      %mul3A_1023 = arith.muli %add3A_1022, %shift_right_logical3A_1019 : vector<16xi32>
      %add3A_1024 = arith.addi %add3A_1010, %mul3A_1023 : vector<16xi32>
      %min3A_1025 = arith.minsi %add3A_1024, %min3A_1012 : vector<16xi32>
      %jit3A_1026 = arith.constant 0 : i32
      %jit3A_1027 = arith.constant 9999 : i32
      %max3A_1028 = vector.broadcast %jit3A_1026 : i32 to vector<16xi32>
      %max3A_1029 = arith.maxsi %max3A_1028, %min3A_1025 : vector<16xi32>
      %min3A_1030 = vector.broadcast %jit3A_1027 : i32 to vector<16xi32>
      %min3A_1031 = arith.minsi %min3A_1030, %max3A_1029 : vector<16xi32>
      %gather3A_1032 = tpu.vector_load_idx %arg8[%min3A_1031] : memref<10000xi32, #tpu.memory_space<vmem>>[vector<16xi32>], vector<16xi32>,
      %ge3A_1033 = vector.broadcast %add3A_935 : i32 to vector<16xi32>
      %ge3A_1034 = arith.cmpi sge, %gather3A_1032, %ge3A_1033 : vector<16xi32>
      %all_reduce_ffs3A_1035 = tpu.all_reduce %ge3A_1034 {dim = 0 : i64, kind = #tpu.reduction_kind<find_first_set>} : vector<16xi1> -> vector<16xi32>
      %mul3A_1036 = arith.muli %all_reduce_ffs3A_1035, %shift_right_logical3A_1019 : vector<16xi32>
      %add3A_1037 = arith.addi %add3A_1010, %mul3A_1036 : vector<16xi32>
      %add3A_1038 = arith.addi %add3A_1037, %shift_right_logical3A_1019 : vector<16xi32>
      %min3A_1039 = arith.minsi %add3A_1038, %min3A_1012 : vector<16xi32>
      %reduce_max3A_1040 = arith.constant true
      %reduce_max3A_1041 = vector.broadcast %reduce_max3A_1040 : i1 to vector<16xi1>
      %reduce_max3A_1042 = arith.constant -2147483648 : i32
      %reduce_max3A_1043 = vector.broadcast %reduce_max3A_1042 : i32 to vector<16xi32>
      %reduce_max3A_1044 = arith.xori %min3A_1039, %reduce_max3A_1043 : vector<16xi32>
      %reduce_max3A_1045 = tpu.scan <max>, %reduce_max3A_1044 masked %reduce_max3A_1041 : vector<16xi32>, vector<16xi1> -> vector<16xi32>
      %reduce_max3A_1046 = arith.xori %reduce_max3A_1045, %reduce_max3A_1043 : vector<16xi32>
      %reduce_max3A_1047 = vector.extract %reduce_max3A_1046[15] : i32 from vector<16xi32>
      %jit3A_1048 = arith.constant 10000 : i32
      %select_n3A = arith.select %lt3A, %reduce_max3A_1047, %jit3A_1048 : i32
      %shift_right_arithmetic3A = arith.constant 4 : i32
      %shift_right_arithmetic3A_1049 = arith.shrsi %while3A_933, %shift_right_arithmetic3A : i32
      %sub3A_1050 = arith.constant 1 : i32
      %sub3A_1051 = arith.subi %select_n3A, %sub3A_1050 : i32
      %max3A_1052 = arith.constant 0 : i32
      %max3A_1053 = arith.maxsi %sub3A_1051, %max3A_1052 : i32
      %shift_right_arithmetic3A_1054 = arith.constant 4 : i32
      %shift_right_arithmetic3A_1055 = arith.shrsi %max3A_1053, %shift_right_arithmetic3A_1054 : i32
      %mul3A_1056 = arith.constant 16 : i32
      %mul3A_1057 = arith.muli %shift_right_arithmetic3A_1049, %mul3A_1056 : i32
      %add3A_1058 = vector.broadcast %mul3A_1057 : i32 to vector<16xi32>
      %add3A_1059 = arith.addi %add3A_1058, %iota3A : vector<16xi32>
      %ge3A_1060 = vector.broadcast %while3A_933 : i32 to vector<16xi32>
      %ge3A_1061 = arith.cmpi sge, %add3A_1059, %ge3A_1060 : vector<16xi32>
      %lt3A_1062 = vector.broadcast %select_n3A : i32 to vector<16xi32>
      %lt3A_1063 = arith.cmpi slt, %add3A_1059, %lt3A_1062 : vector<16xi32>
      %and3A = arith.andi %ge3A_1061, %lt3A_1063 : vector<16xi1>
      %mul3A_1064 = arith.constant 16 : i32
      %mul3A_1065 = arith.muli %shift_right_arithmetic3A_1049, %mul3A_1064 : i32
      %get3A_1066 = arith.index_cast %mul3A_1065 : i32 to index
      %get3A_1067 = tpu.vector_load %arg6[%get3A_1066] {strides = array<i32>} : memref<10000xf32, #tpu.memory_space<vmem>>, vector<16xf32>,
      %jit3A_1068 = arith.constant 0.000000e+00 : f32
      %broadcast_in_dim3A_1069 = vector.broadcast %jit3A_1068 : f32 to vector<16xf32>
      %select_n3A_1070 = arith.select %and3A, %get3A_1067, %broadcast_in_dim3A_1069 : vector<16xi1>, vector<16xf32>
      %mul3A_1071 = arith.constant 16 : i32
      %mul3A_1072 = arith.muli %shift_right_arithmetic3A_1055, %mul3A_1071 : i32
      %add3A_1073 = vector.broadcast %mul3A_1072 : i32 to vector<16xi32>
      %add3A_1074 = arith.addi %add3A_1073, %iota3A : vector<16xi32>
      %ge3A_1075 = vector.broadcast %while3A_933 : i32 to vector<16xi32>
      %ge3A_1076 = arith.cmpi sge, %add3A_1074, %ge3A_1075 : vector<16xi32>
      %lt3A_1077 = vector.broadcast %select_n3A : i32 to vector<16xi32>
      %lt3A_1078 = arith.cmpi slt, %add3A_1074, %lt3A_1077 : vector<16xi32>
      %and3A_1079 = arith.andi %ge3A_1076, %lt3A_1078 : vector<16xi1>
      %lt3A_1080 = arith.cmpi slt, %shift_right_arithmetic3A_1049, %shift_right_arithmetic3A_1055 : i32
      %and3A_1081 = vector.broadcast %lt3A_1080 : i1 to vector<16xi1>
      %and3A_1082 = arith.andi %and3A_1079, %and3A_1081 : vector<16xi1>
      %mul3A_1083 = arith.constant 16 : i32
      %mul3A_1084 = arith.muli %shift_right_arithmetic3A_1055, %mul3A_1083 : i32
      %get3A_1085 = arith.index_cast %mul3A_1084 : i32 to index
      %get3A_1086 = tpu.vector_load %arg6[%get3A_1085] {strides = array<i32>} : memref<10000xf32, #tpu.memory_space<vmem>>, vector<16xf32>,
      %jit3A_1087 = arith.constant 0.000000e+00 : f32
      %broadcast_in_dim3A_1088 = vector.broadcast %jit3A_1087 : f32 to vector<16xf32>
      %select_n3A_1089 = arith.select %and3A_1082, %get3A_1086, %broadcast_in_dim3A_1088 : vector<16xi1>, vector<16xf32>
      %add3A_1090 = arith.constant 1 : i32
      %add3A_1091 = arith.addi %shift_right_arithmetic3A_1049, %add3A_1090 : i32
      %add3A_1092 = arith.addf %select_n3A_1070, %select_n3A_1089 : vector<16xf32>
      %parallel_loop3A = arith.constant 1 : i32
      %parallel_loop3A_1093 = scf.for %parallel_loop3A_1106 = %add3A_1091 to %shift_right_arithmetic3A_1055 step %parallel_loop3A iter_args(%parallel_loop3A_1107 = %add3A_1092) -> (vector<16xf32>)  : i32 {
        %parallel_loop3A_1108 = arith.constant 16 : i32
        %parallel_loop3A_1109 = arith.muli %parallel_loop3A_1106, %parallel_loop3A_1108 : i32
        %parallel_loop3A_1110 = arith.index_cast %parallel_loop3A_1109 : i32 to index
        %parallel_loop3A_1111 = tpu.vector_load %arg6[%parallel_loop3A_1110] {strides = array<i32>} : memref<10000xf32, #tpu.memory_space<vmem>>, vector<16xf32>,
        %parallel_loop3A_1112 = arith.addf %parallel_loop3A_1107, %parallel_loop3A_1111 : vector<16xf32>
        scf.yield %parallel_loop3A_1112 : vector<16xf32>
      } {sc.loop_unroll_factor = 8 : i64, sc.parallel_access}
      %reduce_sum3A = arith.constant true
      %reduce_sum3A_1094 = vector.broadcast %reduce_sum3A : i1 to vector<16xi1>
      %reduce_sum3A_1095 = tpu.scan <sum>, %parallel_loop3A_1093 masked %reduce_sum3A_1094 : vector<16xf32>, vector<16xi1> -> vector<16xf32>
      %reduce_sum3A_1096 = vector.extract %reduce_sum3A_1095[15] : f32 from vector<16xf32>
      %shift_right_arithmetic3A_1097 = arith.constant 4 : i32
      %shift_right_arithmetic3A_1098 = arith.shrsi %while3A_932, %shift_right_arithmetic3A_1097 : i32
      %broadcast_in_dim3A_1099 = vector.broadcast %shift_right_arithmetic3A_1098 : i32 to vector<16xi32>
      %and3A_1100 = arith.constant 15 : i32
      %and3A_1101 = arith.andi %while3A_932, %and3A_1100 : i32
      %broadcast_in_dim3A_1102 = vector.broadcast %and3A_1101 : i32 to vector<16xi32>
      %broadcast_in_dim3A_1103 = vector.broadcast %reduce_sum3A_1096 : f32 to vector<16xf32>
      %eq3A = arith.constant 0 : i32
      %eq3A_1104 = vector.broadcast %eq3A : i32 to vector<16xi32>
      %eq3A_1105 = arith.cmpi eq, %iota3A, %eq3A_1104 : vector<16xi32>
      tpu.vector_store_idx %arg9[%broadcast_in_dim3A_1099, %broadcast_in_dim3A_1102], %broadcast_in_dim3A_1103 masked %eq3A_1105 {add = true} : memref<64x16xf32, #tpu.memory_space<vmem>>[vector<16xi32>, vector<16xi32>], vector<16xf32>, vector<16xi1>
      scf.yield %select_n3A : i32
    }
    %add3A_345 = arith.constant 30000 : i32
    %add3A_346 = arith.addi %mul3A_2, %add3A_345 : i32
    %dma_start3A_347 = tpu.memref_slice %arg2[%add3A_346] : memref<1600000xf32, #tpu.memory_space<hbm>> -> memref<10000xf32, #tpu.memory_space<hbm>>
    %dma_start3A_348 = tpu.memref_slice %arg2[%add3A_346] : memref<1600000xf32, #tpu.memory_space<hbm>> -> memref<10000xf32, #tpu.memory_space<hbm>>
    tpu.enqueue_dma source(%dma_start3A_348 : memref<10000xf32, #tpu.memory_space<hbm>>) target(%arg6 : memref<10000xf32, #tpu.memory_space<vmem>>) target_semaphore(%arg14 : memref<!tpu.dma_semaphore, #tpu.memory_space<semaphore_mem>>)
    %dma_start3A_349 = tpu.memref_slice %arg3[%add3A_346] : memref<1600000xi32, #tpu.memory_space<hbm>> -> memref<10000xi32, #tpu.memory_space<hbm>>
    %dma_start3A_350 = tpu.memref_slice %arg3[%add3A_346] : memref<1600000xi32, #tpu.memory_space<hbm>> -> memref<10000xi32, #tpu.memory_space<hbm>>
    tpu.enqueue_dma source(%dma_start3A_350 : memref<10000xi32, #tpu.memory_space<hbm>>) target(%arg8 : memref<10000xi32, #tpu.memory_space<vmem>>) target_semaphore(%arg16 : memref<!tpu.dma_semaphore, #tpu.memory_space<semaphore_mem>>)
    %dma_wait3A_351 = tpu.memref_slice %arg3[%add3A_303] : memref<1600000xi32, #tpu.memory_space<hbm>> -> memref<10000xi32, #tpu.memory_space<hbm>>
    %dma_wait3A_352 = tpu.memref_slice %arg3[%add3A_303] : memref<1600000xi32, #tpu.memory_space<hbm>> -> memref<10000xi32, #tpu.memory_space<hbm>>
    tpu.wait_dma2 semaphore(%arg15 : memref<!tpu.dma_semaphore, #tpu.memory_space<semaphore_mem>>) src(%dma_wait3A_352 : memref<10000xi32, #tpu.memory_space<hbm>>) dst(%arg7 : memref<10000xi32, #tpu.memory_space<vmem>>)
    %get3A_353 = arith.constant 0 : index
    %get3A_354 = tpu.vector_load %arg7[%get3A_353] {strides = array<i32>} : memref<10000xi32, #tpu.memory_space<vmem>>, vector<16xi32>,
    %reduce_min3A_355 = arith.constant true
    %reduce_min3A_356 = vector.broadcast %reduce_min3A_355 : i1 to vector<16xi1>
    %reduce_min3A_357 = arith.constant -2147483648 : i32
    %reduce_min3A_358 = vector.broadcast %reduce_min3A_357 : i32 to vector<16xi32>
    %reduce_min3A_359 = arith.xori %get3A_354, %reduce_min3A_358 : vector<16xi32>
    %reduce_min3A_360 = tpu.scan <min>, %reduce_min3A_359 masked %reduce_min3A_356 : vector<16xi32>, vector<16xi1> -> vector<16xi32>
    %reduce_min3A_361 = arith.xori %reduce_min3A_360, %reduce_min3A_358 : vector<16xi32>
    %reduce_min3A_362 = vector.extract %reduce_min3A_361[15] : i32 from vector<16xi32>
    %get3A_363 = arith.constant 9984 : index
    %get3A_364 = tpu.vector_load %arg7[%get3A_363] {strides = array<i32>} : memref<10000xi32, #tpu.memory_space<vmem>>, vector<16xi32>,
    %reduce_max3A_365 = arith.constant true
    %reduce_max3A_366 = vector.broadcast %reduce_max3A_365 : i1 to vector<16xi1>
    %reduce_max3A_367 = arith.constant -2147483648 : i32
    %reduce_max3A_368 = vector.broadcast %reduce_max3A_367 : i32 to vector<16xi32>
    %reduce_max3A_369 = arith.xori %get3A_364, %reduce_max3A_368 : vector<16xi32>
    %reduce_max3A_370 = tpu.scan <max>, %reduce_max3A_369 masked %reduce_max3A_366 : vector<16xi32>, vector<16xi1> -> vector<16xi32>
    %reduce_max3A_371 = arith.xori %reduce_max3A_370, %reduce_max3A_368 : vector<16xi32>
    %reduce_max3A_372 = vector.extract %reduce_max3A_371[15] : i32 from vector<16xi32>
    %dma_wait3A_373 = tpu.memref_slice %arg2[%add3A_303] : memref<1600000xf32, #tpu.memory_space<hbm>> -> memref<10000xf32, #tpu.memory_space<hbm>>
    %dma_wait3A_374 = tpu.memref_slice %arg2[%add3A_303] : memref<1600000xf32, #tpu.memory_space<hbm>> -> memref<10000xf32, #tpu.memory_space<hbm>>
    tpu.wait_dma2 semaphore(%arg13 : memref<!tpu.dma_semaphore, #tpu.memory_space<semaphore_mem>>) src(%dma_wait3A_374 : memref<10000xf32, #tpu.memory_space<hbm>>) dst(%arg5 : memref<10000xf32, #tpu.memory_space<vmem>>)
    %add3A_375 = arith.constant 1 : i32
    %add3A_376 = arith.addi %reduce_max3A_372, %add3A_375 : i32
    %while3A_377 = arith.constant 0 : i32
    %while3A_378 = arith.subi %add3A_376, %reduce_min3A_362 : i32
    %while3A_379 = arith.addi %reduce_min3A_362, %while3A_378 : i32
    %while3A_380 = arith.constant 1 : i32
    %while3A_381 = arith.divsi %while3A_378, %while3A_380 : i32
    %while3A_382 = arith.muli %while3A_381, %while3A_380 : i32
    %while3A_383 = arith.addi %reduce_min3A_362, %while3A_382 : i32
    %while3A_384 = arith.constant 1 : i32
    %while3A_385 = scf.for %while3A_932 = %reduce_min3A_362 to %while3A_383 step %while3A_384 iter_args(%while3A_933 = %while3A_377) -> (i32)  : i32 {
      %lt3A = arith.cmpi slt, %while3A_932, %reduce_max3A_372 : i32
      %add3A_934 = arith.constant 1 : i32
      %add3A_935 = arith.addi %while3A_932, %add3A_934 : i32
      %broadcast_in_dim3A_936 = arith.constant -1 : i32
      %broadcast_in_dim3A_937 = vector.broadcast %broadcast_in_dim3A_936 : i32 to vector<16xi32>
      %broadcast_in_dim3A_938 = arith.constant 9999 : i32
      %broadcast_in_dim3A_939 = vector.broadcast %broadcast_in_dim3A_938 : i32 to vector<16xi32>
      %sub3A = arith.subi %broadcast_in_dim3A_939, %broadcast_in_dim3A_937 : vector<16xi32>
      %add3A_940 = arith.constant 15 : i32
      %add3A_941 = vector.broadcast %add3A_940 : i32 to vector<16xi32>
      %add3A_942 = arith.addi %sub3A, %add3A_941 : vector<16xi32>
      %shift_right_logical3A = arith.constant 4 : i32
      %shift_right_logical3A_943 = vector.broadcast %shift_right_logical3A : i32 to vector<16xi32>
      %shift_right_logical3A_944 = arith.shrui %add3A_942, %shift_right_logical3A_943 : vector<16xi32>
      %add3A_945 = arith.constant 1 : i32
      %add3A_946 = vector.broadcast %add3A_945 : i32 to vector<16xi32>
      %add3A_947 = arith.addi %iota3A, %add3A_946 : vector<16xi32>
      %mul3A_948 = arith.muli %add3A_947, %shift_right_logical3A_944 : vector<16xi32>
      %add3A_949 = arith.addi %broadcast_in_dim3A_937, %mul3A_948 : vector<16xi32>
      %min3A = arith.minsi %add3A_949, %broadcast_in_dim3A_939 : vector<16xi32>
      %jit3A = arith.constant 0 : i32
      %jit3A_950 = arith.constant 9999 : i32
      %max3A = vector.broadcast %jit3A : i32 to vector<16xi32>
      %max3A_951 = arith.maxsi %max3A, %min3A : vector<16xi32>
      %min3A_952 = vector.broadcast %jit3A_950 : i32 to vector<16xi32>
      %min3A_953 = arith.minsi %min3A_952, %max3A_951 : vector<16xi32>
      %gather3A = tpu.vector_load_idx %arg7[%min3A_953] : memref<10000xi32, #tpu.memory_space<vmem>>[vector<16xi32>], vector<16xi32>,
      %ge3A = vector.broadcast %add3A_935 : i32 to vector<16xi32>
      %ge3A_954 = arith.cmpi sge, %gather3A, %ge3A : vector<16xi32>
      %all_reduce_ffs3A = tpu.all_reduce %ge3A_954 {dim = 0 : i64, kind = #tpu.reduction_kind<find_first_set>} : vector<16xi1> -> vector<16xi32>
      %mul3A_955 = arith.muli %all_reduce_ffs3A, %shift_right_logical3A_944 : vector<16xi32>
      %add3A_956 = arith.addi %broadcast_in_dim3A_937, %mul3A_955 : vector<16xi32>
      %add3A_957 = arith.addi %add3A_956, %shift_right_logical3A_944 : vector<16xi32>
      %min3A_958 = arith.minsi %add3A_957, %broadcast_in_dim3A_939 : vector<16xi32>
      %sub3A_959 = arith.subi %min3A_958, %add3A_956 : vector<16xi32>
      %add3A_960 = arith.constant 15 : i32
      %add3A_961 = vector.broadcast %add3A_960 : i32 to vector<16xi32>
      %add3A_962 = arith.addi %sub3A_959, %add3A_961 : vector<16xi32>
      %shift_right_logical3A_963 = arith.constant 4 : i32
      %shift_right_logical3A_964 = vector.broadcast %shift_right_logical3A_963 : i32 to vector<16xi32>
      %shift_right_logical3A_965 = arith.shrui %add3A_962, %shift_right_logical3A_964 : vector<16xi32>
      %add3A_966 = arith.constant 1 : i32
      %add3A_967 = vector.broadcast %add3A_966 : i32 to vector<16xi32>
      %add3A_968 = arith.addi %iota3A, %add3A_967 : vector<16xi32>
      %mul3A_969 = arith.muli %add3A_968, %shift_right_logical3A_965 : vector<16xi32>
      %add3A_970 = arith.addi %add3A_956, %mul3A_969 : vector<16xi32>
      %min3A_971 = arith.minsi %add3A_970, %min3A_958 : vector<16xi32>
      %jit3A_972 = arith.constant 0 : i32
      %jit3A_973 = arith.constant 9999 : i32
      %max3A_974 = vector.broadcast %jit3A_972 : i32 to vector<16xi32>
      %max3A_975 = arith.maxsi %max3A_974, %min3A_971 : vector<16xi32>
      %min3A_976 = vector.broadcast %jit3A_973 : i32 to vector<16xi32>
      %min3A_977 = arith.minsi %min3A_976, %max3A_975 : vector<16xi32>
      %gather3A_978 = tpu.vector_load_idx %arg7[%min3A_977] : memref<10000xi32, #tpu.memory_space<vmem>>[vector<16xi32>], vector<16xi32>,
      %ge3A_979 = vector.broadcast %add3A_935 : i32 to vector<16xi32>
      %ge3A_980 = arith.cmpi sge, %gather3A_978, %ge3A_979 : vector<16xi32>
      %all_reduce_ffs3A_981 = tpu.all_reduce %ge3A_980 {dim = 0 : i64, kind = #tpu.reduction_kind<find_first_set>} : vector<16xi1> -> vector<16xi32>
      %mul3A_982 = arith.muli %all_reduce_ffs3A_981, %shift_right_logical3A_965 : vector<16xi32>
      %add3A_983 = arith.addi %add3A_956, %mul3A_982 : vector<16xi32>
      %add3A_984 = arith.addi %add3A_983, %shift_right_logical3A_965 : vector<16xi32>
      %min3A_985 = arith.minsi %add3A_984, %min3A_958 : vector<16xi32>
      %sub3A_986 = arith.subi %min3A_985, %add3A_983 : vector<16xi32>
      %add3A_987 = arith.constant 15 : i32
      %add3A_988 = vector.broadcast %add3A_987 : i32 to vector<16xi32>
      %add3A_989 = arith.addi %sub3A_986, %add3A_988 : vector<16xi32>
      %shift_right_logical3A_990 = arith.constant 4 : i32
      %shift_right_logical3A_991 = vector.broadcast %shift_right_logical3A_990 : i32 to vector<16xi32>
      %shift_right_logical3A_992 = arith.shrui %add3A_989, %shift_right_logical3A_991 : vector<16xi32>
      %add3A_993 = arith.constant 1 : i32
      %add3A_994 = vector.broadcast %add3A_993 : i32 to vector<16xi32>
      %add3A_995 = arith.addi %iota3A, %add3A_994 : vector<16xi32>
      %mul3A_996 = arith.muli %add3A_995, %shift_right_logical3A_992 : vector<16xi32>
      %add3A_997 = arith.addi %add3A_983, %mul3A_996 : vector<16xi32>
      %min3A_998 = arith.minsi %add3A_997, %min3A_985 : vector<16xi32>
      %jit3A_999 = arith.constant 0 : i32
      %jit3A_1000 = arith.constant 9999 : i32
      %max3A_1001 = vector.broadcast %jit3A_999 : i32 to vector<16xi32>
      %max3A_1002 = arith.maxsi %max3A_1001, %min3A_998 : vector<16xi32>
      %min3A_1003 = vector.broadcast %jit3A_1000 : i32 to vector<16xi32>
      %min3A_1004 = arith.minsi %min3A_1003, %max3A_1002 : vector<16xi32>
      %gather3A_1005 = tpu.vector_load_idx %arg7[%min3A_1004] : memref<10000xi32, #tpu.memory_space<vmem>>[vector<16xi32>], vector<16xi32>,
      %ge3A_1006 = vector.broadcast %add3A_935 : i32 to vector<16xi32>
      %ge3A_1007 = arith.cmpi sge, %gather3A_1005, %ge3A_1006 : vector<16xi32>
      %all_reduce_ffs3A_1008 = tpu.all_reduce %ge3A_1007 {dim = 0 : i64, kind = #tpu.reduction_kind<find_first_set>} : vector<16xi1> -> vector<16xi32>
      %mul3A_1009 = arith.muli %all_reduce_ffs3A_1008, %shift_right_logical3A_992 : vector<16xi32>
      %add3A_1010 = arith.addi %add3A_983, %mul3A_1009 : vector<16xi32>
      %add3A_1011 = arith.addi %add3A_1010, %shift_right_logical3A_992 : vector<16xi32>
      %min3A_1012 = arith.minsi %add3A_1011, %min3A_985 : vector<16xi32>
      %sub3A_1013 = arith.subi %min3A_1012, %add3A_1010 : vector<16xi32>
      %add3A_1014 = arith.constant 15 : i32
      %add3A_1015 = vector.broadcast %add3A_1014 : i32 to vector<16xi32>
      %add3A_1016 = arith.addi %sub3A_1013, %add3A_1015 : vector<16xi32>
      %shift_right_logical3A_1017 = arith.constant 4 : i32
      %shift_right_logical3A_1018 = vector.broadcast %shift_right_logical3A_1017 : i32 to vector<16xi32>
      %shift_right_logical3A_1019 = arith.shrui %add3A_1016, %shift_right_logical3A_1018 : vector<16xi32>
      %add3A_1020 = arith.constant 1 : i32
      %add3A_1021 = vector.broadcast %add3A_1020 : i32 to vector<16xi32>
      %add3A_1022 = arith.addi %iota3A, %add3A_1021 : vector<16xi32>
      %mul3A_1023 = arith.muli %add3A_1022, %shift_right_logical3A_1019 : vector<16xi32>
      %add3A_1024 = arith.addi %add3A_1010, %mul3A_1023 : vector<16xi32>
      %min3A_1025 = arith.minsi %add3A_1024, %min3A_1012 : vector<16xi32>
      %jit3A_1026 = arith.constant 0 : i32
      %jit3A_1027 = arith.constant 9999 : i32
      %max3A_1028 = vector.broadcast %jit3A_1026 : i32 to vector<16xi32>
      %max3A_1029 = arith.maxsi %max3A_1028, %min3A_1025 : vector<16xi32>
      %min3A_1030 = vector.broadcast %jit3A_1027 : i32 to vector<16xi32>
      %min3A_1031 = arith.minsi %min3A_1030, %max3A_1029 : vector<16xi32>
      %gather3A_1032 = tpu.vector_load_idx %arg7[%min3A_1031] : memref<10000xi32, #tpu.memory_space<vmem>>[vector<16xi32>], vector<16xi32>,
      %ge3A_1033 = vector.broadcast %add3A_935 : i32 to vector<16xi32>
      %ge3A_1034 = arith.cmpi sge, %gather3A_1032, %ge3A_1033 : vector<16xi32>
      %all_reduce_ffs3A_1035 = tpu.all_reduce %ge3A_1034 {dim = 0 : i64, kind = #tpu.reduction_kind<find_first_set>} : vector<16xi1> -> vector<16xi32>
      %mul3A_1036 = arith.muli %all_reduce_ffs3A_1035, %shift_right_logical3A_1019 : vector<16xi32>
      %add3A_1037 = arith.addi %add3A_1010, %mul3A_1036 : vector<16xi32>
      %add3A_1038 = arith.addi %add3A_1037, %shift_right_logical3A_1019 : vector<16xi32>
      %min3A_1039 = arith.minsi %add3A_1038, %min3A_1012 : vector<16xi32>
      %reduce_max3A_1040 = arith.constant true
      %reduce_max3A_1041 = vector.broadcast %reduce_max3A_1040 : i1 to vector<16xi1>
      %reduce_max3A_1042 = arith.constant -2147483648 : i32
      %reduce_max3A_1043 = vector.broadcast %reduce_max3A_1042 : i32 to vector<16xi32>
      %reduce_max3A_1044 = arith.xori %min3A_1039, %reduce_max3A_1043 : vector<16xi32>
      %reduce_max3A_1045 = tpu.scan <max>, %reduce_max3A_1044 masked %reduce_max3A_1041 : vector<16xi32>, vector<16xi1> -> vector<16xi32>
      %reduce_max3A_1046 = arith.xori %reduce_max3A_1045, %reduce_max3A_1043 : vector<16xi32>
      %reduce_max3A_1047 = vector.extract %reduce_max3A_1046[15] : i32 from vector<16xi32>
      %jit3A_1048 = arith.constant 10000 : i32
      %select_n3A = arith.select %lt3A, %reduce_max3A_1047, %jit3A_1048 : i32
      %shift_right_arithmetic3A = arith.constant 4 : i32
      %shift_right_arithmetic3A_1049 = arith.shrsi %while3A_933, %shift_right_arithmetic3A : i32
      %sub3A_1050 = arith.constant 1 : i32
      %sub3A_1051 = arith.subi %select_n3A, %sub3A_1050 : i32
      %max3A_1052 = arith.constant 0 : i32
      %max3A_1053 = arith.maxsi %sub3A_1051, %max3A_1052 : i32
      %shift_right_arithmetic3A_1054 = arith.constant 4 : i32
      %shift_right_arithmetic3A_1055 = arith.shrsi %max3A_1053, %shift_right_arithmetic3A_1054 : i32
      %mul3A_1056 = arith.constant 16 : i32
      %mul3A_1057 = arith.muli %shift_right_arithmetic3A_1049, %mul3A_1056 : i32
      %add3A_1058 = vector.broadcast %mul3A_1057 : i32 to vector<16xi32>
      %add3A_1059 = arith.addi %add3A_1058, %iota3A : vector<16xi32>
      %ge3A_1060 = vector.broadcast %while3A_933 : i32 to vector<16xi32>
      %ge3A_1061 = arith.cmpi sge, %add3A_1059, %ge3A_1060 : vector<16xi32>
      %lt3A_1062 = vector.broadcast %select_n3A : i32 to vector<16xi32>
      %lt3A_1063 = arith.cmpi slt, %add3A_1059, %lt3A_1062 : vector<16xi32>
      %and3A = arith.andi %ge3A_1061, %lt3A_1063 : vector<16xi1>
      %mul3A_1064 = arith.constant 16 : i32
      %mul3A_1065 = arith.muli %shift_right_arithmetic3A_1049, %mul3A_1064 : i32
      %get3A_1066 = arith.index_cast %mul3A_1065 : i32 to index
      %get3A_1067 = tpu.vector_load %arg5[%get3A_1066] {strides = array<i32>} : memref<10000xf32, #tpu.memory_space<vmem>>, vector<16xf32>,
      %jit3A_1068 = arith.constant 0.000000e+00 : f32
      %broadcast_in_dim3A_1069 = vector.broadcast %jit3A_1068 : f32 to vector<16xf32>
      %select_n3A_1070 = arith.select %and3A, %get3A_1067, %broadcast_in_dim3A_1069 : vector<16xi1>, vector<16xf32>
      %mul3A_1071 = arith.constant 16 : i32
      %mul3A_1072 = arith.muli %shift_right_arithmetic3A_1055, %mul3A_1071 : i32
      %add3A_1073 = vector.broadcast %mul3A_1072 : i32 to vector<16xi32>
      %add3A_1074 = arith.addi %add3A_1073, %iota3A : vector<16xi32>
      %ge3A_1075 = vector.broadcast %while3A_933 : i32 to vector<16xi32>
      %ge3A_1076 = arith.cmpi sge, %add3A_1074, %ge3A_1075 : vector<16xi32>
      %lt3A_1077 = vector.broadcast %select_n3A : i32 to vector<16xi32>
      %lt3A_1078 = arith.cmpi slt, %add3A_1074, %lt3A_1077 : vector<16xi32>
      %and3A_1079 = arith.andi %ge3A_1076, %lt3A_1078 : vector<16xi1>
      %lt3A_1080 = arith.cmpi slt, %shift_right_arithmetic3A_1049, %shift_right_arithmetic3A_1055 : i32
      %and3A_1081 = vector.broadcast %lt3A_1080 : i1 to vector<16xi1>
      %and3A_1082 = arith.andi %and3A_1079, %and3A_1081 : vector<16xi1>
      %mul3A_1083 = arith.constant 16 : i32
      %mul3A_1084 = arith.muli %shift_right_arithmetic3A_1055, %mul3A_1083 : i32
      %get3A_1085 = arith.index_cast %mul3A_1084 : i32 to index
      %get3A_1086 = tpu.vector_load %arg5[%get3A_1085] {strides = array<i32>} : memref<10000xf32, #tpu.memory_space<vmem>>, vector<16xf32>,
      %jit3A_1087 = arith.constant 0.000000e+00 : f32
      %broadcast_in_dim3A_1088 = vector.broadcast %jit3A_1087 : f32 to vector<16xf32>
      %select_n3A_1089 = arith.select %and3A_1082, %get3A_1086, %broadcast_in_dim3A_1088 : vector<16xi1>, vector<16xf32>
      %add3A_1090 = arith.constant 1 : i32
      %add3A_1091 = arith.addi %shift_right_arithmetic3A_1049, %add3A_1090 : i32
      %add3A_1092 = arith.addf %select_n3A_1070, %select_n3A_1089 : vector<16xf32>
      %parallel_loop3A = arith.constant 1 : i32
      %parallel_loop3A_1093 = scf.for %parallel_loop3A_1106 = %add3A_1091 to %shift_right_arithmetic3A_1055 step %parallel_loop3A iter_args(%parallel_loop3A_1107 = %add3A_1092) -> (vector<16xf32>)  : i32 {
        %parallel_loop3A_1108 = arith.constant 16 : i32
        %parallel_loop3A_1109 = arith.muli %parallel_loop3A_1106, %parallel_loop3A_1108 : i32
        %parallel_loop3A_1110 = arith.index_cast %parallel_loop3A_1109 : i32 to index
        %parallel_loop3A_1111 = tpu.vector_load %arg5[%parallel_loop3A_1110] {strides = array<i32>} : memref<10000xf32, #tpu.memory_space<vmem>>, vector<16xf32>,
        %parallel_loop3A_1112 = arith.addf %parallel_loop3A_1107, %parallel_loop3A_1111 : vector<16xf32>
        scf.yield %parallel_loop3A_1112 : vector<16xf32>
      } {sc.loop_unroll_factor = 8 : i64, sc.parallel_access}
      %reduce_sum3A = arith.constant true
      %reduce_sum3A_1094 = vector.broadcast %reduce_sum3A : i1 to vector<16xi1>
      %reduce_sum3A_1095 = tpu.scan <sum>, %parallel_loop3A_1093 masked %reduce_sum3A_1094 : vector<16xf32>, vector<16xi1> -> vector<16xf32>
      %reduce_sum3A_1096 = vector.extract %reduce_sum3A_1095[15] : f32 from vector<16xf32>
      %shift_right_arithmetic3A_1097 = arith.constant 4 : i32
      %shift_right_arithmetic3A_1098 = arith.shrsi %while3A_932, %shift_right_arithmetic3A_1097 : i32
      %broadcast_in_dim3A_1099 = vector.broadcast %shift_right_arithmetic3A_1098 : i32 to vector<16xi32>
      %and3A_1100 = arith.constant 15 : i32
      %and3A_1101 = arith.andi %while3A_932, %and3A_1100 : i32
      %broadcast_in_dim3A_1102 = vector.broadcast %and3A_1101 : i32 to vector<16xi32>
      %broadcast_in_dim3A_1103 = vector.broadcast %reduce_sum3A_1096 : f32 to vector<16xf32>
      %eq3A = arith.constant 0 : i32
      %eq3A_1104 = vector.broadcast %eq3A : i32 to vector<16xi32>
      %eq3A_1105 = arith.cmpi eq, %iota3A, %eq3A_1104 : vector<16xi32>
      tpu.vector_store_idx %arg9[%broadcast_in_dim3A_1099, %broadcast_in_dim3A_1102], %broadcast_in_dim3A_1103 masked %eq3A_1105 {add = true} : memref<64x16xf32, #tpu.memory_space<vmem>>[vector<16xi32>, vector<16xi32>], vector<16xf32>, vector<16xi1>
      scf.yield %select_n3A : i32
    }
    %while3A_386 = arith.constant 1 : i32
    %while3A_387 = scf.for %while3A_932 = %while3A_383 to %while3A_379 step %while3A_386 iter_args(%while3A_933 = %while3A_385) -> (i32)  : i32 {
      %lt3A = arith.cmpi slt, %while3A_932, %reduce_max3A_372 : i32
      %add3A_934 = arith.constant 1 : i32
      %add3A_935 = arith.addi %while3A_932, %add3A_934 : i32
      %broadcast_in_dim3A_936 = arith.constant -1 : i32
      %broadcast_in_dim3A_937 = vector.broadcast %broadcast_in_dim3A_936 : i32 to vector<16xi32>
      %broadcast_in_dim3A_938 = arith.constant 9999 : i32
      %broadcast_in_dim3A_939 = vector.broadcast %broadcast_in_dim3A_938 : i32 to vector<16xi32>
      %sub3A = arith.subi %broadcast_in_dim3A_939, %broadcast_in_dim3A_937 : vector<16xi32>
      %add3A_940 = arith.constant 15 : i32
      %add3A_941 = vector.broadcast %add3A_940 : i32 to vector<16xi32>
      %add3A_942 = arith.addi %sub3A, %add3A_941 : vector<16xi32>
      %shift_right_logical3A = arith.constant 4 : i32
      %shift_right_logical3A_943 = vector.broadcast %shift_right_logical3A : i32 to vector<16xi32>
      %shift_right_logical3A_944 = arith.shrui %add3A_942, %shift_right_logical3A_943 : vector<16xi32>
      %add3A_945 = arith.constant 1 : i32
      %add3A_946 = vector.broadcast %add3A_945 : i32 to vector<16xi32>
      %add3A_947 = arith.addi %iota3A, %add3A_946 : vector<16xi32>
      %mul3A_948 = arith.muli %add3A_947, %shift_right_logical3A_944 : vector<16xi32>
      %add3A_949 = arith.addi %broadcast_in_dim3A_937, %mul3A_948 : vector<16xi32>
      %min3A = arith.minsi %add3A_949, %broadcast_in_dim3A_939 : vector<16xi32>
      %jit3A = arith.constant 0 : i32
      %jit3A_950 = arith.constant 9999 : i32
      %max3A = vector.broadcast %jit3A : i32 to vector<16xi32>
      %max3A_951 = arith.maxsi %max3A, %min3A : vector<16xi32>
      %min3A_952 = vector.broadcast %jit3A_950 : i32 to vector<16xi32>
      %min3A_953 = arith.minsi %min3A_952, %max3A_951 : vector<16xi32>
      %gather3A = tpu.vector_load_idx %arg7[%min3A_953] : memref<10000xi32, #tpu.memory_space<vmem>>[vector<16xi32>], vector<16xi32>,
      %ge3A = vector.broadcast %add3A_935 : i32 to vector<16xi32>
      %ge3A_954 = arith.cmpi sge, %gather3A, %ge3A : vector<16xi32>
      %all_reduce_ffs3A = tpu.all_reduce %ge3A_954 {dim = 0 : i64, kind = #tpu.reduction_kind<find_first_set>} : vector<16xi1> -> vector<16xi32>
      %mul3A_955 = arith.muli %all_reduce_ffs3A, %shift_right_logical3A_944 : vector<16xi32>
      %add3A_956 = arith.addi %broadcast_in_dim3A_937, %mul3A_955 : vector<16xi32>
      %add3A_957 = arith.addi %add3A_956, %shift_right_logical3A_944 : vector<16xi32>
      %min3A_958 = arith.minsi %add3A_957, %broadcast_in_dim3A_939 : vector<16xi32>
      %sub3A_959 = arith.subi %min3A_958, %add3A_956 : vector<16xi32>
      %add3A_960 = arith.constant 15 : i32
      %add3A_961 = vector.broadcast %add3A_960 : i32 to vector<16xi32>
      %add3A_962 = arith.addi %sub3A_959, %add3A_961 : vector<16xi32>
      %shift_right_logical3A_963 = arith.constant 4 : i32
      %shift_right_logical3A_964 = vector.broadcast %shift_right_logical3A_963 : i32 to vector<16xi32>
      %shift_right_logical3A_965 = arith.shrui %add3A_962, %shift_right_logical3A_964 : vector<16xi32>
      %add3A_966 = arith.constant 1 : i32
      %add3A_967 = vector.broadcast %add3A_966 : i32 to vector<16xi32>
      %add3A_968 = arith.addi %iota3A, %add3A_967 : vector<16xi32>
      %mul3A_969 = arith.muli %add3A_968, %shift_right_logical3A_965 : vector<16xi32>
      %add3A_970 = arith.addi %add3A_956, %mul3A_969 : vector<16xi32>
      %min3A_971 = arith.minsi %add3A_970, %min3A_958 : vector<16xi32>
      %jit3A_972 = arith.constant 0 : i32
      %jit3A_973 = arith.constant 9999 : i32
      %max3A_974 = vector.broadcast %jit3A_972 : i32 to vector<16xi32>
      %max3A_975 = arith.maxsi %max3A_974, %min3A_971 : vector<16xi32>
      %min3A_976 = vector.broadcast %jit3A_973 : i32 to vector<16xi32>
      %min3A_977 = arith.minsi %min3A_976, %max3A_975 : vector<16xi32>
      %gather3A_978 = tpu.vector_load_idx %arg7[%min3A_977] : memref<10000xi32, #tpu.memory_space<vmem>>[vector<16xi32>], vector<16xi32>,
      %ge3A_979 = vector.broadcast %add3A_935 : i32 to vector<16xi32>
      %ge3A_980 = arith.cmpi sge, %gather3A_978, %ge3A_979 : vector<16xi32>
      %all_reduce_ffs3A_981 = tpu.all_reduce %ge3A_980 {dim = 0 : i64, kind = #tpu.reduction_kind<find_first_set>} : vector<16xi1> -> vector<16xi32>
      %mul3A_982 = arith.muli %all_reduce_ffs3A_981, %shift_right_logical3A_965 : vector<16xi32>
      %add3A_983 = arith.addi %add3A_956, %mul3A_982 : vector<16xi32>
      %add3A_984 = arith.addi %add3A_983, %shift_right_logical3A_965 : vector<16xi32>
      %min3A_985 = arith.minsi %add3A_984, %min3A_958 : vector<16xi32>
      %sub3A_986 = arith.subi %min3A_985, %add3A_983 : vector<16xi32>
      %add3A_987 = arith.constant 15 : i32
      %add3A_988 = vector.broadcast %add3A_987 : i32 to vector<16xi32>
      %add3A_989 = arith.addi %sub3A_986, %add3A_988 : vector<16xi32>
      %shift_right_logical3A_990 = arith.constant 4 : i32
      %shift_right_logical3A_991 = vector.broadcast %shift_right_logical3A_990 : i32 to vector<16xi32>
      %shift_right_logical3A_992 = arith.shrui %add3A_989, %shift_right_logical3A_991 : vector<16xi32>
      %add3A_993 = arith.constant 1 : i32
      %add3A_994 = vector.broadcast %add3A_993 : i32 to vector<16xi32>
      %add3A_995 = arith.addi %iota3A, %add3A_994 : vector<16xi32>
      %mul3A_996 = arith.muli %add3A_995, %shift_right_logical3A_992 : vector<16xi32>
      %add3A_997 = arith.addi %add3A_983, %mul3A_996 : vector<16xi32>
      %min3A_998 = arith.minsi %add3A_997, %min3A_985 : vector<16xi32>
      %jit3A_999 = arith.constant 0 : i32
      %jit3A_1000 = arith.constant 9999 : i32
      %max3A_1001 = vector.broadcast %jit3A_999 : i32 to vector<16xi32>
      %max3A_1002 = arith.maxsi %max3A_1001, %min3A_998 : vector<16xi32>
      %min3A_1003 = vector.broadcast %jit3A_1000 : i32 to vector<16xi32>
      %min3A_1004 = arith.minsi %min3A_1003, %max3A_1002 : vector<16xi32>
      %gather3A_1005 = tpu.vector_load_idx %arg7[%min3A_1004] : memref<10000xi32, #tpu.memory_space<vmem>>[vector<16xi32>], vector<16xi32>,
      %ge3A_1006 = vector.broadcast %add3A_935 : i32 to vector<16xi32>
      %ge3A_1007 = arith.cmpi sge, %gather3A_1005, %ge3A_1006 : vector<16xi32>
      %all_reduce_ffs3A_1008 = tpu.all_reduce %ge3A_1007 {dim = 0 : i64, kind = #tpu.reduction_kind<find_first_set>} : vector<16xi1> -> vector<16xi32>
      %mul3A_1009 = arith.muli %all_reduce_ffs3A_1008, %shift_right_logical3A_992 : vector<16xi32>
      %add3A_1010 = arith.addi %add3A_983, %mul3A_1009 : vector<16xi32>
      %add3A_1011 = arith.addi %add3A_1010, %shift_right_logical3A_992 : vector<16xi32>
      %min3A_1012 = arith.minsi %add3A_1011, %min3A_985 : vector<16xi32>
      %sub3A_1013 = arith.subi %min3A_1012, %add3A_1010 : vector<16xi32>
      %add3A_1014 = arith.constant 15 : i32
      %add3A_1015 = vector.broadcast %add3A_1014 : i32 to vector<16xi32>
      %add3A_1016 = arith.addi %sub3A_1013, %add3A_1015 : vector<16xi32>
      %shift_right_logical3A_1017 = arith.constant 4 : i32
      %shift_right_logical3A_1018 = vector.broadcast %shift_right_logical3A_1017 : i32 to vector<16xi32>
      %shift_right_logical3A_1019 = arith.shrui %add3A_1016, %shift_right_logical3A_1018 : vector<16xi32>
      %add3A_1020 = arith.constant 1 : i32
      %add3A_1021 = vector.broadcast %add3A_1020 : i32 to vector<16xi32>
      %add3A_1022 = arith.addi %iota3A, %add3A_1021 : vector<16xi32>
      %mul3A_1023 = arith.muli %add3A_1022, %shift_right_logical3A_1019 : vector<16xi32>
      %add3A_1024 = arith.addi %add3A_1010, %mul3A_1023 : vector<16xi32>
      %min3A_1025 = arith.minsi %add3A_1024, %min3A_1012 : vector<16xi32>
      %jit3A_1026 = arith.constant 0 : i32
      %jit3A_1027 = arith.constant 9999 : i32
      %max3A_1028 = vector.broadcast %jit3A_1026 : i32 to vector<16xi32>
      %max3A_1029 = arith.maxsi %max3A_1028, %min3A_1025 : vector<16xi32>
      %min3A_1030 = vector.broadcast %jit3A_1027 : i32 to vector<16xi32>
      %min3A_1031 = arith.minsi %min3A_1030, %max3A_1029 : vector<16xi32>
      %gather3A_1032 = tpu.vector_load_idx %arg7[%min3A_1031] : memref<10000xi32, #tpu.memory_space<vmem>>[vector<16xi32>], vector<16xi32>,
      %ge3A_1033 = vector.broadcast %add3A_935 : i32 to vector<16xi32>
      %ge3A_1034 = arith.cmpi sge, %gather3A_1032, %ge3A_1033 : vector<16xi32>
      %all_reduce_ffs3A_1035 = tpu.all_reduce %ge3A_1034 {dim = 0 : i64, kind = #tpu.reduction_kind<find_first_set>} : vector<16xi1> -> vector<16xi32>
      %mul3A_1036 = arith.muli %all_reduce_ffs3A_1035, %shift_right_logical3A_1019 : vector<16xi32>
      %add3A_1037 = arith.addi %add3A_1010, %mul3A_1036 : vector<16xi32>
      %add3A_1038 = arith.addi %add3A_1037, %shift_right_logical3A_1019 : vector<16xi32>
      %min3A_1039 = arith.minsi %add3A_1038, %min3A_1012 : vector<16xi32>
      %reduce_max3A_1040 = arith.constant true
      %reduce_max3A_1041 = vector.broadcast %reduce_max3A_1040 : i1 to vector<16xi1>
      %reduce_max3A_1042 = arith.constant -2147483648 : i32
      %reduce_max3A_1043 = vector.broadcast %reduce_max3A_1042 : i32 to vector<16xi32>
      %reduce_max3A_1044 = arith.xori %min3A_1039, %reduce_max3A_1043 : vector<16xi32>
      %reduce_max3A_1045 = tpu.scan <max>, %reduce_max3A_1044 masked %reduce_max3A_1041 : vector<16xi32>, vector<16xi1> -> vector<16xi32>
      %reduce_max3A_1046 = arith.xori %reduce_max3A_1045, %reduce_max3A_1043 : vector<16xi32>
      %reduce_max3A_1047 = vector.extract %reduce_max3A_1046[15] : i32 from vector<16xi32>
      %jit3A_1048 = arith.constant 10000 : i32
      %select_n3A = arith.select %lt3A, %reduce_max3A_1047, %jit3A_1048 : i32
      %shift_right_arithmetic3A = arith.constant 4 : i32
      %shift_right_arithmetic3A_1049 = arith.shrsi %while3A_933, %shift_right_arithmetic3A : i32
      %sub3A_1050 = arith.constant 1 : i32
      %sub3A_1051 = arith.subi %select_n3A, %sub3A_1050 : i32
      %max3A_1052 = arith.constant 0 : i32
      %max3A_1053 = arith.maxsi %sub3A_1051, %max3A_1052 : i32
      %shift_right_arithmetic3A_1054 = arith.constant 4 : i32
      %shift_right_arithmetic3A_1055 = arith.shrsi %max3A_1053, %shift_right_arithmetic3A_1054 : i32
      %mul3A_1056 = arith.constant 16 : i32
      %mul3A_1057 = arith.muli %shift_right_arithmetic3A_1049, %mul3A_1056 : i32
      %add3A_1058 = vector.broadcast %mul3A_1057 : i32 to vector<16xi32>
      %add3A_1059 = arith.addi %add3A_1058, %iota3A : vector<16xi32>
      %ge3A_1060 = vector.broadcast %while3A_933 : i32 to vector<16xi32>
      %ge3A_1061 = arith.cmpi sge, %add3A_1059, %ge3A_1060 : vector<16xi32>
      %lt3A_1062 = vector.broadcast %select_n3A : i32 to vector<16xi32>
      %lt3A_1063 = arith.cmpi slt, %add3A_1059, %lt3A_1062 : vector<16xi32>
      %and3A = arith.andi %ge3A_1061, %lt3A_1063 : vector<16xi1>
      %mul3A_1064 = arith.constant 16 : i32
      %mul3A_1065 = arith.muli %shift_right_arithmetic3A_1049, %mul3A_1064 : i32
      %get3A_1066 = arith.index_cast %mul3A_1065 : i32 to index
      %get3A_1067 = tpu.vector_load %arg5[%get3A_1066] {strides = array<i32>} : memref<10000xf32, #tpu.memory_space<vmem>>, vector<16xf32>,
      %jit3A_1068 = arith.constant 0.000000e+00 : f32
      %broadcast_in_dim3A_1069 = vector.broadcast %jit3A_1068 : f32 to vector<16xf32>
      %select_n3A_1070 = arith.select %and3A, %get3A_1067, %broadcast_in_dim3A_1069 : vector<16xi1>, vector<16xf32>
      %mul3A_1071 = arith.constant 16 : i32
      %mul3A_1072 = arith.muli %shift_right_arithmetic3A_1055, %mul3A_1071 : i32
      %add3A_1073 = vector.broadcast %mul3A_1072 : i32 to vector<16xi32>
      %add3A_1074 = arith.addi %add3A_1073, %iota3A : vector<16xi32>
      %ge3A_1075 = vector.broadcast %while3A_933 : i32 to vector<16xi32>
      %ge3A_1076 = arith.cmpi sge, %add3A_1074, %ge3A_1075 : vector<16xi32>
      %lt3A_1077 = vector.broadcast %select_n3A : i32 to vector<16xi32>
      %lt3A_1078 = arith.cmpi slt, %add3A_1074, %lt3A_1077 : vector<16xi32>
      %and3A_1079 = arith.andi %ge3A_1076, %lt3A_1078 : vector<16xi1>
      %lt3A_1080 = arith.cmpi slt, %shift_right_arithmetic3A_1049, %shift_right_arithmetic3A_1055 : i32
      %and3A_1081 = vector.broadcast %lt3A_1080 : i1 to vector<16xi1>
      %and3A_1082 = arith.andi %and3A_1079, %and3A_1081 : vector<16xi1>
      %mul3A_1083 = arith.constant 16 : i32
      %mul3A_1084 = arith.muli %shift_right_arithmetic3A_1055, %mul3A_1083 : i32
      %get3A_1085 = arith.index_cast %mul3A_1084 : i32 to index
      %get3A_1086 = tpu.vector_load %arg5[%get3A_1085] {strides = array<i32>} : memref<10000xf32, #tpu.memory_space<vmem>>, vector<16xf32>,
      %jit3A_1087 = arith.constant 0.000000e+00 : f32
      %broadcast_in_dim3A_1088 = vector.broadcast %jit3A_1087 : f32 to vector<16xf32>
      %select_n3A_1089 = arith.select %and3A_1082, %get3A_1086, %broadcast_in_dim3A_1088 : vector<16xi1>, vector<16xf32>
      %add3A_1090 = arith.constant 1 : i32
      %add3A_1091 = arith.addi %shift_right_arithmetic3A_1049, %add3A_1090 : i32
      %add3A_1092 = arith.addf %select_n3A_1070, %select_n3A_1089 : vector<16xf32>
      %parallel_loop3A = arith.constant 1 : i32
      %parallel_loop3A_1093 = scf.for %parallel_loop3A_1106 = %add3A_1091 to %shift_right_arithmetic3A_1055 step %parallel_loop3A iter_args(%parallel_loop3A_1107 = %add3A_1092) -> (vector<16xf32>)  : i32 {
        %parallel_loop3A_1108 = arith.constant 16 : i32
        %parallel_loop3A_1109 = arith.muli %parallel_loop3A_1106, %parallel_loop3A_1108 : i32
        %parallel_loop3A_1110 = arith.index_cast %parallel_loop3A_1109 : i32 to index
        %parallel_loop3A_1111 = tpu.vector_load %arg5[%parallel_loop3A_1110] {strides = array<i32>} : memref<10000xf32, #tpu.memory_space<vmem>>, vector<16xf32>,
        %parallel_loop3A_1112 = arith.addf %parallel_loop3A_1107, %parallel_loop3A_1111 : vector<16xf32>
        scf.yield %parallel_loop3A_1112 : vector<16xf32>
      } {sc.loop_unroll_factor = 8 : i64, sc.parallel_access}
      %reduce_sum3A = arith.constant true
      %reduce_sum3A_1094 = vector.broadcast %reduce_sum3A : i1 to vector<16xi1>
      %reduce_sum3A_1095 = tpu.scan <sum>, %parallel_loop3A_1093 masked %reduce_sum3A_1094 : vector<16xf32>, vector<16xi1> -> vector<16xf32>
      %reduce_sum3A_1096 = vector.extract %reduce_sum3A_1095[15] : f32 from vector<16xf32>
      %shift_right_arithmetic3A_1097 = arith.constant 4 : i32
      %shift_right_arithmetic3A_1098 = arith.shrsi %while3A_932, %shift_right_arithmetic3A_1097 : i32
      %broadcast_in_dim3A_1099 = vector.broadcast %shift_right_arithmetic3A_1098 : i32 to vector<16xi32>
      %and3A_1100 = arith.constant 15 : i32
      %and3A_1101 = arith.andi %while3A_932, %and3A_1100 : i32
      %broadcast_in_dim3A_1102 = vector.broadcast %and3A_1101 : i32 to vector<16xi32>
      %broadcast_in_dim3A_1103 = vector.broadcast %reduce_sum3A_1096 : f32 to vector<16xf32>
      %eq3A = arith.constant 0 : i32
      %eq3A_1104 = vector.broadcast %eq3A : i32 to vector<16xi32>
      %eq3A_1105 = arith.cmpi eq, %iota3A, %eq3A_1104 : vector<16xi32>
      tpu.vector_store_idx %arg9[%broadcast_in_dim3A_1099, %broadcast_in_dim3A_1102], %broadcast_in_dim3A_1103 masked %eq3A_1105 {add = true} : memref<64x16xf32, #tpu.memory_space<vmem>>[vector<16xi32>, vector<16xi32>], vector<16xf32>, vector<16xi1>
      scf.yield %select_n3A : i32
    }
    %add3A_388 = arith.constant 40000 : i32
    %add3A_389 = arith.addi %mul3A_2, %add3A_388 : i32
    %dma_start3A_390 = tpu.memref_slice %arg2[%add3A_389] : memref<1600000xf32, #tpu.memory_space<hbm>> -> memref<10000xf32, #tpu.memory_space<hbm>>
    %dma_start3A_391 = tpu.memref_slice %arg2[%add3A_389] : memref<1600000xf32, #tpu.memory_space<hbm>> -> memref<10000xf32, #tpu.memory_space<hbm>>
    tpu.enqueue_dma source(%dma_start3A_391 : memref<10000xf32, #tpu.memory_space<hbm>>) target(%arg5 : memref<10000xf32, #tpu.memory_space<vmem>>) target_semaphore(%arg13 : memref<!tpu.dma_semaphore, #tpu.memory_space<semaphore_mem>>)
    %dma_start3A_392 = tpu.memref_slice %arg3[%add3A_389] : memref<1600000xi32, #tpu.memory_space<hbm>> -> memref<10000xi32, #tpu.memory_space<hbm>>
    %dma_start3A_393 = tpu.memref_slice %arg3[%add3A_389] : memref<1600000xi32, #tpu.memory_space<hbm>> -> memref<10000xi32, #tpu.memory_space<hbm>>
    tpu.enqueue_dma source(%dma_start3A_393 : memref<10000xi32, #tpu.memory_space<hbm>>) target(%arg7 : memref<10000xi32, #tpu.memory_space<vmem>>) target_semaphore(%arg15 : memref<!tpu.dma_semaphore, #tpu.memory_space<semaphore_mem>>)
    %dma_wait3A_394 = tpu.memref_slice %arg3[%add3A_346] : memref<1600000xi32, #tpu.memory_space<hbm>> -> memref<10000xi32, #tpu.memory_space<hbm>>
    %dma_wait3A_395 = tpu.memref_slice %arg3[%add3A_346] : memref<1600000xi32, #tpu.memory_space<hbm>> -> memref<10000xi32, #tpu.memory_space<hbm>>
    tpu.wait_dma2 semaphore(%arg16 : memref<!tpu.dma_semaphore, #tpu.memory_space<semaphore_mem>>) src(%dma_wait3A_395 : memref<10000xi32, #tpu.memory_space<hbm>>) dst(%arg8 : memref<10000xi32, #tpu.memory_space<vmem>>)
    %get3A_396 = arith.constant 0 : index
    %get3A_397 = tpu.vector_load %arg8[%get3A_396] {strides = array<i32>} : memref<10000xi32, #tpu.memory_space<vmem>>, vector<16xi32>,
    %reduce_min3A_398 = arith.constant true
    %reduce_min3A_399 = vector.broadcast %reduce_min3A_398 : i1 to vector<16xi1>
    %reduce_min3A_400 = arith.constant -2147483648 : i32
    %reduce_min3A_401 = vector.broadcast %reduce_min3A_400 : i32 to vector<16xi32>
    %reduce_min3A_402 = arith.xori %get3A_397, %reduce_min3A_401 : vector<16xi32>
    %reduce_min3A_403 = tpu.scan <min>, %reduce_min3A_402 masked %reduce_min3A_399 : vector<16xi32>, vector<16xi1> -> vector<16xi32>
    %reduce_min3A_404 = arith.xori %reduce_min3A_403, %reduce_min3A_401 : vector<16xi32>
    %reduce_min3A_405 = vector.extract %reduce_min3A_404[15] : i32 from vector<16xi32>
    %get3A_406 = arith.constant 9984 : index
    %get3A_407 = tpu.vector_load %arg8[%get3A_406] {strides = array<i32>} : memref<10000xi32, #tpu.memory_space<vmem>>, vector<16xi32>,
    %reduce_max3A_408 = arith.constant true
    %reduce_max3A_409 = vector.broadcast %reduce_max3A_408 : i1 to vector<16xi1>
    %reduce_max3A_410 = arith.constant -2147483648 : i32
    %reduce_max3A_411 = vector.broadcast %reduce_max3A_410 : i32 to vector<16xi32>
    %reduce_max3A_412 = arith.xori %get3A_407, %reduce_max3A_411 : vector<16xi32>
    %reduce_max3A_413 = tpu.scan <max>, %reduce_max3A_412 masked %reduce_max3A_409 : vector<16xi32>, vector<16xi1> -> vector<16xi32>
    %reduce_max3A_414 = arith.xori %reduce_max3A_413, %reduce_max3A_411 : vector<16xi32>
    %reduce_max3A_415 = vector.extract %reduce_max3A_414[15] : i32 from vector<16xi32>
    %dma_wait3A_416 = tpu.memref_slice %arg2[%add3A_346] : memref<1600000xf32, #tpu.memory_space<hbm>> -> memref<10000xf32, #tpu.memory_space<hbm>>
    %dma_wait3A_417 = tpu.memref_slice %arg2[%add3A_346] : memref<1600000xf32, #tpu.memory_space<hbm>> -> memref<10000xf32, #tpu.memory_space<hbm>>
    tpu.wait_dma2 semaphore(%arg14 : memref<!tpu.dma_semaphore, #tpu.memory_space<semaphore_mem>>) src(%dma_wait3A_417 : memref<10000xf32, #tpu.memory_space<hbm>>) dst(%arg6 : memref<10000xf32, #tpu.memory_space<vmem>>)
    %add3A_418 = arith.constant 1 : i32
    %add3A_419 = arith.addi %reduce_max3A_415, %add3A_418 : i32
    %while3A_420 = arith.constant 0 : i32
    %while3A_421 = arith.subi %add3A_419, %reduce_min3A_405 : i32
    %while3A_422 = arith.addi %reduce_min3A_405, %while3A_421 : i32
    %while3A_423 = arith.constant 1 : i32
    %while3A_424 = arith.divsi %while3A_421, %while3A_423 : i32
    %while3A_425 = arith.muli %while3A_424, %while3A_423 : i32
    %while3A_426 = arith.addi %reduce_min3A_405, %while3A_425 : i32
    %while3A_427 = arith.constant 1 : i32
    %while3A_428 = scf.for %while3A_932 = %reduce_min3A_405 to %while3A_426 step %while3A_427 iter_args(%while3A_933 = %while3A_420) -> (i32)  : i32 {
      %lt3A = arith.cmpi slt, %while3A_932, %reduce_max3A_415 : i32
      %add3A_934 = arith.constant 1 : i32
      %add3A_935 = arith.addi %while3A_932, %add3A_934 : i32
      %broadcast_in_dim3A_936 = arith.constant -1 : i32
      %broadcast_in_dim3A_937 = vector.broadcast %broadcast_in_dim3A_936 : i32 to vector<16xi32>
      %broadcast_in_dim3A_938 = arith.constant 9999 : i32
      %broadcast_in_dim3A_939 = vector.broadcast %broadcast_in_dim3A_938 : i32 to vector<16xi32>
      %sub3A = arith.subi %broadcast_in_dim3A_939, %broadcast_in_dim3A_937 : vector<16xi32>
      %add3A_940 = arith.constant 15 : i32
      %add3A_941 = vector.broadcast %add3A_940 : i32 to vector<16xi32>
      %add3A_942 = arith.addi %sub3A, %add3A_941 : vector<16xi32>
      %shift_right_logical3A = arith.constant 4 : i32
      %shift_right_logical3A_943 = vector.broadcast %shift_right_logical3A : i32 to vector<16xi32>
      %shift_right_logical3A_944 = arith.shrui %add3A_942, %shift_right_logical3A_943 : vector<16xi32>
      %add3A_945 = arith.constant 1 : i32
      %add3A_946 = vector.broadcast %add3A_945 : i32 to vector<16xi32>
      %add3A_947 = arith.addi %iota3A, %add3A_946 : vector<16xi32>
      %mul3A_948 = arith.muli %add3A_947, %shift_right_logical3A_944 : vector<16xi32>
      %add3A_949 = arith.addi %broadcast_in_dim3A_937, %mul3A_948 : vector<16xi32>
      %min3A = arith.minsi %add3A_949, %broadcast_in_dim3A_939 : vector<16xi32>
      %jit3A = arith.constant 0 : i32
      %jit3A_950 = arith.constant 9999 : i32
      %max3A = vector.broadcast %jit3A : i32 to vector<16xi32>
      %max3A_951 = arith.maxsi %max3A, %min3A : vector<16xi32>
      %min3A_952 = vector.broadcast %jit3A_950 : i32 to vector<16xi32>
      %min3A_953 = arith.minsi %min3A_952, %max3A_951 : vector<16xi32>
      %gather3A = tpu.vector_load_idx %arg8[%min3A_953] : memref<10000xi32, #tpu.memory_space<vmem>>[vector<16xi32>], vector<16xi32>,
      %ge3A = vector.broadcast %add3A_935 : i32 to vector<16xi32>
      %ge3A_954 = arith.cmpi sge, %gather3A, %ge3A : vector<16xi32>
      %all_reduce_ffs3A = tpu.all_reduce %ge3A_954 {dim = 0 : i64, kind = #tpu.reduction_kind<find_first_set>} : vector<16xi1> -> vector<16xi32>
      %mul3A_955 = arith.muli %all_reduce_ffs3A, %shift_right_logical3A_944 : vector<16xi32>
      %add3A_956 = arith.addi %broadcast_in_dim3A_937, %mul3A_955 : vector<16xi32>
      %add3A_957 = arith.addi %add3A_956, %shift_right_logical3A_944 : vector<16xi32>
      %min3A_958 = arith.minsi %add3A_957, %broadcast_in_dim3A_939 : vector<16xi32>
      %sub3A_959 = arith.subi %min3A_958, %add3A_956 : vector<16xi32>
      %add3A_960 = arith.constant 15 : i32
      %add3A_961 = vector.broadcast %add3A_960 : i32 to vector<16xi32>
      %add3A_962 = arith.addi %sub3A_959, %add3A_961 : vector<16xi32>
      %shift_right_logical3A_963 = arith.constant 4 : i32
      %shift_right_logical3A_964 = vector.broadcast %shift_right_logical3A_963 : i32 to vector<16xi32>
      %shift_right_logical3A_965 = arith.shrui %add3A_962, %shift_right_logical3A_964 : vector<16xi32>
      %add3A_966 = arith.constant 1 : i32
      %add3A_967 = vector.broadcast %add3A_966 : i32 to vector<16xi32>
      %add3A_968 = arith.addi %iota3A, %add3A_967 : vector<16xi32>
      %mul3A_969 = arith.muli %add3A_968, %shift_right_logical3A_965 : vector<16xi32>
      %add3A_970 = arith.addi %add3A_956, %mul3A_969 : vector<16xi32>
      %min3A_971 = arith.minsi %add3A_970, %min3A_958 : vector<16xi32>
      %jit3A_972 = arith.constant 0 : i32
      %jit3A_973 = arith.constant 9999 : i32
      %max3A_974 = vector.broadcast %jit3A_972 : i32 to vector<16xi32>
      %max3A_975 = arith.maxsi %max3A_974, %min3A_971 : vector<16xi32>
      %min3A_976 = vector.broadcast %jit3A_973 : i32 to vector<16xi32>
      %min3A_977 = arith.minsi %min3A_976, %max3A_975 : vector<16xi32>
      %gather3A_978 = tpu.vector_load_idx %arg8[%min3A_977] : memref<10000xi32, #tpu.memory_space<vmem>>[vector<16xi32>], vector<16xi32>,
      %ge3A_979 = vector.broadcast %add3A_935 : i32 to vector<16xi32>
      %ge3A_980 = arith.cmpi sge, %gather3A_978, %ge3A_979 : vector<16xi32>
      %all_reduce_ffs3A_981 = tpu.all_reduce %ge3A_980 {dim = 0 : i64, kind = #tpu.reduction_kind<find_first_set>} : vector<16xi1> -> vector<16xi32>
      %mul3A_982 = arith.muli %all_reduce_ffs3A_981, %shift_right_logical3A_965 : vector<16xi32>
      %add3A_983 = arith.addi %add3A_956, %mul3A_982 : vector<16xi32>
      %add3A_984 = arith.addi %add3A_983, %shift_right_logical3A_965 : vector<16xi32>
      %min3A_985 = arith.minsi %add3A_984, %min3A_958 : vector<16xi32>
      %sub3A_986 = arith.subi %min3A_985, %add3A_983 : vector<16xi32>
      %add3A_987 = arith.constant 15 : i32
      %add3A_988 = vector.broadcast %add3A_987 : i32 to vector<16xi32>
      %add3A_989 = arith.addi %sub3A_986, %add3A_988 : vector<16xi32>
      %shift_right_logical3A_990 = arith.constant 4 : i32
      %shift_right_logical3A_991 = vector.broadcast %shift_right_logical3A_990 : i32 to vector<16xi32>
      %shift_right_logical3A_992 = arith.shrui %add3A_989, %shift_right_logical3A_991 : vector<16xi32>
      %add3A_993 = arith.constant 1 : i32
      %add3A_994 = vector.broadcast %add3A_993 : i32 to vector<16xi32>
      %add3A_995 = arith.addi %iota3A, %add3A_994 : vector<16xi32>
      %mul3A_996 = arith.muli %add3A_995, %shift_right_logical3A_992 : vector<16xi32>
      %add3A_997 = arith.addi %add3A_983, %mul3A_996 : vector<16xi32>
      %min3A_998 = arith.minsi %add3A_997, %min3A_985 : vector<16xi32>
      %jit3A_999 = arith.constant 0 : i32
      %jit3A_1000 = arith.constant 9999 : i32
      %max3A_1001 = vector.broadcast %jit3A_999 : i32 to vector<16xi32>
      %max3A_1002 = arith.maxsi %max3A_1001, %min3A_998 : vector<16xi32>
      %min3A_1003 = vector.broadcast %jit3A_1000 : i32 to vector<16xi32>
      %min3A_1004 = arith.minsi %min3A_1003, %max3A_1002 : vector<16xi32>
      %gather3A_1005 = tpu.vector_load_idx %arg8[%min3A_1004] : memref<10000xi32, #tpu.memory_space<vmem>>[vector<16xi32>], vector<16xi32>,
      %ge3A_1006 = vector.broadcast %add3A_935 : i32 to vector<16xi32>
      %ge3A_1007 = arith.cmpi sge, %gather3A_1005, %ge3A_1006 : vector<16xi32>
      %all_reduce_ffs3A_1008 = tpu.all_reduce %ge3A_1007 {dim = 0 : i64, kind = #tpu.reduction_kind<find_first_set>} : vector<16xi1> -> vector<16xi32>
      %mul3A_1009 = arith.muli %all_reduce_ffs3A_1008, %shift_right_logical3A_992 : vector<16xi32>
      %add3A_1010 = arith.addi %add3A_983, %mul3A_1009 : vector<16xi32>
      %add3A_1011 = arith.addi %add3A_1010, %shift_right_logical3A_992 : vector<16xi32>
      %min3A_1012 = arith.minsi %add3A_1011, %min3A_985 : vector<16xi32>
      %sub3A_1013 = arith.subi %min3A_1012, %add3A_1010 : vector<16xi32>
      %add3A_1014 = arith.constant 15 : i32
      %add3A_1015 = vector.broadcast %add3A_1014 : i32 to vector<16xi32>
      %add3A_1016 = arith.addi %sub3A_1013, %add3A_1015 : vector<16xi32>
      %shift_right_logical3A_1017 = arith.constant 4 : i32
      %shift_right_logical3A_1018 = vector.broadcast %shift_right_logical3A_1017 : i32 to vector<16xi32>
      %shift_right_logical3A_1019 = arith.shrui %add3A_1016, %shift_right_logical3A_1018 : vector<16xi32>
      %add3A_1020 = arith.constant 1 : i32
      %add3A_1021 = vector.broadcast %add3A_1020 : i32 to vector<16xi32>
      %add3A_1022 = arith.addi %iota3A, %add3A_1021 : vector<16xi32>
      %mul3A_1023 = arith.muli %add3A_1022, %shift_right_logical3A_1019 : vector<16xi32>
      %add3A_1024 = arith.addi %add3A_1010, %mul3A_1023 : vector<16xi32>
      %min3A_1025 = arith.minsi %add3A_1024, %min3A_1012 : vector<16xi32>
      %jit3A_1026 = arith.constant 0 : i32
      %jit3A_1027 = arith.constant 9999 : i32
      %max3A_1028 = vector.broadcast %jit3A_1026 : i32 to vector<16xi32>
      %max3A_1029 = arith.maxsi %max3A_1028, %min3A_1025 : vector<16xi32>
      %min3A_1030 = vector.broadcast %jit3A_1027 : i32 to vector<16xi32>
      %min3A_1031 = arith.minsi %min3A_1030, %max3A_1029 : vector<16xi32>
      %gather3A_1032 = tpu.vector_load_idx %arg8[%min3A_1031] : memref<10000xi32, #tpu.memory_space<vmem>>[vector<16xi32>], vector<16xi32>,
      %ge3A_1033 = vector.broadcast %add3A_935 : i32 to vector<16xi32>
      %ge3A_1034 = arith.cmpi sge, %gather3A_1032, %ge3A_1033 : vector<16xi32>
      %all_reduce_ffs3A_1035 = tpu.all_reduce %ge3A_1034 {dim = 0 : i64, kind = #tpu.reduction_kind<find_first_set>} : vector<16xi1> -> vector<16xi32>
      %mul3A_1036 = arith.muli %all_reduce_ffs3A_1035, %shift_right_logical3A_1019 : vector<16xi32>
      %add3A_1037 = arith.addi %add3A_1010, %mul3A_1036 : vector<16xi32>
      %add3A_1038 = arith.addi %add3A_1037, %shift_right_logical3A_1019 : vector<16xi32>
      %min3A_1039 = arith.minsi %add3A_1038, %min3A_1012 : vector<16xi32>
      %reduce_max3A_1040 = arith.constant true
      %reduce_max3A_1041 = vector.broadcast %reduce_max3A_1040 : i1 to vector<16xi1>
      %reduce_max3A_1042 = arith.constant -2147483648 : i32
      %reduce_max3A_1043 = vector.broadcast %reduce_max3A_1042 : i32 to vector<16xi32>
      %reduce_max3A_1044 = arith.xori %min3A_1039, %reduce_max3A_1043 : vector<16xi32>
      %reduce_max3A_1045 = tpu.scan <max>, %reduce_max3A_1044 masked %reduce_max3A_1041 : vector<16xi32>, vector<16xi1> -> vector<16xi32>
      %reduce_max3A_1046 = arith.xori %reduce_max3A_1045, %reduce_max3A_1043 : vector<16xi32>
      %reduce_max3A_1047 = vector.extract %reduce_max3A_1046[15] : i32 from vector<16xi32>
      %jit3A_1048 = arith.constant 10000 : i32
      %select_n3A = arith.select %lt3A, %reduce_max3A_1047, %jit3A_1048 : i32
      %shift_right_arithmetic3A = arith.constant 4 : i32
      %shift_right_arithmetic3A_1049 = arith.shrsi %while3A_933, %shift_right_arithmetic3A : i32
      %sub3A_1050 = arith.constant 1 : i32
      %sub3A_1051 = arith.subi %select_n3A, %sub3A_1050 : i32
      %max3A_1052 = arith.constant 0 : i32
      %max3A_1053 = arith.maxsi %sub3A_1051, %max3A_1052 : i32
      %shift_right_arithmetic3A_1054 = arith.constant 4 : i32
      %shift_right_arithmetic3A_1055 = arith.shrsi %max3A_1053, %shift_right_arithmetic3A_1054 : i32
      %mul3A_1056 = arith.constant 16 : i32
      %mul3A_1057 = arith.muli %shift_right_arithmetic3A_1049, %mul3A_1056 : i32
      %add3A_1058 = vector.broadcast %mul3A_1057 : i32 to vector<16xi32>
      %add3A_1059 = arith.addi %add3A_1058, %iota3A : vector<16xi32>
      %ge3A_1060 = vector.broadcast %while3A_933 : i32 to vector<16xi32>
      %ge3A_1061 = arith.cmpi sge, %add3A_1059, %ge3A_1060 : vector<16xi32>
      %lt3A_1062 = vector.broadcast %select_n3A : i32 to vector<16xi32>
      %lt3A_1063 = arith.cmpi slt, %add3A_1059, %lt3A_1062 : vector<16xi32>
      %and3A = arith.andi %ge3A_1061, %lt3A_1063 : vector<16xi1>
      %mul3A_1064 = arith.constant 16 : i32
      %mul3A_1065 = arith.muli %shift_right_arithmetic3A_1049, %mul3A_1064 : i32
      %get3A_1066 = arith.index_cast %mul3A_1065 : i32 to index
      %get3A_1067 = tpu.vector_load %arg6[%get3A_1066] {strides = array<i32>} : memref<10000xf32, #tpu.memory_space<vmem>>, vector<16xf32>,
      %jit3A_1068 = arith.constant 0.000000e+00 : f32
      %broadcast_in_dim3A_1069 = vector.broadcast %jit3A_1068 : f32 to vector<16xf32>
      %select_n3A_1070 = arith.select %and3A, %get3A_1067, %broadcast_in_dim3A_1069 : vector<16xi1>, vector<16xf32>
      %mul3A_1071 = arith.constant 16 : i32
      %mul3A_1072 = arith.muli %shift_right_arithmetic3A_1055, %mul3A_1071 : i32
      %add3A_1073 = vector.broadcast %mul3A_1072 : i32 to vector<16xi32>
      %add3A_1074 = arith.addi %add3A_1073, %iota3A : vector<16xi32>
      %ge3A_1075 = vector.broadcast %while3A_933 : i32 to vector<16xi32>
      %ge3A_1076 = arith.cmpi sge, %add3A_1074, %ge3A_1075 : vector<16xi32>
      %lt3A_1077 = vector.broadcast %select_n3A : i32 to vector<16xi32>
      %lt3A_1078 = arith.cmpi slt, %add3A_1074, %lt3A_1077 : vector<16xi32>
      %and3A_1079 = arith.andi %ge3A_1076, %lt3A_1078 : vector<16xi1>
      %lt3A_1080 = arith.cmpi slt, %shift_right_arithmetic3A_1049, %shift_right_arithmetic3A_1055 : i32
      %and3A_1081 = vector.broadcast %lt3A_1080 : i1 to vector<16xi1>
      %and3A_1082 = arith.andi %and3A_1079, %and3A_1081 : vector<16xi1>
      %mul3A_1083 = arith.constant 16 : i32
      %mul3A_1084 = arith.muli %shift_right_arithmetic3A_1055, %mul3A_1083 : i32
      %get3A_1085 = arith.index_cast %mul3A_1084 : i32 to index
      %get3A_1086 = tpu.vector_load %arg6[%get3A_1085] {strides = array<i32>} : memref<10000xf32, #tpu.memory_space<vmem>>, vector<16xf32>,
      %jit3A_1087 = arith.constant 0.000000e+00 : f32
      %broadcast_in_dim3A_1088 = vector.broadcast %jit3A_1087 : f32 to vector<16xf32>
      %select_n3A_1089 = arith.select %and3A_1082, %get3A_1086, %broadcast_in_dim3A_1088 : vector<16xi1>, vector<16xf32>
      %add3A_1090 = arith.constant 1 : i32
      %add3A_1091 = arith.addi %shift_right_arithmetic3A_1049, %add3A_1090 : i32
      %add3A_1092 = arith.addf %select_n3A_1070, %select_n3A_1089 : vector<16xf32>
      %parallel_loop3A = arith.constant 1 : i32
      %parallel_loop3A_1093 = scf.for %parallel_loop3A_1106 = %add3A_1091 to %shift_right_arithmetic3A_1055 step %parallel_loop3A iter_args(%parallel_loop3A_1107 = %add3A_1092) -> (vector<16xf32>)  : i32 {
        %parallel_loop3A_1108 = arith.constant 16 : i32
        %parallel_loop3A_1109 = arith.muli %parallel_loop3A_1106, %parallel_loop3A_1108 : i32
        %parallel_loop3A_1110 = arith.index_cast %parallel_loop3A_1109 : i32 to index
        %parallel_loop3A_1111 = tpu.vector_load %arg6[%parallel_loop3A_1110] {strides = array<i32>} : memref<10000xf32, #tpu.memory_space<vmem>>, vector<16xf32>,
        %parallel_loop3A_1112 = arith.addf %parallel_loop3A_1107, %parallel_loop3A_1111 : vector<16xf32>
        scf.yield %parallel_loop3A_1112 : vector<16xf32>
      } {sc.loop_unroll_factor = 8 : i64, sc.parallel_access}
      %reduce_sum3A = arith.constant true
      %reduce_sum3A_1094 = vector.broadcast %reduce_sum3A : i1 to vector<16xi1>
      %reduce_sum3A_1095 = tpu.scan <sum>, %parallel_loop3A_1093 masked %reduce_sum3A_1094 : vector<16xf32>, vector<16xi1> -> vector<16xf32>
      %reduce_sum3A_1096 = vector.extract %reduce_sum3A_1095[15] : f32 from vector<16xf32>
      %shift_right_arithmetic3A_1097 = arith.constant 4 : i32
      %shift_right_arithmetic3A_1098 = arith.shrsi %while3A_932, %shift_right_arithmetic3A_1097 : i32
      %broadcast_in_dim3A_1099 = vector.broadcast %shift_right_arithmetic3A_1098 : i32 to vector<16xi32>
      %and3A_1100 = arith.constant 15 : i32
      %and3A_1101 = arith.andi %while3A_932, %and3A_1100 : i32
      %broadcast_in_dim3A_1102 = vector.broadcast %and3A_1101 : i32 to vector<16xi32>
      %broadcast_in_dim3A_1103 = vector.broadcast %reduce_sum3A_1096 : f32 to vector<16xf32>
      %eq3A = arith.constant 0 : i32
      %eq3A_1104 = vector.broadcast %eq3A : i32 to vector<16xi32>
      %eq3A_1105 = arith.cmpi eq, %iota3A, %eq3A_1104 : vector<16xi32>
      tpu.vector_store_idx %arg9[%broadcast_in_dim3A_1099, %broadcast_in_dim3A_1102], %broadcast_in_dim3A_1103 masked %eq3A_1105 {add = true} : memref<64x16xf32, #tpu.memory_space<vmem>>[vector<16xi32>, vector<16xi32>], vector<16xf32>, vector<16xi1>
      scf.yield %select_n3A : i32
    }
    %while3A_429 = arith.constant 1 : i32
    %while3A_430 = scf.for %while3A_932 = %while3A_426 to %while3A_422 step %while3A_429 iter_args(%while3A_933 = %while3A_428) -> (i32)  : i32 {
      %lt3A = arith.cmpi slt, %while3A_932, %reduce_max3A_415 : i32
      %add3A_934 = arith.constant 1 : i32
      %add3A_935 = arith.addi %while3A_932, %add3A_934 : i32
      %broadcast_in_dim3A_936 = arith.constant -1 : i32
      %broadcast_in_dim3A_937 = vector.broadcast %broadcast_in_dim3A_936 : i32 to vector<16xi32>
      %broadcast_in_dim3A_938 = arith.constant 9999 : i32
      %broadcast_in_dim3A_939 = vector.broadcast %broadcast_in_dim3A_938 : i32 to vector<16xi32>
      %sub3A = arith.subi %broadcast_in_dim3A_939, %broadcast_in_dim3A_937 : vector<16xi32>
      %add3A_940 = arith.constant 15 : i32
      %add3A_941 = vector.broadcast %add3A_940 : i32 to vector<16xi32>
      %add3A_942 = arith.addi %sub3A, %add3A_941 : vector<16xi32>
      %shift_right_logical3A = arith.constant 4 : i32
      %shift_right_logical3A_943 = vector.broadcast %shift_right_logical3A : i32 to vector<16xi32>
      %shift_right_logical3A_944 = arith.shrui %add3A_942, %shift_right_logical3A_943 : vector<16xi32>
      %add3A_945 = arith.constant 1 : i32
      %add3A_946 = vector.broadcast %add3A_945 : i32 to vector<16xi32>
      %add3A_947 = arith.addi %iota3A, %add3A_946 : vector<16xi32>
      %mul3A_948 = arith.muli %add3A_947, %shift_right_logical3A_944 : vector<16xi32>
      %add3A_949 = arith.addi %broadcast_in_dim3A_937, %mul3A_948 : vector<16xi32>
      %min3A = arith.minsi %add3A_949, %broadcast_in_dim3A_939 : vector<16xi32>
      %jit3A = arith.constant 0 : i32
      %jit3A_950 = arith.constant 9999 : i32
      %max3A = vector.broadcast %jit3A : i32 to vector<16xi32>
      %max3A_951 = arith.maxsi %max3A, %min3A : vector<16xi32>
      %min3A_952 = vector.broadcast %jit3A_950 : i32 to vector<16xi32>
      %min3A_953 = arith.minsi %min3A_952, %max3A_951 : vector<16xi32>
      %gather3A = tpu.vector_load_idx %arg8[%min3A_953] : memref<10000xi32, #tpu.memory_space<vmem>>[vector<16xi32>], vector<16xi32>,
      %ge3A = vector.broadcast %add3A_935 : i32 to vector<16xi32>
      %ge3A_954 = arith.cmpi sge, %gather3A, %ge3A : vector<16xi32>
      %all_reduce_ffs3A = tpu.all_reduce %ge3A_954 {dim = 0 : i64, kind = #tpu.reduction_kind<find_first_set>} : vector<16xi1> -> vector<16xi32>
      %mul3A_955 = arith.muli %all_reduce_ffs3A, %shift_right_logical3A_944 : vector<16xi32>
      %add3A_956 = arith.addi %broadcast_in_dim3A_937, %mul3A_955 : vector<16xi32>
      %add3A_957 = arith.addi %add3A_956, %shift_right_logical3A_944 : vector<16xi32>
      %min3A_958 = arith.minsi %add3A_957, %broadcast_in_dim3A_939 : vector<16xi32>
      %sub3A_959 = arith.subi %min3A_958, %add3A_956 : vector<16xi32>
      %add3A_960 = arith.constant 15 : i32
      %add3A_961 = vector.broadcast %add3A_960 : i32 to vector<16xi32>
      %add3A_962 = arith.addi %sub3A_959, %add3A_961 : vector<16xi32>
      %shift_right_logical3A_963 = arith.constant 4 : i32
      %shift_right_logical3A_964 = vector.broadcast %shift_right_logical3A_963 : i32 to vector<16xi32>
      %shift_right_logical3A_965 = arith.shrui %add3A_962, %shift_right_logical3A_964 : vector<16xi32>
      %add3A_966 = arith.constant 1 : i32
      %add3A_967 = vector.broadcast %add3A_966 : i32 to vector<16xi32>
      %add3A_968 = arith.addi %iota3A, %add3A_967 : vector<16xi32>
      %mul3A_969 = arith.muli %add3A_968, %shift_right_logical3A_965 : vector<16xi32>
      %add3A_970 = arith.addi %add3A_956, %mul3A_969 : vector<16xi32>
      %min3A_971 = arith.minsi %add3A_970, %min3A_958 : vector<16xi32>
      %jit3A_972 = arith.constant 0 : i32
      %jit3A_973 = arith.constant 9999 : i32
      %max3A_974 = vector.broadcast %jit3A_972 : i32 to vector<16xi32>
      %max3A_975 = arith.maxsi %max3A_974, %min3A_971 : vector<16xi32>
      %min3A_976 = vector.broadcast %jit3A_973 : i32 to vector<16xi32>
      %min3A_977 = arith.minsi %min3A_976, %max3A_975 : vector<16xi32>
      %gather3A_978 = tpu.vector_load_idx %arg8[%min3A_977] : memref<10000xi32, #tpu.memory_space<vmem>>[vector<16xi32>], vector<16xi32>,
      %ge3A_979 = vector.broadcast %add3A_935 : i32 to vector<16xi32>
      %ge3A_980 = arith.cmpi sge, %gather3A_978, %ge3A_979 : vector<16xi32>
      %all_reduce_ffs3A_981 = tpu.all_reduce %ge3A_980 {dim = 0 : i64, kind = #tpu.reduction_kind<find_first_set>} : vector<16xi1> -> vector<16xi32>
      %mul3A_982 = arith.muli %all_reduce_ffs3A_981, %shift_right_logical3A_965 : vector<16xi32>
      %add3A_983 = arith.addi %add3A_956, %mul3A_982 : vector<16xi32>
      %add3A_984 = arith.addi %add3A_983, %shift_right_logical3A_965 : vector<16xi32>
      %min3A_985 = arith.minsi %add3A_984, %min3A_958 : vector<16xi32>
      %sub3A_986 = arith.subi %min3A_985, %add3A_983 : vector<16xi32>
      %add3A_987 = arith.constant 15 : i32
      %add3A_988 = vector.broadcast %add3A_987 : i32 to vector<16xi32>
      %add3A_989 = arith.addi %sub3A_986, %add3A_988 : vector<16xi32>
      %shift_right_logical3A_990 = arith.constant 4 : i32
      %shift_right_logical3A_991 = vector.broadcast %shift_right_logical3A_990 : i32 to vector<16xi32>
      %shift_right_logical3A_992 = arith.shrui %add3A_989, %shift_right_logical3A_991 : vector<16xi32>
      %add3A_993 = arith.constant 1 : i32
      %add3A_994 = vector.broadcast %add3A_993 : i32 to vector<16xi32>
      %add3A_995 = arith.addi %iota3A, %add3A_994 : vector<16xi32>
      %mul3A_996 = arith.muli %add3A_995, %shift_right_logical3A_992 : vector<16xi32>
      %add3A_997 = arith.addi %add3A_983, %mul3A_996 : vector<16xi32>
      %min3A_998 = arith.minsi %add3A_997, %min3A_985 : vector<16xi32>
      %jit3A_999 = arith.constant 0 : i32
      %jit3A_1000 = arith.constant 9999 : i32
      %max3A_1001 = vector.broadcast %jit3A_999 : i32 to vector<16xi32>
      %max3A_1002 = arith.maxsi %max3A_1001, %min3A_998 : vector<16xi32>
      %min3A_1003 = vector.broadcast %jit3A_1000 : i32 to vector<16xi32>
      %min3A_1004 = arith.minsi %min3A_1003, %max3A_1002 : vector<16xi32>
      %gather3A_1005 = tpu.vector_load_idx %arg8[%min3A_1004] : memref<10000xi32, #tpu.memory_space<vmem>>[vector<16xi32>], vector<16xi32>,
      %ge3A_1006 = vector.broadcast %add3A_935 : i32 to vector<16xi32>
      %ge3A_1007 = arith.cmpi sge, %gather3A_1005, %ge3A_1006 : vector<16xi32>
      %all_reduce_ffs3A_1008 = tpu.all_reduce %ge3A_1007 {dim = 0 : i64, kind = #tpu.reduction_kind<find_first_set>} : vector<16xi1> -> vector<16xi32>
      %mul3A_1009 = arith.muli %all_reduce_ffs3A_1008, %shift_right_logical3A_992 : vector<16xi32>
      %add3A_1010 = arith.addi %add3A_983, %mul3A_1009 : vector<16xi32>
      %add3A_1011 = arith.addi %add3A_1010, %shift_right_logical3A_992 : vector<16xi32>
      %min3A_1012 = arith.minsi %add3A_1011, %min3A_985 : vector<16xi32>
      %sub3A_1013 = arith.subi %min3A_1012, %add3A_1010 : vector<16xi32>
      %add3A_1014 = arith.constant 15 : i32
      %add3A_1015 = vector.broadcast %add3A_1014 : i32 to vector<16xi32>
      %add3A_1016 = arith.addi %sub3A_1013, %add3A_1015 : vector<16xi32>
      %shift_right_logical3A_1017 = arith.constant 4 : i32
      %shift_right_logical3A_1018 = vector.broadcast %shift_right_logical3A_1017 : i32 to vector<16xi32>
      %shift_right_logical3A_1019 = arith.shrui %add3A_1016, %shift_right_logical3A_1018 : vector<16xi32>
      %add3A_1020 = arith.constant 1 : i32
      %add3A_1021 = vector.broadcast %add3A_1020 : i32 to vector<16xi32>
      %add3A_1022 = arith.addi %iota3A, %add3A_1021 : vector<16xi32>
      %mul3A_1023 = arith.muli %add3A_1022, %shift_right_logical3A_1019 : vector<16xi32>
      %add3A_1024 = arith.addi %add3A_1010, %mul3A_1023 : vector<16xi32>
      %min3A_1025 = arith.minsi %add3A_1024, %min3A_1012 : vector<16xi32>
      %jit3A_1026 = arith.constant 0 : i32
      %jit3A_1027 = arith.constant 9999 : i32
      %max3A_1028 = vector.broadcast %jit3A_1026 : i32 to vector<16xi32>
      %max3A_1029 = arith.maxsi %max3A_1028, %min3A_1025 : vector<16xi32>
      %min3A_1030 = vector.broadcast %jit3A_1027 : i32 to vector<16xi32>
      %min3A_1031 = arith.minsi %min3A_1030, %max3A_1029 : vector<16xi32>
      %gather3A_1032 = tpu.vector_load_idx %arg8[%min3A_1031] : memref<10000xi32, #tpu.memory_space<vmem>>[vector<16xi32>], vector<16xi32>,
      %ge3A_1033 = vector.broadcast %add3A_935 : i32 to vector<16xi32>
      %ge3A_1034 = arith.cmpi sge, %gather3A_1032, %ge3A_1033 : vector<16xi32>
      %all_reduce_ffs3A_1035 = tpu.all_reduce %ge3A_1034 {dim = 0 : i64, kind = #tpu.reduction_kind<find_first_set>} : vector<16xi1> -> vector<16xi32>
      %mul3A_1036 = arith.muli %all_reduce_ffs3A_1035, %shift_right_logical3A_1019 : vector<16xi32>
      %add3A_1037 = arith.addi %add3A_1010, %mul3A_1036 : vector<16xi32>
      %add3A_1038 = arith.addi %add3A_1037, %shift_right_logical3A_1019 : vector<16xi32>
      %min3A_1039 = arith.minsi %add3A_1038, %min3A_1012 : vector<16xi32>
      %reduce_max3A_1040 = arith.constant true
      %reduce_max3A_1041 = vector.broadcast %reduce_max3A_1040 : i1 to vector<16xi1>
      %reduce_max3A_1042 = arith.constant -2147483648 : i32
      %reduce_max3A_1043 = vector.broadcast %reduce_max3A_1042 : i32 to vector<16xi32>
      %reduce_max3A_1044 = arith.xori %min3A_1039, %reduce_max3A_1043 : vector<16xi32>
      %reduce_max3A_1045 = tpu.scan <max>, %reduce_max3A_1044 masked %reduce_max3A_1041 : vector<16xi32>, vector<16xi1> -> vector<16xi32>
      %reduce_max3A_1046 = arith.xori %reduce_max3A_1045, %reduce_max3A_1043 : vector<16xi32>
      %reduce_max3A_1047 = vector.extract %reduce_max3A_1046[15] : i32 from vector<16xi32>
      %jit3A_1048 = arith.constant 10000 : i32
      %select_n3A = arith.select %lt3A, %reduce_max3A_1047, %jit3A_1048 : i32
      %shift_right_arithmetic3A = arith.constant 4 : i32
      %shift_right_arithmetic3A_1049 = arith.shrsi %while3A_933, %shift_right_arithmetic3A : i32
      %sub3A_1050 = arith.constant 1 : i32
      %sub3A_1051 = arith.subi %select_n3A, %sub3A_1050 : i32
      %max3A_1052 = arith.constant 0 : i32
      %max3A_1053 = arith.maxsi %sub3A_1051, %max3A_1052 : i32
      %shift_right_arithmetic3A_1054 = arith.constant 4 : i32
      %shift_right_arithmetic3A_1055 = arith.shrsi %max3A_1053, %shift_right_arithmetic3A_1054 : i32
      %mul3A_1056 = arith.constant 16 : i32
      %mul3A_1057 = arith.muli %shift_right_arithmetic3A_1049, %mul3A_1056 : i32
      %add3A_1058 = vector.broadcast %mul3A_1057 : i32 to vector<16xi32>
      %add3A_1059 = arith.addi %add3A_1058, %iota3A : vector<16xi32>
      %ge3A_1060 = vector.broadcast %while3A_933 : i32 to vector<16xi32>
      %ge3A_1061 = arith.cmpi sge, %add3A_1059, %ge3A_1060 : vector<16xi32>
      %lt3A_1062 = vector.broadcast %select_n3A : i32 to vector<16xi32>
      %lt3A_1063 = arith.cmpi slt, %add3A_1059, %lt3A_1062 : vector<16xi32>
      %and3A = arith.andi %ge3A_1061, %lt3A_1063 : vector<16xi1>
      %mul3A_1064 = arith.constant 16 : i32
      %mul3A_1065 = arith.muli %shift_right_arithmetic3A_1049, %mul3A_1064 : i32
      %get3A_1066 = arith.index_cast %mul3A_1065 : i32 to index
      %get3A_1067 = tpu.vector_load %arg6[%get3A_1066] {strides = array<i32>} : memref<10000xf32, #tpu.memory_space<vmem>>, vector<16xf32>,
      %jit3A_1068 = arith.constant 0.000000e+00 : f32
      %broadcast_in_dim3A_1069 = vector.broadcast %jit3A_1068 : f32 to vector<16xf32>
      %select_n3A_1070 = arith.select %and3A, %get3A_1067, %broadcast_in_dim3A_1069 : vector<16xi1>, vector<16xf32>
      %mul3A_1071 = arith.constant 16 : i32
      %mul3A_1072 = arith.muli %shift_right_arithmetic3A_1055, %mul3A_1071 : i32
      %add3A_1073 = vector.broadcast %mul3A_1072 : i32 to vector<16xi32>
      %add3A_1074 = arith.addi %add3A_1073, %iota3A : vector<16xi32>
      %ge3A_1075 = vector.broadcast %while3A_933 : i32 to vector<16xi32>
      %ge3A_1076 = arith.cmpi sge, %add3A_1074, %ge3A_1075 : vector<16xi32>
      %lt3A_1077 = vector.broadcast %select_n3A : i32 to vector<16xi32>
      %lt3A_1078 = arith.cmpi slt, %add3A_1074, %lt3A_1077 : vector<16xi32>
      %and3A_1079 = arith.andi %ge3A_1076, %lt3A_1078 : vector<16xi1>
      %lt3A_1080 = arith.cmpi slt, %shift_right_arithmetic3A_1049, %shift_right_arithmetic3A_1055 : i32
      %and3A_1081 = vector.broadcast %lt3A_1080 : i1 to vector<16xi1>
      %and3A_1082 = arith.andi %and3A_1079, %and3A_1081 : vector<16xi1>
      %mul3A_1083 = arith.constant 16 : i32
      %mul3A_1084 = arith.muli %shift_right_arithmetic3A_1055, %mul3A_1083 : i32
      %get3A_1085 = arith.index_cast %mul3A_1084 : i32 to index
      %get3A_1086 = tpu.vector_load %arg6[%get3A_1085] {strides = array<i32>} : memref<10000xf32, #tpu.memory_space<vmem>>, vector<16xf32>,
      %jit3A_1087 = arith.constant 0.000000e+00 : f32
      %broadcast_in_dim3A_1088 = vector.broadcast %jit3A_1087 : f32 to vector<16xf32>
      %select_n3A_1089 = arith.select %and3A_1082, %get3A_1086, %broadcast_in_dim3A_1088 : vector<16xi1>, vector<16xf32>
      %add3A_1090 = arith.constant 1 : i32
      %add3A_1091 = arith.addi %shift_right_arithmetic3A_1049, %add3A_1090 : i32
      %add3A_1092 = arith.addf %select_n3A_1070, %select_n3A_1089 : vector<16xf32>
      %parallel_loop3A = arith.constant 1 : i32
      %parallel_loop3A_1093 = scf.for %parallel_loop3A_1106 = %add3A_1091 to %shift_right_arithmetic3A_1055 step %parallel_loop3A iter_args(%parallel_loop3A_1107 = %add3A_1092) -> (vector<16xf32>)  : i32 {
        %parallel_loop3A_1108 = arith.constant 16 : i32
        %parallel_loop3A_1109 = arith.muli %parallel_loop3A_1106, %parallel_loop3A_1108 : i32
        %parallel_loop3A_1110 = arith.index_cast %parallel_loop3A_1109 : i32 to index
        %parallel_loop3A_1111 = tpu.vector_load %arg6[%parallel_loop3A_1110] {strides = array<i32>} : memref<10000xf32, #tpu.memory_space<vmem>>, vector<16xf32>,
        %parallel_loop3A_1112 = arith.addf %parallel_loop3A_1107, %parallel_loop3A_1111 : vector<16xf32>
        scf.yield %parallel_loop3A_1112 : vector<16xf32>
      } {sc.loop_unroll_factor = 8 : i64, sc.parallel_access}
      %reduce_sum3A = arith.constant true
      %reduce_sum3A_1094 = vector.broadcast %reduce_sum3A : i1 to vector<16xi1>
      %reduce_sum3A_1095 = tpu.scan <sum>, %parallel_loop3A_1093 masked %reduce_sum3A_1094 : vector<16xf32>, vector<16xi1> -> vector<16xf32>
      %reduce_sum3A_1096 = vector.extract %reduce_sum3A_1095[15] : f32 from vector<16xf32>
      %shift_right_arithmetic3A_1097 = arith.constant 4 : i32
      %shift_right_arithmetic3A_1098 = arith.shrsi %while3A_932, %shift_right_arithmetic3A_1097 : i32
      %broadcast_in_dim3A_1099 = vector.broadcast %shift_right_arithmetic3A_1098 : i32 to vector<16xi32>
      %and3A_1100 = arith.constant 15 : i32
      %and3A_1101 = arith.andi %while3A_932, %and3A_1100 : i32
      %broadcast_in_dim3A_1102 = vector.broadcast %and3A_1101 : i32 to vector<16xi32>
      %broadcast_in_dim3A_1103 = vector.broadcast %reduce_sum3A_1096 : f32 to vector<16xf32>
      %eq3A = arith.constant 0 : i32
      %eq3A_1104 = vector.broadcast %eq3A : i32 to vector<16xi32>
      %eq3A_1105 = arith.cmpi eq, %iota3A, %eq3A_1104 : vector<16xi32>
      tpu.vector_store_idx %arg9[%broadcast_in_dim3A_1099, %broadcast_in_dim3A_1102], %broadcast_in_dim3A_1103 masked %eq3A_1105 {add = true} : memref<64x16xf32, #tpu.memory_space<vmem>>[vector<16xi32>, vector<16xi32>], vector<16xf32>, vector<16xi1>
      scf.yield %select_n3A : i32
    }
    %dma_wait3A_431 = tpu.memref_slice %arg3[%add3A_389] : memref<1600000xi32, #tpu.memory_space<hbm>> -> memref<10000xi32, #tpu.memory_space<hbm>>
    %dma_wait3A_432 = tpu.memref_slice %arg3[%add3A_389] : memref<1600000xi32, #tpu.memory_space<hbm>> -> memref<10000xi32, #tpu.memory_space<hbm>>
    tpu.wait_dma2 semaphore(%arg15 : memref<!tpu.dma_semaphore, #tpu.memory_space<semaphore_mem>>) src(%dma_wait3A_432 : memref<10000xi32, #tpu.memory_space<hbm>>) dst(%arg7 : memref<10000xi32, #tpu.memory_space<vmem>>)
    %get3A_433 = arith.constant 0 : index
    %get3A_434 = tpu.vector_load %arg7[%get3A_433] {strides = array<i32>} : memref<10000xi32, #tpu.memory_space<vmem>>, vector<16xi32>,
    %reduce_min3A_435 = arith.constant true
    %reduce_min3A_436 = vector.broadcast %reduce_min3A_435 : i1 to vector<16xi1>
    %reduce_min3A_437 = arith.constant -2147483648 : i32
    %reduce_min3A_438 = vector.broadcast %reduce_min3A_437 : i32 to vector<16xi32>
    %reduce_min3A_439 = arith.xori %get3A_434, %reduce_min3A_438 : vector<16xi32>
    %reduce_min3A_440 = tpu.scan <min>, %reduce_min3A_439 masked %reduce_min3A_436 : vector<16xi32>, vector<16xi1> -> vector<16xi32>
    %reduce_min3A_441 = arith.xori %reduce_min3A_440, %reduce_min3A_438 : vector<16xi32>
    %reduce_min3A_442 = vector.extract %reduce_min3A_441[15] : i32 from vector<16xi32>
    %get3A_443 = arith.constant 9984 : index
    %get3A_444 = tpu.vector_load %arg7[%get3A_443] {strides = array<i32>} : memref<10000xi32, #tpu.memory_space<vmem>>, vector<16xi32>,
    %reduce_max3A_445 = arith.constant true
    %reduce_max3A_446 = vector.broadcast %reduce_max3A_445 : i1 to vector<16xi1>
    %reduce_max3A_447 = arith.constant -2147483648 : i32
    %reduce_max3A_448 = vector.broadcast %reduce_max3A_447 : i32 to vector<16xi32>
    %reduce_max3A_449 = arith.xori %get3A_444, %reduce_max3A_448 : vector<16xi32>
    %reduce_max3A_450 = tpu.scan <max>, %reduce_max3A_449 masked %reduce_max3A_446 : vector<16xi32>, vector<16xi1> -> vector<16xi32>
    %reduce_max3A_451 = arith.xori %reduce_max3A_450, %reduce_max3A_448 : vector<16xi32>
    %reduce_max3A_452 = vector.extract %reduce_max3A_451[15] : i32 from vector<16xi32>
    %dma_wait3A_453 = tpu.memref_slice %arg2[%add3A_389] : memref<1600000xf32, #tpu.memory_space<hbm>> -> memref<10000xf32, #tpu.memory_space<hbm>>
    %dma_wait3A_454 = tpu.memref_slice %arg2[%add3A_389] : memref<1600000xf32, #tpu.memory_space<hbm>> -> memref<10000xf32, #tpu.memory_space<hbm>>
    tpu.wait_dma2 semaphore(%arg13 : memref<!tpu.dma_semaphore, #tpu.memory_space<semaphore_mem>>) src(%dma_wait3A_454 : memref<10000xf32, #tpu.memory_space<hbm>>) dst(%arg5 : memref<10000xf32, #tpu.memory_space<vmem>>)
    %add3A_455 = arith.constant 1 : i32
    %add3A_456 = arith.addi %reduce_max3A_452, %add3A_455 : i32
    %while3A_457 = arith.constant 0 : i32
    %while3A_458 = arith.subi %add3A_456, %reduce_min3A_442 : i32
    %while3A_459 = arith.addi %reduce_min3A_442, %while3A_458 : i32
    %while3A_460 = arith.constant 1 : i32
    %while3A_461 = arith.divsi %while3A_458, %while3A_460 : i32
    %while3A_462 = arith.muli %while3A_461, %while3A_460 : i32
    %while3A_463 = arith.addi %reduce_min3A_442, %while3A_462 : i32
    %while3A_464 = arith.constant 1 : i32
    %while3A_465 = scf.for %while3A_932 = %reduce_min3A_442 to %while3A_463 step %while3A_464 iter_args(%while3A_933 = %while3A_457) -> (i32)  : i32 {
      %lt3A = arith.cmpi slt, %while3A_932, %reduce_max3A_452 : i32
      %add3A_934 = arith.constant 1 : i32
      %add3A_935 = arith.addi %while3A_932, %add3A_934 : i32
      %broadcast_in_dim3A_936 = arith.constant -1 : i32
      %broadcast_in_dim3A_937 = vector.broadcast %broadcast_in_dim3A_936 : i32 to vector<16xi32>
      %broadcast_in_dim3A_938 = arith.constant 9999 : i32
      %broadcast_in_dim3A_939 = vector.broadcast %broadcast_in_dim3A_938 : i32 to vector<16xi32>
      %sub3A = arith.subi %broadcast_in_dim3A_939, %broadcast_in_dim3A_937 : vector<16xi32>
      %add3A_940 = arith.constant 15 : i32
      %add3A_941 = vector.broadcast %add3A_940 : i32 to vector<16xi32>
      %add3A_942 = arith.addi %sub3A, %add3A_941 : vector<16xi32>
      %shift_right_logical3A = arith.constant 4 : i32
      %shift_right_logical3A_943 = vector.broadcast %shift_right_logical3A : i32 to vector<16xi32>
      %shift_right_logical3A_944 = arith.shrui %add3A_942, %shift_right_logical3A_943 : vector<16xi32>
      %add3A_945 = arith.constant 1 : i32
      %add3A_946 = vector.broadcast %add3A_945 : i32 to vector<16xi32>
      %add3A_947 = arith.addi %iota3A, %add3A_946 : vector<16xi32>
      %mul3A_948 = arith.muli %add3A_947, %shift_right_logical3A_944 : vector<16xi32>
      %add3A_949 = arith.addi %broadcast_in_dim3A_937, %mul3A_948 : vector<16xi32>
      %min3A = arith.minsi %add3A_949, %broadcast_in_dim3A_939 : vector<16xi32>
      %jit3A = arith.constant 0 : i32
      %jit3A_950 = arith.constant 9999 : i32
      %max3A = vector.broadcast %jit3A : i32 to vector<16xi32>
      %max3A_951 = arith.maxsi %max3A, %min3A : vector<16xi32>
      %min3A_952 = vector.broadcast %jit3A_950 : i32 to vector<16xi32>
      %min3A_953 = arith.minsi %min3A_952, %max3A_951 : vector<16xi32>
      %gather3A = tpu.vector_load_idx %arg7[%min3A_953] : memref<10000xi32, #tpu.memory_space<vmem>>[vector<16xi32>], vector<16xi32>,
      %ge3A = vector.broadcast %add3A_935 : i32 to vector<16xi32>
      %ge3A_954 = arith.cmpi sge, %gather3A, %ge3A : vector<16xi32>
      %all_reduce_ffs3A = tpu.all_reduce %ge3A_954 {dim = 0 : i64, kind = #tpu.reduction_kind<find_first_set>} : vector<16xi1> -> vector<16xi32>
      %mul3A_955 = arith.muli %all_reduce_ffs3A, %shift_right_logical3A_944 : vector<16xi32>
      %add3A_956 = arith.addi %broadcast_in_dim3A_937, %mul3A_955 : vector<16xi32>
      %add3A_957 = arith.addi %add3A_956, %shift_right_logical3A_944 : vector<16xi32>
      %min3A_958 = arith.minsi %add3A_957, %broadcast_in_dim3A_939 : vector<16xi32>
      %sub3A_959 = arith.subi %min3A_958, %add3A_956 : vector<16xi32>
      %add3A_960 = arith.constant 15 : i32
      %add3A_961 = vector.broadcast %add3A_960 : i32 to vector<16xi32>
      %add3A_962 = arith.addi %sub3A_959, %add3A_961 : vector<16xi32>
      %shift_right_logical3A_963 = arith.constant 4 : i32
      %shift_right_logical3A_964 = vector.broadcast %shift_right_logical3A_963 : i32 to vector<16xi32>
      %shift_right_logical3A_965 = arith.shrui %add3A_962, %shift_right_logical3A_964 : vector<16xi32>
      %add3A_966 = arith.constant 1 : i32
      %add3A_967 = vector.broadcast %add3A_966 : i32 to vector<16xi32>
      %add3A_968 = arith.addi %iota3A, %add3A_967 : vector<16xi32>
      %mul3A_969 = arith.muli %add3A_968, %shift_right_logical3A_965 : vector<16xi32>
      %add3A_970 = arith.addi %add3A_956, %mul3A_969 : vector<16xi32>
      %min3A_971 = arith.minsi %add3A_970, %min3A_958 : vector<16xi32>
      %jit3A_972 = arith.constant 0 : i32
      %jit3A_973 = arith.constant 9999 : i32
      %max3A_974 = vector.broadcast %jit3A_972 : i32 to vector<16xi32>
      %max3A_975 = arith.maxsi %max3A_974, %min3A_971 : vector<16xi32>
      %min3A_976 = vector.broadcast %jit3A_973 : i32 to vector<16xi32>
      %min3A_977 = arith.minsi %min3A_976, %max3A_975 : vector<16xi32>
      %gather3A_978 = tpu.vector_load_idx %arg7[%min3A_977] : memref<10000xi32, #tpu.memory_space<vmem>>[vector<16xi32>], vector<16xi32>,
      %ge3A_979 = vector.broadcast %add3A_935 : i32 to vector<16xi32>
      %ge3A_980 = arith.cmpi sge, %gather3A_978, %ge3A_979 : vector<16xi32>
      %all_reduce_ffs3A_981 = tpu.all_reduce %ge3A_980 {dim = 0 : i64, kind = #tpu.reduction_kind<find_first_set>} : vector<16xi1> -> vector<16xi32>
      %mul3A_982 = arith.muli %all_reduce_ffs3A_981, %shift_right_logical3A_965 : vector<16xi32>
      %add3A_983 = arith.addi %add3A_956, %mul3A_982 : vector<16xi32>
      %add3A_984 = arith.addi %add3A_983, %shift_right_logical3A_965 : vector<16xi32>
      %min3A_985 = arith.minsi %add3A_984, %min3A_958 : vector<16xi32>
      %sub3A_986 = arith.subi %min3A_985, %add3A_983 : vector<16xi32>
      %add3A_987 = arith.constant 15 : i32
      %add3A_988 = vector.broadcast %add3A_987 : i32 to vector<16xi32>
      %add3A_989 = arith.addi %sub3A_986, %add3A_988 : vector<16xi32>
      %shift_right_logical3A_990 = arith.constant 4 : i32
      %shift_right_logical3A_991 = vector.broadcast %shift_right_logical3A_990 : i32 to vector<16xi32>
      %shift_right_logical3A_992 = arith.shrui %add3A_989, %shift_right_logical3A_991 : vector<16xi32>
      %add3A_993 = arith.constant 1 : i32
      %add3A_994 = vector.broadcast %add3A_993 : i32 to vector<16xi32>
      %add3A_995 = arith.addi %iota3A, %add3A_994 : vector<16xi32>
      %mul3A_996 = arith.muli %add3A_995, %shift_right_logical3A_992 : vector<16xi32>
      %add3A_997 = arith.addi %add3A_983, %mul3A_996 : vector<16xi32>
      %min3A_998 = arith.minsi %add3A_997, %min3A_985 : vector<16xi32>
      %jit3A_999 = arith.constant 0 : i32
      %jit3A_1000 = arith.constant 9999 : i32
      %max3A_1001 = vector.broadcast %jit3A_999 : i32 to vector<16xi32>
      %max3A_1002 = arith.maxsi %max3A_1001, %min3A_998 : vector<16xi32>
      %min3A_1003 = vector.broadcast %jit3A_1000 : i32 to vector<16xi32>
      %min3A_1004 = arith.minsi %min3A_1003, %max3A_1002 : vector<16xi32>
      %gather3A_1005 = tpu.vector_load_idx %arg7[%min3A_1004] : memref<10000xi32, #tpu.memory_space<vmem>>[vector<16xi32>], vector<16xi32>,
      %ge3A_1006 = vector.broadcast %add3A_935 : i32 to vector<16xi32>
      %ge3A_1007 = arith.cmpi sge, %gather3A_1005, %ge3A_1006 : vector<16xi32>
      %all_reduce_ffs3A_1008 = tpu.all_reduce %ge3A_1007 {dim = 0 : i64, kind = #tpu.reduction_kind<find_first_set>} : vector<16xi1> -> vector<16xi32>
      %mul3A_1009 = arith.muli %all_reduce_ffs3A_1008, %shift_right_logical3A_992 : vector<16xi32>
      %add3A_1010 = arith.addi %add3A_983, %mul3A_1009 : vector<16xi32>
      %add3A_1011 = arith.addi %add3A_1010, %shift_right_logical3A_992 : vector<16xi32>
      %min3A_1012 = arith.minsi %add3A_1011, %min3A_985 : vector<16xi32>
      %sub3A_1013 = arith.subi %min3A_1012, %add3A_1010 : vector<16xi32>
      %add3A_1014 = arith.constant 15 : i32
      %add3A_1015 = vector.broadcast %add3A_1014 : i32 to vector<16xi32>
      %add3A_1016 = arith.addi %sub3A_1013, %add3A_1015 : vector<16xi32>
      %shift_right_logical3A_1017 = arith.constant 4 : i32
      %shift_right_logical3A_1018 = vector.broadcast %shift_right_logical3A_1017 : i32 to vector<16xi32>
      %shift_right_logical3A_1019 = arith.shrui %add3A_1016, %shift_right_logical3A_1018 : vector<16xi32>
      %add3A_1020 = arith.constant 1 : i32
      %add3A_1021 = vector.broadcast %add3A_1020 : i32 to vector<16xi32>
      %add3A_1022 = arith.addi %iota3A, %add3A_1021 : vector<16xi32>
      %mul3A_1023 = arith.muli %add3A_1022, %shift_right_logical3A_1019 : vector<16xi32>
      %add3A_1024 = arith.addi %add3A_1010, %mul3A_1023 : vector<16xi32>
      %min3A_1025 = arith.minsi %add3A_1024, %min3A_1012 : vector<16xi32>
      %jit3A_1026 = arith.constant 0 : i32
      %jit3A_1027 = arith.constant 9999 : i32
      %max3A_1028 = vector.broadcast %jit3A_1026 : i32 to vector<16xi32>
      %max3A_1029 = arith.maxsi %max3A_1028, %min3A_1025 : vector<16xi32>
      %min3A_1030 = vector.broadcast %jit3A_1027 : i32 to vector<16xi32>
      %min3A_1031 = arith.minsi %min3A_1030, %max3A_1029 : vector<16xi32>
      %gather3A_1032 = tpu.vector_load_idx %arg7[%min3A_1031] : memref<10000xi32, #tpu.memory_space<vmem>>[vector<16xi32>], vector<16xi32>,
      %ge3A_1033 = vector.broadcast %add3A_935 : i32 to vector<16xi32>
      %ge3A_1034 = arith.cmpi sge, %gather3A_1032, %ge3A_1033 : vector<16xi32>
      %all_reduce_ffs3A_1035 = tpu.all_reduce %ge3A_1034 {dim = 0 : i64, kind = #tpu.reduction_kind<find_first_set>} : vector<16xi1> -> vector<16xi32>
      %mul3A_1036 = arith.muli %all_reduce_ffs3A_1035, %shift_right_logical3A_1019 : vector<16xi32>
      %add3A_1037 = arith.addi %add3A_1010, %mul3A_1036 : vector<16xi32>
      %add3A_1038 = arith.addi %add3A_1037, %shift_right_logical3A_1019 : vector<16xi32>
      %min3A_1039 = arith.minsi %add3A_1038, %min3A_1012 : vector<16xi32>
      %reduce_max3A_1040 = arith.constant true
      %reduce_max3A_1041 = vector.broadcast %reduce_max3A_1040 : i1 to vector<16xi1>
      %reduce_max3A_1042 = arith.constant -2147483648 : i32
      %reduce_max3A_1043 = vector.broadcast %reduce_max3A_1042 : i32 to vector<16xi32>
      %reduce_max3A_1044 = arith.xori %min3A_1039, %reduce_max3A_1043 : vector<16xi32>
      %reduce_max3A_1045 = tpu.scan <max>, %reduce_max3A_1044 masked %reduce_max3A_1041 : vector<16xi32>, vector<16xi1> -> vector<16xi32>
      %reduce_max3A_1046 = arith.xori %reduce_max3A_1045, %reduce_max3A_1043 : vector<16xi32>
      %reduce_max3A_1047 = vector.extract %reduce_max3A_1046[15] : i32 from vector<16xi32>
      %jit3A_1048 = arith.constant 10000 : i32
      %select_n3A = arith.select %lt3A, %reduce_max3A_1047, %jit3A_1048 : i32
      %shift_right_arithmetic3A = arith.constant 4 : i32
      %shift_right_arithmetic3A_1049 = arith.shrsi %while3A_933, %shift_right_arithmetic3A : i32
      %sub3A_1050 = arith.constant 1 : i32
      %sub3A_1051 = arith.subi %select_n3A, %sub3A_1050 : i32
      %max3A_1052 = arith.constant 0 : i32
      %max3A_1053 = arith.maxsi %sub3A_1051, %max3A_1052 : i32
      %shift_right_arithmetic3A_1054 = arith.constant 4 : i32
      %shift_right_arithmetic3A_1055 = arith.shrsi %max3A_1053, %shift_right_arithmetic3A_1054 : i32
      %mul3A_1056 = arith.constant 16 : i32
      %mul3A_1057 = arith.muli %shift_right_arithmetic3A_1049, %mul3A_1056 : i32
      %add3A_1058 = vector.broadcast %mul3A_1057 : i32 to vector<16xi32>
      %add3A_1059 = arith.addi %add3A_1058, %iota3A : vector<16xi32>
      %ge3A_1060 = vector.broadcast %while3A_933 : i32 to vector<16xi32>
      %ge3A_1061 = arith.cmpi sge, %add3A_1059, %ge3A_1060 : vector<16xi32>
      %lt3A_1062 = vector.broadcast %select_n3A : i32 to vector<16xi32>
      %lt3A_1063 = arith.cmpi slt, %add3A_1059, %lt3A_1062 : vector<16xi32>
      %and3A = arith.andi %ge3A_1061, %lt3A_1063 : vector<16xi1>
      %mul3A_1064 = arith.constant 16 : i32
      %mul3A_1065 = arith.muli %shift_right_arithmetic3A_1049, %mul3A_1064 : i32
      %get3A_1066 = arith.index_cast %mul3A_1065 : i32 to index
      %get3A_1067 = tpu.vector_load %arg5[%get3A_1066] {strides = array<i32>} : memref<10000xf32, #tpu.memory_space<vmem>>, vector<16xf32>,
      %jit3A_1068 = arith.constant 0.000000e+00 : f32
      %broadcast_in_dim3A_1069 = vector.broadcast %jit3A_1068 : f32 to vector<16xf32>
      %select_n3A_1070 = arith.select %and3A, %get3A_1067, %broadcast_in_dim3A_1069 : vector<16xi1>, vector<16xf32>
      %mul3A_1071 = arith.constant 16 : i32
      %mul3A_1072 = arith.muli %shift_right_arithmetic3A_1055, %mul3A_1071 : i32
      %add3A_1073 = vector.broadcast %mul3A_1072 : i32 to vector<16xi32>
      %add3A_1074 = arith.addi %add3A_1073, %iota3A : vector<16xi32>
      %ge3A_1075 = vector.broadcast %while3A_933 : i32 to vector<16xi32>
      %ge3A_1076 = arith.cmpi sge, %add3A_1074, %ge3A_1075 : vector<16xi32>
      %lt3A_1077 = vector.broadcast %select_n3A : i32 to vector<16xi32>
      %lt3A_1078 = arith.cmpi slt, %add3A_1074, %lt3A_1077 : vector<16xi32>
      %and3A_1079 = arith.andi %ge3A_1076, %lt3A_1078 : vector<16xi1>
      %lt3A_1080 = arith.cmpi slt, %shift_right_arithmetic3A_1049, %shift_right_arithmetic3A_1055 : i32
      %and3A_1081 = vector.broadcast %lt3A_1080 : i1 to vector<16xi1>
      %and3A_1082 = arith.andi %and3A_1079, %and3A_1081 : vector<16xi1>
      %mul3A_1083 = arith.constant 16 : i32
      %mul3A_1084 = arith.muli %shift_right_arithmetic3A_1055, %mul3A_1083 : i32
      %get3A_1085 = arith.index_cast %mul3A_1084 : i32 to index
      %get3A_1086 = tpu.vector_load %arg5[%get3A_1085] {strides = array<i32>} : memref<10000xf32, #tpu.memory_space<vmem>>, vector<16xf32>,
      %jit3A_1087 = arith.constant 0.000000e+00 : f32
      %broadcast_in_dim3A_1088 = vector.broadcast %jit3A_1087 : f32 to vector<16xf32>
      %select_n3A_1089 = arith.select %and3A_1082, %get3A_1086, %broadcast_in_dim3A_1088 : vector<16xi1>, vector<16xf32>
      %add3A_1090 = arith.constant 1 : i32
      %add3A_1091 = arith.addi %shift_right_arithmetic3A_1049, %add3A_1090 : i32
      %add3A_1092 = arith.addf %select_n3A_1070, %select_n3A_1089 : vector<16xf32>
      %parallel_loop3A = arith.constant 1 : i32
      %parallel_loop3A_1093 = scf.for %parallel_loop3A_1106 = %add3A_1091 to %shift_right_arithmetic3A_1055 step %parallel_loop3A iter_args(%parallel_loop3A_1107 = %add3A_1092) -> (vector<16xf32>)  : i32 {
        %parallel_loop3A_1108 = arith.constant 16 : i32
        %parallel_loop3A_1109 = arith.muli %parallel_loop3A_1106, %parallel_loop3A_1108 : i32
        %parallel_loop3A_1110 = arith.index_cast %parallel_loop3A_1109 : i32 to index
        %parallel_loop3A_1111 = tpu.vector_load %arg5[%parallel_loop3A_1110] {strides = array<i32>} : memref<10000xf32, #tpu.memory_space<vmem>>, vector<16xf32>,
        %parallel_loop3A_1112 = arith.addf %parallel_loop3A_1107, %parallel_loop3A_1111 : vector<16xf32>
        scf.yield %parallel_loop3A_1112 : vector<16xf32>
      } {sc.loop_unroll_factor = 8 : i64, sc.parallel_access}
      %reduce_sum3A = arith.constant true
      %reduce_sum3A_1094 = vector.broadcast %reduce_sum3A : i1 to vector<16xi1>
      %reduce_sum3A_1095 = tpu.scan <sum>, %parallel_loop3A_1093 masked %reduce_sum3A_1094 : vector<16xf32>, vector<16xi1> -> vector<16xf32>
      %reduce_sum3A_1096 = vector.extract %reduce_sum3A_1095[15] : f32 from vector<16xf32>
      %shift_right_arithmetic3A_1097 = arith.constant 4 : i32
      %shift_right_arithmetic3A_1098 = arith.shrsi %while3A_932, %shift_right_arithmetic3A_1097 : i32
      %broadcast_in_dim3A_1099 = vector.broadcast %shift_right_arithmetic3A_1098 : i32 to vector<16xi32>
      %and3A_1100 = arith.constant 15 : i32
      %and3A_1101 = arith.andi %while3A_932, %and3A_1100 : i32
      %broadcast_in_dim3A_1102 = vector.broadcast %and3A_1101 : i32 to vector<16xi32>
      %broadcast_in_dim3A_1103 = vector.broadcast %reduce_sum3A_1096 : f32 to vector<16xf32>
      %eq3A = arith.constant 0 : i32
      %eq3A_1104 = vector.broadcast %eq3A : i32 to vector<16xi32>
      %eq3A_1105 = arith.cmpi eq, %iota3A, %eq3A_1104 : vector<16xi32>
      tpu.vector_store_idx %arg9[%broadcast_in_dim3A_1099, %broadcast_in_dim3A_1102], %broadcast_in_dim3A_1103 masked %eq3A_1105 {add = true} : memref<64x16xf32, #tpu.memory_space<vmem>>[vector<16xi32>, vector<16xi32>], vector<16xf32>, vector<16xi1>
      scf.yield %select_n3A : i32
    }
    %while3A_466 = arith.constant 1 : i32
    %while3A_467 = scf.for %while3A_932 = %while3A_463 to %while3A_459 step %while3A_466 iter_args(%while3A_933 = %while3A_465) -> (i32)  : i32 {
      %lt3A = arith.cmpi slt, %while3A_932, %reduce_max3A_452 : i32
      %add3A_934 = arith.constant 1 : i32
      %add3A_935 = arith.addi %while3A_932, %add3A_934 : i32
      %broadcast_in_dim3A_936 = arith.constant -1 : i32
      %broadcast_in_dim3A_937 = vector.broadcast %broadcast_in_dim3A_936 : i32 to vector<16xi32>
      %broadcast_in_dim3A_938 = arith.constant 9999 : i32
      %broadcast_in_dim3A_939 = vector.broadcast %broadcast_in_dim3A_938 : i32 to vector<16xi32>
      %sub3A = arith.subi %broadcast_in_dim3A_939, %broadcast_in_dim3A_937 : vector<16xi32>
      %add3A_940 = arith.constant 15 : i32
      %add3A_941 = vector.broadcast %add3A_940 : i32 to vector<16xi32>
      %add3A_942 = arith.addi %sub3A, %add3A_941 : vector<16xi32>
      %shift_right_logical3A = arith.constant 4 : i32
      %shift_right_logical3A_943 = vector.broadcast %shift_right_logical3A : i32 to vector<16xi32>
      %shift_right_logical3A_944 = arith.shrui %add3A_942, %shift_right_logical3A_943 : vector<16xi32>
      %add3A_945 = arith.constant 1 : i32
      %add3A_946 = vector.broadcast %add3A_945 : i32 to vector<16xi32>
      %add3A_947 = arith.addi %iota3A, %add3A_946 : vector<16xi32>
      %mul3A_948 = arith.muli %add3A_947, %shift_right_logical3A_944 : vector<16xi32>
      %add3A_949 = arith.addi %broadcast_in_dim3A_937, %mul3A_948 : vector<16xi32>
      %min3A = arith.minsi %add3A_949, %broadcast_in_dim3A_939 : vector<16xi32>
      %jit3A = arith.constant 0 : i32
      %jit3A_950 = arith.constant 9999 : i32
      %max3A = vector.broadcast %jit3A : i32 to vector<16xi32>
      %max3A_951 = arith.maxsi %max3A, %min3A : vector<16xi32>
      %min3A_952 = vector.broadcast %jit3A_950 : i32 to vector<16xi32>
      %min3A_953 = arith.minsi %min3A_952, %max3A_951 : vector<16xi32>
      %gather3A = tpu.vector_load_idx %arg7[%min3A_953] : memref<10000xi32, #tpu.memory_space<vmem>>[vector<16xi32>], vector<16xi32>,
      %ge3A = vector.broadcast %add3A_935 : i32 to vector<16xi32>
      %ge3A_954 = arith.cmpi sge, %gather3A, %ge3A : vector<16xi32>
      %all_reduce_ffs3A = tpu.all_reduce %ge3A_954 {dim = 0 : i64, kind = #tpu.reduction_kind<find_first_set>} : vector<16xi1> -> vector<16xi32>
      %mul3A_955 = arith.muli %all_reduce_ffs3A, %shift_right_logical3A_944 : vector<16xi32>
      %add3A_956 = arith.addi %broadcast_in_dim3A_937, %mul3A_955 : vector<16xi32>
      %add3A_957 = arith.addi %add3A_956, %shift_right_logical3A_944 : vector<16xi32>
      %min3A_958 = arith.minsi %add3A_957, %broadcast_in_dim3A_939 : vector<16xi32>
      %sub3A_959 = arith.subi %min3A_958, %add3A_956 : vector<16xi32>
      %add3A_960 = arith.constant 15 : i32
      %add3A_961 = vector.broadcast %add3A_960 : i32 to vector<16xi32>
      %add3A_962 = arith.addi %sub3A_959, %add3A_961 : vector<16xi32>
      %shift_right_logical3A_963 = arith.constant 4 : i32
      %shift_right_logical3A_964 = vector.broadcast %shift_right_logical3A_963 : i32 to vector<16xi32>
      %shift_right_logical3A_965 = arith.shrui %add3A_962, %shift_right_logical3A_964 : vector<16xi32>
      %add3A_966 = arith.constant 1 : i32
      %add3A_967 = vector.broadcast %add3A_966 : i32 to vector<16xi32>
      %add3A_968 = arith.addi %iota3A, %add3A_967 : vector<16xi32>
      %mul3A_969 = arith.muli %add3A_968, %shift_right_logical3A_965 : vector<16xi32>
      %add3A_970 = arith.addi %add3A_956, %mul3A_969 : vector<16xi32>
      %min3A_971 = arith.minsi %add3A_970, %min3A_958 : vector<16xi32>
      %jit3A_972 = arith.constant 0 : i32
      %jit3A_973 = arith.constant 9999 : i32
      %max3A_974 = vector.broadcast %jit3A_972 : i32 to vector<16xi32>
      %max3A_975 = arith.maxsi %max3A_974, %min3A_971 : vector<16xi32>
      %min3A_976 = vector.broadcast %jit3A_973 : i32 to vector<16xi32>
      %min3A_977 = arith.minsi %min3A_976, %max3A_975 : vector<16xi32>
      %gather3A_978 = tpu.vector_load_idx %arg7[%min3A_977] : memref<10000xi32, #tpu.memory_space<vmem>>[vector<16xi32>], vector<16xi32>,
      %ge3A_979 = vector.broadcast %add3A_935 : i32 to vector<16xi32>
      %ge3A_980 = arith.cmpi sge, %gather3A_978, %ge3A_979 : vector<16xi32>
      %all_reduce_ffs3A_981 = tpu.all_reduce %ge3A_980 {dim = 0 : i64, kind = #tpu.reduction_kind<find_first_set>} : vector<16xi1> -> vector<16xi32>
      %mul3A_982 = arith.muli %all_reduce_ffs3A_981, %shift_right_logical3A_965 : vector<16xi32>
      %add3A_983 = arith.addi %add3A_956, %mul3A_982 : vector<16xi32>
      %add3A_984 = arith.addi %add3A_983, %shift_right_logical3A_965 : vector<16xi32>
      %min3A_985 = arith.minsi %add3A_984, %min3A_958 : vector<16xi32>
      %sub3A_986 = arith.subi %min3A_985, %add3A_983 : vector<16xi32>
      %add3A_987 = arith.constant 15 : i32
      %add3A_988 = vector.broadcast %add3A_987 : i32 to vector<16xi32>
      %add3A_989 = arith.addi %sub3A_986, %add3A_988 : vector<16xi32>
      %shift_right_logical3A_990 = arith.constant 4 : i32
      %shift_right_logical3A_991 = vector.broadcast %shift_right_logical3A_990 : i32 to vector<16xi32>
      %shift_right_logical3A_992 = arith.shrui %add3A_989, %shift_right_logical3A_991 : vector<16xi32>
      %add3A_993 = arith.constant 1 : i32
      %add3A_994 = vector.broadcast %add3A_993 : i32 to vector<16xi32>
      %add3A_995 = arith.addi %iota3A, %add3A_994 : vector<16xi32>
      %mul3A_996 = arith.muli %add3A_995, %shift_right_logical3A_992 : vector<16xi32>
      %add3A_997 = arith.addi %add3A_983, %mul3A_996 : vector<16xi32>
      %min3A_998 = arith.minsi %add3A_997, %min3A_985 : vector<16xi32>
      %jit3A_999 = arith.constant 0 : i32
      %jit3A_1000 = arith.constant 9999 : i32
      %max3A_1001 = vector.broadcast %jit3A_999 : i32 to vector<16xi32>
      %max3A_1002 = arith.maxsi %max3A_1001, %min3A_998 : vector<16xi32>
      %min3A_1003 = vector.broadcast %jit3A_1000 : i32 to vector<16xi32>
      %min3A_1004 = arith.minsi %min3A_1003, %max3A_1002 : vector<16xi32>
      %gather3A_1005 = tpu.vector_load_idx %arg7[%min3A_1004] : memref<10000xi32, #tpu.memory_space<vmem>>[vector<16xi32>], vector<16xi32>,
      %ge3A_1006 = vector.broadcast %add3A_935 : i32 to vector<16xi32>
      %ge3A_1007 = arith.cmpi sge, %gather3A_1005, %ge3A_1006 : vector<16xi32>
      %all_reduce_ffs3A_1008 = tpu.all_reduce %ge3A_1007 {dim = 0 : i64, kind = #tpu.reduction_kind<find_first_set>} : vector<16xi1> -> vector<16xi32>
      %mul3A_1009 = arith.muli %all_reduce_ffs3A_1008, %shift_right_logical3A_992 : vector<16xi32>
      %add3A_1010 = arith.addi %add3A_983, %mul3A_1009 : vector<16xi32>
      %add3A_1011 = arith.addi %add3A_1010, %shift_right_logical3A_992 : vector<16xi32>
      %min3A_1012 = arith.minsi %add3A_1011, %min3A_985 : vector<16xi32>
      %sub3A_1013 = arith.subi %min3A_1012, %add3A_1010 : vector<16xi32>
      %add3A_1014 = arith.constant 15 : i32
      %add3A_1015 = vector.broadcast %add3A_1014 : i32 to vector<16xi32>
      %add3A_1016 = arith.addi %sub3A_1013, %add3A_1015 : vector<16xi32>
      %shift_right_logical3A_1017 = arith.constant 4 : i32
      %shift_right_logical3A_1018 = vector.broadcast %shift_right_logical3A_1017 : i32 to vector<16xi32>
      %shift_right_logical3A_1019 = arith.shrui %add3A_1016, %shift_right_logical3A_1018 : vector<16xi32>
      %add3A_1020 = arith.constant 1 : i32
      %add3A_1021 = vector.broadcast %add3A_1020 : i32 to vector<16xi32>
      %add3A_1022 = arith.addi %iota3A, %add3A_1021 : vector<16xi32>
      %mul3A_1023 = arith.muli %add3A_1022, %shift_right_logical3A_1019 : vector<16xi32>
      %add3A_1024 = arith.addi %add3A_1010, %mul3A_1023 : vector<16xi32>
      %min3A_1025 = arith.minsi %add3A_1024, %min3A_1012 : vector<16xi32>
      %jit3A_1026 = arith.constant 0 : i32
      %jit3A_1027 = arith.constant 9999 : i32
      %max3A_1028 = vector.broadcast %jit3A_1026 : i32 to vector<16xi32>
      %max3A_1029 = arith.maxsi %max3A_1028, %min3A_1025 : vector<16xi32>
      %min3A_1030 = vector.broadcast %jit3A_1027 : i32 to vector<16xi32>
      %min3A_1031 = arith.minsi %min3A_1030, %max3A_1029 : vector<16xi32>
      %gather3A_1032 = tpu.vector_load_idx %arg7[%min3A_1031] : memref<10000xi32, #tpu.memory_space<vmem>>[vector<16xi32>], vector<16xi32>,
      %ge3A_1033 = vector.broadcast %add3A_935 : i32 to vector<16xi32>
      %ge3A_1034 = arith.cmpi sge, %gather3A_1032, %ge3A_1033 : vector<16xi32>
      %all_reduce_ffs3A_1035 = tpu.all_reduce %ge3A_1034 {dim = 0 : i64, kind = #tpu.reduction_kind<find_first_set>} : vector<16xi1> -> vector<16xi32>
      %mul3A_1036 = arith.muli %all_reduce_ffs3A_1035, %shift_right_logical3A_1019 : vector<16xi32>
      %add3A_1037 = arith.addi %add3A_1010, %mul3A_1036 : vector<16xi32>
      %add3A_1038 = arith.addi %add3A_1037, %shift_right_logical3A_1019 : vector<16xi32>
      %min3A_1039 = arith.minsi %add3A_1038, %min3A_1012 : vector<16xi32>
      %reduce_max3A_1040 = arith.constant true
      %reduce_max3A_1041 = vector.broadcast %reduce_max3A_1040 : i1 to vector<16xi1>
      %reduce_max3A_1042 = arith.constant -2147483648 : i32
      %reduce_max3A_1043 = vector.broadcast %reduce_max3A_1042 : i32 to vector<16xi32>
      %reduce_max3A_1044 = arith.xori %min3A_1039, %reduce_max3A_1043 : vector<16xi32>
      %reduce_max3A_1045 = tpu.scan <max>, %reduce_max3A_1044 masked %reduce_max3A_1041 : vector<16xi32>, vector<16xi1> -> vector<16xi32>
      %reduce_max3A_1046 = arith.xori %reduce_max3A_1045, %reduce_max3A_1043 : vector<16xi32>
      %reduce_max3A_1047 = vector.extract %reduce_max3A_1046[15] : i32 from vector<16xi32>
      %jit3A_1048 = arith.constant 10000 : i32
      %select_n3A = arith.select %lt3A, %reduce_max3A_1047, %jit3A_1048 : i32
      %shift_right_arithmetic3A = arith.constant 4 : i32
      %shift_right_arithmetic3A_1049 = arith.shrsi %while3A_933, %shift_right_arithmetic3A : i32
      %sub3A_1050 = arith.constant 1 : i32
      %sub3A_1051 = arith.subi %select_n3A, %sub3A_1050 : i32
      %max3A_1052 = arith.constant 0 : i32
      %max3A_1053 = arith.maxsi %sub3A_1051, %max3A_1052 : i32
      %shift_right_arithmetic3A_1054 = arith.constant 4 : i32
      %shift_right_arithmetic3A_1055 = arith.shrsi %max3A_1053, %shift_right_arithmetic3A_1054 : i32
      %mul3A_1056 = arith.constant 16 : i32
      %mul3A_1057 = arith.muli %shift_right_arithmetic3A_1049, %mul3A_1056 : i32
      %add3A_1058 = vector.broadcast %mul3A_1057 : i32 to vector<16xi32>
      %add3A_1059 = arith.addi %add3A_1058, %iota3A : vector<16xi32>
      %ge3A_1060 = vector.broadcast %while3A_933 : i32 to vector<16xi32>
      %ge3A_1061 = arith.cmpi sge, %add3A_1059, %ge3A_1060 : vector<16xi32>
      %lt3A_1062 = vector.broadcast %select_n3A : i32 to vector<16xi32>
      %lt3A_1063 = arith.cmpi slt, %add3A_1059, %lt3A_1062 : vector<16xi32>
      %and3A = arith.andi %ge3A_1061, %lt3A_1063 : vector<16xi1>
      %mul3A_1064 = arith.constant 16 : i32
      %mul3A_1065 = arith.muli %shift_right_arithmetic3A_1049, %mul3A_1064 : i32
      %get3A_1066 = arith.index_cast %mul3A_1065 : i32 to index
      %get3A_1067 = tpu.vector_load %arg5[%get3A_1066] {strides = array<i32>} : memref<10000xf32, #tpu.memory_space<vmem>>, vector<16xf32>,
      %jit3A_1068 = arith.constant 0.000000e+00 : f32
      %broadcast_in_dim3A_1069 = vector.broadcast %jit3A_1068 : f32 to vector<16xf32>
      %select_n3A_1070 = arith.select %and3A, %get3A_1067, %broadcast_in_dim3A_1069 : vector<16xi1>, vector<16xf32>
      %mul3A_1071 = arith.constant 16 : i32
      %mul3A_1072 = arith.muli %shift_right_arithmetic3A_1055, %mul3A_1071 : i32
      %add3A_1073 = vector.broadcast %mul3A_1072 : i32 to vector<16xi32>
      %add3A_1074 = arith.addi %add3A_1073, %iota3A : vector<16xi32>
      %ge3A_1075 = vector.broadcast %while3A_933 : i32 to vector<16xi32>
      %ge3A_1076 = arith.cmpi sge, %add3A_1074, %ge3A_1075 : vector<16xi32>
      %lt3A_1077 = vector.broadcast %select_n3A : i32 to vector<16xi32>
      %lt3A_1078 = arith.cmpi slt, %add3A_1074, %lt3A_1077 : vector<16xi32>
      %and3A_1079 = arith.andi %ge3A_1076, %lt3A_1078 : vector<16xi1>
      %lt3A_1080 = arith.cmpi slt, %shift_right_arithmetic3A_1049, %shift_right_arithmetic3A_1055 : i32
      %and3A_1081 = vector.broadcast %lt3A_1080 : i1 to vector<16xi1>
      %and3A_1082 = arith.andi %and3A_1079, %and3A_1081 : vector<16xi1>
      %mul3A_1083 = arith.constant 16 : i32
      %mul3A_1084 = arith.muli %shift_right_arithmetic3A_1055, %mul3A_1083 : i32
      %get3A_1085 = arith.index_cast %mul3A_1084 : i32 to index
      %get3A_1086 = tpu.vector_load %arg5[%get3A_1085] {strides = array<i32>} : memref<10000xf32, #tpu.memory_space<vmem>>, vector<16xf32>,
      %jit3A_1087 = arith.constant 0.000000e+00 : f32
      %broadcast_in_dim3A_1088 = vector.broadcast %jit3A_1087 : f32 to vector<16xf32>
      %select_n3A_1089 = arith.select %and3A_1082, %get3A_1086, %broadcast_in_dim3A_1088 : vector<16xi1>, vector<16xf32>
      %add3A_1090 = arith.constant 1 : i32
      %add3A_1091 = arith.addi %shift_right_arithmetic3A_1049, %add3A_1090 : i32
      %add3A_1092 = arith.addf %select_n3A_1070, %select_n3A_1089 : vector<16xf32>
      %parallel_loop3A = arith.constant 1 : i32
      %parallel_loop3A_1093 = scf.for %parallel_loop3A_1106 = %add3A_1091 to %shift_right_arithmetic3A_1055 step %parallel_loop3A iter_args(%parallel_loop3A_1107 = %add3A_1092) -> (vector<16xf32>)  : i32 {
        %parallel_loop3A_1108 = arith.constant 16 : i32
        %parallel_loop3A_1109 = arith.muli %parallel_loop3A_1106, %parallel_loop3A_1108 : i32
        %parallel_loop3A_1110 = arith.index_cast %parallel_loop3A_1109 : i32 to index
        %parallel_loop3A_1111 = tpu.vector_load %arg5[%parallel_loop3A_1110] {strides = array<i32>} : memref<10000xf32, #tpu.memory_space<vmem>>, vector<16xf32>,
        %parallel_loop3A_1112 = arith.addf %parallel_loop3A_1107, %parallel_loop3A_1111 : vector<16xf32>
        scf.yield %parallel_loop3A_1112 : vector<16xf32>
      } {sc.loop_unroll_factor = 8 : i64, sc.parallel_access}
      %reduce_sum3A = arith.constant true
      %reduce_sum3A_1094 = vector.broadcast %reduce_sum3A : i1 to vector<16xi1>
      %reduce_sum3A_1095 = tpu.scan <sum>, %parallel_loop3A_1093 masked %reduce_sum3A_1094 : vector<16xf32>, vector<16xi1> -> vector<16xf32>
      %reduce_sum3A_1096 = vector.extract %reduce_sum3A_1095[15] : f32 from vector<16xf32>
      %shift_right_arithmetic3A_1097 = arith.constant 4 : i32
      %shift_right_arithmetic3A_1098 = arith.shrsi %while3A_932, %shift_right_arithmetic3A_1097 : i32
      %broadcast_in_dim3A_1099 = vector.broadcast %shift_right_arithmetic3A_1098 : i32 to vector<16xi32>
      %and3A_1100 = arith.constant 15 : i32
      %and3A_1101 = arith.andi %while3A_932, %and3A_1100 : i32
      %broadcast_in_dim3A_1102 = vector.broadcast %and3A_1101 : i32 to vector<16xi32>
      %broadcast_in_dim3A_1103 = vector.broadcast %reduce_sum3A_1096 : f32 to vector<16xf32>
      %eq3A = arith.constant 0 : i32
      %eq3A_1104 = vector.broadcast %eq3A : i32 to vector<16xi32>
      %eq3A_1105 = arith.cmpi eq, %iota3A, %eq3A_1104 : vector<16xi32>
      tpu.vector_store_idx %arg9[%broadcast_in_dim3A_1099, %broadcast_in_dim3A_1102], %broadcast_in_dim3A_1103 masked %eq3A_1105 {add = true} : memref<64x16xf32, #tpu.memory_space<vmem>>[vector<16xi32>, vector<16xi32>], vector<16xf32>, vector<16xi1>
      scf.yield %select_n3A : i32
    }
    "tpu.region"() ({
      %run_scoped3A = tpu.sem_alloc : memref<!tpu.dma_semaphore, #tpu.memory_space<semaphore_mem>>
      %dma_start3A_932 = arith.constant 0 : i32
      %dma_start3A_933 = arith.constant 0 : i32
      %dma_start3A_934 = tpu.memref_slice %arg12[%arg1, %dma_start3A_932, %dma_start3A_933] : memref<16x64x16xf32, #tpu.memory_space<vmem_shared>> -> memref<1x64x16xf32, #tpu.memory_space<vmem_shared>>
      %dma_start3A_935 = tpu.memref_squeeze %dma_start3A_934 : memref<1x64x16xf32, #tpu.memory_space<vmem_shared>> -> memref<64x16xf32, #tpu.memory_space<vmem_shared>>
      %dma_start3A_936 = arith.constant 0 : i32
      %dma_start3A_937 = arith.constant 0 : i32
      %dma_start3A_938 = tpu.memref_slice %arg12[%arg1, %dma_start3A_936, %dma_start3A_937] : memref<16x64x16xf32, #tpu.memory_space<vmem_shared>> -> memref<1x64x16xf32, #tpu.memory_space<vmem_shared>>
      %dma_start3A_939 = tpu.memref_squeeze %dma_start3A_938 : memref<1x64x16xf32, #tpu.memory_space<vmem_shared>> -> memref<64x16xf32, #tpu.memory_space<vmem_shared>>
      tpu.enqueue_dma source(%arg9 : memref<64x16xf32, #tpu.memory_space<vmem>>) target(%dma_start3A_939 : memref<64x16xf32, #tpu.memory_space<vmem_shared>>) target_semaphore(%run_scoped3A : memref<!tpu.dma_semaphore, #tpu.memory_space<semaphore_mem>>)
      %dma_wait3A_940 = arith.constant 0 : i32
      %dma_wait3A_941 = arith.constant 0 : i32
      %dma_wait3A_942 = tpu.memref_slice %arg12[%arg1, %dma_wait3A_940, %dma_wait3A_941] : memref<16x64x16xf32, #tpu.memory_space<vmem_shared>> -> memref<1x64x16xf32, #tpu.memory_space<vmem_shared>>
      %dma_wait3A_943 = tpu.memref_squeeze %dma_wait3A_942 : memref<1x64x16xf32, #tpu.memory_space<vmem_shared>> -> memref<64x16xf32, #tpu.memory_space<vmem_shared>>
      %dma_wait3A_944 = arith.constant 0 : i32
      %dma_wait3A_945 = arith.constant 0 : i32
      %dma_wait3A_946 = tpu.memref_slice %arg12[%arg1, %dma_wait3A_944, %dma_wait3A_945] : memref<16x64x16xf32, #tpu.memory_space<vmem_shared>> -> memref<1x64x16xf32, #tpu.memory_space<vmem_shared>>
      %dma_wait3A_947 = tpu.memref_squeeze %dma_wait3A_946 : memref<1x64x16xf32, #tpu.memory_space<vmem_shared>> -> memref<64x16xf32, #tpu.memory_space<vmem_shared>>
      tpu.wait_dma2 semaphore(%run_scoped3A : memref<!tpu.dma_semaphore, #tpu.memory_space<semaphore_mem>>) src(%arg9 : memref<64x16xf32, #tpu.memory_space<vmem>>) dst(%dma_wait3A_947 : memref<64x16xf32, #tpu.memory_space<vmem_shared>>)
      tpu.yield
    }) : () -> ()
    %barrier3A = arith.constant 0 : index
    tpu.barrier barrier_id(%barrier3A)
    %mul3A_468 = arith.constant 4 : i32
    %mul3A_469 = arith.muli %arg1, %mul3A_468 : i32
    "tpu.region"() ({
      %run_scoped3A = tpu.sem_alloc : memref<!tpu.dma_semaphore, #tpu.memory_space<semaphore_mem>>
      %dma_start3A_932 = arith.constant 0 : i32
      %dma_start3A_933 = arith.constant 0 : i32
      %dma_start3A_934 = tpu.memref_slice %arg12[%dma_start3A_932, %mul3A_469, %dma_start3A_933] : memref<16x64x16xf32, #tpu.memory_space<vmem_shared>> -> memref<16x4x16xf32, #tpu.memory_space<vmem_shared>>
      %dma_start3A_935 = arith.constant 0 : i32
      %dma_start3A_936 = arith.constant 0 : i32
      %dma_start3A_937 = tpu.memref_slice %arg12[%dma_start3A_935, %mul3A_469, %dma_start3A_936] : memref<16x64x16xf32, #tpu.memory_space<vmem_shared>> -> memref<16x4x16xf32, #tpu.memory_space<vmem_shared>>
      tpu.enqueue_dma source(%dma_start3A_937 : memref<16x4x16xf32, #tpu.memory_space<vmem_shared>>) target(%arg11 : memref<16x4x16xf32, #tpu.memory_space<vmem>>) target_semaphore(%run_scoped3A : memref<!tpu.dma_semaphore, #tpu.memory_space<semaphore_mem>>)
      %dma_wait3A_938 = arith.constant 0 : i32
      %dma_wait3A_939 = arith.constant 0 : i32
      %dma_wait3A_940 = tpu.memref_slice %arg12[%dma_wait3A_938, %mul3A_469, %dma_wait3A_939] : memref<16x64x16xf32, #tpu.memory_space<vmem_shared>> -> memref<16x4x16xf32, #tpu.memory_space<vmem_shared>>
      %dma_wait3A_941 = arith.constant 0 : i32
      %dma_wait3A_942 = arith.constant 0 : i32
      %dma_wait3A_943 = tpu.memref_slice %arg12[%dma_wait3A_941, %mul3A_469, %dma_wait3A_942] : memref<16x64x16xf32, #tpu.memory_space<vmem_shared>> -> memref<16x4x16xf32, #tpu.memory_space<vmem_shared>>
      tpu.wait_dma2 semaphore(%run_scoped3A : memref<!tpu.dma_semaphore, #tpu.memory_space<semaphore_mem>>) src(%dma_wait3A_943 : memref<16x4x16xf32, #tpu.memory_space<vmem_shared>>) dst(%arg11 : memref<16x4x16xf32, #tpu.memory_space<vmem>>)
      tpu.yield
    }) : () -> ()
    %get3A_470 = arith.constant 0 : i32
    %get3A_471 = arith.constant 0 : i32
    %get3A_472 = arith.index_cast %get3A_470 : i32 to index
    %get3A_473 = arith.index_cast %get3A_471 : i32 to index
    %get3A_474 = arith.constant 0 : index
    %get3A_475 = tpu.vector_load %arg11[%get3A_472, %get3A_473, %get3A_474] {strides = array<i32>} : memref<16x4x16xf32, #tpu.memory_space<vmem>>, vector<16xf32>,
    %get3A_476 = arith.constant 1 : i32
    %get3A_477 = arith.constant 0 : i32
    %get3A_478 = arith.index_cast %get3A_476 : i32 to index
    %get3A_479 = arith.index_cast %get3A_477 : i32 to index
    %get3A_480 = arith.constant 0 : index
    %get3A_481 = tpu.vector_load %arg11[%get3A_478, %get3A_479, %get3A_480] {strides = array<i32>} : memref<16x4x16xf32, #tpu.memory_space<vmem>>, vector<16xf32>,
    %add3A_482 = arith.addf %get3A_475, %get3A_481 : vector<16xf32>
    %get3A_483 = arith.constant 2 : i32
    %get3A_484 = arith.constant 0 : i32
    %get3A_485 = arith.index_cast %get3A_483 : i32 to index
    %get3A_486 = arith.index_cast %get3A_484 : i32 to index
    %get3A_487 = arith.constant 0 : index
    %get3A_488 = tpu.vector_load %arg11[%get3A_485, %get3A_486, %get3A_487] {strides = array<i32>} : memref<16x4x16xf32, #tpu.memory_space<vmem>>, vector<16xf32>,
    %add3A_489 = arith.addf %add3A_482, %get3A_488 : vector<16xf32>
    %get3A_490 = arith.constant 3 : i32
    %get3A_491 = arith.constant 0 : i32
    %get3A_492 = arith.index_cast %get3A_490 : i32 to index
    %get3A_493 = arith.index_cast %get3A_491 : i32 to index
    %get3A_494 = arith.constant 0 : index
    %get3A_495 = tpu.vector_load %arg11[%get3A_492, %get3A_493, %get3A_494] {strides = array<i32>} : memref<16x4x16xf32, #tpu.memory_space<vmem>>, vector<16xf32>,
    %add3A_496 = arith.addf %add3A_489, %get3A_495 : vector<16xf32>
    %get3A_497 = arith.constant 4 : i32
    %get3A_498 = arith.constant 0 : i32
    %get3A_499 = arith.index_cast %get3A_497 : i32 to index
    %get3A_500 = arith.index_cast %get3A_498 : i32 to index
    %get3A_501 = arith.constant 0 : index
    %get3A_502 = tpu.vector_load %arg11[%get3A_499, %get3A_500, %get3A_501] {strides = array<i32>} : memref<16x4x16xf32, #tpu.memory_space<vmem>>, vector<16xf32>,
    %add3A_503 = arith.addf %add3A_496, %get3A_502 : vector<16xf32>
    %get3A_504 = arith.constant 5 : i32
    %get3A_505 = arith.constant 0 : i32
    %get3A_506 = arith.index_cast %get3A_504 : i32 to index
    %get3A_507 = arith.index_cast %get3A_505 : i32 to index
    %get3A_508 = arith.constant 0 : index
    %get3A_509 = tpu.vector_load %arg11[%get3A_506, %get3A_507, %get3A_508] {strides = array<i32>} : memref<16x4x16xf32, #tpu.memory_space<vmem>>, vector<16xf32>,
    %add3A_510 = arith.addf %add3A_503, %get3A_509 : vector<16xf32>
    %get3A_511 = arith.constant 6 : i32
    %get3A_512 = arith.constant 0 : i32
    %get3A_513 = arith.index_cast %get3A_511 : i32 to index
    %get3A_514 = arith.index_cast %get3A_512 : i32 to index
    %get3A_515 = arith.constant 0 : index
    %get3A_516 = tpu.vector_load %arg11[%get3A_513, %get3A_514, %get3A_515] {strides = array<i32>} : memref<16x4x16xf32, #tpu.memory_space<vmem>>, vector<16xf32>,
    %add3A_517 = arith.addf %add3A_510, %get3A_516 : vector<16xf32>
    %get3A_518 = arith.constant 7 : i32
    %get3A_519 = arith.constant 0 : i32
    %get3A_520 = arith.index_cast %get3A_518 : i32 to index
    %get3A_521 = arith.index_cast %get3A_519 : i32 to index
    %get3A_522 = arith.constant 0 : index
    %get3A_523 = tpu.vector_load %arg11[%get3A_520, %get3A_521, %get3A_522] {strides = array<i32>} : memref<16x4x16xf32, #tpu.memory_space<vmem>>, vector<16xf32>,
    %add3A_524 = arith.addf %add3A_517, %get3A_523 : vector<16xf32>
    %get3A_525 = arith.constant 8 : i32
    %get3A_526 = arith.constant 0 : i32
    %get3A_527 = arith.index_cast %get3A_525 : i32 to index
    %get3A_528 = arith.index_cast %get3A_526 : i32 to index
    %get3A_529 = arith.constant 0 : index
    %get3A_530 = tpu.vector_load %arg11[%get3A_527, %get3A_528, %get3A_529] {strides = array<i32>} : memref<16x4x16xf32, #tpu.memory_space<vmem>>, vector<16xf32>,
    %add3A_531 = arith.addf %add3A_524, %get3A_530 : vector<16xf32>
    %get3A_532 = arith.constant 9 : i32
    %get3A_533 = arith.constant 0 : i32
    %get3A_534 = arith.index_cast %get3A_532 : i32 to index
    %get3A_535 = arith.index_cast %get3A_533 : i32 to index
    %get3A_536 = arith.constant 0 : index
    %get3A_537 = tpu.vector_load %arg11[%get3A_534, %get3A_535, %get3A_536] {strides = array<i32>} : memref<16x4x16xf32, #tpu.memory_space<vmem>>, vector<16xf32>,
    %add3A_538 = arith.addf %add3A_531, %get3A_537 : vector<16xf32>
    %get3A_539 = arith.constant 10 : i32
    %get3A_540 = arith.constant 0 : i32
    %get3A_541 = arith.index_cast %get3A_539 : i32 to index
    %get3A_542 = arith.index_cast %get3A_540 : i32 to index
    %get3A_543 = arith.constant 0 : index
    %get3A_544 = tpu.vector_load %arg11[%get3A_541, %get3A_542, %get3A_543] {strides = array<i32>} : memref<16x4x16xf32, #tpu.memory_space<vmem>>, vector<16xf32>,
    %add3A_545 = arith.addf %add3A_538, %get3A_544 : vector<16xf32>
    %get3A_546 = arith.constant 11 : i32
    %get3A_547 = arith.constant 0 : i32
    %get3A_548 = arith.index_cast %get3A_546 : i32 to index
    %get3A_549 = arith.index_cast %get3A_547 : i32 to index
    %get3A_550 = arith.constant 0 : index
    %get3A_551 = tpu.vector_load %arg11[%get3A_548, %get3A_549, %get3A_550] {strides = array<i32>} : memref<16x4x16xf32, #tpu.memory_space<vmem>>, vector<16xf32>,
    %add3A_552 = arith.addf %add3A_545, %get3A_551 : vector<16xf32>
    %get3A_553 = arith.constant 12 : i32
    %get3A_554 = arith.constant 0 : i32
    %get3A_555 = arith.index_cast %get3A_553 : i32 to index
    %get3A_556 = arith.index_cast %get3A_554 : i32 to index
    %get3A_557 = arith.constant 0 : index
    %get3A_558 = tpu.vector_load %arg11[%get3A_555, %get3A_556, %get3A_557] {strides = array<i32>} : memref<16x4x16xf32, #tpu.memory_space<vmem>>, vector<16xf32>,
    %add3A_559 = arith.addf %add3A_552, %get3A_558 : vector<16xf32>
    %get3A_560 = arith.constant 13 : i32
    %get3A_561 = arith.constant 0 : i32
    %get3A_562 = arith.index_cast %get3A_560 : i32 to index
    %get3A_563 = arith.index_cast %get3A_561 : i32 to index
    %get3A_564 = arith.constant 0 : index
    %get3A_565 = tpu.vector_load %arg11[%get3A_562, %get3A_563, %get3A_564] {strides = array<i32>} : memref<16x4x16xf32, #tpu.memory_space<vmem>>, vector<16xf32>,
    %add3A_566 = arith.addf %add3A_559, %get3A_565 : vector<16xf32>
    %get3A_567 = arith.constant 14 : i32
    %get3A_568 = arith.constant 0 : i32
    %get3A_569 = arith.index_cast %get3A_567 : i32 to index
    %get3A_570 = arith.index_cast %get3A_568 : i32 to index
    %get3A_571 = arith.constant 0 : index
    %get3A_572 = tpu.vector_load %arg11[%get3A_569, %get3A_570, %get3A_571] {strides = array<i32>} : memref<16x4x16xf32, #tpu.memory_space<vmem>>, vector<16xf32>,
    %add3A_573 = arith.addf %add3A_566, %get3A_572 : vector<16xf32>
    %get3A_574 = arith.constant 15 : i32
    %get3A_575 = arith.constant 0 : i32
    %get3A_576 = arith.index_cast %get3A_574 : i32 to index
    %get3A_577 = arith.index_cast %get3A_575 : i32 to index
    %get3A_578 = arith.constant 0 : index
    %get3A_579 = tpu.vector_load %arg11[%get3A_576, %get3A_577, %get3A_578] {strides = array<i32>} : memref<16x4x16xf32, #tpu.memory_space<vmem>>, vector<16xf32>,
    %add3A_580 = arith.addf %add3A_573, %get3A_579 : vector<16xf32>
    %swap3A_581 = arith.constant 0 : i32
    %swap3A_582 = arith.index_cast %swap3A_581 : i32 to index
    %swap3A_583 = arith.constant 0 : index
    %swap3A_584 = tpu.vector_load %arg10[%swap3A_582, %swap3A_583] {strides = array<i32>} : memref<4x16xf32, #tpu.memory_space<vmem>>, vector<16xf32>,
    tpu.vector_store %arg10[%swap3A_582, %swap3A_583], %add3A_580 {strides = array<i32>} : memref<4x16xf32, #tpu.memory_space<vmem>>, vector<16xf32>,
    %get3A_585 = arith.constant 0 : i32
    %get3A_586 = arith.constant 1 : i32
    %get3A_587 = arith.index_cast %get3A_585 : i32 to index
    %get3A_588 = arith.index_cast %get3A_586 : i32 to index
    %get3A_589 = arith.constant 0 : index
    %get3A_590 = tpu.vector_load %arg11[%get3A_587, %get3A_588, %get3A_589] {strides = array<i32>} : memref<16x4x16xf32, #tpu.memory_space<vmem>>, vector<16xf32>,
    %get3A_591 = arith.constant 1 : i32
    %get3A_592 = arith.constant 1 : i32
    %get3A_593 = arith.index_cast %get3A_591 : i32 to index
    %get3A_594 = arith.index_cast %get3A_592 : i32 to index
    %get3A_595 = arith.constant 0 : index
    %get3A_596 = tpu.vector_load %arg11[%get3A_593, %get3A_594, %get3A_595] {strides = array<i32>} : memref<16x4x16xf32, #tpu.memory_space<vmem>>, vector<16xf32>,
    %add3A_597 = arith.addf %get3A_590, %get3A_596 : vector<16xf32>
    %get3A_598 = arith.constant 2 : i32
    %get3A_599 = arith.constant 1 : i32
    %get3A_600 = arith.index_cast %get3A_598 : i32 to index
    %get3A_601 = arith.index_cast %get3A_599 : i32 to index
    %get3A_602 = arith.constant 0 : index
    %get3A_603 = tpu.vector_load %arg11[%get3A_600, %get3A_601, %get3A_602] {strides = array<i32>} : memref<16x4x16xf32, #tpu.memory_space<vmem>>, vector<16xf32>,
    %add3A_604 = arith.addf %add3A_597, %get3A_603 : vector<16xf32>
    %get3A_605 = arith.constant 3 : i32
    %get3A_606 = arith.constant 1 : i32
    %get3A_607 = arith.index_cast %get3A_605 : i32 to index
    %get3A_608 = arith.index_cast %get3A_606 : i32 to index
    %get3A_609 = arith.constant 0 : index
    %get3A_610 = tpu.vector_load %arg11[%get3A_607, %get3A_608, %get3A_609] {strides = array<i32>} : memref<16x4x16xf32, #tpu.memory_space<vmem>>, vector<16xf32>,
    %add3A_611 = arith.addf %add3A_604, %get3A_610 : vector<16xf32>
    %get3A_612 = arith.constant 4 : i32
    %get3A_613 = arith.constant 1 : i32
    %get3A_614 = arith.index_cast %get3A_612 : i32 to index
    %get3A_615 = arith.index_cast %get3A_613 : i32 to index
    %get3A_616 = arith.constant 0 : index
    %get3A_617 = tpu.vector_load %arg11[%get3A_614, %get3A_615, %get3A_616] {strides = array<i32>} : memref<16x4x16xf32, #tpu.memory_space<vmem>>, vector<16xf32>,
    %add3A_618 = arith.addf %add3A_611, %get3A_617 : vector<16xf32>
    %get3A_619 = arith.constant 5 : i32
    %get3A_620 = arith.constant 1 : i32
    %get3A_621 = arith.index_cast %get3A_619 : i32 to index
    %get3A_622 = arith.index_cast %get3A_620 : i32 to index
    %get3A_623 = arith.constant 0 : index
    %get3A_624 = tpu.vector_load %arg11[%get3A_621, %get3A_622, %get3A_623] {strides = array<i32>} : memref<16x4x16xf32, #tpu.memory_space<vmem>>, vector<16xf32>,
    %add3A_625 = arith.addf %add3A_618, %get3A_624 : vector<16xf32>
    %get3A_626 = arith.constant 6 : i32
    %get3A_627 = arith.constant 1 : i32
    %get3A_628 = arith.index_cast %get3A_626 : i32 to index
    %get3A_629 = arith.index_cast %get3A_627 : i32 to index
    %get3A_630 = arith.constant 0 : index
    %get3A_631 = tpu.vector_load %arg11[%get3A_628, %get3A_629, %get3A_630] {strides = array<i32>} : memref<16x4x16xf32, #tpu.memory_space<vmem>>, vector<16xf32>,
    %add3A_632 = arith.addf %add3A_625, %get3A_631 : vector<16xf32>
    %get3A_633 = arith.constant 7 : i32
    %get3A_634 = arith.constant 1 : i32
    %get3A_635 = arith.index_cast %get3A_633 : i32 to index
    %get3A_636 = arith.index_cast %get3A_634 : i32 to index
    %get3A_637 = arith.constant 0 : index
    %get3A_638 = tpu.vector_load %arg11[%get3A_635, %get3A_636, %get3A_637] {strides = array<i32>} : memref<16x4x16xf32, #tpu.memory_space<vmem>>, vector<16xf32>,
    %add3A_639 = arith.addf %add3A_632, %get3A_638 : vector<16xf32>
    %get3A_640 = arith.constant 8 : i32
    %get3A_641 = arith.constant 1 : i32
    %get3A_642 = arith.index_cast %get3A_640 : i32 to index
    %get3A_643 = arith.index_cast %get3A_641 : i32 to index
    %get3A_644 = arith.constant 0 : index
    %get3A_645 = tpu.vector_load %arg11[%get3A_642, %get3A_643, %get3A_644] {strides = array<i32>} : memref<16x4x16xf32, #tpu.memory_space<vmem>>, vector<16xf32>,
    %add3A_646 = arith.addf %add3A_639, %get3A_645 : vector<16xf32>
    %get3A_647 = arith.constant 9 : i32
    %get3A_648 = arith.constant 1 : i32
    %get3A_649 = arith.index_cast %get3A_647 : i32 to index
    %get3A_650 = arith.index_cast %get3A_648 : i32 to index
    %get3A_651 = arith.constant 0 : index
    %get3A_652 = tpu.vector_load %arg11[%get3A_649, %get3A_650, %get3A_651] {strides = array<i32>} : memref<16x4x16xf32, #tpu.memory_space<vmem>>, vector<16xf32>,
    %add3A_653 = arith.addf %add3A_646, %get3A_652 : vector<16xf32>
    %get3A_654 = arith.constant 10 : i32
    %get3A_655 = arith.constant 1 : i32
    %get3A_656 = arith.index_cast %get3A_654 : i32 to index
    %get3A_657 = arith.index_cast %get3A_655 : i32 to index
    %get3A_658 = arith.constant 0 : index
    %get3A_659 = tpu.vector_load %arg11[%get3A_656, %get3A_657, %get3A_658] {strides = array<i32>} : memref<16x4x16xf32, #tpu.memory_space<vmem>>, vector<16xf32>,
    %add3A_660 = arith.addf %add3A_653, %get3A_659 : vector<16xf32>
    %get3A_661 = arith.constant 11 : i32
    %get3A_662 = arith.constant 1 : i32
    %get3A_663 = arith.index_cast %get3A_661 : i32 to index
    %get3A_664 = arith.index_cast %get3A_662 : i32 to index
    %get3A_665 = arith.constant 0 : index
    %get3A_666 = tpu.vector_load %arg11[%get3A_663, %get3A_664, %get3A_665] {strides = array<i32>} : memref<16x4x16xf32, #tpu.memory_space<vmem>>, vector<16xf32>,
    %add3A_667 = arith.addf %add3A_660, %get3A_666 : vector<16xf32>
    %get3A_668 = arith.constant 12 : i32
    %get3A_669 = arith.constant 1 : i32
    %get3A_670 = arith.index_cast %get3A_668 : i32 to index
    %get3A_671 = arith.index_cast %get3A_669 : i32 to index
    %get3A_672 = arith.constant 0 : index
    %get3A_673 = tpu.vector_load %arg11[%get3A_670, %get3A_671, %get3A_672] {strides = array<i32>} : memref<16x4x16xf32, #tpu.memory_space<vmem>>, vector<16xf32>,
    %add3A_674 = arith.addf %add3A_667, %get3A_673 : vector<16xf32>
    %get3A_675 = arith.constant 13 : i32
    %get3A_676 = arith.constant 1 : i32
    %get3A_677 = arith.index_cast %get3A_675 : i32 to index
    %get3A_678 = arith.index_cast %get3A_676 : i32 to index
    %get3A_679 = arith.constant 0 : index
    %get3A_680 = tpu.vector_load %arg11[%get3A_677, %get3A_678, %get3A_679] {strides = array<i32>} : memref<16x4x16xf32, #tpu.memory_space<vmem>>, vector<16xf32>,
    %add3A_681 = arith.addf %add3A_674, %get3A_680 : vector<16xf32>
    %get3A_682 = arith.constant 14 : i32
    %get3A_683 = arith.constant 1 : i32
    %get3A_684 = arith.index_cast %get3A_682 : i32 to index
    %get3A_685 = arith.index_cast %get3A_683 : i32 to index
    %get3A_686 = arith.constant 0 : index
    %get3A_687 = tpu.vector_load %arg11[%get3A_684, %get3A_685, %get3A_686] {strides = array<i32>} : memref<16x4x16xf32, #tpu.memory_space<vmem>>, vector<16xf32>,
    %add3A_688 = arith.addf %add3A_681, %get3A_687 : vector<16xf32>
    %get3A_689 = arith.constant 15 : i32
    %get3A_690 = arith.constant 1 : i32
    %get3A_691 = arith.index_cast %get3A_689 : i32 to index
    %get3A_692 = arith.index_cast %get3A_690 : i32 to index
    %get3A_693 = arith.constant 0 : index
    %get3A_694 = tpu.vector_load %arg11[%get3A_691, %get3A_692, %get3A_693] {strides = array<i32>} : memref<16x4x16xf32, #tpu.memory_space<vmem>>, vector<16xf32>,
    %add3A_695 = arith.addf %add3A_688, %get3A_694 : vector<16xf32>
    %swap3A_696 = arith.constant 1 : i32
    %swap3A_697 = arith.index_cast %swap3A_696 : i32 to index
    %swap3A_698 = arith.constant 0 : index
    %swap3A_699 = tpu.vector_load %arg10[%swap3A_697, %swap3A_698] {strides = array<i32>} : memref<4x16xf32, #tpu.memory_space<vmem>>, vector<16xf32>,
    tpu.vector_store %arg10[%swap3A_697, %swap3A_698], %add3A_695 {strides = array<i32>} : memref<4x16xf32, #tpu.memory_space<vmem>>, vector<16xf32>,
    %get3A_700 = arith.constant 0 : i32
    %get3A_701 = arith.constant 2 : i32
    %get3A_702 = arith.index_cast %get3A_700 : i32 to index
    %get3A_703 = arith.index_cast %get3A_701 : i32 to index
    %get3A_704 = arith.constant 0 : index
    %get3A_705 = tpu.vector_load %arg11[%get3A_702, %get3A_703, %get3A_704] {strides = array<i32>} : memref<16x4x16xf32, #tpu.memory_space<vmem>>, vector<16xf32>,
    %get3A_706 = arith.constant 1 : i32
    %get3A_707 = arith.constant 2 : i32
    %get3A_708 = arith.index_cast %get3A_706 : i32 to index
    %get3A_709 = arith.index_cast %get3A_707 : i32 to index
    %get3A_710 = arith.constant 0 : index
    %get3A_711 = tpu.vector_load %arg11[%get3A_708, %get3A_709, %get3A_710] {strides = array<i32>} : memref<16x4x16xf32, #tpu.memory_space<vmem>>, vector<16xf32>,
    %add3A_712 = arith.addf %get3A_705, %get3A_711 : vector<16xf32>
    %get3A_713 = arith.constant 2 : i32
    %get3A_714 = arith.constant 2 : i32
    %get3A_715 = arith.index_cast %get3A_713 : i32 to index
    %get3A_716 = arith.index_cast %get3A_714 : i32 to index
    %get3A_717 = arith.constant 0 : index
    %get3A_718 = tpu.vector_load %arg11[%get3A_715, %get3A_716, %get3A_717] {strides = array<i32>} : memref<16x4x16xf32, #tpu.memory_space<vmem>>, vector<16xf32>,
    %add3A_719 = arith.addf %add3A_712, %get3A_718 : vector<16xf32>
    %get3A_720 = arith.constant 3 : i32
    %get3A_721 = arith.constant 2 : i32
    %get3A_722 = arith.index_cast %get3A_720 : i32 to index
    %get3A_723 = arith.index_cast %get3A_721 : i32 to index
    %get3A_724 = arith.constant 0 : index
    %get3A_725 = tpu.vector_load %arg11[%get3A_722, %get3A_723, %get3A_724] {strides = array<i32>} : memref<16x4x16xf32, #tpu.memory_space<vmem>>, vector<16xf32>,
    %add3A_726 = arith.addf %add3A_719, %get3A_725 : vector<16xf32>
    %get3A_727 = arith.constant 4 : i32
    %get3A_728 = arith.constant 2 : i32
    %get3A_729 = arith.index_cast %get3A_727 : i32 to index
    %get3A_730 = arith.index_cast %get3A_728 : i32 to index
    %get3A_731 = arith.constant 0 : index
    %get3A_732 = tpu.vector_load %arg11[%get3A_729, %get3A_730, %get3A_731] {strides = array<i32>} : memref<16x4x16xf32, #tpu.memory_space<vmem>>, vector<16xf32>,
    %add3A_733 = arith.addf %add3A_726, %get3A_732 : vector<16xf32>
    %get3A_734 = arith.constant 5 : i32
    %get3A_735 = arith.constant 2 : i32
    %get3A_736 = arith.index_cast %get3A_734 : i32 to index
    %get3A_737 = arith.index_cast %get3A_735 : i32 to index
    %get3A_738 = arith.constant 0 : index
    %get3A_739 = tpu.vector_load %arg11[%get3A_736, %get3A_737, %get3A_738] {strides = array<i32>} : memref<16x4x16xf32, #tpu.memory_space<vmem>>, vector<16xf32>,
    %add3A_740 = arith.addf %add3A_733, %get3A_739 : vector<16xf32>
    %get3A_741 = arith.constant 6 : i32
    %get3A_742 = arith.constant 2 : i32
    %get3A_743 = arith.index_cast %get3A_741 : i32 to index
    %get3A_744 = arith.index_cast %get3A_742 : i32 to index
    %get3A_745 = arith.constant 0 : index
    %get3A_746 = tpu.vector_load %arg11[%get3A_743, %get3A_744, %get3A_745] {strides = array<i32>} : memref<16x4x16xf32, #tpu.memory_space<vmem>>, vector<16xf32>,
    %add3A_747 = arith.addf %add3A_740, %get3A_746 : vector<16xf32>
    %get3A_748 = arith.constant 7 : i32
    %get3A_749 = arith.constant 2 : i32
    %get3A_750 = arith.index_cast %get3A_748 : i32 to index
    %get3A_751 = arith.index_cast %get3A_749 : i32 to index
    %get3A_752 = arith.constant 0 : index
    %get3A_753 = tpu.vector_load %arg11[%get3A_750, %get3A_751, %get3A_752] {strides = array<i32>} : memref<16x4x16xf32, #tpu.memory_space<vmem>>, vector<16xf32>,
    %add3A_754 = arith.addf %add3A_747, %get3A_753 : vector<16xf32>
    %get3A_755 = arith.constant 8 : i32
    %get3A_756 = arith.constant 2 : i32
    %get3A_757 = arith.index_cast %get3A_755 : i32 to index
    %get3A_758 = arith.index_cast %get3A_756 : i32 to index
    %get3A_759 = arith.constant 0 : index
    %get3A_760 = tpu.vector_load %arg11[%get3A_757, %get3A_758, %get3A_759] {strides = array<i32>} : memref<16x4x16xf32, #tpu.memory_space<vmem>>, vector<16xf32>,
    %add3A_761 = arith.addf %add3A_754, %get3A_760 : vector<16xf32>
    %get3A_762 = arith.constant 9 : i32
    %get3A_763 = arith.constant 2 : i32
    %get3A_764 = arith.index_cast %get3A_762 : i32 to index
    %get3A_765 = arith.index_cast %get3A_763 : i32 to index
    %get3A_766 = arith.constant 0 : index
    %get3A_767 = tpu.vector_load %arg11[%get3A_764, %get3A_765, %get3A_766] {strides = array<i32>} : memref<16x4x16xf32, #tpu.memory_space<vmem>>, vector<16xf32>,
    %add3A_768 = arith.addf %add3A_761, %get3A_767 : vector<16xf32>
    %get3A_769 = arith.constant 10 : i32
    %get3A_770 = arith.constant 2 : i32
    %get3A_771 = arith.index_cast %get3A_769 : i32 to index
    %get3A_772 = arith.index_cast %get3A_770 : i32 to index
    %get3A_773 = arith.constant 0 : index
    %get3A_774 = tpu.vector_load %arg11[%get3A_771, %get3A_772, %get3A_773] {strides = array<i32>} : memref<16x4x16xf32, #tpu.memory_space<vmem>>, vector<16xf32>,
    %add3A_775 = arith.addf %add3A_768, %get3A_774 : vector<16xf32>
    %get3A_776 = arith.constant 11 : i32
    %get3A_777 = arith.constant 2 : i32
    %get3A_778 = arith.index_cast %get3A_776 : i32 to index
    %get3A_779 = arith.index_cast %get3A_777 : i32 to index
    %get3A_780 = arith.constant 0 : index
    %get3A_781 = tpu.vector_load %arg11[%get3A_778, %get3A_779, %get3A_780] {strides = array<i32>} : memref<16x4x16xf32, #tpu.memory_space<vmem>>, vector<16xf32>,
    %add3A_782 = arith.addf %add3A_775, %get3A_781 : vector<16xf32>
    %get3A_783 = arith.constant 12 : i32
    %get3A_784 = arith.constant 2 : i32
    %get3A_785 = arith.index_cast %get3A_783 : i32 to index
    %get3A_786 = arith.index_cast %get3A_784 : i32 to index
    %get3A_787 = arith.constant 0 : index
    %get3A_788 = tpu.vector_load %arg11[%get3A_785, %get3A_786, %get3A_787] {strides = array<i32>} : memref<16x4x16xf32, #tpu.memory_space<vmem>>, vector<16xf32>,
    %add3A_789 = arith.addf %add3A_782, %get3A_788 : vector<16xf32>
    %get3A_790 = arith.constant 13 : i32
    %get3A_791 = arith.constant 2 : i32
    %get3A_792 = arith.index_cast %get3A_790 : i32 to index
    %get3A_793 = arith.index_cast %get3A_791 : i32 to index
    %get3A_794 = arith.constant 0 : index
    %get3A_795 = tpu.vector_load %arg11[%get3A_792, %get3A_793, %get3A_794] {strides = array<i32>} : memref<16x4x16xf32, #tpu.memory_space<vmem>>, vector<16xf32>,
    %add3A_796 = arith.addf %add3A_789, %get3A_795 : vector<16xf32>
    %get3A_797 = arith.constant 14 : i32
    %get3A_798 = arith.constant 2 : i32
    %get3A_799 = arith.index_cast %get3A_797 : i32 to index
    %get3A_800 = arith.index_cast %get3A_798 : i32 to index
    %get3A_801 = arith.constant 0 : index
    %get3A_802 = tpu.vector_load %arg11[%get3A_799, %get3A_800, %get3A_801] {strides = array<i32>} : memref<16x4x16xf32, #tpu.memory_space<vmem>>, vector<16xf32>,
    %add3A_803 = arith.addf %add3A_796, %get3A_802 : vector<16xf32>
    %get3A_804 = arith.constant 15 : i32
    %get3A_805 = arith.constant 2 : i32
    %get3A_806 = arith.index_cast %get3A_804 : i32 to index
    %get3A_807 = arith.index_cast %get3A_805 : i32 to index
    %get3A_808 = arith.constant 0 : index
    %get3A_809 = tpu.vector_load %arg11[%get3A_806, %get3A_807, %get3A_808] {strides = array<i32>} : memref<16x4x16xf32, #tpu.memory_space<vmem>>, vector<16xf32>,
    %add3A_810 = arith.addf %add3A_803, %get3A_809 : vector<16xf32>
    %swap3A_811 = arith.constant 2 : i32
    %swap3A_812 = arith.index_cast %swap3A_811 : i32 to index
    %swap3A_813 = arith.constant 0 : index
    %swap3A_814 = tpu.vector_load %arg10[%swap3A_812, %swap3A_813] {strides = array<i32>} : memref<4x16xf32, #tpu.memory_space<vmem>>, vector<16xf32>,
    tpu.vector_store %arg10[%swap3A_812, %swap3A_813], %add3A_810 {strides = array<i32>} : memref<4x16xf32, #tpu.memory_space<vmem>>, vector<16xf32>,
    %get3A_815 = arith.constant 0 : i32
    %get3A_816 = arith.constant 3 : i32
    %get3A_817 = arith.index_cast %get3A_815 : i32 to index
    %get3A_818 = arith.index_cast %get3A_816 : i32 to index
    %get3A_819 = arith.constant 0 : index
    %get3A_820 = tpu.vector_load %arg11[%get3A_817, %get3A_818, %get3A_819] {strides = array<i32>} : memref<16x4x16xf32, #tpu.memory_space<vmem>>, vector<16xf32>,
    %get3A_821 = arith.constant 1 : i32
    %get3A_822 = arith.constant 3 : i32
    %get3A_823 = arith.index_cast %get3A_821 : i32 to index
    %get3A_824 = arith.index_cast %get3A_822 : i32 to index
    %get3A_825 = arith.constant 0 : index
    %get3A_826 = tpu.vector_load %arg11[%get3A_823, %get3A_824, %get3A_825] {strides = array<i32>} : memref<16x4x16xf32, #tpu.memory_space<vmem>>, vector<16xf32>,
    %add3A_827 = arith.addf %get3A_820, %get3A_826 : vector<16xf32>
    %get3A_828 = arith.constant 2 : i32
    %get3A_829 = arith.constant 3 : i32
    %get3A_830 = arith.index_cast %get3A_828 : i32 to index
    %get3A_831 = arith.index_cast %get3A_829 : i32 to index
    %get3A_832 = arith.constant 0 : index
    %get3A_833 = tpu.vector_load %arg11[%get3A_830, %get3A_831, %get3A_832] {strides = array<i32>} : memref<16x4x16xf32, #tpu.memory_space<vmem>>, vector<16xf32>,
    %add3A_834 = arith.addf %add3A_827, %get3A_833 : vector<16xf32>
    %get3A_835 = arith.constant 3 : i32
    %get3A_836 = arith.constant 3 : i32
    %get3A_837 = arith.index_cast %get3A_835 : i32 to index
    %get3A_838 = arith.index_cast %get3A_836 : i32 to index
    %get3A_839 = arith.constant 0 : index
    %get3A_840 = tpu.vector_load %arg11[%get3A_837, %get3A_838, %get3A_839] {strides = array<i32>} : memref<16x4x16xf32, #tpu.memory_space<vmem>>, vector<16xf32>,
    %add3A_841 = arith.addf %add3A_834, %get3A_840 : vector<16xf32>
    %get3A_842 = arith.constant 4 : i32
    %get3A_843 = arith.constant 3 : i32
    %get3A_844 = arith.index_cast %get3A_842 : i32 to index
    %get3A_845 = arith.index_cast %get3A_843 : i32 to index
    %get3A_846 = arith.constant 0 : index
    %get3A_847 = tpu.vector_load %arg11[%get3A_844, %get3A_845, %get3A_846] {strides = array<i32>} : memref<16x4x16xf32, #tpu.memory_space<vmem>>, vector<16xf32>,
    %add3A_848 = arith.addf %add3A_841, %get3A_847 : vector<16xf32>
    %get3A_849 = arith.constant 5 : i32
    %get3A_850 = arith.constant 3 : i32
    %get3A_851 = arith.index_cast %get3A_849 : i32 to index
    %get3A_852 = arith.index_cast %get3A_850 : i32 to index
    %get3A_853 = arith.constant 0 : index
    %get3A_854 = tpu.vector_load %arg11[%get3A_851, %get3A_852, %get3A_853] {strides = array<i32>} : memref<16x4x16xf32, #tpu.memory_space<vmem>>, vector<16xf32>,
    %add3A_855 = arith.addf %add3A_848, %get3A_854 : vector<16xf32>
    %get3A_856 = arith.constant 6 : i32
    %get3A_857 = arith.constant 3 : i32
    %get3A_858 = arith.index_cast %get3A_856 : i32 to index
    %get3A_859 = arith.index_cast %get3A_857 : i32 to index
    %get3A_860 = arith.constant 0 : index
    %get3A_861 = tpu.vector_load %arg11[%get3A_858, %get3A_859, %get3A_860] {strides = array<i32>} : memref<16x4x16xf32, #tpu.memory_space<vmem>>, vector<16xf32>,
    %add3A_862 = arith.addf %add3A_855, %get3A_861 : vector<16xf32>
    %get3A_863 = arith.constant 7 : i32
    %get3A_864 = arith.constant 3 : i32
    %get3A_865 = arith.index_cast %get3A_863 : i32 to index
    %get3A_866 = arith.index_cast %get3A_864 : i32 to index
    %get3A_867 = arith.constant 0 : index
    %get3A_868 = tpu.vector_load %arg11[%get3A_865, %get3A_866, %get3A_867] {strides = array<i32>} : memref<16x4x16xf32, #tpu.memory_space<vmem>>, vector<16xf32>,
    %add3A_869 = arith.addf %add3A_862, %get3A_868 : vector<16xf32>
    %get3A_870 = arith.constant 8 : i32
    %get3A_871 = arith.constant 3 : i32
    %get3A_872 = arith.index_cast %get3A_870 : i32 to index
    %get3A_873 = arith.index_cast %get3A_871 : i32 to index
    %get3A_874 = arith.constant 0 : index
    %get3A_875 = tpu.vector_load %arg11[%get3A_872, %get3A_873, %get3A_874] {strides = array<i32>} : memref<16x4x16xf32, #tpu.memory_space<vmem>>, vector<16xf32>,
    %add3A_876 = arith.addf %add3A_869, %get3A_875 : vector<16xf32>
    %get3A_877 = arith.constant 9 : i32
    %get3A_878 = arith.constant 3 : i32
    %get3A_879 = arith.index_cast %get3A_877 : i32 to index
    %get3A_880 = arith.index_cast %get3A_878 : i32 to index
    %get3A_881 = arith.constant 0 : index
    %get3A_882 = tpu.vector_load %arg11[%get3A_879, %get3A_880, %get3A_881] {strides = array<i32>} : memref<16x4x16xf32, #tpu.memory_space<vmem>>, vector<16xf32>,
    %add3A_883 = arith.addf %add3A_876, %get3A_882 : vector<16xf32>
    %get3A_884 = arith.constant 10 : i32
    %get3A_885 = arith.constant 3 : i32
    %get3A_886 = arith.index_cast %get3A_884 : i32 to index
    %get3A_887 = arith.index_cast %get3A_885 : i32 to index
    %get3A_888 = arith.constant 0 : index
    %get3A_889 = tpu.vector_load %arg11[%get3A_886, %get3A_887, %get3A_888] {strides = array<i32>} : memref<16x4x16xf32, #tpu.memory_space<vmem>>, vector<16xf32>,
    %add3A_890 = arith.addf %add3A_883, %get3A_889 : vector<16xf32>
    %get3A_891 = arith.constant 11 : i32
    %get3A_892 = arith.constant 3 : i32
    %get3A_893 = arith.index_cast %get3A_891 : i32 to index
    %get3A_894 = arith.index_cast %get3A_892 : i32 to index
    %get3A_895 = arith.constant 0 : index
    %get3A_896 = tpu.vector_load %arg11[%get3A_893, %get3A_894, %get3A_895] {strides = array<i32>} : memref<16x4x16xf32, #tpu.memory_space<vmem>>, vector<16xf32>,
    %add3A_897 = arith.addf %add3A_890, %get3A_896 : vector<16xf32>
    %get3A_898 = arith.constant 12 : i32
    %get3A_899 = arith.constant 3 : i32
    %get3A_900 = arith.index_cast %get3A_898 : i32 to index
    %get3A_901 = arith.index_cast %get3A_899 : i32 to index
    %get3A_902 = arith.constant 0 : index
    %get3A_903 = tpu.vector_load %arg11[%get3A_900, %get3A_901, %get3A_902] {strides = array<i32>} : memref<16x4x16xf32, #tpu.memory_space<vmem>>, vector<16xf32>,
    %add3A_904 = arith.addf %add3A_897, %get3A_903 : vector<16xf32>
    %get3A_905 = arith.constant 13 : i32
    %get3A_906 = arith.constant 3 : i32
    %get3A_907 = arith.index_cast %get3A_905 : i32 to index
    %get3A_908 = arith.index_cast %get3A_906 : i32 to index
    %get3A_909 = arith.constant 0 : index
    %get3A_910 = tpu.vector_load %arg11[%get3A_907, %get3A_908, %get3A_909] {strides = array<i32>} : memref<16x4x16xf32, #tpu.memory_space<vmem>>, vector<16xf32>,
    %add3A_911 = arith.addf %add3A_904, %get3A_910 : vector<16xf32>
    %get3A_912 = arith.constant 14 : i32
    %get3A_913 = arith.constant 3 : i32
    %get3A_914 = arith.index_cast %get3A_912 : i32 to index
    %get3A_915 = arith.index_cast %get3A_913 : i32 to index
    %get3A_916 = arith.constant 0 : index
    %get3A_917 = tpu.vector_load %arg11[%get3A_914, %get3A_915, %get3A_916] {strides = array<i32>} : memref<16x4x16xf32, #tpu.memory_space<vmem>>, vector<16xf32>,
    %add3A_918 = arith.addf %add3A_911, %get3A_917 : vector<16xf32>
    %get3A_919 = arith.constant 15 : i32
    %get3A_920 = arith.constant 3 : i32
    %get3A_921 = arith.index_cast %get3A_919 : i32 to index
    %get3A_922 = arith.index_cast %get3A_920 : i32 to index
    %get3A_923 = arith.constant 0 : index
    %get3A_924 = tpu.vector_load %arg11[%get3A_921, %get3A_922, %get3A_923] {strides = array<i32>} : memref<16x4x16xf32, #tpu.memory_space<vmem>>, vector<16xf32>,
    %add3A_925 = arith.addf %add3A_918, %get3A_924 : vector<16xf32>
    %swap3A_926 = arith.constant 3 : i32
    %swap3A_927 = arith.index_cast %swap3A_926 : i32 to index
    %swap3A_928 = arith.constant 0 : index
    %swap3A_929 = tpu.vector_load %arg10[%swap3A_927, %swap3A_928] {strides = array<i32>} : memref<4x16xf32, #tpu.memory_space<vmem>>, vector<16xf32>,
    tpu.vector_store %arg10[%swap3A_927, %swap3A_928], %add3A_925 {strides = array<i32>} : memref<4x16xf32, #tpu.memory_space<vmem>>, vector<16xf32>,
    %mul3A_930 = arith.constant 4 : i32
    %mul3A_931 = arith.muli %arg1, %mul3A_930 : i32
    "tpu.region"() ({
      %run_scoped3A = tpu.sem_alloc : memref<!tpu.dma_semaphore, #tpu.memory_space<semaphore_mem>>
      %dma_start3A_932 = arith.constant 0 : i32
      %dma_start3A_933 = tpu.memref_slice %arg4[%arg0, %mul3A_931, %dma_start3A_932] : memref<2x64x16xf32, #tpu.memory_space<hbm>> -> memref<1x4x16xf32, #tpu.memory_space<hbm>>
      %dma_start3A_934 = tpu.memref_squeeze %dma_start3A_933 : memref<1x4x16xf32, #tpu.memory_space<hbm>> -> memref<4x16xf32, #tpu.memory_space<hbm>>
      %dma_start3A_935 = arith.constant 0 : i32
      %dma_start3A_936 = tpu.memref_slice %arg4[%arg0, %mul3A_931, %dma_start3A_935] : memref<2x64x16xf32, #tpu.memory_space<hbm>> -> memref<1x4x16xf32, #tpu.memory_space<hbm>>
      %dma_start3A_937 = tpu.memref_squeeze %dma_start3A_936 : memref<1x4x16xf32, #tpu.memory_space<hbm>> -> memref<4x16xf32, #tpu.memory_space<hbm>>
      tpu.enqueue_dma source(%arg10 : memref<4x16xf32, #tpu.memory_space<vmem>>) target(%dma_start3A_937 : memref<4x16xf32, #tpu.memory_space<hbm>>) target_semaphore(%run_scoped3A : memref<!tpu.dma_semaphore, #tpu.memory_space<semaphore_mem>>)
      %dma_wait3A_938 = arith.constant 0 : i32
      %dma_wait3A_939 = tpu.memref_slice %arg4[%arg0, %mul3A_931, %dma_wait3A_938] : memref<2x64x16xf32, #tpu.memory_space<hbm>> -> memref<1x4x16xf32, #tpu.memory_space<hbm>>
      %dma_wait3A_940 = tpu.memref_squeeze %dma_wait3A_939 : memref<1x4x16xf32, #tpu.memory_space<hbm>> -> memref<4x16xf32, #tpu.memory_space<hbm>>
      %dma_wait3A_941 = arith.constant 0 : i32
      %dma_wait3A_942 = tpu.memref_slice %arg4[%arg0, %mul3A_931, %dma_wait3A_941] : memref<2x64x16xf32, #tpu.memory_space<hbm>> -> memref<1x4x16xf32, #tpu.memory_space<hbm>>
      %dma_wait3A_943 = tpu.memref_squeeze %dma_wait3A_942 : memref<1x4x16xf32, #tpu.memory_space<hbm>> -> memref<4x16xf32, #tpu.memory_space<hbm>>
      tpu.wait_dma2 semaphore(%run_scoped3A : memref<!tpu.dma_semaphore, #tpu.memory_space<semaphore_mem>>) src(%arg10 : memref<4x16xf32, #tpu.memory_space<vmem>>) dst(%dma_wait3A_943 : memref<4x16xf32, #tpu.memory_space<hbm>>)
      tpu.yield
    }) : () -> ()
    return
  }
}

</mosaic_0001>

<sc_bundles>
// kernel: kernel.3.cloned.1.call-start
scs
__scs_entry_jumppad:
0x0: {  	(pc) =	sbr.rel $0x88, $3  }
0x1: {  	(tag) =	ssettag $0x0;
	lr =	simm.s32 $0x1  }
0x2: {  	[smem:$0x3F9F] =	sst lr;
	_ =	strace $0xD0000000  }
0x3: {  	_ = 	snop  }
0x4: {  	_ = 	snop  }
0x5: {  	_ = 	snop  }
0x6: {  	_ = 	snop  }
0x7: {  	_ = 	snop  }
__scs_overlays_trampoline_lowered:
0x8: {  	[smem:$0x3FAE] =	sst s0  }
0x9: {  	[smem:$0x3FAF] =	sst s1  }
0xa: {  	[smem:$0x3FB0] =	sst s2  }
0xb: {  	[smem:$0x3FB1] =	sst s3  }
0xc: {  	[smem:$0x3FB2] =	sst s4  }
0xd: {  	[smem:$0x3FB3] =	sst s5  }
0xe: {  	[smem:$0x3FB4] =	sst s6  }
0xf: {  	[smem:$0x3FB5] =	sst s7  }
0x10: {  	[smem:$0x3FB6] =	sst s8  }
0x11: {  	[smem:$0x3FB7] =	sst s9;
	s0 =	simm.s32 @!p0 $0x0  }
0x12: {  	s1 =	sld [smem:$0x3F9D];
	s0 =	simm.s32 @p0 $0x1  }
0x13: {  	[smem:$0x3FB8] =	sst s0;
	s0 =	simm.s32 @!p1 $0x0  }
0x14: {  	s2 =	sld [smem:$0x3F9C];
	s0 =	simm.s32 @p1 $0x1  }
0x15: {  	[smem:$0x3FB9] =	sst s0;
	s0 =	simm.s32 @!p2 $0x0  }
0x16: {  	s3 =	sld [smem:$0x3FDB];
	s0 =	simm.s32 @p2 $0x1  }
0x17: {  	s4 =	simm.s32 $0x1BF5;
	[smem:$0x3FBB] =	sst s0  }
0x18: {  	s0 =	sld [smem:$0x3F9E];
	_ =	swait.ge [sflag:s4], $0x0  }
0x19: {  	s7 =	sld [smem:$0x3F9F]  }
0x1a: {  	s8 =	sadd.s32 $0xFFFFE003, lr  }
0x1b: {  	s9 =	sadd.s32 $0xFFFFFEF7, lr;
	s5 =	simm.s32 $0xFFFFFFFF;
	p2 =	slt.u32 s8, $0xFFFFF086  }
0x1c: {  	p1 =	slt.u32 s9, $0xF7A;
	s5 =	simm.s32 @!p2 $0x0  }
0x1d: {  	s5 =	simm.s32 @p1 $0x1;
	p0 =	seq.s32 s7, s2  }
0x1e: {  	s7 =	smul.u32 @!p0 $0xF7A, s2;
	p2 =	seq.s32 @!p0 s5, $0x0  }
0x1f: {  	s9 =	smul.u32 $0xF7A, s1;
	s8 =	simm.s32 @!p0 $0x1BF5;
	p2 =	por !p2, p0  }
0x20: {  	[sflag:s8] =	ssyncset.s32 @!p0 $0xFFFFF086;
	s6 =	sadd.s32 @!p0 s3, s7;
	s7 =	simm.s32 @!p0 $0x108  }
0x21: {  	s3 =	sadd.s32 s3, s9;
	s6 =	sadd.s32 @!p0 $0x88, s6;
	s7 =	simm.s32 @p2 $0x1082  }
0x22: {  	[simem:s7], [sflag:s8] =	dma.local @!p0 [hbm:s6], $0xF7A  }
0x23: {  	s9 =	sor.u32 $0xD0000000, s2;
	s6 =	simm.s32 $0x108;
	_ =	swait.ge @!p0 [sflag:s8], $0x0  }
0x24: {  	s3 =	sadd.s32 $0x88, s3;
	s6 =	simm.s32 @!p1 $0x1082;
	[sflag:s4] =	ssyncset.s32 $0xFFFFF086  }
0x25: {  	[simem:s6], [sflag:s4] =	dma.local [hbm:s3], $0xF7A  }
0x26: {  	[smem:$0x3F9F] =	sst s1;
	(tag) =	ssettag s2;
	_ =	strace s9  }
0x27: {  	s1 =	sld [smem:$0x3FAF]  }
0x28: {  	s2 =	sld [smem:$0x3FB0]  }
0x29: {  	s4 =	sld [smem:$0x3FB2]  }
0x2a: {  	p0 =	seq.s32 s5, $0x0;
	s5 =	sld [smem:$0x3FB3]  }
0x2b: {  	s6 =	sld [smem:$0x3FB4]  }
0x2c: {  	s7 =	sld [smem:$0x3FB5]  }
0x2d: {  	s3 =	simm.s32 $0x108;
	s8 =	sld [smem:$0x3FB6]  }
0x2e: {  	s3 =	simm.s32 @!p0 $0x1082;
	s9 =	sld [smem:$0x3FB7]  }
0x2f: {  	lr =	sadd.s32 s0, s3;
	s0 =	sld [smem:$0x3FAE]  }
0x30: {  	s3 =	sld [smem:$0x3FB1]  }
0x31: {  	[smem:$0x3FBA] =	sst s10  }
0x32: {  	s10 =	sld [smem:$0x3FB8];
	_ =	sdelay $0x3  }
0x33: {  	p0 =	seq.s32 s10, $0x1;
	s10 =	sld [smem:$0x3FBA];
	_ =	sdelay $0x3  }
0x34: {  	[smem:$0x3FBA] =	sst s10  }
0x35: {  	s10 =	sld [smem:$0x3FB9];
	_ =	sdelay $0x3  }
0x36: {  	p1 =	seq.s32 s10, $0x1;
	s10 =	sld [smem:$0x3FBA];
	_ =	sdelay $0x3  }
0x37: {  	[smem:$0x3FBA] =	sst s10  }
0x38: {  	s10 =	sld [smem:$0x3FBB]  }
0x39: {  	_ = 	snop;
	(pc) =	sbr.ind lr, $3  }
0x3a: {  	_ = 	snop  }
0x3b: {  	_ = 	snop  }
0x3c: {  	p2 =	seq.s32 s10, $0x1;
	s10 =	sld [smem:$0x3FBA]  }
0x3d: {  	_ =	shalt  }
0x3e: {  	_ =	shalt  }
0x3f: {  	_ =	shalt  }
0x40: {  	_ =	shalt  }
0x41: {  	_ =	shalt  }
0x42: {  	_ =	shalt  }
0x43: {  	_ =	shalt  }
0x44: {  	_ =	shalt  }
0x45: {  	_ =	shalt  }
0x46: {  	_ =	shalt  }
0x47: {  	_ =	shalt  }
0x48: {  	_ =	shalt  }
0x49: {  	_ =	shalt  }
0x4a: {  	_ =	shalt  }
0x4b: {  	_ =	shalt  }
0x4c: {  	_ =	shalt  }
0x4d: {  	_ =	shalt  }
0x4e: {  	_ =	shalt  }
0x4f: {  	_ =	shalt  }
0x50: {  	_ =	shalt  }
0x51: {  	_ =	shalt  }
0x52: {  	_ =	shalt  }
0x53: {  	_ =	shalt  }
0x54: {  	_ =	shalt  }
0x55: {  	_ =	shalt  }
0x56: {  	_ =	shalt  }
0x57: {  	_ =	shalt  }
0x58: {  	_ =	shalt  }
0x59: {  	_ =	shalt  }
0x5a: {  	_ =	shalt  }
0x5b: {  	_ =	shalt  }
0x5c: {  	_ =	shalt  }
0x5d: {  	_ =	shalt  }
0x5e: {  	_ =	shalt  }
0x5f: {  	_ =	shalt  }
0x60: {  	_ =	shalt  }
0x61: {  	_ =	shalt  }
0x62: {  	_ =	shalt  }
0x63: {  	_ =	shalt  }
0x64: {  	_ =	shalt  }
0x65: {  	_ =	shalt  }
0x66: {  	_ =	shalt  }
0x67: {  	_ =	shalt  }
0x68: {  	_ =	shalt  }
0x69: {  	_ =	shalt  }
0x6a: {  	_ =	shalt  }
0x6b: {  	_ =	shalt  }
0x6c: {  	_ =	shalt  }
0x6d: {  	_ =	shalt  }
0x6e: {  	_ =	shalt  }
0x6f: {  	_ =	shalt  }
0x70: {  	_ =	shalt  }
0x71: {  	_ =	shalt  }
0x72: {  	_ =	shalt  }
0x73: {  	_ =	shalt  }
0x74: {  	_ =	shalt  }
0x75: {  	_ =	shalt  }
0x76: {  	_ =	shalt  }
0x77: {  	_ =	shalt  }
0x78: {  	_ =	shalt  }
0x79: {  	_ =	shalt  }
0x7a: {  	_ =	shalt  }
0x7b: {  	_ =	shalt  }
0x7c: {  	_ =	shalt  }
0x7d: {  	_ =	shalt  }
0x7e: {  	_ =	shalt  }
0x7f: {  	_ =	shalt  }
0x80: {  	_ =	shalt  }
0x81: {  	_ =	shalt  }
0x82: {  	_ =	shalt  }
0x83: {  	_ =	shalt  }
0x84: {  	_ =	shalt  }
0x85: {  	_ =	shalt  }
0x86: {  	_ =	shalt  }
0x87: {  	_ =	shalt  }
.Lfunc_end0:
.L_simem_size_0:
called_computation_lowered:
.L_overlay_start_0:
0x88: {  	s2 =	sld [smem:$0x3FD9]  }
0x89: {  	s3 =	sld [smem:$0x3FFE];
	_ =	sdelay $0x1  }
0x8a: {  	s1 =	srdreg.scid  }
0x8b: {  	s0 =	sand.u32 $0x1, s1  }
0x8c: {  	s17 =	sshll.u32 s0, $0xA;
	s2 =	sadd.s32 s3, s2  }
0x8d: {  	s2 =	sadd.s32 s2, s17  }
0x8e: {  	[smem:$0x3FC6] =	sst s2  }
0x8f: {  	_ = 	snop  }
0x90: {  	s2 =	sld [smem:$0x3FC9]  }
0x91: {  	s18 =	sld [smem:$0x3FC8];
	(tm) =	ssettm $0x1  }
0x92: {  	s4 =	sld [smem:$0x3FFB];
	_ =	sdelay $0x3  }
0x93: {  	_ =	strace s4  }
0x94: {  	s4 =	sld [smem:$0x3FFC];
	_ =	sdelay $0x3  }
0x95: {  	_ =	strace s4  }
0x96: {  	s4 =	sld [smem:$0x3FFD];
	_ =	sdelay $0x3  }
0x97: {  	_ =	strace s4  }
0x98: {  	_ =	strace $0x8FFFFFFF  }
0x99: {  	s19 =	sld [smem:$0x3FDB];
	_ =	sdelay $0x1  }
0x9a: {  	s5 =	simm.s32 $_scs_section_size  }
0x9b: {  	s6 =	simm.s32 $_size__tile_overlayer_lowered;
	s7 =	simm.s32 $_tile_overlayer_lowered  }
0x9c: {  	s22 =	simm.s32 $0x1BFF;
	s21 =	sshll.u32 s7, $0x1;
	s4 =	sadd.s32 s5, s19  }
0x9d: {  	s8 =	simm.s32 $0x0;
	s20 =	sshll.u32 s6, $0x1;
	s6 =	sadd.s32 s21, s4  }
0x9e: {  	[timem:s8], [sflag:s22] =	dma.local [hbm:s6], s20  }
0x9f: {  	_ =	swait.ge [sflag:s22], s20  }
0xa0: {  	s5 =	ssub.s32 $0x0, s20;
	[sflag:s22] =	ssyncset.done $0x0  }
0xa1: {  	[sflag:s22] =	ssyncadd.s32 s5;
	_ =	sdelay $0x1  }
0xa2: {  	s23 =	simm.s32 $0x1B8B  }
0xa3: {  	_ =	swait.ge [sflag:s23], $0x1  }
0xa4: {  	[sflag:s23] =	ssyncset.done $0x0  }
0xa5: {  	s25 =	simm.s32 $0x1B8E;
	s24 =	sld [smem:$0x3FFE];
	[sflag:s23] =	ssyncadd.s32 $0xFFFFFFFF  }
0xa6: {  	s26 =	simm.s32 $execute0_lowered;
	[smem:$0x3FD2] =	sst s25  }
0xa7: {  	s6 =	sshll.u32 s26, $0x1;
	_ =	strace $0x80000046;
	[dreg:$0x1] =	wrdreg $0xFFFFFFFF  }
0xa8: {  	s28 =	simm.s32 $_size_execute0_lowered;
	s4 =	sadd.s32 s4, s6;
	[dreg:$0x0] =	wrdreg $0x0  }
0xa9: {  	s6 =	sshll.u32 s28, $0x1;
	[dreg:$0x2] =	wrdreg s4  }
0xaa: {  	[dreg:$0x3] =	wrdreg s6  }
0xab: {  	[dreg:$0x4] =	wrdreg $0xC0  }
0xac: {  	_ =	task [dreg:s8], $0x5FFFF  }
0xad: {  	[dreg:$0x1] =	wrdreg $0xFFFFFFFF  }
0xae: {  	[dreg:$0x0] =	wrdreg $0x60  }
0xaf: {  	[dreg:$0x2] =	wrdreg s2  }
0xb0: {  	[dreg:$0x3] =	wrdreg s18  }
0xb1: {  	[dreg:$0x4] =	wrdreg s24  }
0xb2: {  	[dreg:$0x5] =	wrdreg $0xE0000  }
0xb3: {  	[dreg:$0x6] =	wrdreg $0x9  }
0xb4: {  	_ =	task.clear_ibuf [dreg:s8], $0x7FFFF;
	_ =	strace $0x90000046  }
0xb5: {  	s29 =	simm.s32 $0x9;
	_ =	strace $0x80000048  }
0xb6: {  	_ =	swait.ge [sflag:s29], $0x1  }
0xb7: {  	[sflag:s29] =	ssyncadd.s32 $0xFFFFFFFF  }
0xb8: {  	_ =	strace $0x90000048  }
0xb9: {  	_ =	sfence  }
0xba: {  	s30 =	sld [smem:$0x0];
	_ =	sdelay $0x2  }
0xbb: {  	s31 =	sshll.u32 s1, $0xD;
	s1 =	sshrl.u32 s1, $0x2  }
0xbc: {  	s3 =	sand.u32 $0x4000, s31;
	s1 =	sadd.s32 s1, s30  }
0xbd: {  	s0 =	sor.u32 s3, s0;
	s1 =	sshll.u32 s1, $0x11  }
0xbe: {  	s0 =	sor.u32 s1, s0  }
0xbf: {  	s0 =	sadd.s32 $0x8F2B, s0  }
0xc0: {  	[sflag:s0] =	ssyncadd.remote.s32 $0x1  }
0xc1: {  	_ =	sfence.sel $0xFFFF  }
0xc2: {  	[dreg:$0x0] =	wrdreg $0xFFFFFFFF;
	(pc) =	sbr.abs _section_cstart, $3  }
0xc3: {  	[dreg:$0x1] =	wrdreg $0xFFFFFFFF  }
0xc4: {  	_ =	task.clear_ibuf [dreg:s8], $0x2FFFF;
	_ =	strace $0x9FFFFFFF  }
0xc5: {  	(tm) =	ssettm $0x7FFFFFFF  }
tec
execute0_lowered:
.L_overlay_start_1:
0x0: {  	(tag) =	ssettag $0x1  }
0x1: {  	s0 =	rddreg [dreg:$0x0]  }
0x2: {  	s1 =	rddreg [dreg:$0x1]  }
0x3: {  	s2 =	srdreg.scid;
	s3 =	rddreg [dreg:$0x2]  }
0x4: {  	s5 =	rddreg [dreg:$0x3];
	s13 =	stileid.u32;
	s17 =	simm.s32 $0x4F00  }
0x5: {  	s19 =	simm.s32 $0x7680;
	s20 =	simm.s32 $0x3;
	s21 =	simm.s32 $0x1  }
0x6: {  	s31 =	simm.s32 $0x0;
	s4 =	sand.u32 $0x1, s2;
	s2 =	simm.s32 $0x0  }
0x7: {  	s8 =	sshll.u32 s13, $0x6;
	s29 =	sshll.u32 s13, $0xD;
	s6 =	sshll.u32 s4, $0x4  }
0x8: {  	s30 =	sshll.u32 s13, $0x9;
	[smem:$0x7FF] =	sst s2;
	s6 =	sor.u32 s13, s6  }
0x9: {  	s7 =	ssub.s32 $0x2, s4;
	s3 =	sadd.s32 s8, s3;
	s6 =	smul.u32 $0xC350, s6  }
0xa: {  	s28 =	sshll.u32 s4, $0xA;
	s14 =	sadd.s32 s30, s5;
	s9 =	sshrl.u32 s7, $0x1  }
0xb: {  	_ =	strace $0x80000047;
	s16 =	ssub.s32 s7, s9;
	s6 =	sshrl.u32 s6, $0x3  }
0xc: {  	s13 =	sadd.s32 s29, s5;
	s16 =	smax.u32 s16, $0x1;
	s22 =	sadd.s32 s0, s6  }
0xd: {  	s23 =	sadd.s32 s1, s6;
	s24 =	sadd.s32 $0x4E2, s6;
	s26 =	sadd.s32 $0x9C4, s6  }
0xe: {  	s10 =	sadd.s32 $0xEA6, s6;
	s6 =	sadd.s32 $0x1388, s6;
	[dreg:$0x5] =	wrdreg s22  }
0xf: {  	[dreg:$0x6] =	wrdreg s23;
	s25 =	sadd.s32 s0, s24;
	s7 =	sadd.s32 s1, s24  }
.Ltmp0:
0x10: {  	s8 =	sadd.s32 s1, s26;
	s9 =	sadd.s32 s0, s10;
	(pc) =	sbr.rel .LBB2_1-.Ltmp0, $4  }
0x11: {  	v0 =	vlaneseq.u32;
	s10 =	sadd.s32 s1, s10;
	s11 =	sadd.s32 s0, s6;
	s12 =	sadd.s32 s1, s6  }
0x12: {  	v2 =	vmul.u32 $0x271, v0;
	s22 =	simm.s32 $0x9E00;
	s23 =	simm.s32 $0x4;
	s24 =	simm.s32 $0x2  }
0x13: {  	v1 =	vimm.f32 $0.0e+00;
	[dreg:$0x8] =	wrdreg s7;
	s7 =	sadd.s32 s0, s26;
	s0 =	sadd.s32 s28, s3  }
0x14: {  	vm0 =	vmxor vm0, vm0;
	v3 =	vadd.s32 $0x1, v0;
	v2 =	vadd.s32 $0x270, v2;
	[dreg:$0x7] =	wrdreg s25;
	s25 =	simm.s32 $0x5;
	s15 =	sadd.s32 $0x400, s0  }
.LBB2_51:
0x15: {  	[spmem:s13] =	stream.linear.scatter [tilespmem:s22], [sflag:$0x5], $0x2000, $0x38;
	[tilespmem:$0xE400] =	vst v63  }
0x16: {  	_ =	swait.ge [sflag:s25], $0x2000  }
0x17: {  	[sflag:s25] =	ssyncset.done $0x0  }
0x18: {  	s0 =	simm.s32 $0x200;
	[sflag:s25] =	ssyncadd.s32 $0xFFFFE000  }
0x19: {  	s1 =	simm.s32 $0x2000;
	s3 =	simm.s32 $0xC000;
	[bflag:$0x0] =	sbarrier.arrive $0xFFFF  }
0x1a: {  	[tilespmem:s3], [sflag:$0x5] =	stream.strided.gather [spmem:s14], $0x2000, s1, s0, $0x38;
	[tilespmem:$0xE400] =	vst v63  }
0x1b: {  	_ =	swait.ge [sflag:s25], $0x2000  }
0x1c: {  	[sflag:s25] =	ssyncset.done $0x0  }
0x1d: {  	[sflag:s25] =	ssyncadd.s32 $0xFFFFE000  }
0x1e: {  	v4 =	vld [tilespmem:$0xC000]  }
0x1f: {  	v5 =	vld [tilespmem:$0xC200]  }
0x20: {  	v6 =	vld [tilespmem:$0xC400]  }
0x21: {  	v7 =	vld [tilespmem:$0xC600]  }
0x22: {  	v8 =	vld [tilespmem:$0xC800]  }
0x23: {  	v9 =	vld [tilespmem:$0xCA00]  }
0x24: {  	v10 =	vld [tilespmem:$0xCC00]  }
0x25: {  	v11 =	vld [tilespmem:$0xCE00]  }
0x26: {  	v12 =	vld [tilespmem:$0xD000]  }
0x27: {  	v13 =	vld [tilespmem:$0xD200]  }
0x28: {  	v14 =	vld [tilespmem:$0xD400]  }
0x29: {  	v15 =	vld [tilespmem:$0xD600]  }
0x2a: {  	v16 =	vld [tilespmem:$0xD800]  }
0x2b: {  	v17 =	vld [tilespmem:$0xDA00]  }
0x2c: {  	v18 =	vld [tilespmem:$0xDC00]  }
0x2d: {  	v19 =	vld [tilespmem:$0xDE00]  }
0x2e: {  	v20 =	vld [tilespmem:$0xC080]  }
0x2f: {  	v21 =	vld [tilespmem:$0xC280]  }
0x30: {  	v22 =	vld [tilespmem:$0xC480]  }
0x31: {  	v23 =	vld [tilespmem:$0xC680]  }
0x32: {  	v24 =	vld [tilespmem:$0xC880]  }
0x33: {  	v25 =	vld [tilespmem:$0xCA80]  }
0x34: {  	v26 =	vld [tilespmem:$0xCC80]  }
0x35: {  	v27 =	vld [tilespmem:$0xCE80]  }
0x36: {  	v28 =	vld [tilespmem:$0xD080]  }
0x37: {  	v29 =	vld [tilespmem:$0xD280]  }
0x38: {  	v30 =	vld [tilespmem:$0xD480]  }
0x39: {  	v31 =	vld [tilespmem:$0xD680]  }
0x3a: {  	v32 =	vld [tilespmem:$0xD880]  }
0x3b: {  	v33 =	vld [tilespmem:$0xDA80]  }
0x3c: {  	v34 =	vld [tilespmem:$0xDC80]  }
0x3d: {  	v35 =	vld [tilespmem:$0xDE80]  }
0x3e: {  	v36 =	vld [tilespmem:$0xC100]  }
0x3f: {  	v37 =	vld [tilespmem:$0xC300]  }
0x40: {  	v38 =	vld [tilespmem:$0xC180]  }
0x41: {  	v39 =	vld [tilespmem:$0xC380]  }
0x42: {  	v40 =	vld [tilespmem:$0xC500]  }
0x43: {  	v4 =	vadd.f32 v5, v4;
	v5 =	vld [tilespmem:$0xC580]  }
0x44: {  	v59 =	vld [tilespmem:$0xC700];
	v20 =	vadd.f32 v21, v20  }
0x45: {  	v61 =	vld [tilespmem:$0xC780];
	v60 =	vadd.f32 v37, v36;
	v4 =	vadd.f32 v6, v4  }
0x46: {  	v63 =	vld [tilespmem:$0xC900];
	v62 =	vadd.f32 v39, v38;
	v20 =	vadd.f32 v22, v20  }
0x47: {  	v39 =	vld [tilespmem:$0xC980];
	v6 =	vadd.f32 v40, v60;
	v4 =	vadd.f32 v7, v4  }
0x48: {  	v40 =	vld [tilespmem:$0xCB00];
	v20 =	vadd.f32 v23, v20;
	v5 =	vadd.f32 v5, v62  }
0x49: {  	v41 =	vld [tilespmem:$0xCB80];
	v6 =	vadd.f32 v59, v6;
	v4 =	vadd.f32 v8, v4  }
0x4a: {  	v42 =	vld [tilespmem:$0xCD00];
	v20 =	vadd.f32 v24, v20;
	v5 =	vadd.f32 v61, v5  }
0x4b: {  	v43 =	vld [tilespmem:$0xCD80];
	v6 =	vadd.f32 v63, v6;
	v4 =	vadd.f32 v9, v4  }
0x4c: {  	v44 =	vld [tilespmem:$0xCF00];
	v20 =	vadd.f32 v25, v20;
	v5 =	vadd.f32 v39, v5  }
0x4d: {  	v45 =	vld [tilespmem:$0xCF80];
	v6 =	vadd.f32 v40, v6;
	v4 =	vadd.f32 v10, v4  }
0x4e: {  	v46 =	vld [tilespmem:$0xD100];
	v20 =	vadd.f32 v26, v20;
	v5 =	vadd.f32 v41, v5  }
0x4f: {  	v47 =	vld [tilespmem:$0xD180];
	v6 =	vadd.f32 v42, v6;
	v4 =	vadd.f32 v11, v4  }
0x50: {  	v48 =	vld [tilespmem:$0xD300];
	v20 =	vadd.f32 v27, v20;
	v5 =	vadd.f32 v43, v5  }
0x51: {  	v49 =	vld [tilespmem:$0xD380];
	v6 =	vadd.f32 v44, v6;
	v4 =	vadd.f32 v12, v4  }
0x52: {  	v51 =	vld [tilespmem:$0xD500];
	v50 =	vadd.f32 v28, v20;
	v5 =	vadd.f32 v45, v5  }
0x53: {  	v52 =	vld [tilespmem:$0xD580];
	v6 =	vadd.f32 v46, v6;
	v4 =	vadd.f32 v13, v4  }
0x54: {  	v53 =	vld [tilespmem:$0xD700];
	v12 =	vadd.f32 v29, v50;
	v5 =	vadd.f32 v47, v5  }
0x55: {  	v54 =	vld [tilespmem:$0xD780];
	v6 =	vadd.f32 v48, v6;
	v4 =	vadd.f32 v14, v4  }
0x56: {  	v55 =	vld [tilespmem:$0xD900];
	v12 =	vadd.f32 v30, v12;
	v5 =	vadd.f32 v49, v5  }
0x57: {  	v56 =	vld [tilespmem:$0xD980];
	v6 =	vadd.f32 v51, v6;
	v4 =	vadd.f32 v15, v4  }
0x58: {  	v57 =	vld [tilespmem:$0xDB00];
	v12 =	vadd.f32 v31, v12;
	v5 =	vadd.f32 v52, v5  }
0x59: {  	v58 =	vld [tilespmem:$0xDB80];
	v6 =	vadd.f32 v53, v6;
	v4 =	vadd.f32 v16, v4  }
0x5a: {  	v59 =	vld [tilespmem:$0xDD00];
	v12 =	vadd.f32 v32, v12;
	v5 =	vadd.f32 v54, v5  }
0x5b: {  	v60 =	vld [tilespmem:$0xDD80];
	v6 =	vadd.f32 v55, v6;
	v4 =	vadd.f32 v17, v4  }
0x5c: {  	v61 =	vld [tilespmem:$0xDF00];
	v12 =	vadd.f32 v33, v12;
	v5 =	vadd.f32 v56, v5  }
0x5d: {  	v62 =	vld [tilespmem:$0xDF80];
	v6 =	vadd.f32 v57, v6;
	v4 =	vadd.f32 v18, v4  }
0x5e: {  	v12 =	vadd.f32 v34, v12;
	v5 =	vadd.f32 v58, v5  }
0x5f: {  	v6 =	vadd.f32 v59, v6;
	v4 =	vadd.f32 v19, v4  }
0x60: {  	v63 =	vadd.f32 v35, v12;
	v5 =	vadd.f32 v60, v5  }
0x61: {  	[tilespmem:$0xBE00] =	vst v4;
	v4 =	vadd.f32 v61, v6  }
0x62: {  	s31 =	sadd.s32 $0x1, s31;
	[tilespmem:$0xBE80] =	vst v63;
	v5 =	vadd.f32 v62, v5  }
0x63: {  	p0 =	sne.s32 s31, s16;
	[tilespmem:$0xBF00] =	vst v4  }
.Ltmp1:
0x64: {  	s30 =	simm.s32 $0xBE00;
	[tilespmem:$0xBF80] =	vst v5;
	(pc) =	sbr.rel @!p0 .LBB2_52-.Ltmp1, $4  }
0x65: {  	[hbm4b:s15+s2] =	stream.linear.scatter [tilespmem:s30], [sflag:$0x5], $0x200, $0x38;
	[tilespmem:$0xE400] =	vst v63  }
0x66: {  	_ =	swait.ge [sflag:s25], $0x200  }
0x67: {  	[sflag:s25] =	ssyncset.done $0x0  }
0x68: {  	[sflag:s25] =	ssyncadd.s32 $0xFFFFFE00  }
.LBB2_1:
0x69: {  	s0 =	rddreg [dreg:$0x5]  }
0x6a: {  	[tilespmem:s2], [sflag:$0x1] =	stream.linear.gather [hbm4b:s0+s2], $0x2710, $0x38;
	[tilespmem:$0xE400] =	vst v63  }
0x6b: {  	s26 =	rddreg [dreg:$0x6]  }
0x6c: {  	[tilespmem:s17], [sflag:$0x3] =	stream.linear.gather [hbm4b:s26+s2], $0x2710, $0x38;
	[tilespmem:$0xE400] =	vst v63  }
0x6d: {  	s28 =	rddreg [dreg:$0x7];
	s1 =	simm.s32 $0x2780  }
0x6e: {  	[tilespmem:s1], [sflag:$0x2] =	stream.linear.gather [hbm4b:s28+s2], $0x2710, $0x38;
	[tilespmem:$0xE400] =	vst v63  }
0x6f: {  	s29 =	rddreg [dreg:$0x8]  }
0x70: {  	[tilespmem:s19], [sflag:$0x4] =	stream.linear.gather [hbm4b:s29+s2], $0x2710, $0x38;
	[tilespmem:$0xE400] =	vst v63  }
0x71: {  	[tilespmem:$0x9E00] =	vst v1  }
0x72: {  	[tilespmem:$0x9E80] =	vst v1  }
0x73: {  	[tilespmem:$0x9F00] =	vst v1  }
0x74: {  	[tilespmem:$0x9F80] =	vst v1  }
0x75: {  	[tilespmem:$0xA000] =	vst v1  }
0x76: {  	[tilespmem:$0xA080] =	vst v1  }
0x77: {  	[tilespmem:$0xA100] =	vst v1  }
0x78: {  	[tilespmem:$0xA180] =	vst v1  }
0x79: {  	[tilespmem:$0xA200] =	vst v1  }
0x7a: {  	[tilespmem:$0xA280] =	vst v1  }
0x7b: {  	[tilespmem:$0xA300] =	vst v1  }
0x7c: {  	[tilespmem:$0xA380] =	vst v1  }
0x7d: {  	[tilespmem:$0xA400] =	vst v1  }
0x7e: {  	[tilespmem:$0xA480] =	vst v1  }
0x7f: {  	[tilespmem:$0xA500] =	vst v1  }
0x80: {  	[tilespmem:$0xA580] =	vst v1  }
0x81: {  	[tilespmem:$0xA600] =	vst v1  }
0x82: {  	[tilespmem:$0xA680] =	vst v1  }
0x83: {  	[tilespmem:$0xA700] =	vst v1  }
0x84: {  	[tilespmem:$0xA780] =	vst v1  }
0x85: {  	[tilespmem:$0xA800] =	vst v1  }
0x86: {  	[tilespmem:$0xA880] =	vst v1  }
0x87: {  	[tilespmem:$0xA900] =	vst v1  }
0x88: {  	[tilespmem:$0xA980] =	vst v1  }
0x89: {  	[tilespmem:$0xAA00] =	vst v1  }
0x8a: {  	[tilespmem:$0xAA80] =	vst v1  }
0x8b: {  	[tilespmem:$0xAB00] =	vst v1  }
0x8c: {  	[tilespmem:$0xAB80] =	vst v1  }
0x8d: {  	[tilespmem:$0xAC00] =	vst v1  }
0x8e: {  	[tilespmem:$0xAC80] =	vst v1  }
0x8f: {  	[tilespmem:$0xAD00] =	vst v1  }
0x90: {  	[tilespmem:$0xAD80] =	vst v1  }
0x91: {  	[tilespmem:$0xAE00] =	vst v1  }
0x92: {  	[tilespmem:$0xAE80] =	vst v1  }
0x93: {  	[tilespmem:$0xAF00] =	vst v1  }
0x94: {  	[tilespmem:$0xAF80] =	vst v1  }
0x95: {  	[tilespmem:$0xB000] =	vst v1  }
0x96: {  	[tilespmem:$0xB080] =	vst v1  }
0x97: {  	[tilespmem:$0xB100] =	vst v1  }
0x98: {  	[tilespmem:$0xB180] =	vst v1  }
0x99: {  	[tilespmem:$0xB200] =	vst v1  }
0x9a: {  	[tilespmem:$0xB280] =	vst v1  }
0x9b: {  	[tilespmem:$0xB300] =	vst v1  }
0x9c: {  	[tilespmem:$0xB380] =	vst v1  }
0x9d: {  	[tilespmem:$0xB400] =	vst v1  }
0x9e: {  	[tilespmem:$0xB480] =	vst v1  }
0x9f: {  	[tilespmem:$0xB500] =	vst v1  }
0xa0: {  	[tilespmem:$0xB580] =	vst v1  }
0xa1: {  	[tilespmem:$0xB600] =	vst v1  }
0xa2: {  	[tilespmem:$0xB680] =	vst v1  }
0xa3: {  	[tilespmem:$0xB700] =	vst v1  }
0xa4: {  	[tilespmem:$0xB780] =	vst v1  }
0xa5: {  	[tilespmem:$0xB800] =	vst v1  }
0xa6: {  	[tilespmem:$0xB880] =	vst v1  }
0xa7: {  	[tilespmem:$0xB900] =	vst v1  }
0xa8: {  	[tilespmem:$0xB980] =	vst v1  }
0xa9: {  	[tilespmem:$0xBA00] =	vst v1  }
0xaa: {  	[tilespmem:$0xBA80] =	vst v1  }
0xab: {  	[tilespmem:$0xBB00] =	vst v1  }
0xac: {  	[tilespmem:$0xBB80] =	vst v1  }
0xad: {  	[tilespmem:$0xBC00] =	vst v1  }
0xae: {  	[tilespmem:$0xBC80] =	vst v1  }
0xaf: {  	[tilespmem:$0xBD00] =	vst v1  }
0xb0: {  	[tilespmem:$0xBD80] =	vst v1  }
0xb1: {  	_ =	swait.ge [sflag:s20], $0x2710  }
0xb2: {  	[sflag:s20] =	ssyncset.done $0x0  }
0xb3: {  	[sflag:s20] =	ssyncadd.s32 $0xFFFFD8F0  }
0xb4: {  	v4 =	vld [tilespmem:$0x4F00]  }
0xb5: {  	v5 =	vld [tilespmem:$0x7600];
	_ =	sdelay $0x3  }
0xb6: {  	v4 =	vxor.u32 $0x80000000, v4  }
0xb7: {  	(xrf0) =	vmin.scan.msk.u32 $0xffff, v4;
	v4 =	vxor.u32 $0x80000000, v5  }
0xb8: {  	(xrf0) =	vmax.scan.msk.u32 $0xffff, v4;
	_ =	sdelay $0x4  }
0xb9: {  	v4, _, _ =	vpop (xrf0)  }
0xba: {  	(v2sf) =	vpush v4, $0xF;
	v4, _, _ =	vpop (xrf0)  }
0xbb: {  	(v2sf) =	vpush v4, $0xF;
	_ =	sdelay $0xd  }
0xbc: {  	s30 =	spop (v2sf)  }
0xbd: {  	s1 =	spop (v2sf)  }
0xbe: {  	s26 =	sxor.u32 $0x80000000, s30;
	s0 =	sadd.s32 $0x80000001, s1  }
0xbf: {  	p0 =	sge.s32 s26, s0  }
.Ltmp2:
0xc0: {  	_ = 	snop;
	(pc) =	sbr.rel @p0 .LBB2_11-.Ltmp2, $4  }
0xc1: {  	_ = 	snop  }
0xc2: {  	_ =	swait.ge [sflag:s21], $0x2710  }
0xc3: {  	[sflag:s21] =	ssyncset.done $0x0  }
0xc4: {  	[sflag:s21] =	ssyncadd.s32 $0xFFFFD8F0  }
.Ltmp3:
0xc5: {  	(pc) =	sbr.rel .LBB2_3-.Ltmp3, $2  }
0xc6: {  	_ =	sdelay $0x2  }
0xc7: {  	s1 =	sxor.u32 $0x80000000, s1;
	s28 =	simm.s32 $0x0  }
.LBB2_10:
0xc8: {  	(xrf2) =	vadd.scan.msk.f32 $0xffff, v4;
	_ =	sdelay $0x4  }
0xc9: {  	s3 =	sshll.u32 s26, $0x3  }
0xca: {  	s4 =	sand.u32 $0xF, s26;
	s3 =	sand.u32 $0xFFFFFF80, s3  }
0xcb: {  	s3 =	sor.u32 s4, s3  }
0xcc: {  	p0 =	sne.s32 s29, s0;
	v4 =	vmov s3  }
.Ltmp4:
0xcd: {  	_ = 	snop;
	(pc) =	sbr.rel @!p0 .LBB2_11-.Ltmp4, $3  }
0xce: {  	v5, _, _ =	vpop (xrf2)  }
0xcf: {  	v5 =	vbroadcast v5, $0xF;
	_ =	sdelay $0x1  }
0xd0: {  	s26 =	smov.u32 s29;
	[tilespmem:v4+s22+$0x0] =	vst.idx.add.f32.msk $0x1, v5  }
.LBB2_3:
0xd1: {  	_ =	sdelay $0x3  }
0xd2: {  	v4 =	vld.idx.msk [tilespmem:v2+s17+$0x0], $0xffff;
	_ =	sdelay $0x3  }
0xd3: {  	s29 =	sadd.s32 $0x1, s26  }
0xd4: {  	vm1 =	vge.s32 v4, s29  }
0xd5: {  	v4 =	vmctz.xlane vm1;
	_ =	sdelay $0x1  }
0xd6: {  	v4 =	vmul.u32 $0x271, v4;
	_ =	sdelay $0x1  }
0xd7: {  	v5 =	vadd.s32 $0x270, v4  }
0xd8: {  	vm1 =	vlt.s32 v5, $0x270F  }
0xd9: {  	v5 =	vnsel vm1, $0x270F, v5  }
0xda: {  	v6 =	vsub.s32 v5, v4  }
0xdb: {  	v6 =	vadd.s32 $0x10, v6  }
0xdc: {  	v6 =	vshrl.u32 v6, $0x4  }
0xdd: {  	v7 =	vmul.u32 v3, v6  }
0xde: {  	v4 =	vadd.s32 $0xFFFFFFFF, v4  }
0xdf: {  	v7 =	vadd.s32 v4, v7  }
0xe0: {  	vm1 =	vlt.s32 v7, v5  }
0xe1: {  	v7 =	vsel vm1, v7, v5  }
0xe2: {  	vm1 =	vgt.s32 v7, $0x0  }
0xe3: {  	v7 =	vnsel vm1, $0x0, v7;
	_ =	sdelay $0x4  }
0xe4: {  	v7 =	vld.idx.msk [tilespmem:v7+s17+$0x0], $0xffff;
	_ =	sdelay $0x4  }
0xe5: {  	vm1 =	vge.s32 v7, s29  }
0xe6: {  	v7 =	vmctz.xlane vm1;
	_ =	sdelay $0x1  }
0xe7: {  	v7 =	vmul.u32 v7, v6;
	_ =	sdelay $0x1  }
0xe8: {  	v4 =	vadd.s32 v4, v7  }
0xe9: {  	v6 =	vadd.s32 v6, v4  }
0xea: {  	vm1 =	vlt.s32 v6, v5  }
0xeb: {  	v5 =	vsel vm1, v6, v5  }
0xec: {  	v6 =	vsub.s32 v5, v4  }
0xed: {  	v6 =	vadd.s32 $0xF, v6  }
0xee: {  	v6 =	vshrl.u32 v6, $0x4  }
0xef: {  	v7 =	vmul.u32 v3, v6;
	_ =	sdelay $0x1  }
0xf0: {  	v7 =	vadd.s32 v4, v7  }
0xf1: {  	vm1 =	vlt.s32 v7, v5  }
0xf2: {  	v7 =	vsel vm1, v7, v5  }
0xf3: {  	vm1 =	vgt.s32 v7, $0x0  }
0xf4: {  	v7 =	vnsel vm1, $0x0, v7;
	_ =	sdelay $0x4  }
0xf5: {  	v7 =	vld.idx.msk [tilespmem:v7+s17+$0x0], $0xffff;
	_ =	sdelay $0x4  }
0xf6: {  	vm1 =	vge.s32 v7, s29  }
0xf7: {  	v7 =	vmctz.xlane vm1;
	_ =	sdelay $0x1  }
0xf8: {  	v7 =	vmul.u32 v7, v6;
	_ =	sdelay $0x1  }
0xf9: {  	v4 =	vadd.s32 v4, v7  }
0xfa: {  	v6 =	vadd.s32 v6, v4  }
0xfb: {  	vm1 =	vlt.s32 v6, v5  }
0xfc: {  	v5 =	vsel vm1, v6, v5  }
0xfd: {  	v6 =	vsub.s32 v5, v4  }
0xfe: {  	v6 =	vadd.s32 $0xF, v6  }
0xff: {  	v6 =	vshrl.u32 v6, $0x4  }
0x100: {  	v7 =	vmul.u32 v3, v6;
	_ =	sdelay $0x1  }
0x101: {  	v7 =	vadd.s32 v4, v7  }
0x102: {  	vm1 =	vlt.s32 v7, v5  }
0x103: {  	v7 =	vsel vm1, v7, v5  }
0x104: {  	vm1 =	vgt.s32 v7, $0x0  }
0x105: {  	v7 =	vnsel vm1, $0x0, v7;
	_ =	sdelay $0x4  }
0x106: {  	v7 =	vld.idx.msk [tilespmem:v7+s17+$0x0], $0xffff;
	_ =	sdelay $0x4  }
0x107: {  	vm1 =	vge.s32 v7, s29  }
0x108: {  	v7 =	vmctz.xlane vm1;
	_ =	sdelay $0x1  }
0x109: {  	v7 =	vmul.u32 v7, v6  }
0x10a: {  	v4 =	vadd.s32 v4, v6  }
0x10b: {  	v4 =	vadd.s32 v7, v4  }
0x10c: {  	vm1 =	vlt.s32 v4, v5  }
0x10d: {  	v4 =	vsel vm1, v4, v5  }
0x10e: {  	v4 =	vxor.u32 $0x80000000, v4  }
0x10f: {  	(xrf0) =	vmax.scan.msk.u32 $0xffff, v4;
	_ =	sdelay $0x5  }
0x110: {  	v4, _, _ =	vpop (xrf0)  }
0x111: {  	(v2sf) =	vpush v4, $0xF;
	_ =	sdelay $0xe  }
0x112: {  	s3 =	spop (v2sf)  }
0x113: {  	s4 =	smov.u32 s28;
	p0 =	slt.s32 s26, s1;
	s28 =	sxor.u32 $0x80000000, s3  }
0x114: {  	s28 =	simm.s32 @!p0 $0x2710  }
0x115: {  	s3 =	sadd.s32 $0xFFFFFFFF, s28  }
0x116: {  	p0 =	sgt.s32 s3, $0x0  }
0x117: {  	s3 =	simm.s32 @!p0 $0x0  }
0x118: {  	s6 =	sshra.s32 s4, $0x4;
	s5 =	sand.u32 $0x7FFFFFF0, s3  }
0x119: {  	s30 =	sshrl.u32 s3, $0x4;
	v5 =	vor.u32 s5, v0;
	v6 =	vld [tilespmem:s5+$0x0];
	s5 =	sadd.s32 $0x1, s6  }
0x11a: {  	s18 =	sand.u32 $0xFFFFFFF0, s4;
	s3 =	ssub.s32 s30, s5  }
0x11b: {  	v4 =	vld [tilespmem:s18+$0x0];
	vm1 =	vge.s32 v5, s4;
	vm2 =	vlt.s32 v5, s28;
	v5 =	vor.u32 s18, v0;
	s18 =	sshrl.u32 s3, $0x1D  }
0x11c: {  	s18 =	sadd.s32 s18, s3  }
0x11d: {  	p0 =	slt.s32 s6, s30;
	vm1 =	vmand vm1, vm2;
	vm2 =	vmmov vm0;
	vm3 =	vge.s32 v5, s4;
	s4 =	sand.u32 $0xFFFFFFF8, s18  }
0x11e: {  	vm2 =	vmneg @p0 vm2;
	p0 =	slt.s32 s4, $0x1  }
.Ltmp5:
0x11f: {  	_ = 	snop;
	(pc) =	sbr.rel @p0 .LBB2_7-.Ltmp5, $4  }
0x120: {  	vm4 =	vlt.s32 v5, s28  }
0x121: {  	vm3 =	vmand vm3, vm4;
	vm1 =	vmand vm2, vm1  }
0x122: {  	v4 =	vnsel vm3, $0x0, v4;
	v5 =	vnsel vm1, $0x0, v6  }
0x123: {  	s18 =	sadd.s32 s5, s4;
	v4 =	vadd.f32 v5, v4  }
0x124: {  	s6 =	sshll.u32 s6, $0x6  }
0x125: {  	s6 =	sshra.s32 s6, $0x2  }
0x126: {  	s6 =	sadd.s32 $0x40, s6  }
0x127: {  	v5 =	vld [tilespmem:s6+$0xFFFFFFD0];
	_ =	sdelay $0x1  }
0x128: {  	v6 =	vld [tilespmem:s6+$0xFFFFFFE0];
	_ =	sdelay $0x1  }
0x129: {  	v7 =	vld [tilespmem:s6+$0xFFFFFFF0]  }
0x12a: {  	v4 =	vadd.f32 v5, v4  }
0x12b: {  	v5 =	vld [tilespmem:s6+$0x0]  }
0x12c: {  	v4 =	vadd.f32 v6, v4  }
0x12d: {  	v6 =	vld [tilespmem:s6+$0x10]  }
0x12e: {  	v4 =	vadd.f32 v7, v4  }
0x12f: {  	s5 =	sadd.s32 $0x8, s5  }
0x130: {  	p0 =	slt.s32 s5, s18;
	v7 =	vld [tilespmem:s6+$0x20];
	v4 =	vadd.f32 v5, v4  }
.Ltmp6:
0x131: {  	_ = 	snop;
	(pc) =	sbr.rel @!p0 .LBB2_6-.Ltmp6, $3  }
0x132: {  	v6 =	vadd.f32 v6, v4;
	v4 =	vld [tilespmem:s6+$0x30];
	_ =	sdelay $0x1  }
0x133: {  	v5 =	vld [tilespmem:s6+$0x40]  }
0x134: {  	s6 =	sadd.s32 $0x80, s6;
	v6 =	vadd.f32 v7, v6  }
.LBB2_5:
0x135: {  	v7 =	vld [tilespmem:s6+$0xFFFFFFD0];
	s5 =	sadd.s32 $0x8, s5  }
0x136: {  	p0 =	slt.s32 s5, s18;
	v4 =	vadd.f32 v4, v6  }
0x137: {  	v6 =	vld [tilespmem:s6+$0xFFFFFFE0]  }
0x138: {  	v4 =	vadd.f32 v5, v4  }
0x139: {  	v5 =	vld [tilespmem:s6+$0xFFFFFFF0]  }
0x13a: {  	v4 =	vadd.f32 v7, v4  }
0x13b: {  	v7 =	vld [tilespmem:s6+$0x0]  }
0x13c: {  	v4 =	vadd.f32 v6, v4  }
0x13d: {  	v6 =	vld [tilespmem:s6+$0x10]  }
0x13e: {  	v4 =	vadd.f32 v5, v4  }
0x13f: {  	v8 =	vld [tilespmem:s6+$0x20]  }
.Ltmp7:
0x140: {  	v5 =	vadd.f32 v7, v4;
	(pc) =	sbr.rel @p0 .LBB2_5-.Ltmp7, $4  }
0x141: {  	v4 =	vld [tilespmem:s6+$0x30]  }
0x142: {  	v6 =	vadd.f32 v6, v5  }
0x143: {  	v5 =	vld [tilespmem:s6+$0x40]  }
0x144: {  	s6 =	sadd.s32 $0x80, s6;
	v6 =	vadd.f32 v8, v6  }
.LBB2_6:
0x145: {  	_ = 	snop  }
0x146: {  	v4 =	vadd.f32 v4, v6;
	_ =	sdelay $0x1  }
0x147: {  	v4 =	vadd.f32 v5, v4  }
.LBB2_7:
0x148: {  	p0 =	sge.s32 s18, s30  }
.Ltmp8:
0x149: {  	_ = 	snop;
	(pc) =	sbr.rel @p0 .LBB2_10-.Ltmp8, $1  }
0x14a: {  	_ =	sdelay $0x3  }
0x14b: {  	s3 =	ssub.s32 s3, s4  }
0x14c: {  	s30 =	sshll.u32 s30, $0x6;
	s5 =	sshll.u32 s3, $0x6  }
0x14d: {  	s4 =	ssub.s32 s30, s5  }
0x14e: {  	s4 =	sshra.s32 s4, $0x2  }
.LBB2_9:
0x14f: {  	v5 =	vld [tilespmem:s4+$0x0];
	p0 =	sne.s32 s3, $0x1  }
.Ltmp9:
0x150: {  	_ = 	snop;
	(pc) =	sbr.rel @p0 .LBB2_9-.Ltmp9, $2  }
0x151: {  	_ =	sdelay $0x2  }
0x152: {  	s4 =	sadd.s32 $0x10, s4;
	s3 =	sadd.s32 $0xFFFFFFFF, s3;
	v4 =	vadd.f32 v5, v4  }
.Ltmp10:
0x153: {  	_ = 	snop;
	(pc) =	sbr.rel .LBB2_10-.Ltmp10, $1  }
0x154: {  	_ =	sdelay $0x3  }
.LBB2_11:
0x155: {  	s0 =	simm.s32 $0x0  }
0x156: {  	[tilespmem:s0], [sflag:$0x1] =	stream.linear.gather [hbm4b:s7+s0], $0x2710, $0x38;
	[tilespmem:$0xE400] =	vst v63  }
0x157: {  	_ = 	snop  }
0x158: {  	[tilespmem:s17], [sflag:$0x3] =	stream.linear.gather [hbm4b:s8+s0], $0x2710, $0x38;
	[tilespmem:$0xE400] =	vst v63  }
0x159: {  	_ =	swait.ge [sflag:s23], $0x2710  }
0x15a: {  	[sflag:s23] =	ssyncset.done $0x0  }
0x15b: {  	[sflag:s23] =	ssyncadd.s32 $0xFFFFD8F0  }
0x15c: {  	v4 =	vld [tilespmem:$0x7680]  }
0x15d: {  	v5 =	vld [tilespmem:$0x9D80];
	_ =	sdelay $0x3  }
0x15e: {  	v4 =	vxor.u32 $0x80000000, v4  }
0x15f: {  	(xrf0) =	vmin.scan.msk.u32 $0xffff, v4;
	v4 =	vxor.u32 $0x80000000, v5  }
0x160: {  	(xrf0) =	vmax.scan.msk.u32 $0xffff, v4;
	_ =	sdelay $0x4  }
0x161: {  	v4, _, _ =	vpop (xrf0)  }
0x162: {  	(v2sf) =	vpush v4, $0xF;
	v4, _, _ =	vpop (xrf0)  }
0x163: {  	(v2sf) =	vpush v4, $0xF;
	_ =	sdelay $0xd  }
0x164: {  	s1 =	spop (v2sf)  }
0x165: {  	s3 =	spop (v2sf)  }
0x166: {  	s29 =	sxor.u32 $0x80000000, s1;
	s1 =	sadd.s32 $0x80000001, s3  }
0x167: {  	p0 =	sge.s32 s29, s1  }
.Ltmp11:
0x168: {  	_ = 	snop;
	(pc) =	sbr.rel @p0 .LBB2_21-.Ltmp11, $4  }
0x169: {  	_ = 	snop  }
0x16a: {  	_ =	swait.ge [sflag:s24], $0x2710  }
0x16b: {  	[sflag:s24] =	ssyncset.done $0x0  }
0x16c: {  	[sflag:s24] =	ssyncadd.s32 $0xFFFFD8F0  }
.Ltmp12:
0x16d: {  	(pc) =	sbr.rel .LBB2_13-.Ltmp12, $2  }
0x16e: {  	_ =	sdelay $0x2  }
0x16f: {  	s26 =	sxor.u32 $0x80000000, s3  }
.LBB2_20:
0x170: {  	(xrf2) =	vadd.scan.msk.f32 $0xffff, v4;
	_ =	sdelay $0x4  }
0x171: {  	s3 =	sshll.u32 s29, $0x3  }
0x172: {  	s4 =	sand.u32 $0xF, s29;
	s3 =	sand.u32 $0xFFFFFF80, s3  }
0x173: {  	s3 =	sor.u32 s4, s3  }
0x174: {  	p0 =	sne.s32 s28, s1;
	v4 =	vmov s3  }
.Ltmp13:
0x175: {  	_ = 	snop;
	(pc) =	sbr.rel @!p0 .LBB2_21-.Ltmp13, $3  }
0x176: {  	v5, _, _ =	vpop (xrf2)  }
0x177: {  	v5 =	vbroadcast v5, $0xF;
	_ =	sdelay $0x1  }
0x178: {  	s29 =	smov.u32 s28;
	[tilespmem:v4+s22+$0x0] =	vst.idx.add.f32.msk $0x1, v5  }
.LBB2_13:
0x179: {  	_ =	sdelay $0x3  }
0x17a: {  	v4 =	vld.idx.msk [tilespmem:v2+s19+$0x0], $0xffff;
	_ =	sdelay $0x3  }
0x17b: {  	s28 =	sadd.s32 $0x1, s29  }
0x17c: {  	vm1 =	vge.s32 v4, s28  }
0x17d: {  	v4 =	vmctz.xlane vm1;
	_ =	sdelay $0x1  }
0x17e: {  	v4 =	vmul.u32 $0x271, v4;
	_ =	sdelay $0x1  }
0x17f: {  	v5 =	vadd.s32 $0x270, v4  }
0x180: {  	vm1 =	vlt.s32 v5, $0x270F  }
0x181: {  	v5 =	vnsel vm1, $0x270F, v5  }
0x182: {  	v6 =	vsub.s32 v5, v4  }
0x183: {  	v6 =	vadd.s32 $0x10, v6  }
0x184: {  	v6 =	vshrl.u32 v6, $0x4  }
0x185: {  	v7 =	vmul.u32 v3, v6  }
0x186: {  	v4 =	vadd.s32 $0xFFFFFFFF, v4  }
0x187: {  	v7 =	vadd.s32 v4, v7  }
0x188: {  	vm1 =	vlt.s32 v7, v5  }
0x189: {  	v7 =	vsel vm1, v7, v5  }
0x18a: {  	vm1 =	vgt.s32 v7, $0x0  }
0x18b: {  	v7 =	vnsel vm1, $0x0, v7;
	_ =	sdelay $0x4  }
0x18c: {  	v7 =	vld.idx.msk [tilespmem:v7+s19+$0x0], $0xffff;
	_ =	sdelay $0x4  }
0x18d: {  	vm1 =	vge.s32 v7, s28  }
0x18e: {  	v7 =	vmctz.xlane vm1;
	_ =	sdelay $0x1  }
0x18f: {  	v7 =	vmul.u32 v7, v6;
	_ =	sdelay $0x1  }
0x190: {  	v4 =	vadd.s32 v4, v7  }
0x191: {  	v6 =	vadd.s32 v6, v4  }
0x192: {  	vm1 =	vlt.s32 v6, v5  }
0x193: {  	v5 =	vsel vm1, v6, v5  }
0x194: {  	v6 =	vsub.s32 v5, v4  }
0x195: {  	v6 =	vadd.s32 $0xF, v6  }
0x196: {  	v6 =	vshrl.u32 v6, $0x4  }
0x197: {  	v7 =	vmul.u32 v3, v6;
	_ =	sdelay $0x1  }
0x198: {  	v7 =	vadd.s32 v4, v7  }
0x199: {  	vm1 =	vlt.s32 v7, v5  }
0x19a: {  	v7 =	vsel vm1, v7, v5  }
0x19b: {  	vm1 =	vgt.s32 v7, $0x0  }
0x19c: {  	v7 =	vnsel vm1, $0x0, v7;
	_ =	sdelay $0x4  }
0x19d: {  	v7 =	vld.idx.msk [tilespmem:v7+s19+$0x0], $0xffff;
	_ =	sdelay $0x4  }
0x19e: {  	vm1 =	vge.s32 v7, s28  }
0x19f: {  	v7 =	vmctz.xlane vm1;
	_ =	sdelay $0x1  }
0x1a0: {  	v7 =	vmul.u32 v7, v6;
	_ =	sdelay $0x1  }
0x1a1: {  	v4 =	vadd.s32 v4, v7  }
0x1a2: {  	v6 =	vadd.s32 v6, v4  }
0x1a3: {  	vm1 =	vlt.s32 v6, v5  }
0x1a4: {  	v5 =	vsel vm1, v6, v5  }
0x1a5: {  	v6 =	vsub.s32 v5, v4  }
0x1a6: {  	v6 =	vadd.s32 $0xF, v6  }
0x1a7: {  	v6 =	vshrl.u32 v6, $0x4  }
0x1a8: {  	v7 =	vmul.u32 v3, v6;
	_ =	sdelay $0x1  }
0x1a9: {  	v7 =	vadd.s32 v4, v7  }
0x1aa: {  	vm1 =	vlt.s32 v7, v5  }
0x1ab: {  	v7 =	vsel vm1, v7, v5  }
0x1ac: {  	vm1 =	vgt.s32 v7, $0x0  }
0x1ad: {  	v7 =	vnsel vm1, $0x0, v7;
	_ =	sdelay $0x4  }
0x1ae: {  	v7 =	vld.idx.msk [tilespmem:v7+s19+$0x0], $0xffff;
	_ =	sdelay $0x4  }
0x1af: {  	vm1 =	vge.s32 v7, s28  }
0x1b0: {  	v7 =	vmctz.xlane vm1;
	_ =	sdelay $0x1  }
0x1b1: {  	v7 =	vmul.u32 v7, v6  }
0x1b2: {  	v4 =	vadd.s32 v4, v6  }
0x1b3: {  	v4 =	vadd.s32 v7, v4  }
0x1b4: {  	vm1 =	vlt.s32 v4, v5  }
0x1b5: {  	v4 =	vsel vm1, v4, v5  }
0x1b6: {  	v4 =	vxor.u32 $0x80000000, v4  }
0x1b7: {  	(xrf0) =	vmax.scan.msk.u32 $0xffff, v4;
	_ =	sdelay $0x5  }
0x1b8: {  	v4, _, _ =	vpop (xrf0)  }
0x1b9: {  	(v2sf) =	vpush v4, $0xF;
	_ =	sdelay $0xe  }
0x1ba: {  	s6 =	spop (v2sf)  }
0x1bb: {  	s4 =	smov.u32 s0;
	p0 =	slt.s32 s29, s26;
	s0 =	sxor.u32 $0x80000000, s6  }
0x1bc: {  	s0 =	simm.s32 @!p0 $0x2710  }
0x1bd: {  	s3 =	sadd.s32 $0xFFFFFFFF, s0  }
0x1be: {  	p0 =	sgt.s32 s3, $0x0  }
0x1bf: {  	s3 =	simm.s32 @!p0 $0x0  }
0x1c0: {  	s6 =	sshra.s32 s4, $0x4;
	s5 =	sand.u32 $0x7FFFFFF0, s3  }
0x1c1: {  	s30 =	sshrl.u32 s3, $0x4;
	v5 =	vor.u32 s5, v0;
	v6 =	vld [tilespmem:s5+$0x2780];
	s5 =	sadd.s32 $0x1, s6  }
0x1c2: {  	s18 =	sand.u32 $0xFFFFFFF0, s4;
	s3 =	ssub.s32 s30, s5  }
0x1c3: {  	v4 =	vld [tilespmem:s18+$0x2780];
	vm1 =	vge.s32 v5, s4;
	vm2 =	vlt.s32 v5, s0;
	v5 =	vor.u32 s18, v0;
	s18 =	sshrl.u32 s3, $0x1D  }
0x1c4: {  	s18 =	sadd.s32 s18, s3  }
0x1c5: {  	p0 =	slt.s32 s6, s30;
	vm1 =	vmand vm1, vm2;
	vm2 =	vmmov vm0;
	vm3 =	vge.s32 v5, s4;
	s4 =	sand.u32 $0xFFFFFFF8, s18  }
0x1c6: {  	vm2 =	vmneg @p0 vm2;
	p0 =	slt.s32 s4, $0x1  }
.Ltmp14:
0x1c7: {  	_ = 	snop;
	(pc) =	sbr.rel @p0 .LBB2_17-.Ltmp14, $4  }
0x1c8: {  	vm4 =	vlt.s32 v5, s0  }
0x1c9: {  	vm3 =	vmand vm3, vm4;
	vm1 =	vmand vm2, vm1  }
0x1ca: {  	v4 =	vnsel vm3, $0x0, v4;
	v5 =	vnsel vm1, $0x0, v6  }
0x1cb: {  	s18 =	sadd.s32 s5, s4;
	v4 =	vadd.f32 v5, v4  }
0x1cc: {  	s6 =	sshll.u32 s6, $0x6  }
0x1cd: {  	s6 =	sshra.s32 s6, $0x2  }
0x1ce: {  	s6 =	sadd.s32 $0x27C0, s6  }
0x1cf: {  	v5 =	vld [tilespmem:s6+$0xFFFFFFD0];
	_ =	sdelay $0x1  }
0x1d0: {  	v6 =	vld [tilespmem:s6+$0xFFFFFFE0];
	_ =	sdelay $0x1  }
0x1d1: {  	v7 =	vld [tilespmem:s6+$0xFFFFFFF0]  }
0x1d2: {  	v4 =	vadd.f32 v5, v4  }
0x1d3: {  	v5 =	vld [tilespmem:s6+$0x0]  }
0x1d4: {  	v4 =	vadd.f32 v6, v4  }
0x1d5: {  	v6 =	vld [tilespmem:s6+$0x10]  }
0x1d6: {  	v4 =	vadd.f32 v7, v4  }
0x1d7: {  	s5 =	sadd.s32 $0x8, s5  }
0x1d8: {  	p0 =	slt.s32 s5, s18;
	v7 =	vld [tilespmem:s6+$0x20];
	v4 =	vadd.f32 v5, v4  }
.Ltmp15:
0x1d9: {  	_ = 	snop;
	(pc) =	sbr.rel @!p0 .LBB2_16-.Ltmp15, $3  }
0x1da: {  	v6 =	vadd.f32 v6, v4;
	v4 =	vld [tilespmem:s6+$0x30];
	_ =	sdelay $0x1  }
0x1db: {  	v5 =	vld [tilespmem:s6+$0x40]  }
0x1dc: {  	s6 =	sadd.s32 $0x80, s6;
	v6 =	vadd.f32 v7, v6  }
.LBB2_15:
0x1dd: {  	v7 =	vld [tilespmem:s6+$0xFFFFFFD0];
	s5 =	sadd.s32 $0x8, s5  }
0x1de: {  	p0 =	slt.s32 s5, s18;
	v4 =	vadd.f32 v4, v6  }
0x1df: {  	v6 =	vld [tilespmem:s6+$0xFFFFFFE0]  }
0x1e0: {  	v4 =	vadd.f32 v5, v4  }
0x1e1: {  	v5 =	vld [tilespmem:s6+$0xFFFFFFF0]  }
0x1e2: {  	v4 =	vadd.f32 v7, v4  }
0x1e3: {  	v7 =	vld [tilespmem:s6+$0x0]  }
0x1e4: {  	v4 =	vadd.f32 v6, v4  }
0x1e5: {  	v6 =	vld [tilespmem:s6+$0x10]  }
0x1e6: {  	v4 =	vadd.f32 v5, v4  }
0x1e7: {  	v8 =	vld [tilespmem:s6+$0x20]  }
.Ltmp16:
0x1e8: {  	v5 =	vadd.f32 v7, v4;
	(pc) =	sbr.rel @p0 .LBB2_15-.Ltmp16, $4  }
0x1e9: {  	v4 =	vld [tilespmem:s6+$0x30]  }
0x1ea: {  	v6 =	vadd.f32 v6, v5  }
0x1eb: {  	v5 =	vld [tilespmem:s6+$0x40]  }
0x1ec: {  	s6 =	sadd.s32 $0x80, s6;
	v6 =	vadd.f32 v8, v6  }
.LBB2_16:
0x1ed: {  	_ = 	snop  }
0x1ee: {  	v4 =	vadd.f32 v4, v6;
	_ =	sdelay $0x1  }
0x1ef: {  	v4 =	vadd.f32 v5, v4  }
.LBB2_17:
0x1f0: {  	p0 =	sge.s32 s18, s30  }
.Ltmp17:
0x1f1: {  	_ = 	snop;
	(pc) =	sbr.rel @p0 .LBB2_20-.Ltmp17, $1  }
0x1f2: {  	_ =	sdelay $0x3  }
0x1f3: {  	s3 =	ssub.s32 s3, s4  }
0x1f4: {  	s30 =	sshll.u32 s30, $0x6;
	s5 =	sshll.u32 s3, $0x6  }
0x1f5: {  	s4 =	ssub.s32 s30, s5  }
0x1f6: {  	s4 =	sshra.s32 s4, $0x2  }
0x1f7: {  	s4 =	sadd.s32 $0x2780, s4  }
.LBB2_19:
0x1f8: {  	v5 =	vld [tilespmem:s4+$0x0];
	p0 =	sne.s32 s3, $0x1  }
.Ltmp18:
0x1f9: {  	_ = 	snop;
	(pc) =	sbr.rel @p0 .LBB2_19-.Ltmp18, $2  }
0x1fa: {  	_ =	sdelay $0x2  }
0x1fb: {  	s4 =	sadd.s32 $0x10, s4;
	s3 =	sadd.s32 $0xFFFFFFFF, s3;
	v4 =	vadd.f32 v5, v4  }
.Ltmp19:
0x1fc: {  	_ = 	snop;
	(pc) =	sbr.rel .LBB2_20-.Ltmp19, $1  }
0x1fd: {  	_ =	sdelay $0x3  }
.LBB2_21:
0x1fe: {  	s0 =	simm.s32 $0x0;
	s1 =	simm.s32 $0x2780  }
0x1ff: {  	[tilespmem:s1], [sflag:$0x2] =	stream.linear.gather [hbm4b:s9+s0], $0x2710, $0x38;
	[tilespmem:$0xE400] =	vst v63  }
0x200: {  	_ = 	snop  }
0x201: {  	[tilespmem:s19], [sflag:$0x4] =	stream.linear.gather [hbm4b:s10+s0], $0x2710, $0x38;
	[tilespmem:$0xE400] =	vst v63  }
0x202: {  	_ =	swait.ge [sflag:s20], $0x2710  }
0x203: {  	[sflag:s20] =	ssyncset.done $0x0  }
0x204: {  	[sflag:s20] =	ssyncadd.s32 $0xFFFFD8F0  }
0x205: {  	v4 =	vld [tilespmem:$0x4F00]  }
0x206: {  	v5 =	vld [tilespmem:$0x7600];
	_ =	sdelay $0x3  }
0x207: {  	v4 =	vxor.u32 $0x80000000, v4  }
0x208: {  	(xrf0) =	vmin.scan.msk.u32 $0xffff, v4;
	v4 =	vxor.u32 $0x80000000, v5  }
0x209: {  	(xrf0) =	vmax.scan.msk.u32 $0xffff, v4;
	_ =	sdelay $0x4  }
0x20a: {  	v4, _, _ =	vpop (xrf0)  }
0x20b: {  	(v2sf) =	vpush v4, $0xF;
	v4, _, _ =	vpop (xrf0)  }
0x20c: {  	(v2sf) =	vpush v4, $0xF;
	_ =	sdelay $0xd  }
0x20d: {  	s30 =	spop (v2sf)  }
0x20e: {  	s3 =	spop (v2sf)  }
0x20f: {  	s28 =	sxor.u32 $0x80000000, s30;
	s1 =	sadd.s32 $0x80000001, s3  }
0x210: {  	p0 =	sge.s32 s28, s1  }
.Ltmp20:
0x211: {  	_ = 	snop;
	(pc) =	sbr.rel @p0 .LBB2_31-.Ltmp20, $4  }
0x212: {  	_ = 	snop  }
0x213: {  	_ =	swait.ge [sflag:s21], $0x2710  }
0x214: {  	[sflag:s21] =	ssyncset.done $0x0  }
0x215: {  	[sflag:s21] =	ssyncadd.s32 $0xFFFFD8F0  }
.Ltmp21:
0x216: {  	(pc) =	sbr.rel .LBB2_23-.Ltmp21, $2  }
0x217: {  	_ =	sdelay $0x2  }
0x218: {  	s26 =	sxor.u32 $0x80000000, s3  }
.LBB2_30:
0x219: {  	(xrf2) =	vadd.scan.msk.f32 $0xffff, v4;
	_ =	sdelay $0x4  }
0x21a: {  	s3 =	sshll.u32 s28, $0x3  }
0x21b: {  	s4 =	sand.u32 $0xF, s28;
	s3 =	sand.u32 $0xFFFFFF80, s3  }
0x21c: {  	s3 =	sor.u32 s4, s3  }
0x21d: {  	p0 =	sne.s32 s29, s1;
	v4 =	vmov s3  }
.Ltmp22:
0x21e: {  	_ = 	snop;
	(pc) =	sbr.rel @!p0 .LBB2_31-.Ltmp22, $3  }
0x21f: {  	v5, _, _ =	vpop (xrf2)  }
0x220: {  	v5 =	vbroadcast v5, $0xF;
	_ =	sdelay $0x1  }
0x221: {  	s28 =	smov.u32 s29;
	[tilespmem:v4+s22+$0x0] =	vst.idx.add.f32.msk $0x1, v5  }
.LBB2_23:
0x222: {  	_ =	sdelay $0x3  }
0x223: {  	v4 =	vld.idx.msk [tilespmem:v2+s17+$0x0], $0xffff;
	_ =	sdelay $0x3  }
0x224: {  	s29 =	sadd.s32 $0x1, s28  }
0x225: {  	vm1 =	vge.s32 v4, s29  }
0x226: {  	v4 =	vmctz.xlane vm1;
	_ =	sdelay $0x1  }
0x227: {  	v4 =	vmul.u32 $0x271, v4;
	_ =	sdelay $0x1  }
0x228: {  	v5 =	vadd.s32 $0x270, v4  }
0x229: {  	vm1 =	vlt.s32 v5, $0x270F  }
0x22a: {  	v5 =	vnsel vm1, $0x270F, v5  }
0x22b: {  	v6 =	vsub.s32 v5, v4  }
0x22c: {  	v6 =	vadd.s32 $0x10, v6  }
0x22d: {  	v6 =	vshrl.u32 v6, $0x4  }
0x22e: {  	v7 =	vmul.u32 v3, v6  }
0x22f: {  	v4 =	vadd.s32 $0xFFFFFFFF, v4  }
0x230: {  	v7 =	vadd.s32 v4, v7  }
0x231: {  	vm1 =	vlt.s32 v7, v5  }
0x232: {  	v7 =	vsel vm1, v7, v5  }
0x233: {  	vm1 =	vgt.s32 v7, $0x0  }
0x234: {  	v7 =	vnsel vm1, $0x0, v7;
	_ =	sdelay $0x4  }
0x235: {  	v7 =	vld.idx.msk [tilespmem:v7+s17+$0x0], $0xffff;
	_ =	sdelay $0x4  }
0x236: {  	vm1 =	vge.s32 v7, s29  }
0x237: {  	v7 =	vmctz.xlane vm1;
	_ =	sdelay $0x1  }
0x238: {  	v7 =	vmul.u32 v7, v6;
	_ =	sdelay $0x1  }
0x239: {  	v4 =	vadd.s32 v4, v7  }
0x23a: {  	v6 =	vadd.s32 v6, v4  }
0x23b: {  	vm1 =	vlt.s32 v6, v5  }
0x23c: {  	v5 =	vsel vm1, v6, v5  }
0x23d: {  	v6 =	vsub.s32 v5, v4  }
0x23e: {  	v6 =	vadd.s32 $0xF, v6  }
0x23f: {  	v6 =	vshrl.u32 v6, $0x4  }
0x240: {  	v7 =	vmul.u32 v3, v6;
	_ =	sdelay $0x1  }
0x241: {  	v7 =	vadd.s32 v4, v7  }
0x242: {  	vm1 =	vlt.s32 v7, v5  }
0x243: {  	v7 =	vsel vm1, v7, v5  }
0x244: {  	vm1 =	vgt.s32 v7, $0x0  }
0x245: {  	v7 =	vnsel vm1, $0x0, v7;
	_ =	sdelay $0x4  }
0x246: {  	v7 =	vld.idx.msk [tilespmem:v7+s17+$0x0], $0xffff;
	_ =	sdelay $0x4  }
0x247: {  	vm1 =	vge.s32 v7, s29  }
0x248: {  	v7 =	vmctz.xlane vm1;
	_ =	sdelay $0x1  }
0x249: {  	v7 =	vmul.u32 v7, v6;
	_ =	sdelay $0x1  }
0x24a: {  	v4 =	vadd.s32 v4, v7  }
0x24b: {  	v6 =	vadd.s32 v6, v4  }
0x24c: {  	vm1 =	vlt.s32 v6, v5  }
0x24d: {  	v5 =	vsel vm1, v6, v5  }
0x24e: {  	v6 =	vsub.s32 v5, v4  }
0x24f: {  	v6 =	vadd.s32 $0xF, v6  }
0x250: {  	v6 =	vshrl.u32 v6, $0x4  }
0x251: {  	v7 =	vmul.u32 v3, v6;
	_ =	sdelay $0x1  }
0x252: {  	v7 =	vadd.s32 v4, v7  }
0x253: {  	vm1 =	vlt.s32 v7, v5  }
0x254: {  	v7 =	vsel vm1, v7, v5  }
0x255: {  	vm1 =	vgt.s32 v7, $0x0  }
0x256: {  	v7 =	vnsel vm1, $0x0, v7;
	_ =	sdelay $0x4  }
0x257: {  	v7 =	vld.idx.msk [tilespmem:v7+s17+$0x0], $0xffff;
	_ =	sdelay $0x4  }
0x258: {  	vm1 =	vge.s32 v7, s29  }
0x259: {  	v7 =	vmctz.xlane vm1;
	_ =	sdelay $0x1  }
0x25a: {  	v7 =	vmul.u32 v7, v6  }
0x25b: {  	v4 =	vadd.s32 v4, v6  }
0x25c: {  	v4 =	vadd.s32 v7, v4  }
0x25d: {  	vm1 =	vlt.s32 v4, v5  }
0x25e: {  	v4 =	vsel vm1, v4, v5  }
0x25f: {  	v4 =	vxor.u32 $0x80000000, v4  }
0x260: {  	(xrf0) =	vmax.scan.msk.u32 $0xffff, v4;
	_ =	sdelay $0x5  }
0x261: {  	v4, _, _ =	vpop (xrf0)  }
0x262: {  	(v2sf) =	vpush v4, $0xF;
	_ =	sdelay $0xe  }
0x263: {  	s6 =	spop (v2sf)  }
0x264: {  	s4 =	smov.u32 s0;
	p0 =	slt.s32 s28, s26;
	s0 =	sxor.u32 $0x80000000, s6  }
0x265: {  	s0 =	simm.s32 @!p0 $0x2710  }
0x266: {  	s3 =	sadd.s32 $0xFFFFFFFF, s0  }
0x267: {  	p0 =	sgt.s32 s3, $0x0  }
0x268: {  	s3 =	simm.s32 @!p0 $0x0  }
0x269: {  	s6 =	sshra.s32 s4, $0x4;
	s5 =	sand.u32 $0x7FFFFFF0, s3  }
0x26a: {  	s30 =	sshrl.u32 s3, $0x4;
	v5 =	vor.u32 s5, v0;
	v6 =	vld [tilespmem:s5+$0x0];
	s5 =	sadd.s32 $0x1, s6  }
0x26b: {  	s18 =	sand.u32 $0xFFFFFFF0, s4;
	s3 =	ssub.s32 s30, s5  }
0x26c: {  	v4 =	vld [tilespmem:s18+$0x0];
	vm1 =	vge.s32 v5, s4;
	vm2 =	vlt.s32 v5, s0;
	v5 =	vor.u32 s18, v0;
	s18 =	sshrl.u32 s3, $0x1D  }
0x26d: {  	s18 =	sadd.s32 s18, s3  }
0x26e: {  	p0 =	slt.s32 s6, s30;
	vm1 =	vmand vm1, vm2;
	vm2 =	vmmov vm0;
	vm3 =	vge.s32 v5, s4;
	s4 =	sand.u32 $0xFFFFFFF8, s18  }
0x26f: {  	vm2 =	vmneg @p0 vm2;
	p0 =	slt.s32 s4, $0x1  }
.Ltmp23:
0x270: {  	_ = 	snop;
	(pc) =	sbr.rel @p0 .LBB2_27-.Ltmp23, $4  }
0x271: {  	vm4 =	vlt.s32 v5, s0  }
0x272: {  	vm3 =	vmand vm3, vm4;
	vm1 =	vmand vm2, vm1  }
0x273: {  	v4 =	vnsel vm3, $0x0, v4;
	v5 =	vnsel vm1, $0x0, v6  }
0x274: {  	s18 =	sadd.s32 s5, s4;
	v4 =	vadd.f32 v5, v4  }
0x275: {  	s6 =	sshll.u32 s6, $0x6  }
0x276: {  	s6 =	sshra.s32 s6, $0x2  }
0x277: {  	s6 =	sadd.s32 $0x40, s6  }
0x278: {  	v5 =	vld [tilespmem:s6+$0xFFFFFFD0];
	_ =	sdelay $0x1  }
0x279: {  	v6 =	vld [tilespmem:s6+$0xFFFFFFE0];
	_ =	sdelay $0x1  }
0x27a: {  	v7 =	vld [tilespmem:s6+$0xFFFFFFF0]  }
0x27b: {  	v4 =	vadd.f32 v5, v4  }
0x27c: {  	v5 =	vld [tilespmem:s6+$0x0]  }
0x27d: {  	v4 =	vadd.f32 v6, v4  }
0x27e: {  	v6 =	vld [tilespmem:s6+$0x10]  }
0x27f: {  	v4 =	vadd.f32 v7, v4  }
0x280: {  	s5 =	sadd.s32 $0x8, s5  }
0x281: {  	p0 =	slt.s32 s5, s18;
	v7 =	vld [tilespmem:s6+$0x20];
	v4 =	vadd.f32 v5, v4  }
.Ltmp24:
0x282: {  	_ = 	snop;
	(pc) =	sbr.rel @!p0 .LBB2_26-.Ltmp24, $3  }
0x283: {  	v6 =	vadd.f32 v6, v4;
	v4 =	vld [tilespmem:s6+$0x30];
	_ =	sdelay $0x1  }
0x284: {  	v5 =	vld [tilespmem:s6+$0x40]  }
0x285: {  	s6 =	sadd.s32 $0x80, s6;
	v6 =	vadd.f32 v7, v6  }
.LBB2_25:
0x286: {  	v7 =	vld [tilespmem:s6+$0xFFFFFFD0];
	s5 =	sadd.s32 $0x8, s5  }
0x287: {  	p0 =	slt.s32 s5, s18;
	v4 =	vadd.f32 v4, v6  }
0x288: {  	v6 =	vld [tilespmem:s6+$0xFFFFFFE0]  }
0x289: {  	v4 =	vadd.f32 v5, v4  }
0x28a: {  	v5 =	vld [tilespmem:s6+$0xFFFFFFF0]  }
0x28b: {  	v4 =	vadd.f32 v7, v4  }
0x28c: {  	v7 =	vld [tilespmem:s6+$0x0]  }
0x28d: {  	v4 =	vadd.f32 v6, v4  }
0x28e: {  	v6 =	vld [tilespmem:s6+$0x10]  }
0x28f: {  	v4 =	vadd.f32 v5, v4  }
0x290: {  	v8 =	vld [tilespmem:s6+$0x20]  }
.Ltmp25:
0x291: {  	v5 =	vadd.f32 v7, v4;
	(pc) =	sbr.rel @p0 .LBB2_25-.Ltmp25, $4  }
0x292: {  	v4 =	vld [tilespmem:s6+$0x30]  }
0x293: {  	v6 =	vadd.f32 v6, v5  }
0x294: {  	v5 =	vld [tilespmem:s6+$0x40]  }
0x295: {  	s6 =	sadd.s32 $0x80, s6;
	v6 =	vadd.f32 v8, v6  }
.LBB2_26:
0x296: {  	_ = 	snop  }
0x297: {  	v4 =	vadd.f32 v4, v6;
	_ =	sdelay $0x1  }
0x298: {  	v4 =	vadd.f32 v5, v4  }
.LBB2_27:
0x299: {  	p0 =	sge.s32 s18, s30  }
.Ltmp26:
0x29a: {  	_ = 	snop;
	(pc) =	sbr.rel @p0 .LBB2_30-.Ltmp26, $1  }
0x29b: {  	_ =	sdelay $0x3  }
0x29c: {  	s3 =	ssub.s32 s3, s4  }
0x29d: {  	s30 =	sshll.u32 s30, $0x6;
	s5 =	sshll.u32 s3, $0x6  }
0x29e: {  	s4 =	ssub.s32 s30, s5  }
0x29f: {  	s4 =	sshra.s32 s4, $0x2  }
.LBB2_29:
0x2a0: {  	v5 =	vld [tilespmem:s4+$0x0];
	p0 =	sne.s32 s3, $0x1  }
.Ltmp27:
0x2a1: {  	_ = 	snop;
	(pc) =	sbr.rel @p0 .LBB2_29-.Ltmp27, $2  }
0x2a2: {  	_ =	sdelay $0x2  }
0x2a3: {  	s4 =	sadd.s32 $0x10, s4;
	s3 =	sadd.s32 $0xFFFFFFFF, s3;
	v4 =	vadd.f32 v5, v4  }
.Ltmp28:
0x2a4: {  	_ = 	snop;
	(pc) =	sbr.rel .LBB2_30-.Ltmp28, $1  }
0x2a5: {  	_ =	sdelay $0x3  }
.LBB2_31:
0x2a6: {  	s0 =	simm.s32 $0x0  }
0x2a7: {  	[tilespmem:s0], [sflag:$0x1] =	stream.linear.gather [hbm4b:s11+s0], $0x2710, $0x38;
	[tilespmem:$0xE400] =	vst v63  }
0x2a8: {  	_ = 	snop  }
0x2a9: {  	[tilespmem:s17], [sflag:$0x3] =	stream.linear.gather [hbm4b:s12+s0], $0x2710, $0x38;
	[tilespmem:$0xE400] =	vst v63  }
0x2aa: {  	_ =	swait.ge [sflag:s23], $0x2710  }
0x2ab: {  	[sflag:s23] =	ssyncset.done $0x0  }
0x2ac: {  	[sflag:s23] =	ssyncadd.s32 $0xFFFFD8F0  }
0x2ad: {  	v4 =	vld [tilespmem:$0x7680]  }
0x2ae: {  	v5 =	vld [tilespmem:$0x9D80];
	_ =	sdelay $0x3  }
0x2af: {  	v4 =	vxor.u32 $0x80000000, v4  }
0x2b0: {  	(xrf0) =	vmin.scan.msk.u32 $0xffff, v4;
	v4 =	vxor.u32 $0x80000000, v5  }
0x2b1: {  	(xrf0) =	vmax.scan.msk.u32 $0xffff, v4;
	_ =	sdelay $0x4  }
0x2b2: {  	v4, _, _ =	vpop (xrf0)  }
0x2b3: {  	(v2sf) =	vpush v4, $0xF;
	v4, _, _ =	vpop (xrf0)  }
0x2b4: {  	(v2sf) =	vpush v4, $0xF;
	_ =	sdelay $0xd  }
0x2b5: {  	s1 =	spop (v2sf)  }
0x2b6: {  	s3 =	spop (v2sf)  }
0x2b7: {  	s28 =	sxor.u32 $0x80000000, s1;
	s1 =	sadd.s32 $0x80000001, s3  }
0x2b8: {  	p0 =	sge.s32 s28, s1  }
.Ltmp29:
0x2b9: {  	_ = 	snop;
	(pc) =	sbr.rel @p0 .LBB2_41-.Ltmp29, $4  }
0x2ba: {  	_ = 	snop  }
0x2bb: {  	_ =	swait.ge [sflag:s24], $0x2710  }
0x2bc: {  	[sflag:s24] =	ssyncset.done $0x0  }
0x2bd: {  	[sflag:s24] =	ssyncadd.s32 $0xFFFFD8F0  }
.Ltmp30:
0x2be: {  	(pc) =	sbr.rel .LBB2_33-.Ltmp30, $2  }
0x2bf: {  	_ =	sdelay $0x2  }
0x2c0: {  	s26 =	sxor.u32 $0x80000000, s3  }
.LBB2_40:
0x2c1: {  	(xrf2) =	vadd.scan.msk.f32 $0xffff, v4;
	_ =	sdelay $0x4  }
0x2c2: {  	s3 =	sshll.u32 s28, $0x3  }
0x2c3: {  	s4 =	sand.u32 $0xF, s28;
	s3 =	sand.u32 $0xFFFFFF80, s3  }
0x2c4: {  	s3 =	sor.u32 s4, s3  }
0x2c5: {  	p0 =	sne.s32 s29, s1;
	v4 =	vmov s3  }
.Ltmp31:
0x2c6: {  	_ = 	snop;
	(pc) =	sbr.rel @!p0 .LBB2_41-.Ltmp31, $3  }
0x2c7: {  	v5, _, _ =	vpop (xrf2)  }
0x2c8: {  	v5 =	vbroadcast v5, $0xF;
	_ =	sdelay $0x1  }
0x2c9: {  	s28 =	smov.u32 s29;
	[tilespmem:v4+s22+$0x0] =	vst.idx.add.f32.msk $0x1, v5  }
.LBB2_33:
0x2ca: {  	_ =	sdelay $0x3  }
0x2cb: {  	v4 =	vld.idx.msk [tilespmem:v2+s19+$0x0], $0xffff;
	_ =	sdelay $0x3  }
0x2cc: {  	s29 =	sadd.s32 $0x1, s28  }
0x2cd: {  	vm1 =	vge.s32 v4, s29  }
0x2ce: {  	v4 =	vmctz.xlane vm1;
	_ =	sdelay $0x1  }
0x2cf: {  	v4 =	vmul.u32 $0x271, v4;
	_ =	sdelay $0x1  }
0x2d0: {  	v5 =	vadd.s32 $0x270, v4  }
0x2d1: {  	vm1 =	vlt.s32 v5, $0x270F  }
0x2d2: {  	v5 =	vnsel vm1, $0x270F, v5  }
0x2d3: {  	v6 =	vsub.s32 v5, v4  }
0x2d4: {  	v6 =	vadd.s32 $0x10, v6  }
0x2d5: {  	v6 =	vshrl.u32 v6, $0x4  }
0x2d6: {  	v7 =	vmul.u32 v3, v6  }
0x2d7: {  	v4 =	vadd.s32 $0xFFFFFFFF, v4  }
0x2d8: {  	v7 =	vadd.s32 v4, v7  }
0x2d9: {  	vm1 =	vlt.s32 v7, v5  }
0x2da: {  	v7 =	vsel vm1, v7, v5  }
0x2db: {  	vm1 =	vgt.s32 v7, $0x0  }
0x2dc: {  	v7 =	vnsel vm1, $0x0, v7;
	_ =	sdelay $0x4  }
0x2dd: {  	v7 =	vld.idx.msk [tilespmem:v7+s19+$0x0], $0xffff;
	_ =	sdelay $0x4  }
0x2de: {  	vm1 =	vge.s32 v7, s29  }
0x2df: {  	v7 =	vmctz.xlane vm1;
	_ =	sdelay $0x1  }
0x2e0: {  	v7 =	vmul.u32 v7, v6;
	_ =	sdelay $0x1  }
0x2e1: {  	v4 =	vadd.s32 v4, v7  }
0x2e2: {  	v6 =	vadd.s32 v6, v4  }
0x2e3: {  	vm1 =	vlt.s32 v6, v5  }
0x2e4: {  	v5 =	vsel vm1, v6, v5  }
0x2e5: {  	v6 =	vsub.s32 v5, v4  }
0x2e6: {  	v6 =	vadd.s32 $0xF, v6  }
0x2e7: {  	v6 =	vshrl.u32 v6, $0x4  }
0x2e8: {  	v7 =	vmul.u32 v3, v6;
	_ =	sdelay $0x1  }
0x2e9: {  	v7 =	vadd.s32 v4, v7  }
0x2ea: {  	vm1 =	vlt.s32 v7, v5  }
0x2eb: {  	v7 =	vsel vm1, v7, v5  }
0x2ec: {  	vm1 =	vgt.s32 v7, $0x0  }
0x2ed: {  	v7 =	vnsel vm1, $0x0, v7;
	_ =	sdelay $0x4  }
0x2ee: {  	v7 =	vld.idx.msk [tilespmem:v7+s19+$0x0], $0xffff;
	_ =	sdelay $0x4  }
0x2ef: {  	vm1 =	vge.s32 v7, s29  }
0x2f0: {  	v7 =	vmctz.xlane vm1;
	_ =	sdelay $0x1  }
0x2f1: {  	v7 =	vmul.u32 v7, v6;
	_ =	sdelay $0x1  }
0x2f2: {  	v4 =	vadd.s32 v4, v7  }
0x2f3: {  	v6 =	vadd.s32 v6, v4  }
0x2f4: {  	vm1 =	vlt.s32 v6, v5  }
0x2f5: {  	v5 =	vsel vm1, v6, v5  }
0x2f6: {  	v6 =	vsub.s32 v5, v4  }
0x2f7: {  	v6 =	vadd.s32 $0xF, v6  }
0x2f8: {  	v6 =	vshrl.u32 v6, $0x4  }
0x2f9: {  	v7 =	vmul.u32 v3, v6;
	_ =	sdelay $0x1  }
0x2fa: {  	v7 =	vadd.s32 v4, v7  }
0x2fb: {  	vm1 =	vlt.s32 v7, v5  }
0x2fc: {  	v7 =	vsel vm1, v7, v5  }
0x2fd: {  	vm1 =	vgt.s32 v7, $0x0  }
0x2fe: {  	v7 =	vnsel vm1, $0x0, v7;
	_ =	sdelay $0x4  }
0x2ff: {  	v7 =	vld.idx.msk [tilespmem:v7+s19+$0x0], $0xffff;
	_ =	sdelay $0x4  }
0x300: {  	vm1 =	vge.s32 v7, s29  }
0x301: {  	v7 =	vmctz.xlane vm1;
	_ =	sdelay $0x1  }
0x302: {  	v7 =	vmul.u32 v7, v6  }
0x303: {  	v4 =	vadd.s32 v4, v6  }
0x304: {  	v4 =	vadd.s32 v7, v4  }
0x305: {  	vm1 =	vlt.s32 v4, v5  }
0x306: {  	v4 =	vsel vm1, v4, v5  }
0x307: {  	v4 =	vxor.u32 $0x80000000, v4  }
0x308: {  	(xrf0) =	vmax.scan.msk.u32 $0xffff, v4;
	_ =	sdelay $0x5  }
0x309: {  	v4, _, _ =	vpop (xrf0)  }
0x30a: {  	(v2sf) =	vpush v4, $0xF;
	_ =	sdelay $0xe  }
0x30b: {  	s6 =	spop (v2sf)  }
0x30c: {  	s4 =	smov.u32 s0;
	p0 =	slt.s32 s28, s26;
	s0 =	sxor.u32 $0x80000000, s6  }
0x30d: {  	s0 =	simm.s32 @!p0 $0x2710  }
0x30e: {  	s3 =	sadd.s32 $0xFFFFFFFF, s0  }
0x30f: {  	p0 =	sgt.s32 s3, $0x0  }
0x310: {  	s3 =	simm.s32 @!p0 $0x0  }
0x311: {  	s6 =	sshra.s32 s4, $0x4;
	s5 =	sand.u32 $0x7FFFFFF0, s3  }
0x312: {  	s30 =	sshrl.u32 s3, $0x4;
	v5 =	vor.u32 s5, v0;
	v6 =	vld [tilespmem:s5+$0x2780];
	s5 =	sadd.s32 $0x1, s6  }
0x313: {  	s18 =	sand.u32 $0xFFFFFFF0, s4;
	s3 =	ssub.s32 s30, s5  }
0x314: {  	v4 =	vld [tilespmem:s18+$0x2780];
	vm1 =	vge.s32 v5, s4;
	vm2 =	vlt.s32 v5, s0;
	v5 =	vor.u32 s18, v0;
	s18 =	sshrl.u32 s3, $0x1D  }
0x315: {  	s18 =	sadd.s32 s18, s3  }
0x316: {  	p0 =	slt.s32 s6, s30;
	vm1 =	vmand vm1, vm2;
	vm2 =	vmmov vm0;
	vm3 =	vge.s32 v5, s4;
	s4 =	sand.u32 $0xFFFFFFF8, s18  }
0x317: {  	vm2 =	vmneg @p0 vm2;
	p0 =	slt.s32 s4, $0x1  }
.Ltmp32:
0x318: {  	_ = 	snop;
	(pc) =	sbr.rel @p0 .LBB2_37-.Ltmp32, $4  }
0x319: {  	vm4 =	vlt.s32 v5, s0  }
0x31a: {  	vm3 =	vmand vm3, vm4;
	vm1 =	vmand vm2, vm1  }
0x31b: {  	v4 =	vnsel vm3, $0x0, v4;
	v5 =	vnsel vm1, $0x0, v6  }
0x31c: {  	s18 =	sadd.s32 s5, s4;
	v4 =	vadd.f32 v5, v4  }
0x31d: {  	s6 =	sshll.u32 s6, $0x6  }
0x31e: {  	s6 =	sshra.s32 s6, $0x2  }
0x31f: {  	s6 =	sadd.s32 $0x27C0, s6  }
0x320: {  	v5 =	vld [tilespmem:s6+$0xFFFFFFD0];
	_ =	sdelay $0x1  }
0x321: {  	v6 =	vld [tilespmem:s6+$0xFFFFFFE0];
	_ =	sdelay $0x1  }
0x322: {  	v7 =	vld [tilespmem:s6+$0xFFFFFFF0]  }
0x323: {  	v4 =	vadd.f32 v5, v4  }
0x324: {  	v5 =	vld [tilespmem:s6+$0x0]  }
0x325: {  	v4 =	vadd.f32 v6, v4  }
0x326: {  	v6 =	vld [tilespmem:s6+$0x10]  }
0x327: {  	v4 =	vadd.f32 v7, v4  }
0x328: {  	s5 =	sadd.s32 $0x8, s5  }
0x329: {  	p0 =	slt.s32 s5, s18;
	v7 =	vld [tilespmem:s6+$0x20];
	v4 =	vadd.f32 v5, v4  }
.Ltmp33:
0x32a: {  	_ = 	snop;
	(pc) =	sbr.rel @!p0 .LBB2_36-.Ltmp33, $3  }
0x32b: {  	v6 =	vadd.f32 v6, v4;
	v4 =	vld [tilespmem:s6+$0x30];
	_ =	sdelay $0x1  }
0x32c: {  	v5 =	vld [tilespmem:s6+$0x40]  }
0x32d: {  	s6 =	sadd.s32 $0x80, s6;
	v6 =	vadd.f32 v7, v6  }
.LBB2_35:
0x32e: {  	v7 =	vld [tilespmem:s6+$0xFFFFFFD0];
	s5 =	sadd.s32 $0x8, s5  }
0x32f: {  	p0 =	slt.s32 s5, s18;
	v4 =	vadd.f32 v4, v6  }
0x330: {  	v6 =	vld [tilespmem:s6+$0xFFFFFFE0]  }
0x331: {  	v4 =	vadd.f32 v5, v4  }
0x332: {  	v5 =	vld [tilespmem:s6+$0xFFFFFFF0]  }
0x333: {  	v4 =	vadd.f32 v7, v4  }
0x334: {  	v7 =	vld [tilespmem:s6+$0x0]  }
0x335: {  	v4 =	vadd.f32 v6, v4  }
0x336: {  	v6 =	vld [tilespmem:s6+$0x10]  }
0x337: {  	v4 =	vadd.f32 v5, v4  }
0x338: {  	v8 =	vld [tilespmem:s6+$0x20]  }
.Ltmp34:
0x339: {  	v5 =	vadd.f32 v7, v4;
	(pc) =	sbr.rel @p0 .LBB2_35-.Ltmp34, $4  }
0x33a: {  	v4 =	vld [tilespmem:s6+$0x30]  }
0x33b: {  	v6 =	vadd.f32 v6, v5  }
0x33c: {  	v5 =	vld [tilespmem:s6+$0x40]  }
0x33d: {  	s6 =	sadd.s32 $0x80, s6;
	v6 =	vadd.f32 v8, v6  }
.LBB2_36:
0x33e: {  	_ = 	snop  }
0x33f: {  	v4 =	vadd.f32 v4, v6;
	_ =	sdelay $0x1  }
0x340: {  	v4 =	vadd.f32 v5, v4  }
.LBB2_37:
0x341: {  	p0 =	sge.s32 s18, s30  }
.Ltmp35:
0x342: {  	_ = 	snop;
	(pc) =	sbr.rel @p0 .LBB2_40-.Ltmp35, $1  }
0x343: {  	_ =	sdelay $0x3  }
0x344: {  	s3 =	ssub.s32 s3, s4  }
0x345: {  	s30 =	sshll.u32 s30, $0x6;
	s5 =	sshll.u32 s3, $0x6  }
0x346: {  	s4 =	ssub.s32 s30, s5  }
0x347: {  	s4 =	sshra.s32 s4, $0x2  }
0x348: {  	s4 =	sadd.s32 $0x2780, s4  }
.LBB2_39:
0x349: {  	v5 =	vld [tilespmem:s4+$0x0];
	p0 =	sne.s32 s3, $0x1  }
.Ltmp36:
0x34a: {  	_ = 	snop;
	(pc) =	sbr.rel @p0 .LBB2_39-.Ltmp36, $2  }
0x34b: {  	_ =	sdelay $0x2  }
0x34c: {  	s4 =	sadd.s32 $0x10, s4;
	s3 =	sadd.s32 $0xFFFFFFFF, s3;
	v4 =	vadd.f32 v5, v4  }
.Ltmp37:
0x34d: {  	_ = 	snop;
	(pc) =	sbr.rel .LBB2_40-.Ltmp37, $1  }
0x34e: {  	_ =	sdelay $0x3  }
.LBB2_41:
0x34f: {  	_ =	swait.ge [sflag:s20], $0x2710  }
0x350: {  	[sflag:s20] =	ssyncset.done $0x0  }
0x351: {  	[sflag:s20] =	ssyncadd.s32 $0xFFFFD8F0  }
0x352: {  	v4 =	vld [tilespmem:$0x4F00]  }
0x353: {  	v5 =	vld [tilespmem:$0x7600];
	_ =	sdelay $0x3  }
0x354: {  	v4 =	vxor.u32 $0x80000000, v4  }
0x355: {  	(xrf0) =	vmin.scan.msk.u32 $0xffff, v4;
	v4 =	vxor.u32 $0x80000000, v5  }
0x356: {  	(xrf0) =	vmax.scan.msk.u32 $0xffff, v4;
	_ =	sdelay $0x4  }
0x357: {  	v4, _, _ =	vpop (xrf0)  }
0x358: {  	(v2sf) =	vpush v4, $0xF;
	v4, _, _ =	vpop (xrf0)  }
0x359: {  	(v2sf) =	vpush v4, $0xF;
	_ =	sdelay $0xd  }
0x35a: {  	s0 =	spop (v2sf)  }
0x35b: {  	s1 =	spop (v2sf)  }
0x35c: {  	s26 =	sxor.u32 $0x80000000, s0;
	s0 =	sadd.s32 $0x80000001, s1  }
0x35d: {  	p0 =	sge.s32 s26, s0  }
.Ltmp38:
0x35e: {  	_ = 	snop;
	(pc) =	sbr.rel @p0 .LBB2_51-.Ltmp38, $4  }
0x35f: {  	_ = 	snop  }
0x360: {  	_ =	swait.ge [sflag:s21], $0x2710  }
0x361: {  	[sflag:s21] =	ssyncset.done $0x0  }
0x362: {  	[sflag:s21] =	ssyncadd.s32 $0xFFFFD8F0  }
.Ltmp39:
0x363: {  	(pc) =	sbr.rel .LBB2_43-.Ltmp39, $2  }
0x364: {  	_ =	sdelay $0x2  }
0x365: {  	s1 =	sxor.u32 $0x80000000, s1;
	s28 =	simm.s32 $0x0  }
.LBB2_50:
0x366: {  	(xrf2) =	vadd.scan.msk.f32 $0xffff, v4;
	_ =	sdelay $0x4  }
0x367: {  	s3 =	sshll.u32 s26, $0x3  }
0x368: {  	s4 =	sand.u32 $0xF, s26;
	s3 =	sand.u32 $0xFFFFFF80, s3  }
0x369: {  	s3 =	sor.u32 s4, s3  }
0x36a: {  	p0 =	sne.s32 s29, s0;
	v4 =	vmov s3  }
.Ltmp40:
0x36b: {  	_ = 	snop;
	(pc) =	sbr.rel @!p0 .LBB2_51-.Ltmp40, $3  }
0x36c: {  	v5, _, _ =	vpop (xrf2)  }
0x36d: {  	v5 =	vbroadcast v5, $0xF;
	_ =	sdelay $0x1  }
0x36e: {  	s26 =	smov.u32 s29;
	[tilespmem:v4+s22+$0x0] =	vst.idx.add.f32.msk $0x1, v5  }
.LBB2_43:
0x36f: {  	_ =	sdelay $0x3  }
0x370: {  	v4 =	vld.idx.msk [tilespmem:v2+s17+$0x0], $0xffff;
	_ =	sdelay $0x3  }
0x371: {  	s29 =	sadd.s32 $0x1, s26  }
0x372: {  	vm1 =	vge.s32 v4, s29  }
0x373: {  	v4 =	vmctz.xlane vm1;
	_ =	sdelay $0x1  }
0x374: {  	v4 =	vmul.u32 $0x271, v4;
	_ =	sdelay $0x1  }
0x375: {  	v5 =	vadd.s32 $0x270, v4  }
0x376: {  	vm1 =	vlt.s32 v5, $0x270F  }
0x377: {  	v5 =	vnsel vm1, $0x270F, v5  }
0x378: {  	v6 =	vsub.s32 v5, v4  }
0x379: {  	v6 =	vadd.s32 $0x10, v6  }
0x37a: {  	v6 =	vshrl.u32 v6, $0x4  }
0x37b: {  	v7 =	vmul.u32 v3, v6  }
0x37c: {  	v4 =	vadd.s32 $0xFFFFFFFF, v4  }
0x37d: {  	v7 =	vadd.s32 v4, v7  }
0x37e: {  	vm1 =	vlt.s32 v7, v5  }
0x37f: {  	v7 =	vsel vm1, v7, v5  }
0x380: {  	vm1 =	vgt.s32 v7, $0x0  }
0x381: {  	v7 =	vnsel vm1, $0x0, v7;
	_ =	sdelay $0x4  }
0x382: {  	v7 =	vld.idx.msk [tilespmem:v7+s17+$0x0], $0xffff;
	_ =	sdelay $0x4  }
0x383: {  	vm1 =	vge.s32 v7, s29  }
0x384: {  	v7 =	vmctz.xlane vm1;
	_ =	sdelay $0x1  }
0x385: {  	v7 =	vmul.u32 v7, v6;
	_ =	sdelay $0x1  }
0x386: {  	v4 =	vadd.s32 v4, v7  }
0x387: {  	v6 =	vadd.s32 v6, v4  }
0x388: {  	vm1 =	vlt.s32 v6, v5  }
0x389: {  	v5 =	vsel vm1, v6, v5  }
0x38a: {  	v6 =	vsub.s32 v5, v4  }
0x38b: {  	v6 =	vadd.s32 $0xF, v6  }
0x38c: {  	v6 =	vshrl.u32 v6, $0x4  }
0x38d: {  	v7 =	vmul.u32 v3, v6;
	_ =	sdelay $0x1  }
0x38e: {  	v7 =	vadd.s32 v4, v7  }
0x38f: {  	vm1 =	vlt.s32 v7, v5  }
0x390: {  	v7 =	vsel vm1, v7, v5  }
0x391: {  	vm1 =	vgt.s32 v7, $0x0  }
0x392: {  	v7 =	vnsel vm1, $0x0, v7;
	_ =	sdelay $0x4  }
0x393: {  	v7 =	vld.idx.msk [tilespmem:v7+s17+$0x0], $0xffff;
	_ =	sdelay $0x4  }
0x394: {  	vm1 =	vge.s32 v7, s29  }
0x395: {  	v7 =	vmctz.xlane vm1;
	_ =	sdelay $0x1  }
0x396: {  	v7 =	vmul.u32 v7, v6;
	_ =	sdelay $0x1  }
0x397: {  	v4 =	vadd.s32 v4, v7  }
0x398: {  	v6 =	vadd.s32 v6, v4  }
0x399: {  	vm1 =	vlt.s32 v6, v5  }
0x39a: {  	v5 =	vsel vm1, v6, v5  }
0x39b: {  	v6 =	vsub.s32 v5, v4  }
0x39c: {  	v6 =	vadd.s32 $0xF, v6  }
0x39d: {  	v6 =	vshrl.u32 v6, $0x4  }
0x39e: {  	v7 =	vmul.u32 v3, v6;
	_ =	sdelay $0x1  }
0x39f: {  	v7 =	vadd.s32 v4, v7  }
0x3a0: {  	vm1 =	vlt.s32 v7, v5  }
0x3a1: {  	v7 =	vsel vm1, v7, v5  }
0x3a2: {  	vm1 =	vgt.s32 v7, $0x0  }
0x3a3: {  	v7 =	vnsel vm1, $0x0, v7;
	_ =	sdelay $0x4  }
0x3a4: {  	v7 =	vld.idx.msk [tilespmem:v7+s17+$0x0], $0xffff;
	_ =	sdelay $0x4  }
0x3a5: {  	vm1 =	vge.s32 v7, s29  }
0x3a6: {  	v7 =	vmctz.xlane vm1;
	_ =	sdelay $0x1  }
0x3a7: {  	v7 =	vmul.u32 v7, v6  }
0x3a8: {  	v4 =	vadd.s32 v4, v6  }
0x3a9: {  	v4 =	vadd.s32 v7, v4  }
0x3aa: {  	vm1 =	vlt.s32 v4, v5  }
0x3ab: {  	v4 =	vsel vm1, v4, v5  }
0x3ac: {  	v4 =	vxor.u32 $0x80000000, v4  }
0x3ad: {  	(xrf0) =	vmax.scan.msk.u32 $0xffff, v4;
	_ =	sdelay $0x5  }
0x3ae: {  	v4, _, _ =	vpop (xrf0)  }
0x3af: {  	(v2sf) =	vpush v4, $0xF;
	_ =	sdelay $0xe  }
0x3b0: {  	s3 =	spop (v2sf)  }
0x3b1: {  	s4 =	smov.u32 s28;
	p0 =	slt.s32 s26, s1;
	s28 =	sxor.u32 $0x80000000, s3  }
0x3b2: {  	s28 =	simm.s32 @!p0 $0x2710  }
0x3b3: {  	s3 =	sadd.s32 $0xFFFFFFFF, s28  }
0x3b4: {  	p0 =	sgt.s32 s3, $0x0  }
0x3b5: {  	s3 =	simm.s32 @!p0 $0x0  }
0x3b6: {  	s6 =	sshra.s32 s4, $0x4;
	s5 =	sand.u32 $0x7FFFFFF0, s3  }
0x3b7: {  	s30 =	sshrl.u32 s3, $0x4;
	v5 =	vor.u32 s5, v0;
	v6 =	vld [tilespmem:s5+$0x0];
	s5 =	sadd.s32 $0x1, s6  }
0x3b8: {  	s18 =	sand.u32 $0xFFFFFFF0, s4;
	s3 =	ssub.s32 s30, s5  }
0x3b9: {  	v4 =	vld [tilespmem:s18+$0x0];
	vm1 =	vge.s32 v5, s4;
	vm2 =	vlt.s32 v5, s28;
	v5 =	vor.u32 s18, v0;
	s18 =	sshrl.u32 s3, $0x1D  }
0x3ba: {  	s18 =	sadd.s32 s18, s3  }
0x3bb: {  	p0 =	slt.s32 s6, s30;
	vm1 =	vmand vm1, vm2;
	vm2 =	vmmov vm0;
	vm3 =	vge.s32 v5, s4;
	s4 =	sand.u32 $0xFFFFFFF8, s18  }
0x3bc: {  	vm2 =	vmneg @p0 vm2;
	p0 =	slt.s32 s4, $0x1  }
.Ltmp41:
0x3bd: {  	_ = 	snop;
	(pc) =	sbr.rel @p0 .LBB2_47-.Ltmp41, $4  }
0x3be: {  	vm4 =	vlt.s32 v5, s28  }
0x3bf: {  	vm3 =	vmand vm3, vm4;
	vm1 =	vmand vm2, vm1  }
0x3c0: {  	v4 =	vnsel vm3, $0x0, v4;
	v5 =	vnsel vm1, $0x0, v6  }
0x3c1: {  	s18 =	sadd.s32 s5, s4;
	v4 =	vadd.f32 v5, v4  }
0x3c2: {  	s6 =	sshll.u32 s6, $0x6  }
0x3c3: {  	s6 =	sshra.s32 s6, $0x2  }
0x3c4: {  	s6 =	sadd.s32 $0x40, s6  }
0x3c5: {  	v5 =	vld [tilespmem:s6+$0xFFFFFFD0];
	_ =	sdelay $0x1  }
0x3c6: {  	v6 =	vld [tilespmem:s6+$0xFFFFFFE0];
	_ =	sdelay $0x1  }
0x3c7: {  	v7 =	vld [tilespmem:s6+$0xFFFFFFF0]  }
0x3c8: {  	v4 =	vadd.f32 v5, v4  }
0x3c9: {  	v5 =	vld [tilespmem:s6+$0x0]  }
0x3ca: {  	v4 =	vadd.f32 v6, v4  }
0x3cb: {  	v6 =	vld [tilespmem:s6+$0x10]  }
0x3cc: {  	v4 =	vadd.f32 v7, v4  }
0x3cd: {  	s5 =	sadd.s32 $0x8, s5  }
0x3ce: {  	p0 =	slt.s32 s5, s18;
	v7 =	vld [tilespmem:s6+$0x20];
	v4 =	vadd.f32 v5, v4  }
.Ltmp42:
0x3cf: {  	_ = 	snop;
	(pc) =	sbr.rel @!p0 .LBB2_46-.Ltmp42, $3  }
0x3d0: {  	v6 =	vadd.f32 v6, v4;
	v4 =	vld [tilespmem:s6+$0x30];
	_ =	sdelay $0x1  }
0x3d1: {  	v5 =	vld [tilespmem:s6+$0x40]  }
0x3d2: {  	s6 =	sadd.s32 $0x80, s6;
	v6 =	vadd.f32 v7, v6  }
.LBB2_45:
0x3d3: {  	v7 =	vld [tilespmem:s6+$0xFFFFFFD0];
	s5 =	sadd.s32 $0x8, s5  }
0x3d4: {  	p0 =	slt.s32 s5, s18;
	v4 =	vadd.f32 v4, v6  }
0x3d5: {  	v6 =	vld [tilespmem:s6+$0xFFFFFFE0]  }
0x3d6: {  	v4 =	vadd.f32 v5, v4  }
0x3d7: {  	v5 =	vld [tilespmem:s6+$0xFFFFFFF0]  }
0x3d8: {  	v4 =	vadd.f32 v7, v4  }
0x3d9: {  	v7 =	vld [tilespmem:s6+$0x0]  }
0x3da: {  	v4 =	vadd.f32 v6, v4  }
0x3db: {  	v6 =	vld [tilespmem:s6+$0x10]  }
0x3dc: {  	v4 =	vadd.f32 v5, v4  }
0x3dd: {  	v8 =	vld [tilespmem:s6+$0x20]  }
.Ltmp43:
0x3de: {  	v5 =	vadd.f32 v7, v4;
	(pc) =	sbr.rel @p0 .LBB2_45-.Ltmp43, $4  }
0x3df: {  	v4 =	vld [tilespmem:s6+$0x30]  }
0x3e0: {  	v6 =	vadd.f32 v6, v5  }
0x3e1: {  	v5 =	vld [tilespmem:s6+$0x40]  }
0x3e2: {  	s6 =	sadd.s32 $0x80, s6;
	v6 =	vadd.f32 v8, v6  }
.LBB2_46:
0x3e3: {  	_ = 	snop  }
0x3e4: {  	v4 =	vadd.f32 v4, v6;
	_ =	sdelay $0x1  }
0x3e5: {  	v4 =	vadd.f32 v5, v4  }
.LBB2_47:
0x3e6: {  	p0 =	sge.s32 s18, s30  }
.Ltmp44:
0x3e7: {  	_ = 	snop;
	(pc) =	sbr.rel @p0 .LBB2_50-.Ltmp44, $1  }
0x3e8: {  	_ =	sdelay $0x3  }
0x3e9: {  	s3 =	ssub.s32 s3, s4  }
0x3ea: {  	s30 =	sshll.u32 s30, $0x6;
	s5 =	sshll.u32 s3, $0x6  }
0x3eb: {  	s4 =	ssub.s32 s30, s5  }
0x3ec: {  	s4 =	sshra.s32 s4, $0x2  }
.LBB2_49:
0x3ed: {  	v5 =	vld [tilespmem:s4+$0x0];
	p0 =	sne.s32 s3, $0x1  }
.Ltmp45:
0x3ee: {  	_ = 	snop;
	(pc) =	sbr.rel @p0 .LBB2_49-.Ltmp45, $2  }
0x3ef: {  	_ =	sdelay $0x2  }
0x3f0: {  	s4 =	sadd.s32 $0x10, s4;
	s3 =	sadd.s32 $0xFFFFFFFF, s3;
	v4 =	vadd.f32 v5, v4  }
.Ltmp46:
0x3f1: {  	_ = 	snop;
	(pc) =	sbr.rel .LBB2_50-.Ltmp46, $1  }
0x3f2: {  	_ =	sdelay $0x3  }
.LBB2_52:
0x3f3: {  	_ =	sfence.sel $0x180000  }
0x3f4: {  	[bflag:$0x0] =	sbarrier.arrive $0xFFFF  }
0x3f5: {  	_ =	strace $0x90000047  }
0x3f6: {  	s0 =	stileid.u32;
	[bflag:$0x2] =	sbarrier.arrive $0xFFFF  }
0x3f7: {  	p0 =	sne.s32 s0, $0x0;
	s0 =	rddreg [dreg:$0x4]  }
0x3f8: {  	s0 =	sadd.s32 @!p0 $0x100000, s0  }
0x3f9: {  	[sflag:s0] =	ssyncadd.tile.s32 @!p0 $0x1;
	_ =	shalt  }
.Lfunc_end2:
_tile_overlayer_lowered:
.L_overlay_start_2:
0x3fa: {  	(tag) =	ssettag $0x2  }
0x3fb: {  	s0 =	rddreg [dreg:$0x0];
	s2 =	stileid.u32  }
0x3fc: {  	s1 =	rddreg [dreg:$0x1];
	p0 =	sne.s32 s2, $0x0  }
0x3fd: {  	s3 =	rddreg [dreg:$0x2];
	[bflag:$0x3] =	sbarrier.arrive $0xFFFF;
	s2 =	simm.s32 @!p0 $0x1C05  }
0x3fe: {  	[timem:s3], [sflag:s2] =	dma.local @!p0 [hbm:s0], s1  }
0x3ff: {  	s0 =	simm.s32 @!p0 $0x5  }
0x400: {  	_ =	swait.ge @!p0 [sflag:s0], s1  }
0x401: {  	s1 =	ssub.s32 @!p0 $0x0, s1;
	[sflag:s0] =	ssyncset.done @!p0 $0x0  }
0x402: {  	[sflag:s0] =	ssyncadd.s32 @!p0 s1  }
0x403: {  	[bflag:$0x3] =	sbarrier.arrive $0xFFFF  }
0x404: {  	_ =	shalt  }

</sc_bundles>
